<compile_context>
chip_gen: v7x
topology: tpu7x:2x2x1
jax: 0.10.2.dev20260603
libtpu: 0.0.44.dev20260713+nightly
codegen_flags: <defaults>
</compile_context>

<pallas_src>
import functools

import jax
import jax.numpy as jnp
from jax import lax
from jax.experimental import pallas as pl
from jax.experimental.pallas import tpu as pltpu
from jax.experimental.pallas import tpu_sc as plsc

N_NODES = 10000
N_EDGES = 320000
N_PAD = 10240

NC, NS = 2, 16
NW = NC * NS
E_PER_W = N_EDGES // NW
CHUNK = 40
N_CHUNKS = E_PER_W // CHUNK
ROWS_PER_TILE = N_PAD // NS
ZROWS = 128

_mesh = lambda: plsc.VectorSubcoreMesh(core_axis_name="c", subcore_axis_name="s")


def _zero_fill(buf, rows, cols):
    per_row = cols // 16

    @pl.loop(0, rows * per_row)
    def _(i):
        buf[i // per_row, pl.ds((i % per_row) * 16, 16)] = jnp.zeros((16,), jnp.float32)


def _zero_acc(acc, zbuf, s):

    @pl.loop(0, ROWS_PER_TILE // ZROWS)
    def _(i):
        pltpu.sync_copy(zbuf, acc.at[pl.ds(s * ROWS_PER_TILE + i * ZROWS, ZROWS)])


def _copy_out(acc, out, c, s):

    @pl.loop(0, ROWS_PER_TILE // ZROWS)
    def _(i):
        r0 = s * ROWS_PER_TILE + i * ZROWS
        pltpu.sync_copy(acc.at[pl.ds(r0, ZROWS)], out.at[pl.ds(c * N_PAD + r0, ZROWS)])


NBUF = 5
ROWS_PER_W = E_PER_W // CHUNK


@functools.lru_cache(maxsize=None)
def _make_segsum(d):

    @functools.partial(
        pl.kernel,
        out_type=jax.ShapeDtypeStruct((NC * N_PAD, d), jnp.float32),
        mesh=_mesh(),
        compiler_params=pltpu.CompilerParams(use_tc_tiling_on_sc=(d % 128 == 0)),
        scratch_types=[
            pltpu.VMEM_SHARED((N_PAD, d), jnp.float32),
            pltpu.VMEM((E_PER_W,), jnp.int32),
            pltpu.VMEM((E_PER_W,), jnp.int32),
            [pltpu.VMEM((CHUNK, d), jnp.float32) for _ in range(NBUF)],
            [pltpu.SemaphoreType.DMA for _ in range(NBUF)],
            [pltpu.SemaphoreType.DMA for _ in range(NBUF)],
        ],
    )
    def segsum(u_hbm, src_hbm, dst_hbm, out_hbm, acc, sidx, didx, rows,
               gsem, ssem):
        c = lax.axis_index("c")
        s = lax.axis_index("s")
        w = s * NC + c
        _zero_fill(rows[0], CHUNK, d)

        @pl.loop(0, ROWS_PER_TILE // CHUNK)
        def _(i):
            pltpu.sync_copy(rows[0], acc.at[pl.ds(s * ROWS_PER_TILE + i * CHUNK, CHUNK)])

        e0 = w * E_PER_W
        pltpu.sync_copy(src_hbm.at[pl.ds(e0, E_PER_W)], sidx)
        pltpu.sync_copy(dst_hbm.at[pl.ds(e0, E_PER_W)], didx)
        plsc.subcore_barrier()

        def gstart(b, i):
            pltpu.async_copy(u_hbm.at[sidx.at[pl.ds(i * CHUNK, CHUNK)]], rows[b], gsem[b])

        def gwait(b):
            pltpu.make_async_copy(u_hbm.at[sidx.at[pl.ds(0, CHUNK)]], rows[b], gsem[b]).wait()

        def sstart(b, i):
            pltpu.async_copy(rows[b], acc.at[didx.at[pl.ds(i * CHUNK, CHUNK)]], ssem[b], add=True)

        def swait(b):
            pltpu.make_async_copy(rows[b], acc.at[didx.at[pl.ds(0, CHUNK)]], ssem[b]).wait()

        for b in range(NBUF):
            gstart(b, b)

        @pl.loop(0, N_CHUNKS // NBUF)
        def _(g):
            for b in range(NBUF):
                i = g * NBUF + b
                gwait(b)
                sstart(b, i)
                pb = (b - 1) % NBUF
                j = i + NBUF - 1

                @pl.when(jnp.logical_and(i >= 1, j < N_CHUNKS))
                def _():
                    swait(pb)
                    gstart(pb, j)

        for b in range(NBUF):
            swait(b)
        plsc.subcore_barrier()
        _copy_out(acc, out_hbm, c, s)

    return segsum


DEG_W = 16


@functools.lru_cache(maxsize=None)
def _make_deg_count():
    return functools.partial(
        pl.kernel,
        out_type=jax.ShapeDtypeStruct((NC * N_PAD, DEG_W), jnp.float32),
        mesh=_mesh(),
        compiler_params=pltpu.CompilerParams(use_tc_tiling_on_sc=False),
        scratch_types=[
            pltpu.VMEM_SHARED((N_PAD, DEG_W), jnp.float32),
            pltpu.VMEM((E_PER_W,), jnp.int32),
            pltpu.VMEM((ZROWS, DEG_W), jnp.float32),
            pltpu.VMEM((CHUNK, DEG_W), jnp.float32),
            [pltpu.SemaphoreType.DMA for _ in range(NBUF)],
        ],
    )(_deg_count_body)


def _deg_count_body(dst_hbm, out_hbm, acc, didx, zbuf, ones, ssem):
    c = lax.axis_index("c")
    s = lax.axis_index("s")
    w = s * NC + c
    _zero_fill(zbuf, ZROWS, DEG_W)
    _zero_acc(acc, zbuf, s)

    per_row = DEG_W // 16

    @pl.loop(0, CHUNK * per_row)
    def _(i):
        ones[i // per_row, pl.ds((i % per_row) * 16, 16)] = jnp.ones((16,), jnp.float32)

    pltpu.sync_copy(dst_hbm.at[pl.ds(w * E_PER_W, E_PER_W)], didx)
    plsc.subcore_barrier()

    def sstart(b, i):
        pltpu.async_copy(ones, acc.at[didx.at[pl.ds(i * CHUNK, CHUNK)]], ssem[b], add=True)

    def swait(b):
        pltpu.make_async_copy(ones, acc.at[didx.at[pl.ds(0, CHUNK)]], ssem[b]).wait()

    for b in range(NBUF):
        sstart(b, b)

    @pl.loop(0, N_CHUNKS // NBUF)
    def _(g):
        for b in range(NBUF):
            j = g * NBUF + b + NBUF

            @pl.when(j < N_CHUNKS)
            def _():
                swait(b)
                sstart(b, j)

    for b in range(NBUF):
        swait(b)
    plsc.subcore_barrier()
    _copy_out(acc, out_hbm, c, s)


DCHUNK = 40
DNBUF = 2
DN_CHUNKS = E_PER_W // DCHUNK
ZROWS_PER_TILE = N_PAD // NS


@functools.lru_cache(maxsize=None)
def _make_decode():
    return functools.partial(
        pl.kernel,
        out_type=jax.ShapeDtypeStruct((N_EDGES,), jnp.float32),
        mesh=_mesh(),
        compiler_params=pltpu.CompilerParams(
            use_tc_tiling_on_sc=False, needs_layout_passes=False),
        scratch_types=[
            pltpu.VMEM_SHARED((N_PAD, 64), jnp.float32),
            [pltpu.VMEM((DCHUNK,), jnp.int32) for _ in range(DNBUF)],
            [pltpu.VMEM((DCHUNK,), jnp.int32) for _ in range(DNBUF)],
            [pltpu.VMEM((DCHUNK, 64), jnp.float32) for _ in range(DNBUF)],
            [pltpu.VMEM((DCHUNK, 64), jnp.float32) for _ in range(DNBUF)],
            pltpu.VMEM((E_PER_W,), jnp.float32),
            [pltpu.SemaphoreType.DMA for _ in range(DNBUF)],
            [pltpu.SemaphoreType.DMA for _ in range(DNBUF)],
            [pltpu.SemaphoreType.DMA for _ in range(DNBUF)],
            [pltpu.SemaphoreType.DMA for _ in range(DNBUF)],
        ],
    )(_decode_body)


def _decode_body(z_hbm, src_hbm, dst_hbm, out_hbm, zsh, sidxb, didxb,
                 srows, drows, obuf, isem, isem2, gsem, gsem2):
    c = lax.axis_index("c")
    s = lax.axis_index("s")
    w = s * NC + c
    z0 = s * ZROWS_PER_TILE
    pltpu.sync_copy(z_hbm.at[pl.ds(z0, ZROWS_PER_TILE)], zsh.at[pl.ds(z0, ZROWS_PER_TILE)])
    plsc.subcore_barrier()
    e0 = w * E_PER_W

    def istart(b, i):
        pltpu.async_copy(src_hbm.at[pl.ds(e0 + i * DCHUNK, DCHUNK)], sidxb[b], isem[b])
        pltpu.async_copy(dst_hbm.at[pl.ds(e0 + i * DCHUNK, DCHUNK)], didxb[b], isem2[b])

    def iwait(b):
        pltpu.make_async_copy(src_hbm.at[pl.ds(0, DCHUNK)], sidxb[b], isem[b]).wait()
        pltpu.make_async_copy(dst_hbm.at[pl.ds(0, DCHUNK)], didxb[b], isem2[b]).wait()

    def gstart(b):
        pltpu.async_copy(zsh.at[sidxb[b]], srows[b], gsem[b])
        pltpu.async_copy(zsh.at[didxb[b]], drows[b], gsem2[b])

    def gwait(b):
        pltpu.make_async_copy(zsh.at[sidxb[b]], srows[b], gsem[b]).wait()
        pltpu.make_async_copy(zsh.at[didxb[b]], drows[b], gsem2[b]).wait()

    lane15 = lax.iota(jnp.int32, 16) == 15

    istart(0, 0)
    istart(1, 1)
    iwait(0)
    gstart(0)

    @pl.loop(0, DN_CHUNKS // DNBUF)
    def _(g):
        for b in range(DNBUF):
            i = g * DNBUF + b
            gwait(b)

            @pl.loop(0, DCHUNK, unroll=8)
            def _(cc):
                prod = jnp.zeros((16,), jnp.float32)
                for k in range(4):
                    prod = prod + srows[b][cc, pl.ds(k * 16, 16)] * drows[b][cc, pl.ds(k * 16, 16)]
                tot = plsc.cumsum(prod)
                eidx = jnp.full((16,), i * DCHUNK + cc, jnp.int32)
                plsc.store_scatter(obuf, [eidx], tot, mask=lane15)

            @pl.when(i + 2 < DN_CHUNKS)
            def _():
                istart(b, i + 2)

            ob = (b + 1) % DNBUF

            @pl.when(i + 1 < DN_CHUNKS)
            def _():
                iwait(ob)
                gstart(ob)

    @pl.loop(0, E_PER_W // 16)
    def _(j):
        v = obuf[pl.ds(j * 16, 16)]
        obuf[pl.ds(j * 16, 16)] = 1.0 / (1.0 + jnp.exp(-v))

    pltpu.sync_copy(obuf, out_hbm.at[pl.ds(e0, E_PER_W)])



TC_R = 512
TC_GRID = N_PAD // TC_R


def _row_spec(d):
    return pl.BlockSpec((TC_R, d), lambda i: (i, 0))


def _part_specs(d):
    return (
        pl.BlockSpec((TC_R, d), lambda i: (i, 0)),
        pl.BlockSpec((TC_R, d), lambda i: (i + TC_GRID, 0)),
    )


def _full_spec(shape):
    return pl.BlockSpec(shape, lambda i: tuple(0 for _ in shape))


def _prep_body(cnt_a, cnt_b, x, dinv_out, u1_out):
    deg = cnt_a[:, 0:1] + cnt_b[:, 0:1] + 1.0
    dinv = jnp.broadcast_to(lax.rsqrt(deg), (TC_R, 128))
    dinv_out[...] = dinv
    u1_out[...] = dinv * x[...]


def _layer1_body(s1a, s1b, u1, dinv, w1, b1, w2, u2_out):
    dv = dinv[...]
    b = dv * (s1a[...] + s1b[...] + u1[...])
    h1 = jnp.maximum(jnp.dot(b, w1[...], preferred_element_type=jnp.float32) + b1[...], 0.0)
    y2 = jnp.dot(h1, w2[...], preferred_element_type=jnp.float32)
    u2_out[...] = dv * y2


def _layer2_body(s2a, s2b, u2, dinv, b2, w3, u3_out):
    dv = dinv[...]
    h2 = jnp.maximum(dv * (s2a[...] + s2b[...] + u2[...]) + b2[...], 0.0)
    y3 = jnp.dot(h2, w3[...], preferred_element_type=jnp.float32)
    u3_out[...] = dv[:, 0:64] * y3


def _layer3_body(s3a, s3b, u3, dinv, b3, z_out):
    dv = dinv[:, 0:64]
    z_out[...] = jnp.maximum(dv * (s3a[...] + s3b[...] + u3[...]) + b3[...], 0.0)


def kernel(x, edge_index, W1, b1, W2, b2, W3, b3):
    ei = edge_index.astype(jnp.int32)
    src, dst = ei[0], ei[1]

    cnt = _make_deg_count()(dst)

    dinv, u1 = pl.pallas_call(
        _prep_body,
        grid=(TC_GRID,),
        in_specs=[*_part_specs(DEG_W), _row_spec(128)],
        out_specs=[_row_spec(128), _row_spec(128)],
        out_shape=[
            jax.ShapeDtypeStruct((N_NODES, 128), jnp.float32),
            jax.ShapeDtypeStruct((N_NODES, 128), jnp.float32),
        ],
    )(cnt, cnt, x)

    s1 = _make_segsum(128)(u1, src, dst)
    u2 = pl.pallas_call(
        _layer1_body,
        grid=(TC_GRID,),
        in_specs=[
            *_part_specs(128), _row_spec(128), _row_spec(128),
            _full_spec((128, 256)), _full_spec((1, 256)), _full_spec((256, 128)),
        ],
        out_specs=_row_spec(128),
        out_shape=jax.ShapeDtypeStruct((N_NODES, 128), jnp.float32),
    )(s1, s1, u1, dinv, W1, b1.reshape(1, -1), W2)

    s2 = _make_segsum(128)(u2, src, dst)
    u3 = pl.pallas_call(
        _layer2_body,
        grid=(TC_GRID,),
        in_specs=[
            *_part_specs(128), _row_spec(128), _row_spec(128),
            _full_spec((1, 128)), _full_spec((128, 64)),
        ],
        out_specs=_row_spec(64),
        out_shape=jax.ShapeDtypeStruct((N_NODES, 64), jnp.float32),
    )(s2, s2, u2, dinv, b2.reshape(1, -1), W3)

    s3 = _make_segsum(64)(u3, src, dst)
    z = pl.pallas_call(
        _layer3_body,
        grid=(TC_GRID,),
        in_specs=[
            *_part_specs(64), _row_spec(64), _row_spec(128), _full_spec((1, 64)),
        ],
        out_specs=_row_spec(64),
        out_shape=jax.ShapeDtypeStruct((N_PAD, 64), jnp.float32),
    )(s3, s3, u3, dinv, b3.reshape(1, -1))

    return _make_decode()(z, src, dst)

# --- scband reference (transcript-rebuilt; emitter-appended) ---
"""Pipeline reference for scband-sipsemodel-61203283968724 (READ-ONLY COPY).

The authoritative reference and input builder live on the scoring server;
editing this copy changes nothing except your own understanding.
"""

import jax, jax.numpy as jnp
import numpy as np

N_NODES = 10000
N_EDGES = 320000
D_IN = 128
DIMS = [128, 256, 128, 64]  # hidden_dims[-1] -> output_dim[0] -> output_dim[1] -> z_dim


def gcn_conv(x, edge_index, W, b, num_nodes):
    # Faithful GCNConv: add self-loops, symmetric D^{-1/2} (A+I) D^{-1/2} X W + b
    src = edge_index[0]
    dst = edge_index[1]
    loop = jnp.arange(num_nodes, dtype=src.dtype)
    src = jnp.concatenate([src, loop])
    dst = jnp.concatenate([dst, loop])
    deg = jnp.zeros((num_nodes,), dtype=x.dtype).at[dst].add(1.0)
    dinv = jax.lax.rsqrt(jnp.clip(deg, 1.0, None))
    xw = x @ W
    norm = (dinv[src] * dinv[dst])[:, None]
    msg = xw[src] * norm
    out = jnp.zeros((num_nodes, W.shape[1]), dtype=x.dtype).at[dst].add(msg)
    return out + b


def setup_inputs(seed: int = 0) -> dict:
    key = jax.random.key(seed)
    ks = jax.random.split(key, 10)
    x = jax.random.normal(ks[0], (N_NODES, D_IN), dtype=jnp.float32)
    edge_index = jax.random.randint(ks[1], (2, N_EDGES), 0, N_NODES, dtype=jnp.int64)
    params = {}
    for i in range(3):
        fan_in, fan_out = DIMS[i], DIMS[i + 1]
        s = 1.0 / np.sqrt(fan_in)
        params[f"W{i + 1}"] = jax.random.uniform(ks[2 + 2 * i], (fan_in, fan_out), dtype=jnp.float32, minval=-s, maxval=s)
        params[f"b{i + 1}"] = jax.random.uniform(ks[3 + 2 * i], (fan_out,), dtype=jnp.float32, minval=-s, maxval=s)
    return {"x": x, "edge_index": edge_index, **params}


def reference(x, edge_index, W1, b1, W2, b2, W3, b3):
    num_nodes = x.shape[0]
    # GCNNModel stack (dropout=0.0 at eval): two GraphConvolution layers with ReLU
    h = jax.nn.relu(gcn_conv(x, edge_index, W1, b1, num_nodes))
    h = jax.nn.relu(gcn_conv(h, edge_index, W2, b2, num_nodes))
    # GraphConvolution to z_dim with ReLU
    z = jax.nn.relu(gcn_conv(h, edge_index, W3, b3, num_nodes))
    # InnerProductDecoder over edges (gather src/dst embeddings, dot product)
    s = z[edge_index[0]]
    d = z[edge_index[1]]
    logits = (s * d).sum(axis=1)
    return jax.nn.sigmoid(logits)

if __name__ == "__main__":
    import jax
    _d = setup_inputs()
    print(jax.jit(kernel)(*tuple(_d.values())))

</pallas_src>

<mosaic_0001>
#map = affine_map<(d0, d1) -> (0)>
#map1 = affine_map<(d0, d1) -> (0, 0)>
module attributes {stable_mosaic.version = 14 : i64} {
  func.func @_deg_count_body(%arg0: i32, %arg1: i32, %arg2: memref<320000xi32, #tpu.memory_space<hbm>>, %arg3: memref<20480x16xf32, #tpu.memory_space<hbm>>, %arg4: memref<10240x16xf32, #tpu.memory_space<vmem_shared>>, %arg5: memref<10000xi32, #tpu.memory_space<vmem>>, %arg6: memref<128x16xf32, #tpu.memory_space<vmem>>, %arg7: memref<40x16xf32, #tpu.memory_space<vmem>>, %arg8: memref<!tpu.dma_semaphore, #tpu.memory_space<semaphore_mem>>, %arg9: memref<!tpu.dma_semaphore, #tpu.memory_space<semaphore_mem>>, %arg10: memref<!tpu.dma_semaphore, #tpu.memory_space<semaphore_mem>>, %arg11: memref<!tpu.dma_semaphore, #tpu.memory_space<semaphore_mem>>, %arg12: memref<!tpu.dma_semaphore, #tpu.memory_space<semaphore_mem>>) attributes {dimension_semantics = [#tpu.dimension_semantics<core_parallel>, #tpu.dimension_semantics<subcore_parallel>], iteration_bounds = array<i64: 2, 16>, scalar_prefetch = 0 : i64, scratch_operands = 9 : i64, tpu.core_type = #tpu.core_type<sc_vector_subcore>, window_params = [{transform_indices = #map}, {transform_indices = #map1}]} {
    %mul3A = arith.constant 2 : i32
    %mul3A_0 = arith.muli %arg1, %mul3A : i32
    %add3A = arith.addi %mul3A_0, %arg0 : i32
    %scan3A = arith.constant 0 : i32
    %scan3A_1 = arith.constant 128 : i32
    %scan3A_2 = arith.addi %scan3A, %scan3A_1 : i32
    %scan3A_3 = arith.constant 1 : i32
    scf.for %scan3A_76 = %scan3A to %scan3A_2 step %scan3A_3  : i32 {
      %mul3A_77 = arith.constant 1 : i32
      %mul3A_78 = arith.muli %scan3A_76, %mul3A_77 : i32
      %add3A_79 = arith.constant 0 : i32
      %add3A_80 = arith.addi %add3A_79, %mul3A_78 : i32
      %broadcast_in_dim3A = arith.constant 0.000000e+00 : f32
      %broadcast_in_dim3A_81 = vector.broadcast %broadcast_in_dim3A : f32 to vector<16xf32>
      %jit3A = arith.constant 1 : i32
      %div3A = arith.divsi %add3A_80, %jit3A : i32
      %sign3A = arith.constant 0 : i32
      %sign3A_82 = arith.cmpi sgt, %add3A_80, %sign3A : i32
      %sign3A_83 = arith.extui %sign3A_82 : i1 to i32
      %sign3A_84 = arith.constant 0 : i32
      %sign3A_85 = arith.cmpi slt, %add3A_80, %sign3A_84 : i32
      %sign3A_86 = arith.extui %sign3A_85 : i1 to i32
      %sign3A_87 = arith.subi %sign3A_83, %sign3A_86 : i32
      %sign3A_88 = arith.constant 0 : i32
      %sign3A_89 = arith.cmpi sgt, %jit3A, %sign3A_88 : i32
      %sign3A_90 = arith.extui %sign3A_89 : i1 to i32
      %sign3A_91 = arith.constant 0 : i32
      %sign3A_92 = arith.cmpi slt, %jit3A, %sign3A_91 : i32
      %sign3A_93 = arith.extui %sign3A_92 : i1 to i32
      %sign3A_94 = arith.subi %sign3A_90, %sign3A_93 : i32
      %ne3A = arith.cmpi ne, %sign3A_87, %sign3A_94 : i32
      %rem3A = arith.remsi %add3A_80, %jit3A : i32
      %ne3A_95 = arith.constant 0 : i32
      %ne3A_96 = arith.cmpi ne, %rem3A, %ne3A_95 : i32
      %and3A = arith.andi %ne3A, %ne3A_96 : i1
      %sub3A = arith.constant 1 : i32
      %sub3A_97 = arith.subi %div3A, %sub3A : i32
      %select_n3A = arith.select %and3A, %sub3A_97, %div3A : i32
      %jit3A_98 = arith.constant 1 : i32
      %eq3A = arith.constant 0 : i32
      %eq3A_99 = arith.cmpi eq, %jit3A_98, %eq3A : i32
      %jit3A_100 = arith.constant 1 : i32
      %select_n3A_101 = arith.select %eq3A_99, %jit3A_100, %jit3A_98 : i32
      %rem3A_102 = arith.remsi %add3A_80, %select_n3A_101 : i32
      %ne3A_103 = arith.constant 0 : i32
      %ne3A_104 = arith.cmpi ne, %rem3A_102, %ne3A_103 : i32
      %lt3A = arith.constant 0 : i32
      %lt3A_105 = arith.cmpi slt, %rem3A_102, %lt3A : i32
      %lt3A_106 = arith.constant 0 : i32
      %lt3A_107 = arith.cmpi slt, %select_n3A_101, %lt3A_106 : i32
      %ne3A_108 = arith.xori %lt3A_105, %lt3A_107 : i1
      %and3A_109 = arith.andi %ne3A_108, %ne3A_104 : i1
      %add3A_110 = arith.addi %rem3A_102, %select_n3A_101 : i32
      %select_n3A_111 = arith.select %and3A_109, %add3A_110, %rem3A_102 : i32
      %mul3A_112 = arith.constant 16 : i32
      %mul3A_113 = arith.muli %select_n3A_111, %mul3A_112 : i32
      %swap3A = arith.index_cast %select_n3A : i32 to index
      %swap3A_114 = arith.index_cast %mul3A_113 : i32 to index
      %swap3A_115 = tpu.vector_load %arg6[%swap3A, %swap3A_114] {strides = array<i32>} : memref<128x16xf32, #tpu.memory_space<vmem>>, vector<1x16xf32>,
      %swap3A_116 = vector.shape_cast %swap3A_115 : vector<1x16xf32> to vector<16xf32>
      %swap3A_117 = vector.shape_cast %broadcast_in_dim3A_81 : vector<16xf32> to vector<1x16xf32>
      tpu.vector_store %arg6[%swap3A, %swap3A_114], %swap3A_117 {strides = array<i32>} : memref<128x16xf32, #tpu.memory_space<vmem>>, vector<1x16xf32>,
    }
    %scan3A_4 = arith.constant 128 : i32
    %scan3A_5 = arith.constant 0 : i32
    %scan3A_6 = arith.constant 5 : i32
    %scan3A_7 = arith.addi %scan3A_5, %scan3A_6 : i32
    %scan3A_8 = arith.constant 1 : i32
    scf.for %scan3A_76 = %scan3A_5 to %scan3A_7 step %scan3A_8  : i32 {
      %mul3A_77 = arith.constant 1 : i32
      %mul3A_78 = arith.muli %scan3A_76, %mul3A_77 : i32
      %add3A_79 = arith.constant 0 : i32
      %add3A_80 = arith.addi %add3A_79, %mul3A_78 : i32
      %mul3A_81 = arith.constant 640 : i32
      %mul3A_82 = arith.muli %arg1, %mul3A_81 : i32
      %mul3A_83 = arith.constant 128 : i32
      %mul3A_84 = arith.muli %add3A_80, %mul3A_83 : i32
      %add3A_85 = arith.addi %mul3A_82, %mul3A_84 : i32
      "tpu.region"() ({
        %run_scoped3A = tpu.sem_alloc : memref<!tpu.dma_semaphore, #tpu.memory_space<semaphore_mem>>
        %dma_start3A_86 = arith.constant 0 : i32
        %dma_start3A_87 = tpu.memref_slice %arg4[%add3A_85, %dma_start3A_86] : memref<10240x16xf32, #tpu.memory_space<vmem_shared>> -> memref<128x16xf32, #tpu.memory_space<vmem_shared>>
        %dma_start3A_88 = arith.constant 0 : i32
        %dma_start3A_89 = tpu.memref_slice %arg4[%add3A_85, %dma_start3A_88] : memref<10240x16xf32, #tpu.memory_space<vmem_shared>> -> memref<128x16xf32, #tpu.memory_space<vmem_shared>>
        tpu.enqueue_dma source(%arg6 : memref<128x16xf32, #tpu.memory_space<vmem>>) target(%dma_start3A_89 : memref<128x16xf32, #tpu.memory_space<vmem_shared>>) target_semaphore(%run_scoped3A : memref<!tpu.dma_semaphore, #tpu.memory_space<semaphore_mem>>)
        %dma_wait3A_90 = arith.constant 0 : i32
        %dma_wait3A_91 = tpu.memref_slice %arg4[%add3A_85, %dma_wait3A_90] : memref<10240x16xf32, #tpu.memory_space<vmem_shared>> -> memref<128x16xf32, #tpu.memory_space<vmem_shared>>
        %dma_wait3A_92 = arith.constant 0 : i32
        %dma_wait3A_93 = tpu.memref_slice %arg4[%add3A_85, %dma_wait3A_92] : memref<10240x16xf32, #tpu.memory_space<vmem_shared>> -> memref<128x16xf32, #tpu.memory_space<vmem_shared>>
        tpu.wait_dma2 semaphore(%run_scoped3A : memref<!tpu.dma_semaphore, #tpu.memory_space<semaphore_mem>>) src(%arg6 : memref<128x16xf32, #tpu.memory_space<vmem>>) dst(%dma_wait3A_93 : memref<128x16xf32, #tpu.memory_space<vmem_shared>>)
        tpu.yield
      }) : () -> ()
    }
    %scan3A_9 = arith.constant 5 : i32
    %scan3A_10 = arith.constant 0 : i32
    %scan3A_11 = arith.constant 40 : i32
    %scan3A_12 = arith.addi %scan3A_10, %scan3A_11 : i32
    %scan3A_13 = arith.constant 1 : i32
    scf.for %scan3A_76 = %scan3A_10 to %scan3A_12 step %scan3A_13  : i32 {
      %mul3A_77 = arith.constant 1 : i32
      %mul3A_78 = arith.muli %scan3A_76, %mul3A_77 : i32
      %add3A_79 = arith.constant 0 : i32
      %add3A_80 = arith.addi %add3A_79, %mul3A_78 : i32
      %broadcast_in_dim3A = arith.constant 1.000000e+00 : f32
      %broadcast_in_dim3A_81 = vector.broadcast %broadcast_in_dim3A : f32 to vector<16xf32>
      %jit3A = arith.constant 1 : i32
      %div3A = arith.divsi %add3A_80, %jit3A : i32
      %sign3A = arith.constant 0 : i32
      %sign3A_82 = arith.cmpi sgt, %add3A_80, %sign3A : i32
      %sign3A_83 = arith.extui %sign3A_82 : i1 to i32
      %sign3A_84 = arith.constant 0 : i32
      %sign3A_85 = arith.cmpi slt, %add3A_80, %sign3A_84 : i32
      %sign3A_86 = arith.extui %sign3A_85 : i1 to i32
      %sign3A_87 = arith.subi %sign3A_83, %sign3A_86 : i32
      %sign3A_88 = arith.constant 0 : i32
      %sign3A_89 = arith.cmpi sgt, %jit3A, %sign3A_88 : i32
      %sign3A_90 = arith.extui %sign3A_89 : i1 to i32
      %sign3A_91 = arith.constant 0 : i32
      %sign3A_92 = arith.cmpi slt, %jit3A, %sign3A_91 : i32
      %sign3A_93 = arith.extui %sign3A_92 : i1 to i32
      %sign3A_94 = arith.subi %sign3A_90, %sign3A_93 : i32
      %ne3A = arith.cmpi ne, %sign3A_87, %sign3A_94 : i32
      %rem3A = arith.remsi %add3A_80, %jit3A : i32
      %ne3A_95 = arith.constant 0 : i32
      %ne3A_96 = arith.cmpi ne, %rem3A, %ne3A_95 : i32
      %and3A = arith.andi %ne3A, %ne3A_96 : i1
      %sub3A = arith.constant 1 : i32
      %sub3A_97 = arith.subi %div3A, %sub3A : i32
      %select_n3A = arith.select %and3A, %sub3A_97, %div3A : i32
      %jit3A_98 = arith.constant 1 : i32
      %eq3A = arith.constant 0 : i32
      %eq3A_99 = arith.cmpi eq, %jit3A_98, %eq3A : i32
      %jit3A_100 = arith.constant 1 : i32
      %select_n3A_101 = arith.select %eq3A_99, %jit3A_100, %jit3A_98 : i32
      %rem3A_102 = arith.remsi %add3A_80, %select_n3A_101 : i32
      %ne3A_103 = arith.constant 0 : i32
      %ne3A_104 = arith.cmpi ne, %rem3A_102, %ne3A_103 : i32
      %lt3A = arith.constant 0 : i32
      %lt3A_105 = arith.cmpi slt, %rem3A_102, %lt3A : i32
      %lt3A_106 = arith.constant 0 : i32
      %lt3A_107 = arith.cmpi slt, %select_n3A_101, %lt3A_106 : i32
      %ne3A_108 = arith.xori %lt3A_105, %lt3A_107 : i1
      %and3A_109 = arith.andi %ne3A_108, %ne3A_104 : i1
      %add3A_110 = arith.addi %rem3A_102, %select_n3A_101 : i32
      %select_n3A_111 = arith.select %and3A_109, %add3A_110, %rem3A_102 : i32
      %mul3A_112 = arith.constant 16 : i32
      %mul3A_113 = arith.muli %select_n3A_111, %mul3A_112 : i32
      %swap3A = arith.index_cast %select_n3A : i32 to index
      %swap3A_114 = arith.index_cast %mul3A_113 : i32 to index
      %swap3A_115 = tpu.vector_load %arg7[%swap3A, %swap3A_114] {strides = array<i32>} : memref<40x16xf32, #tpu.memory_space<vmem>>, vector<1x16xf32>,
      %swap3A_116 = vector.shape_cast %swap3A_115 : vector<1x16xf32> to vector<16xf32>
      %swap3A_117 = vector.shape_cast %broadcast_in_dim3A_81 : vector<16xf32> to vector<1x16xf32>
      tpu.vector_store %arg7[%swap3A, %swap3A_114], %swap3A_117 {strides = array<i32>} : memref<40x16xf32, #tpu.memory_space<vmem>>, vector<1x16xf32>,
    }
    %scan3A_14 = arith.constant 40 : i32
    %mul3A_15 = arith.constant 10000 : i32
    %mul3A_16 = arith.muli %add3A, %mul3A_15 : i32
    "tpu.region"() ({
      %run_scoped3A = tpu.sem_alloc : memref<!tpu.dma_semaphore, #tpu.memory_space<semaphore_mem>>
      %dma_start3A_76 = tpu.memref_slice %arg2[%mul3A_16] : memref<320000xi32, #tpu.memory_space<hbm>> -> memref<10000xi32, #tpu.memory_space<hbm>>
      %dma_start3A_77 = tpu.memref_slice %arg2[%mul3A_16] : memref<320000xi32, #tpu.memory_space<hbm>> -> memref<10000xi32, #tpu.memory_space<hbm>>
      tpu.enqueue_dma source(%dma_start3A_77 : memref<10000xi32, #tpu.memory_space<hbm>>) target(%arg5 : memref<10000xi32, #tpu.memory_space<vmem>>) target_semaphore(%run_scoped3A : memref<!tpu.dma_semaphore, #tpu.memory_space<semaphore_mem>>)
      %dma_wait3A_78 = tpu.memref_slice %arg2[%mul3A_16] : memref<320000xi32, #tpu.memory_space<hbm>> -> memref<10000xi32, #tpu.memory_space<hbm>>
      %dma_wait3A_79 = tpu.memref_slice %arg2[%mul3A_16] : memref<320000xi32, #tpu.memory_space<hbm>> -> memref<10000xi32, #tpu.memory_space<hbm>>
      tpu.wait_dma2 semaphore(%run_scoped3A : memref<!tpu.dma_semaphore, #tpu.memory_space<semaphore_mem>>) src(%dma_wait3A_79 : memref<10000xi32, #tpu.memory_space<hbm>>) dst(%arg5 : memref<10000xi32, #tpu.memory_space<vmem>>)
      tpu.yield
    }) : () -> ()
    %barrier3A = arith.constant 0 : index
    tpu.barrier barrier_id(%barrier3A)
    %dma_start3A = arith.constant 0 : i32
    %dma_start3A_17 = tpu.memref_slice %arg5[%dma_start3A] : memref<10000xi32, #tpu.memory_space<vmem>> -> memref<40xi32, #tpu.memory_space<vmem>>
    %dma_start3A_18 = arith.constant 0 : i32
    %dma_start3A_19 = arith.constant 0 : i32
    %dma_start3A_20 = tpu.memref_slice %arg4[%dma_start3A_18, %dma_start3A_19] : memref<10240x16xf32, #tpu.memory_space<vmem_shared>> -> memref<10240x16xf32, #tpu.memory_space<vmem_shared>>
    tpu.enqueue_indirect_dma source(%arg7 : memref<40x16xf32, #tpu.memory_space<vmem>>) target(%dma_start3A_20 : memref<10240x16xf32, #tpu.memory_space<vmem_shared>>) offsets(%dma_start3A_17 : memref<40xi32, #tpu.memory_space<vmem>>) semaphore(%arg8 : memref<!tpu.dma_semaphore, #tpu.memory_space<semaphore_mem>>) {add = true}
    %dma_start3A_21 = arith.constant 40 : i32
    %dma_start3A_22 = tpu.memref_slice %arg5[%dma_start3A_21] : memref<10000xi32, #tpu.memory_space<vmem>> -> memref<40xi32, #tpu.memory_space<vmem>>
    %dma_start3A_23 = arith.constant 0 : i32
    %dma_start3A_24 = arith.constant 0 : i32
    %dma_start3A_25 = tpu.memref_slice %arg4[%dma_start3A_23, %dma_start3A_24] : memref<10240x16xf32, #tpu.memory_space<vmem_shared>> -> memref<10240x16xf32, #tpu.memory_space<vmem_shared>>
    tpu.enqueue_indirect_dma source(%arg7 : memref<40x16xf32, #tpu.memory_space<vmem>>) target(%dma_start3A_25 : memref<10240x16xf32, #tpu.memory_space<vmem_shared>>) offsets(%dma_start3A_22 : memref<40xi32, #tpu.memory_space<vmem>>) semaphore(%arg9 : memref<!tpu.dma_semaphore, #tpu.memory_space<semaphore_mem>>) {add = true}
    %dma_start3A_26 = arith.constant 80 : i32
    %dma_start3A_27 = tpu.memref_slice %arg5[%dma_start3A_26] : memref<10000xi32, #tpu.memory_space<vmem>> -> memref<40xi32, #tpu.memory_space<vmem>>
    %dma_start3A_28 = arith.constant 0 : i32
    %dma_start3A_29 = arith.constant 0 : i32
    %dma_start3A_30 = tpu.memref_slice %arg4[%dma_start3A_28, %dma_start3A_29] : memref<10240x16xf32, #tpu.memory_space<vmem_shared>> -> memref<10240x16xf32, #tpu.memory_space<vmem_shared>>
    tpu.enqueue_indirect_dma source(%arg7 : memref<40x16xf32, #tpu.memory_space<vmem>>) target(%dma_start3A_30 : memref<10240x16xf32, #tpu.memory_space<vmem_shared>>) offsets(%dma_start3A_27 : memref<40xi32, #tpu.memory_space<vmem>>) semaphore(%arg10 : memref<!tpu.dma_semaphore, #tpu.memory_space<semaphore_mem>>) {add = true}
    %dma_start3A_31 = arith.constant 120 : i32
    %dma_start3A_32 = tpu.memref_slice %arg5[%dma_start3A_31] : memref<10000xi32, #tpu.memory_space<vmem>> -> memref<40xi32, #tpu.memory_space<vmem>>
    %dma_start3A_33 = arith.constant 0 : i32
    %dma_start3A_34 = arith.constant 0 : i32
    %dma_start3A_35 = tpu.memref_slice %arg4[%dma_start3A_33, %dma_start3A_34] : memref<10240x16xf32, #tpu.memory_space<vmem_shared>> -> memref<10240x16xf32, #tpu.memory_space<vmem_shared>>
    tpu.enqueue_indirect_dma source(%arg7 : memref<40x16xf32, #tpu.memory_space<vmem>>) target(%dma_start3A_35 : memref<10240x16xf32, #tpu.memory_space<vmem_shared>>) offsets(%dma_start3A_32 : memref<40xi32, #tpu.memory_space<vmem>>) semaphore(%arg11 : memref<!tpu.dma_semaphore, #tpu.memory_space<semaphore_mem>>) {add = true}
    %dma_start3A_36 = arith.constant 160 : i32
    %dma_start3A_37 = tpu.memref_slice %arg5[%dma_start3A_36] : memref<10000xi32, #tpu.memory_space<vmem>> -> memref<40xi32, #tpu.memory_space<vmem>>
    %dma_start3A_38 = arith.constant 0 : i32
    %dma_start3A_39 = arith.constant 0 : i32
    %dma_start3A_40 = tpu.memref_slice %arg4[%dma_start3A_38, %dma_start3A_39] : memref<10240x16xf32, #tpu.memory_space<vmem_shared>> -> memref<10240x16xf32, #tpu.memory_space<vmem_shared>>
    tpu.enqueue_indirect_dma source(%arg7 : memref<40x16xf32, #tpu.memory_space<vmem>>) target(%dma_start3A_40 : memref<10240x16xf32, #tpu.memory_space<vmem_shared>>) offsets(%dma_start3A_37 : memref<40xi32, #tpu.memory_space<vmem>>) semaphore(%arg12 : memref<!tpu.dma_semaphore, #tpu.memory_space<semaphore_mem>>) {add = true}
    %scan3A_41 = arith.constant 0 : i32
    %scan3A_42 = arith.constant 50 : i32
    %scan3A_43 = arith.addi %scan3A_41, %scan3A_42 : i32
    %scan3A_44 = arith.constant 1 : i32
    scf.for %scan3A_76 = %scan3A_41 to %scan3A_43 step %scan3A_44  : i32 {
      %mul3A_77 = arith.constant 1 : i32
      %mul3A_78 = arith.muli %scan3A_76, %mul3A_77 : i32
      %add3A_79 = arith.constant 0 : i32
      %add3A_80 = arith.addi %add3A_79, %mul3A_78 : i32
      %mul3A_81 = arith.constant 5 : i32
      %mul3A_82 = arith.muli %add3A_80, %mul3A_81 : i32
      %add3A_83 = arith.constant 0 : i32
      %add3A_84 = arith.addi %mul3A_82, %add3A_83 : i32
      %add3A_85 = arith.constant 5 : i32
      %add3A_86 = arith.addi %add3A_84, %add3A_85 : i32
      %lt3A = arith.constant 250 : i32
      %lt3A_87 = arith.cmpi slt, %add3A_86, %lt3A : i32
      %convert_element_type3A = arith.extui %lt3A_87 : i1 to i32
      %cond3A = arith.constant 0 : i32
      %cond3A_88 = arith.cmpi ne, %convert_element_type3A, %cond3A : i32
      scf.if %cond3A_88 {
        %dma_wait3A_133 = arith.constant 0 : i32
        %dma_wait3A_134 = tpu.memref_slice %arg5[%dma_wait3A_133] : memref<10000xi32, #tpu.memory_space<vmem>> -> memref<40xi32, #tpu.memory_space<vmem>>
        %dma_wait3A_135 = arith.constant 0 : i32
        %dma_wait3A_136 = arith.constant 0 : i32
        %dma_wait3A_137 = tpu.memref_slice %arg4[%dma_wait3A_135, %dma_wait3A_136] : memref<10240x16xf32, #tpu.memory_space<vmem_shared>> -> memref<10240x16xf32, #tpu.memory_space<vmem_shared>>
        tpu.wait_indirect_dma semaphore(%arg8 : memref<!tpu.dma_semaphore, #tpu.memory_space<semaphore_mem>>) src(%arg7 : memref<40x16xf32, #tpu.memory_space<vmem>>) dst(%dma_wait3A_137 : memref<10240x16xf32, #tpu.memory_space<vmem_shared>>)
        %mul3A_138 = arith.constant 40 : i32
        %mul3A_139 = arith.muli %add3A_86, %mul3A_138 : i32
        %dma_start3A_140 = tpu.memref_slice %arg5[%mul3A_139] : memref<10000xi32, #tpu.memory_space<vmem>> -> memref<40xi32, #tpu.memory_space<vmem>>
        %dma_start3A_141 = arith.constant 0 : i32
        %dma_start3A_142 = arith.constant 0 : i32
        %dma_start3A_143 = tpu.memref_slice %arg4[%dma_start3A_141, %dma_start3A_142] : memref<10240x16xf32, #tpu.memory_space<vmem_shared>> -> memref<10240x16xf32, #tpu.memory_space<vmem_shared>>
        tpu.enqueue_indirect_dma source(%arg7 : memref<40x16xf32, #tpu.memory_space<vmem>>) target(%dma_start3A_143 : memref<10240x16xf32, #tpu.memory_space<vmem_shared>>) offsets(%dma_start3A_140 : memref<40xi32, #tpu.memory_space<vmem>>) semaphore(%arg8 : memref<!tpu.dma_semaphore, #tpu.memory_space<semaphore_mem>>) {add = true}
      } else {
      }
      %mul3A_89 = arith.constant 5 : i32
      %mul3A_90 = arith.muli %add3A_80, %mul3A_89 : i32
      %add3A_91 = arith.constant 1 : i32
      %add3A_92 = arith.addi %mul3A_90, %add3A_91 : i32
      %add3A_93 = arith.constant 5 : i32
      %add3A_94 = arith.addi %add3A_92, %add3A_93 : i32
      %lt3A_95 = arith.constant 250 : i32
      %lt3A_96 = arith.cmpi slt, %add3A_94, %lt3A_95 : i32
      %convert_element_type3A_97 = arith.extui %lt3A_96 : i1 to i32
      %cond3A_98 = arith.constant 0 : i32
      %cond3A_99 = arith.cmpi ne, %convert_element_type3A_97, %cond3A_98 : i32
      scf.if %cond3A_99 {
        %dma_wait3A_133 = arith.constant 0 : i32
        %dma_wait3A_134 = tpu.memref_slice %arg5[%dma_wait3A_133] : memref<10000xi32, #tpu.memory_space<vmem>> -> memref<40xi32, #tpu.memory_space<vmem>>
        %dma_wait3A_135 = arith.constant 0 : i32
        %dma_wait3A_136 = arith.constant 0 : i32
        %dma_wait3A_137 = tpu.memref_slice %arg4[%dma_wait3A_135, %dma_wait3A_136] : memref<10240x16xf32, #tpu.memory_space<vmem_shared>> -> memref<10240x16xf32, #tpu.memory_space<vmem_shared>>
        tpu.wait_indirect_dma semaphore(%arg9 : memref<!tpu.dma_semaphore, #tpu.memory_space<semaphore_mem>>) src(%arg7 : memref<40x16xf32, #tpu.memory_space<vmem>>) dst(%dma_wait3A_137 : memref<10240x16xf32, #tpu.memory_space<vmem_shared>>)
        %mul3A_138 = arith.constant 40 : i32
        %mul3A_139 = arith.muli %add3A_94, %mul3A_138 : i32
        %dma_start3A_140 = tpu.memref_slice %arg5[%mul3A_139] : memref<10000xi32, #tpu.memory_space<vmem>> -> memref<40xi32, #tpu.memory_space<vmem>>
        %dma_start3A_141 = arith.constant 0 : i32
        %dma_start3A_142 = arith.constant 0 : i32
        %dma_start3A_143 = tpu.memref_slice %arg4[%dma_start3A_141, %dma_start3A_142] : memref<10240x16xf32, #tpu.memory_space<vmem_shared>> -> memref<10240x16xf32, #tpu.memory_space<vmem_shared>>
        tpu.enqueue_indirect_dma source(%arg7 : memref<40x16xf32, #tpu.memory_space<vmem>>) target(%dma_start3A_143 : memref<10240x16xf32, #tpu.memory_space<vmem_shared>>) offsets(%dma_start3A_140 : memref<40xi32, #tpu.memory_space<vmem>>) semaphore(%arg9 : memref<!tpu.dma_semaphore, #tpu.memory_space<semaphore_mem>>) {add = true}
      } else {
      }
      %mul3A_100 = arith.constant 5 : i32
      %mul3A_101 = arith.muli %add3A_80, %mul3A_100 : i32
      %add3A_102 = arith.constant 2 : i32
      %add3A_103 = arith.addi %mul3A_101, %add3A_102 : i32
      %add3A_104 = arith.constant 5 : i32
      %add3A_105 = arith.addi %add3A_103, %add3A_104 : i32
      %lt3A_106 = arith.constant 250 : i32
      %lt3A_107 = arith.cmpi slt, %add3A_105, %lt3A_106 : i32
      %convert_element_type3A_108 = arith.extui %lt3A_107 : i1 to i32
      %cond3A_109 = arith.constant 0 : i32
      %cond3A_110 = arith.cmpi ne, %convert_element_type3A_108, %cond3A_109 : i32
      scf.if %cond3A_110 {
        %dma_wait3A_133 = arith.constant 0 : i32
        %dma_wait3A_134 = tpu.memref_slice %arg5[%dma_wait3A_133] : memref<10000xi32, #tpu.memory_space<vmem>> -> memref<40xi32, #tpu.memory_space<vmem>>
        %dma_wait3A_135 = arith.constant 0 : i32
        %dma_wait3A_136 = arith.constant 0 : i32
        %dma_wait3A_137 = tpu.memref_slice %arg4[%dma_wait3A_135, %dma_wait3A_136] : memref<10240x16xf32, #tpu.memory_space<vmem_shared>> -> memref<10240x16xf32, #tpu.memory_space<vmem_shared>>
        tpu.wait_indirect_dma semaphore(%arg10 : memref<!tpu.dma_semaphore, #tpu.memory_space<semaphore_mem>>) src(%arg7 : memref<40x16xf32, #tpu.memory_space<vmem>>) dst(%dma_wait3A_137 : memref<10240x16xf32, #tpu.memory_space<vmem_shared>>)
        %mul3A_138 = arith.constant 40 : i32
        %mul3A_139 = arith.muli %add3A_105, %mul3A_138 : i32
        %dma_start3A_140 = tpu.memref_slice %arg5[%mul3A_139] : memref<10000xi32, #tpu.memory_space<vmem>> -> memref<40xi32, #tpu.memory_space<vmem>>
        %dma_start3A_141 = arith.constant 0 : i32
        %dma_start3A_142 = arith.constant 0 : i32
        %dma_start3A_143 = tpu.memref_slice %arg4[%dma_start3A_141, %dma_start3A_142] : memref<10240x16xf32, #tpu.memory_space<vmem_shared>> -> memref<10240x16xf32, #tpu.memory_space<vmem_shared>>
        tpu.enqueue_indirect_dma source(%arg7 : memref<40x16xf32, #tpu.memory_space<vmem>>) target(%dma_start3A_143 : memref<10240x16xf32, #tpu.memory_space<vmem_shared>>) offsets(%dma_start3A_140 : memref<40xi32, #tpu.memory_space<vmem>>) semaphore(%arg10 : memref<!tpu.dma_semaphore, #tpu.memory_space<semaphore_mem>>) {add = true}
      } else {
      }
      %mul3A_111 = arith.constant 5 : i32
      %mul3A_112 = arith.muli %add3A_80, %mul3A_111 : i32
      %add3A_113 = arith.constant 3 : i32
      %add3A_114 = arith.addi %mul3A_112, %add3A_113 : i32
      %add3A_115 = arith.constant 5 : i32
      %add3A_116 = arith.addi %add3A_114, %add3A_115 : i32
      %lt3A_117 = arith.constant 250 : i32
      %lt3A_118 = arith.cmpi slt, %add3A_116, %lt3A_117 : i32
      %convert_element_type3A_119 = arith.extui %lt3A_118 : i1 to i32
      %cond3A_120 = arith.constant 0 : i32
      %cond3A_121 = arith.cmpi ne, %convert_element_type3A_119, %cond3A_120 : i32
      scf.if %cond3A_121 {
        %dma_wait3A_133 = arith.constant 0 : i32
        %dma_wait3A_134 = tpu.memref_slice %arg5[%dma_wait3A_133] : memref<10000xi32, #tpu.memory_space<vmem>> -> memref<40xi32, #tpu.memory_space<vmem>>
        %dma_wait3A_135 = arith.constant 0 : i32
        %dma_wait3A_136 = arith.constant 0 : i32
        %dma_wait3A_137 = tpu.memref_slice %arg4[%dma_wait3A_135, %dma_wait3A_136] : memref<10240x16xf32, #tpu.memory_space<vmem_shared>> -> memref<10240x16xf32, #tpu.memory_space<vmem_shared>>
        tpu.wait_indirect_dma semaphore(%arg11 : memref<!tpu.dma_semaphore, #tpu.memory_space<semaphore_mem>>) src(%arg7 : memref<40x16xf32, #tpu.memory_space<vmem>>) dst(%dma_wait3A_137 : memref<10240x16xf32, #tpu.memory_space<vmem_shared>>)
        %mul3A_138 = arith.constant 40 : i32
        %mul3A_139 = arith.muli %add3A_116, %mul3A_138 : i32
        %dma_start3A_140 = tpu.memref_slice %arg5[%mul3A_139] : memref<10000xi32, #tpu.memory_space<vmem>> -> memref<40xi32, #tpu.memory_space<vmem>>
        %dma_start3A_141 = arith.constant 0 : i32
        %dma_start3A_142 = arith.constant 0 : i32
        %dma_start3A_143 = tpu.memref_slice %arg4[%dma_start3A_141, %dma_start3A_142] : memref<10240x16xf32, #tpu.memory_space<vmem_shared>> -> memref<10240x16xf32, #tpu.memory_space<vmem_shared>>
        tpu.enqueue_indirect_dma source(%arg7 : memref<40x16xf32, #tpu.memory_space<vmem>>) target(%dma_start3A_143 : memref<10240x16xf32, #tpu.memory_space<vmem_shared>>) offsets(%dma_start3A_140 : memref<40xi32, #tpu.memory_space<vmem>>) semaphore(%arg11 : memref<!tpu.dma_semaphore, #tpu.memory_space<semaphore_mem>>) {add = true}
      } else {
      }
      %mul3A_122 = arith.constant 5 : i32
      %mul3A_123 = arith.muli %add3A_80, %mul3A_122 : i32
      %add3A_124 = arith.constant 4 : i32
      %add3A_125 = arith.addi %mul3A_123, %add3A_124 : i32
      %add3A_126 = arith.constant 5 : i32
      %add3A_127 = arith.addi %add3A_125, %add3A_126 : i32
      %lt3A_128 = arith.constant 250 : i32
      %lt3A_129 = arith.cmpi slt, %add3A_127, %lt3A_128 : i32
      %convert_element_type3A_130 = arith.extui %lt3A_129 : i1 to i32
      %cond3A_131 = arith.constant 0 : i32
      %cond3A_132 = arith.cmpi ne, %convert_element_type3A_130, %cond3A_131 : i32
      scf.if %cond3A_132 {
        %dma_wait3A_133 = arith.constant 0 : i32
        %dma_wait3A_134 = tpu.memref_slice %arg5[%dma_wait3A_133] : memref<10000xi32, #tpu.memory_space<vmem>> -> memref<40xi32, #tpu.memory_space<vmem>>
        %dma_wait3A_135 = arith.constant 0 : i32
        %dma_wait3A_136 = arith.constant 0 : i32
        %dma_wait3A_137 = tpu.memref_slice %arg4[%dma_wait3A_135, %dma_wait3A_136] : memref<10240x16xf32, #tpu.memory_space<vmem_shared>> -> memref<10240x16xf32, #tpu.memory_space<vmem_shared>>
        tpu.wait_indirect_dma semaphore(%arg12 : memref<!tpu.dma_semaphore, #tpu.memory_space<semaphore_mem>>) src(%arg7 : memref<40x16xf32, #tpu.memory_space<vmem>>) dst(%dma_wait3A_137 : memref<10240x16xf32, #tpu.memory_space<vmem_shared>>)
        %mul3A_138 = arith.constant 40 : i32
        %mul3A_139 = arith.muli %add3A_127, %mul3A_138 : i32
        %dma_start3A_140 = tpu.memref_slice %arg5[%mul3A_139] : memref<10000xi32, #tpu.memory_space<vmem>> -> memref<40xi32, #tpu.memory_space<vmem>>
        %dma_start3A_141 = arith.constant 0 : i32
        %dma_start3A_142 = arith.constant 0 : i32
        %dma_start3A_143 = tpu.memref_slice %arg4[%dma_start3A_141, %dma_start3A_142] : memref<10240x16xf32, #tpu.memory_space<vmem_shared>> -> memref<10240x16xf32, #tpu.memory_space<vmem_shared>>
        tpu.enqueue_indirect_dma source(%arg7 : memref<40x16xf32, #tpu.memory_space<vmem>>) target(%dma_start3A_143 : memref<10240x16xf32, #tpu.memory_space<vmem_shared>>) offsets(%dma_start3A_140 : memref<40xi32, #tpu.memory_space<vmem>>) semaphore(%arg12 : memref<!tpu.dma_semaphore, #tpu.memory_space<semaphore_mem>>) {add = true}
      } else {
      }
    }
    %scan3A_45 = arith.constant 50 : i32
    %dma_wait3A = arith.constant 0 : i32
    %dma_wait3A_46 = tpu.memref_slice %arg5[%dma_wait3A] : memref<10000xi32, #tpu.memory_space<vmem>> -> memref<40xi32, #tpu.memory_space<vmem>>
    %dma_wait3A_47 = arith.constant 0 : i32
    %dma_wait3A_48 = arith.constant 0 : i32
    %dma_wait3A_49 = tpu.memref_slice %arg4[%dma_wait3A_47, %dma_wait3A_48] : memref<10240x16xf32, #tpu.memory_space<vmem_shared>> -> memref<10240x16xf32, #tpu.memory_space<vmem_shared>>
    tpu.wait_indirect_dma semaphore(%arg8 : memref<!tpu.dma_semaphore, #tpu.memory_space<semaphore_mem>>) src(%arg7 : memref<40x16xf32, #tpu.memory_space<vmem>>) dst(%dma_wait3A_49 : memref<10240x16xf32, #tpu.memory_space<vmem_shared>>)
    %dma_wait3A_50 = arith.constant 0 : i32
    %dma_wait3A_51 = tpu.memref_slice %arg5[%dma_wait3A_50] : memref<10000xi32, #tpu.memory_space<vmem>> -> memref<40xi32, #tpu.memory_space<vmem>>
    %dma_wait3A_52 = arith.constant 0 : i32
    %dma_wait3A_53 = arith.constant 0 : i32
    %dma_wait3A_54 = tpu.memref_slice %arg4[%dma_wait3A_52, %dma_wait3A_53] : memref<10240x16xf32, #tpu.memory_space<vmem_shared>> -> memref<10240x16xf32, #tpu.memory_space<vmem_shared>>
    tpu.wait_indirect_dma semaphore(%arg9 : memref<!tpu.dma_semaphore, #tpu.memory_space<semaphore_mem>>) src(%arg7 : memref<40x16xf32, #tpu.memory_space<vmem>>) dst(%dma_wait3A_54 : memref<10240x16xf32, #tpu.memory_space<vmem_shared>>)
    %dma_wait3A_55 = arith.constant 0 : i32
    %dma_wait3A_56 = tpu.memref_slice %arg5[%dma_wait3A_55] : memref<10000xi32, #tpu.memory_space<vmem>> -> memref<40xi32, #tpu.memory_space<vmem>>
    %dma_wait3A_57 = arith.constant 0 : i32
    %dma_wait3A_58 = arith.constant 0 : i32
    %dma_wait3A_59 = tpu.memref_slice %arg4[%dma_wait3A_57, %dma_wait3A_58] : memref<10240x16xf32, #tpu.memory_space<vmem_shared>> -> memref<10240x16xf32, #tpu.memory_space<vmem_shared>>
    tpu.wait_indirect_dma semaphore(%arg10 : memref<!tpu.dma_semaphore, #tpu.memory_space<semaphore_mem>>) src(%arg7 : memref<40x16xf32, #tpu.memory_space<vmem>>) dst(%dma_wait3A_59 : memref<10240x16xf32, #tpu.memory_space<vmem_shared>>)
    %dma_wait3A_60 = arith.constant 0 : i32
    %dma_wait3A_61 = tpu.memref_slice %arg5[%dma_wait3A_60] : memref<10000xi32, #tpu.memory_space<vmem>> -> memref<40xi32, #tpu.memory_space<vmem>>
    %dma_wait3A_62 = arith.constant 0 : i32
    %dma_wait3A_63 = arith.constant 0 : i32
    %dma_wait3A_64 = tpu.memref_slice %arg4[%dma_wait3A_62, %dma_wait3A_63] : memref<10240x16xf32, #tpu.memory_space<vmem_shared>> -> memref<10240x16xf32, #tpu.memory_space<vmem_shared>>
    tpu.wait_indirect_dma semaphore(%arg11 : memref<!tpu.dma_semaphore, #tpu.memory_space<semaphore_mem>>) src(%arg7 : memref<40x16xf32, #tpu.memory_space<vmem>>) dst(%dma_wait3A_64 : memref<10240x16xf32, #tpu.memory_space<vmem_shared>>)
    %dma_wait3A_65 = arith.constant 0 : i32
    %dma_wait3A_66 = tpu.memref_slice %arg5[%dma_wait3A_65] : memref<10000xi32, #tpu.memory_space<vmem>> -> memref<40xi32, #tpu.memory_space<vmem>>
    %dma_wait3A_67 = arith.constant 0 : i32
    %dma_wait3A_68 = arith.constant 0 : i32
    %dma_wait3A_69 = tpu.memref_slice %arg4[%dma_wait3A_67, %dma_wait3A_68] : memref<10240x16xf32, #tpu.memory_space<vmem_shared>> -> memref<10240x16xf32, #tpu.memory_space<vmem_shared>>
    tpu.wait_indirect_dma semaphore(%arg12 : memref<!tpu.dma_semaphore, #tpu.memory_space<semaphore_mem>>) src(%arg7 : memref<40x16xf32, #tpu.memory_space<vmem>>) dst(%dma_wait3A_69 : memref<10240x16xf32, #tpu.memory_space<vmem_shared>>)
    %barrier3A_70 = arith.constant 0 : index
    tpu.barrier barrier_id(%barrier3A_70)
    %scan3A_71 = arith.constant 0 : i32
    %scan3A_72 = arith.constant 5 : i32
    %scan3A_73 = arith.addi %scan3A_71, %scan3A_72 : i32
    %scan3A_74 = arith.constant 1 : i32
    scf.for %scan3A_76 = %scan3A_71 to %scan3A_73 step %scan3A_74  : i32 {
      %mul3A_77 = arith.constant 1 : i32
      %mul3A_78 = arith.muli %scan3A_76, %mul3A_77 : i32
      %add3A_79 = arith.constant 0 : i32
      %add3A_80 = arith.addi %add3A_79, %mul3A_78 : i32
      %mul3A_81 = arith.constant 640 : i32
      %mul3A_82 = arith.muli %arg1, %mul3A_81 : i32
      %mul3A_83 = arith.constant 128 : i32
      %mul3A_84 = arith.muli %add3A_80, %mul3A_83 : i32
      %add3A_85 = arith.addi %mul3A_82, %mul3A_84 : i32
      %mul3A_86 = arith.constant 10240 : i32
      %mul3A_87 = arith.muli %arg0, %mul3A_86 : i32
      %add3A_88 = arith.addi %mul3A_87, %add3A_85 : i32
      "tpu.region"() ({
        %run_scoped3A = tpu.sem_alloc : memref<!tpu.dma_semaphore, #tpu.memory_space<semaphore_mem>>
        %dma_start3A_89 = arith.constant 0 : i32
        %dma_start3A_90 = tpu.memref_slice %arg3[%add3A_88, %dma_start3A_89] : memref<20480x16xf32, #tpu.memory_space<hbm>> -> memref<128x16xf32, #tpu.memory_space<hbm>>
        %dma_start3A_91 = arith.constant 0 : i32
        %dma_start3A_92 = tpu.memref_slice %arg4[%add3A_85, %dma_start3A_91] : memref<10240x16xf32, #tpu.memory_space<vmem_shared>> -> memref<128x16xf32, #tpu.memory_space<vmem_shared>>
        tpu.enqueue_dma source(%dma_start3A_92 : memref<128x16xf32, #tpu.memory_space<vmem_shared>>) target(%dma_start3A_90 : memref<128x16xf32, #tpu.memory_space<hbm>>) target_semaphore(%run_scoped3A : memref<!tpu.dma_semaphore, #tpu.memory_space<semaphore_mem>>)
        %dma_wait3A_93 = arith.constant 0 : i32
        %dma_wait3A_94 = tpu.memref_slice %arg3[%add3A_88, %dma_wait3A_93] : memref<20480x16xf32, #tpu.memory_space<hbm>> -> memref<128x16xf32, #tpu.memory_space<hbm>>
        %dma_wait3A_95 = arith.constant 0 : i32
        %dma_wait3A_96 = tpu.memref_slice %arg4[%add3A_85, %dma_wait3A_95] : memref<10240x16xf32, #tpu.memory_space<vmem_shared>> -> memref<128x16xf32, #tpu.memory_space<vmem_shared>>
        tpu.wait_dma2 semaphore(%run_scoped3A : memref<!tpu.dma_semaphore, #tpu.memory_space<semaphore_mem>>) src(%dma_wait3A_96 : memref<128x16xf32, #tpu.memory_space<vmem_shared>>) dst(%dma_wait3A_94 : memref<128x16xf32, #tpu.memory_space<hbm>>)
        tpu.yield
      }) : () -> ()
    }
    %scan3A_75 = arith.constant 5 : i32
    return
  }
}

#map = affine_map<(d0, d1) -> (0, 0)>
#map1 = affine_map<(d0, d1) -> (0)>
module attributes {stable_mosaic.version = 14 : i64} {
  func.func @segsum(%arg0: i32, %arg1: i32, %arg2: memref<10000x128xf32, #tpu.memory_space<hbm>>, %arg3: memref<320000xi32, #tpu.memory_space<hbm>>, %arg4: memref<320000xi32, #tpu.memory_space<hbm>>, %arg5: memref<20480x128xf32, #tpu.memory_space<hbm>>, %arg6: memref<10240x128xf32, #tpu.memory_space<vmem_shared>>, %arg7: memref<10000xi32, #tpu.memory_space<vmem>>, %arg8: memref<10000xi32, #tpu.memory_space<vmem>>, %arg9: memref<40x128xf32, #tpu.memory_space<vmem>>, %arg10: memref<40x128xf32, #tpu.memory_space<vmem>>, %arg11: memref<40x128xf32, #tpu.memory_space<vmem>>, %arg12: memref<40x128xf32, #tpu.memory_space<vmem>>, %arg13: memref<40x128xf32, #tpu.memory_space<vmem>>, %arg14: memref<!tpu.dma_semaphore, #tpu.memory_space<semaphore_mem>>, %arg15: memref<!tpu.dma_semaphore, #tpu.memory_space<semaphore_mem>>, %arg16: memref<!tpu.dma_semaphore, #tpu.memory_space<semaphore_mem>>, %arg17: memref<!tpu.dma_semaphore, #tpu.memory_space<semaphore_mem>>, %arg18: memref<!tpu.dma_semaphore, #tpu.memory_space<semaphore_mem>>, %arg19: memref<!tpu.dma_semaphore, #tpu.memory_space<semaphore_mem>>, %arg20: memref<!tpu.dma_semaphore, #tpu.memory_space<semaphore_mem>>, %arg21: memref<!tpu.dma_semaphore, #tpu.memory_space<semaphore_mem>>, %arg22: memref<!tpu.dma_semaphore, #tpu.memory_space<semaphore_mem>>, %arg23: memref<!tpu.dma_semaphore, #tpu.memory_space<semaphore_mem>>) attributes {dimension_semantics = [#tpu.dimension_semantics<core_parallel>, #tpu.dimension_semantics<subcore_parallel>], iteration_bounds = array<i64: 2, 16>, scalar_prefetch = 0 : i64, scratch_operands = 18 : i64, tpu.core_type = #tpu.core_type<sc_vector_subcore>, window_params = [{transform_indices = #map}, {transform_indices = #map1}, {transform_indices = #map1}, {transform_indices = #map}]} {
    %mul3A = arith.constant 2 : i32
    %mul3A_0 = arith.muli %arg1, %mul3A : i32
    %add3A = arith.addi %mul3A_0, %arg0 : i32
    %scan3A = arith.constant 0 : i32
    %scan3A_1 = arith.constant 320 : i32
    %scan3A_2 = arith.addi %scan3A, %scan3A_1 : i32
    %scan3A_3 = arith.constant 1 : i32
    scf.for %scan3A_71 = %scan3A to %scan3A_2 step %scan3A_3  : i32 {
      %mul3A_72 = arith.constant 1 : i32
      %mul3A_73 = arith.muli %scan3A_71, %mul3A_72 : i32
      %add3A_74 = arith.constant 0 : i32
      %add3A_75 = arith.addi %add3A_74, %mul3A_73 : i32
      %broadcast_in_dim3A = arith.constant 0.000000e+00 : f32
      %broadcast_in_dim3A_76 = vector.broadcast %broadcast_in_dim3A : f32 to vector<16xf32>
      %jit3A = arith.constant 8 : i32
      %div3A = arith.divsi %add3A_75, %jit3A : i32
      %sign3A = arith.constant 0 : i32
      %sign3A_77 = arith.cmpi sgt, %add3A_75, %sign3A : i32
      %sign3A_78 = arith.extui %sign3A_77 : i1 to i32
      %sign3A_79 = arith.constant 0 : i32
      %sign3A_80 = arith.cmpi slt, %add3A_75, %sign3A_79 : i32
      %sign3A_81 = arith.extui %sign3A_80 : i1 to i32
      %sign3A_82 = arith.subi %sign3A_78, %sign3A_81 : i32
      %sign3A_83 = arith.constant 0 : i32
      %sign3A_84 = arith.cmpi sgt, %jit3A, %sign3A_83 : i32
      %sign3A_85 = arith.extui %sign3A_84 : i1 to i32
      %sign3A_86 = arith.constant 0 : i32
      %sign3A_87 = arith.cmpi slt, %jit3A, %sign3A_86 : i32
      %sign3A_88 = arith.extui %sign3A_87 : i1 to i32
      %sign3A_89 = arith.subi %sign3A_85, %sign3A_88 : i32
      %ne3A = arith.cmpi ne, %sign3A_82, %sign3A_89 : i32
      %rem3A = arith.remsi %add3A_75, %jit3A : i32
      %ne3A_90 = arith.constant 0 : i32
      %ne3A_91 = arith.cmpi ne, %rem3A, %ne3A_90 : i32
      %and3A = arith.andi %ne3A, %ne3A_91 : i1
      %sub3A = arith.constant 1 : i32
      %sub3A_92 = arith.subi %div3A, %sub3A : i32
      %select_n3A = arith.select %and3A, %sub3A_92, %div3A : i32
      %jit3A_93 = arith.constant 8 : i32
      %eq3A = arith.constant 0 : i32
      %eq3A_94 = arith.cmpi eq, %jit3A_93, %eq3A : i32
      %jit3A_95 = arith.constant 1 : i32
      %select_n3A_96 = arith.select %eq3A_94, %jit3A_95, %jit3A_93 : i32
      %rem3A_97 = arith.remsi %add3A_75, %select_n3A_96 : i32
      %ne3A_98 = arith.constant 0 : i32
      %ne3A_99 = arith.cmpi ne, %rem3A_97, %ne3A_98 : i32
      %lt3A = arith.constant 0 : i32
      %lt3A_100 = arith.cmpi slt, %rem3A_97, %lt3A : i32
      %lt3A_101 = arith.constant 0 : i32
      %lt3A_102 = arith.cmpi slt, %select_n3A_96, %lt3A_101 : i32
      %ne3A_103 = arith.xori %lt3A_100, %lt3A_102 : i1
      %and3A_104 = arith.andi %ne3A_103, %ne3A_99 : i1
      %add3A_105 = arith.addi %rem3A_97, %select_n3A_96 : i32
      %select_n3A_106 = arith.select %and3A_104, %add3A_105, %rem3A_97 : i32
      %mul3A_107 = arith.constant 16 : i32
      %mul3A_108 = arith.muli %select_n3A_106, %mul3A_107 : i32
      %swap3A = arith.index_cast %select_n3A : i32 to index
      %swap3A_109 = arith.index_cast %mul3A_108 : i32 to index
      %swap3A_110 = tpu.vector_load %arg9[%swap3A, %swap3A_109] {strides = array<i32>} : memref<40x128xf32, #tpu.memory_space<vmem>>, vector<1x16xf32>,
      %swap3A_111 = vector.shape_cast %swap3A_110 : vector<1x16xf32> to vector<16xf32>
      %swap3A_112 = vector.shape_cast %broadcast_in_dim3A_76 : vector<16xf32> to vector<1x16xf32>
      tpu.vector_store %arg9[%swap3A, %swap3A_109], %swap3A_112 {strides = array<i32>} : memref<40x128xf32, #tpu.memory_space<vmem>>, vector<1x16xf32>,
    }
    %scan3A_4 = arith.constant 320 : i32
    %scan3A_5 = arith.constant 0 : i32
    %scan3A_6 = arith.constant 16 : i32
    %scan3A_7 = arith.addi %scan3A_5, %scan3A_6 : i32
    %scan3A_8 = arith.constant 1 : i32
    scf.for %scan3A_71 = %scan3A_5 to %scan3A_7 step %scan3A_8  : i32 {
      %mul3A_72 = arith.constant 1 : i32
      %mul3A_73 = arith.muli %scan3A_71, %mul3A_72 : i32
      %add3A_74 = arith.constant 0 : i32
      %add3A_75 = arith.addi %add3A_74, %mul3A_73 : i32
      %mul3A_76 = arith.constant 640 : i32
      %mul3A_77 = arith.muli %arg1, %mul3A_76 : i32
      %mul3A_78 = arith.constant 40 : i32
      %mul3A_79 = arith.muli %add3A_75, %mul3A_78 : i32
      %add3A_80 = arith.addi %mul3A_77, %mul3A_79 : i32
      "tpu.region"() ({
        %run_scoped3A = tpu.sem_alloc : memref<!tpu.dma_semaphore, #tpu.memory_space<semaphore_mem>>
        %dma_start3A_81 = arith.constant 0 : i32
        %dma_start3A_82 = tpu.memref_slice %arg6[%add3A_80, %dma_start3A_81] : memref<10240x128xf32, #tpu.memory_space<vmem_shared>> -> memref<40x128xf32, #tpu.memory_space<vmem_shared>>
        %dma_start3A_83 = arith.constant 0 : i32
        %dma_start3A_84 = tpu.memref_slice %arg6[%add3A_80, %dma_start3A_83] : memref<10240x128xf32, #tpu.memory_space<vmem_shared>> -> memref<40x128xf32, #tpu.memory_space<vmem_shared>>
        tpu.enqueue_dma source(%arg9 : memref<40x128xf32, #tpu.memory_space<vmem>>) target(%dma_start3A_84 : memref<40x128xf32, #tpu.memory_space<vmem_shared>>) target_semaphore(%run_scoped3A : memref<!tpu.dma_semaphore, #tpu.memory_space<semaphore_mem>>)
        %dma_wait3A_85 = arith.constant 0 : i32
        %dma_wait3A_86 = tpu.memref_slice %arg6[%add3A_80, %dma_wait3A_85] : memref<10240x128xf32, #tpu.memory_space<vmem_shared>> -> memref<40x128xf32, #tpu.memory_space<vmem_shared>>
        %dma_wait3A_87 = arith.constant 0 : i32
        %dma_wait3A_88 = tpu.memref_slice %arg6[%add3A_80, %dma_wait3A_87] : memref<10240x128xf32, #tpu.memory_space<vmem_shared>> -> memref<40x128xf32, #tpu.memory_space<vmem_shared>>
        tpu.wait_dma2 semaphore(%run_scoped3A : memref<!tpu.dma_semaphore, #tpu.memory_space<semaphore_mem>>) src(%arg9 : memref<40x128xf32, #tpu.memory_space<vmem>>) dst(%dma_wait3A_88 : memref<40x128xf32, #tpu.memory_space<vmem_shared>>)
        tpu.yield
      }) : () -> ()
    }
    %scan3A_9 = arith.constant 16 : i32
    %mul3A_10 = arith.constant 10000 : i32
    %mul3A_11 = arith.muli %add3A, %mul3A_10 : i32
    "tpu.region"() ({
      %run_scoped3A = tpu.sem_alloc : memref<!tpu.dma_semaphore, #tpu.memory_space<semaphore_mem>>
      %dma_start3A_71 = tpu.memref_slice %arg3[%mul3A_11] : memref<320000xi32, #tpu.memory_space<hbm>> -> memref<10000xi32, #tpu.memory_space<hbm>>
      %dma_start3A_72 = tpu.memref_slice %arg3[%mul3A_11] : memref<320000xi32, #tpu.memory_space<hbm>> -> memref<10000xi32, #tpu.memory_space<hbm>>
      tpu.enqueue_dma source(%dma_start3A_72 : memref<10000xi32, #tpu.memory_space<hbm>>) target(%arg7 : memref<10000xi32, #tpu.memory_space<vmem>>) target_semaphore(%run_scoped3A : memref<!tpu.dma_semaphore, #tpu.memory_space<semaphore_mem>>)
      %dma_wait3A_73 = tpu.memref_slice %arg3[%mul3A_11] : memref<320000xi32, #tpu.memory_space<hbm>> -> memref<10000xi32, #tpu.memory_space<hbm>>
      %dma_wait3A_74 = tpu.memref_slice %arg3[%mul3A_11] : memref<320000xi32, #tpu.memory_space<hbm>> -> memref<10000xi32, #tpu.memory_space<hbm>>
      tpu.wait_dma2 semaphore(%run_scoped3A : memref<!tpu.dma_semaphore, #tpu.memory_space<semaphore_mem>>) src(%dma_wait3A_74 : memref<10000xi32, #tpu.memory_space<hbm>>) dst(%arg7 : memref<10000xi32, #tpu.memory_space<vmem>>)
      tpu.yield
    }) : () -> ()
    "tpu.region"() ({
      %run_scoped3A = tpu.sem_alloc : memref<!tpu.dma_semaphore, #tpu.memory_space<semaphore_mem>>
      %dma_start3A_71 = tpu.memref_slice %arg4[%mul3A_11] : memref<320000xi32, #tpu.memory_space<hbm>> -> memref<10000xi32, #tpu.memory_space<hbm>>
      %dma_start3A_72 = tpu.memref_slice %arg4[%mul3A_11] : memref<320000xi32, #tpu.memory_space<hbm>> -> memref<10000xi32, #tpu.memory_space<hbm>>
      tpu.enqueue_dma source(%dma_start3A_72 : memref<10000xi32, #tpu.memory_space<hbm>>) target(%arg8 : memref<10000xi32, #tpu.memory_space<vmem>>) target_semaphore(%run_scoped3A : memref<!tpu.dma_semaphore, #tpu.memory_space<semaphore_mem>>)
      %dma_wait3A_73 = tpu.memref_slice %arg4[%mul3A_11] : memref<320000xi32, #tpu.memory_space<hbm>> -> memref<10000xi32, #tpu.memory_space<hbm>>
      %dma_wait3A_74 = tpu.memref_slice %arg4[%mul3A_11] : memref<320000xi32, #tpu.memory_space<hbm>> -> memref<10000xi32, #tpu.memory_space<hbm>>
      tpu.wait_dma2 semaphore(%run_scoped3A : memref<!tpu.dma_semaphore, #tpu.memory_space<semaphore_mem>>) src(%dma_wait3A_74 : memref<10000xi32, #tpu.memory_space<hbm>>) dst(%arg8 : memref<10000xi32, #tpu.memory_space<vmem>>)
      tpu.yield
    }) : () -> ()
    %barrier3A = arith.constant 0 : index
    tpu.barrier barrier_id(%barrier3A)
    %dma_start3A = arith.constant 0 : i32
    %dma_start3A_12 = tpu.memref_slice %arg7[%dma_start3A] : memref<10000xi32, #tpu.memory_space<vmem>> -> memref<40xi32, #tpu.memory_space<vmem>>
    %dma_start3A_13 = arith.constant 0 : i32
    %dma_start3A_14 = arith.constant 0 : i32
    %dma_start3A_15 = tpu.memref_slice %arg2[%dma_start3A_13, %dma_start3A_14] : memref<10000x128xf32, #tpu.memory_space<hbm>> -> memref<10000x128xf32, #tpu.memory_space<hbm>>
    tpu.enqueue_indirect_dma source(%dma_start3A_15 : memref<10000x128xf32, #tpu.memory_space<hbm>>) target(%arg9 : memref<40x128xf32, #tpu.memory_space<vmem>>) offsets(%dma_start3A_12 : memref<40xi32, #tpu.memory_space<vmem>>) semaphore(%arg14 : memref<!tpu.dma_semaphore, #tpu.memory_space<semaphore_mem>>)
    %dma_start3A_16 = arith.constant 40 : i32
    %dma_start3A_17 = tpu.memref_slice %arg7[%dma_start3A_16] : memref<10000xi32, #tpu.memory_space<vmem>> -> memref<40xi32, #tpu.memory_space<vmem>>
    %dma_start3A_18 = arith.constant 0 : i32
    %dma_start3A_19 = arith.constant 0 : i32
    %dma_start3A_20 = tpu.memref_slice %arg2[%dma_start3A_18, %dma_start3A_19] : memref<10000x128xf32, #tpu.memory_space<hbm>> -> memref<10000x128xf32, #tpu.memory_space<hbm>>
    tpu.enqueue_indirect_dma source(%dma_start3A_20 : memref<10000x128xf32, #tpu.memory_space<hbm>>) target(%arg10 : memref<40x128xf32, #tpu.memory_space<vmem>>) offsets(%dma_start3A_17 : memref<40xi32, #tpu.memory_space<vmem>>) semaphore(%arg15 : memref<!tpu.dma_semaphore, #tpu.memory_space<semaphore_mem>>)
    %dma_start3A_21 = arith.constant 80 : i32
    %dma_start3A_22 = tpu.memref_slice %arg7[%dma_start3A_21] : memref<10000xi32, #tpu.memory_space<vmem>> -> memref<40xi32, #tpu.memory_space<vmem>>
    %dma_start3A_23 = arith.constant 0 : i32
    %dma_start3A_24 = arith.constant 0 : i32
    %dma_start3A_25 = tpu.memref_slice %arg2[%dma_start3A_23, %dma_start3A_24] : memref<10000x128xf32, #tpu.memory_space<hbm>> -> memref<10000x128xf32, #tpu.memory_space<hbm>>
    tpu.enqueue_indirect_dma source(%dma_start3A_25 : memref<10000x128xf32, #tpu.memory_space<hbm>>) target(%arg11 : memref<40x128xf32, #tpu.memory_space<vmem>>) offsets(%dma_start3A_22 : memref<40xi32, #tpu.memory_space<vmem>>) semaphore(%arg16 : memref<!tpu.dma_semaphore, #tpu.memory_space<semaphore_mem>>)
    %dma_start3A_26 = arith.constant 120 : i32
    %dma_start3A_27 = tpu.memref_slice %arg7[%dma_start3A_26] : memref<10000xi32, #tpu.memory_space<vmem>> -> memref<40xi32, #tpu.memory_space<vmem>>
    %dma_start3A_28 = arith.constant 0 : i32
    %dma_start3A_29 = arith.constant 0 : i32
    %dma_start3A_30 = tpu.memref_slice %arg2[%dma_start3A_28, %dma_start3A_29] : memref<10000x128xf32, #tpu.memory_space<hbm>> -> memref<10000x128xf32, #tpu.memory_space<hbm>>
    tpu.enqueue_indirect_dma source(%dma_start3A_30 : memref<10000x128xf32, #tpu.memory_space<hbm>>) target(%arg12 : memref<40x128xf32, #tpu.memory_space<vmem>>) offsets(%dma_start3A_27 : memref<40xi32, #tpu.memory_space<vmem>>) semaphore(%arg17 : memref<!tpu.dma_semaphore, #tpu.memory_space<semaphore_mem>>)
    %dma_start3A_31 = arith.constant 160 : i32
    %dma_start3A_32 = tpu.memref_slice %arg7[%dma_start3A_31] : memref<10000xi32, #tpu.memory_space<vmem>> -> memref<40xi32, #tpu.memory_space<vmem>>
    %dma_start3A_33 = arith.constant 0 : i32
    %dma_start3A_34 = arith.constant 0 : i32
    %dma_start3A_35 = tpu.memref_slice %arg2[%dma_start3A_33, %dma_start3A_34] : memref<10000x128xf32, #tpu.memory_space<hbm>> -> memref<10000x128xf32, #tpu.memory_space<hbm>>
    tpu.enqueue_indirect_dma source(%dma_start3A_35 : memref<10000x128xf32, #tpu.memory_space<hbm>>) target(%arg13 : memref<40x128xf32, #tpu.memory_space<vmem>>) offsets(%dma_start3A_32 : memref<40xi32, #tpu.memory_space<vmem>>) semaphore(%arg18 : memref<!tpu.dma_semaphore, #tpu.memory_space<semaphore_mem>>)
    %scan3A_36 = arith.constant 0 : i32
    %scan3A_37 = arith.constant 50 : i32
    %scan3A_38 = arith.addi %scan3A_36, %scan3A_37 : i32
    %scan3A_39 = arith.constant 1 : i32
    scf.for %scan3A_71 = %scan3A_36 to %scan3A_38 step %scan3A_39  : i32 {
      %mul3A_72 = arith.constant 1 : i32
      %mul3A_73 = arith.muli %scan3A_71, %mul3A_72 : i32
      %add3A_74 = arith.constant 0 : i32
      %add3A_75 = arith.addi %add3A_74, %mul3A_73 : i32
      %mul3A_76 = arith.constant 5 : i32
      %mul3A_77 = arith.muli %add3A_75, %mul3A_76 : i32
      %add3A_78 = arith.constant 0 : i32
      %add3A_79 = arith.addi %mul3A_77, %add3A_78 : i32
      %dma_wait3A_80 = arith.constant 0 : i32
      %dma_wait3A_81 = tpu.memref_slice %arg7[%dma_wait3A_80] : memref<10000xi32, #tpu.memory_space<vmem>> -> memref<40xi32, #tpu.memory_space<vmem>>
      %dma_wait3A_82 = arith.constant 0 : i32
      %dma_wait3A_83 = arith.constant 0 : i32
      %dma_wait3A_84 = tpu.memref_slice %arg2[%dma_wait3A_82, %dma_wait3A_83] : memref<10000x128xf32, #tpu.memory_space<hbm>> -> memref<10000x128xf32, #tpu.memory_space<hbm>>
      tpu.wait_indirect_dma semaphore(%arg14 : memref<!tpu.dma_semaphore, #tpu.memory_space<semaphore_mem>>) src(%dma_wait3A_84 : memref<10000x128xf32, #tpu.memory_space<hbm>>) dst(%arg9 : memref<40x128xf32, #tpu.memory_space<vmem>>)
      %mul3A_85 = arith.constant 40 : i32
      %mul3A_86 = arith.muli %add3A_79, %mul3A_85 : i32
      %dma_start3A_87 = tpu.memref_slice %arg8[%mul3A_86] : memref<10000xi32, #tpu.memory_space<vmem>> -> memref<40xi32, #tpu.memory_space<vmem>>
      %dma_start3A_88 = arith.constant 0 : i32
      %dma_start3A_89 = arith.constant 0 : i32
      %dma_start3A_90 = tpu.memref_slice %arg6[%dma_start3A_88, %dma_start3A_89] : memref<10240x128xf32, #tpu.memory_space<vmem_shared>> -> memref<10240x128xf32, #tpu.memory_space<vmem_shared>>
      tpu.enqueue_indirect_dma source(%arg9 : memref<40x128xf32, #tpu.memory_space<vmem>>) target(%dma_start3A_90 : memref<10240x128xf32, #tpu.memory_space<vmem_shared>>) offsets(%dma_start3A_87 : memref<40xi32, #tpu.memory_space<vmem>>) semaphore(%arg19 : memref<!tpu.dma_semaphore, #tpu.memory_space<semaphore_mem>>) {add = true}
      %add3A_91 = arith.constant 5 : i32
      %add3A_92 = arith.addi %add3A_79, %add3A_91 : i32
      %sub3A = arith.constant 1 : i32
      %sub3A_93 = arith.subi %add3A_92, %sub3A : i32
      %ge3A = arith.constant 1 : i32
      %ge3A_94 = arith.cmpi sge, %add3A_79, %ge3A : i32
      %lt3A = arith.constant 250 : i32
      %lt3A_95 = arith.cmpi slt, %sub3A_93, %lt3A : i32
      %and3A = arith.andi %ge3A_94, %lt3A_95 : i1
      %convert_element_type3A = arith.extui %and3A : i1 to i32
      %cond3A = arith.constant 0 : i32
      %cond3A_96 = arith.cmpi ne, %convert_element_type3A, %cond3A : i32
      scf.if %cond3A_96 {
        %dma_wait3A_205 = arith.constant 0 : i32
        %dma_wait3A_206 = tpu.memref_slice %arg8[%dma_wait3A_205] : memref<10000xi32, #tpu.memory_space<vmem>> -> memref<40xi32, #tpu.memory_space<vmem>>
        %dma_wait3A_207 = arith.constant 0 : i32
        %dma_wait3A_208 = arith.constant 0 : i32
        %dma_wait3A_209 = tpu.memref_slice %arg6[%dma_wait3A_207, %dma_wait3A_208] : memref<10240x128xf32, #tpu.memory_space<vmem_shared>> -> memref<10240x128xf32, #tpu.memory_space<vmem_shared>>
        tpu.wait_indirect_dma semaphore(%arg23 : memref<!tpu.dma_semaphore, #tpu.memory_space<semaphore_mem>>) src(%arg13 : memref<40x128xf32, #tpu.memory_space<vmem>>) dst(%dma_wait3A_209 : memref<10240x128xf32, #tpu.memory_space<vmem_shared>>)
        %mul3A_210 = arith.constant 40 : i32
        %mul3A_211 = arith.muli %sub3A_93, %mul3A_210 : i32
        %dma_start3A_212 = tpu.memref_slice %arg7[%mul3A_211] : memref<10000xi32, #tpu.memory_space<vmem>> -> memref<40xi32, #tpu.memory_space<vmem>>
        %dma_start3A_213 = arith.constant 0 : i32
        %dma_start3A_214 = arith.constant 0 : i32
        %dma_start3A_215 = tpu.memref_slice %arg2[%dma_start3A_213, %dma_start3A_214] : memref<10000x128xf32, #tpu.memory_space<hbm>> -> memref<10000x128xf32, #tpu.memory_space<hbm>>
        tpu.enqueue_indirect_dma source(%dma_start3A_215 : memref<10000x128xf32, #tpu.memory_space<hbm>>) target(%arg13 : memref<40x128xf32, #tpu.memory_space<vmem>>) offsets(%dma_start3A_212 : memref<40xi32, #tpu.memory_space<vmem>>) semaphore(%arg18 : memref<!tpu.dma_semaphore, #tpu.memory_space<semaphore_mem>>)
      } else {
      }
      %mul3A_97 = arith.constant 5 : i32
      %mul3A_98 = arith.muli %add3A_75, %mul3A_97 : i32
      %add3A_99 = arith.constant 1 : i32
      %add3A_100 = arith.addi %mul3A_98, %add3A_99 : i32
      %dma_wait3A_101 = arith.constant 0 : i32
      %dma_wait3A_102 = tpu.memref_slice %arg7[%dma_wait3A_101] : memref<10000xi32, #tpu.memory_space<vmem>> -> memref<40xi32, #tpu.memory_space<vmem>>
      %dma_wait3A_103 = arith.constant 0 : i32
      %dma_wait3A_104 = arith.constant 0 : i32
      %dma_wait3A_105 = tpu.memref_slice %arg2[%dma_wait3A_103, %dma_wait3A_104] : memref<10000x128xf32, #tpu.memory_space<hbm>> -> memref<10000x128xf32, #tpu.memory_space<hbm>>
      tpu.wait_indirect_dma semaphore(%arg15 : memref<!tpu.dma_semaphore, #tpu.memory_space<semaphore_mem>>) src(%dma_wait3A_105 : memref<10000x128xf32, #tpu.memory_space<hbm>>) dst(%arg10 : memref<40x128xf32, #tpu.memory_space<vmem>>)
      %mul3A_106 = arith.constant 40 : i32
      %mul3A_107 = arith.muli %add3A_100, %mul3A_106 : i32
      %dma_start3A_108 = tpu.memref_slice %arg8[%mul3A_107] : memref<10000xi32, #tpu.memory_space<vmem>> -> memref<40xi32, #tpu.memory_space<vmem>>
      %dma_start3A_109 = arith.constant 0 : i32
      %dma_start3A_110 = arith.constant 0 : i32
      %dma_start3A_111 = tpu.memref_slice %arg6[%dma_start3A_109, %dma_start3A_110] : memref<10240x128xf32, #tpu.memory_space<vmem_shared>> -> memref<10240x128xf32, #tpu.memory_space<vmem_shared>>
      tpu.enqueue_indirect_dma source(%arg10 : memref<40x128xf32, #tpu.memory_space<vmem>>) target(%dma_start3A_111 : memref<10240x128xf32, #tpu.memory_space<vmem_shared>>) offsets(%dma_start3A_108 : memref<40xi32, #tpu.memory_space<vmem>>) semaphore(%arg20 : memref<!tpu.dma_semaphore, #tpu.memory_space<semaphore_mem>>) {add = true}
      %add3A_112 = arith.constant 5 : i32
      %add3A_113 = arith.addi %add3A_100, %add3A_112 : i32
      %sub3A_114 = arith.constant 1 : i32
      %sub3A_115 = arith.subi %add3A_113, %sub3A_114 : i32
      %ge3A_116 = arith.constant 1 : i32
      %ge3A_117 = arith.cmpi sge, %add3A_100, %ge3A_116 : i32
      %lt3A_118 = arith.constant 250 : i32
      %lt3A_119 = arith.cmpi slt, %sub3A_115, %lt3A_118 : i32
      %and3A_120 = arith.andi %ge3A_117, %lt3A_119 : i1
      %convert_element_type3A_121 = arith.extui %and3A_120 : i1 to i32
      %cond3A_122 = arith.constant 0 : i32
      %cond3A_123 = arith.cmpi ne, %convert_element_type3A_121, %cond3A_122 : i32
      scf.if %cond3A_123 {
        %dma_wait3A_205 = arith.constant 0 : i32
        %dma_wait3A_206 = tpu.memref_slice %arg8[%dma_wait3A_205] : memref<10000xi32, #tpu.memory_space<vmem>> -> memref<40xi32, #tpu.memory_space<vmem>>
        %dma_wait3A_207 = arith.constant 0 : i32
        %dma_wait3A_208 = arith.constant 0 : i32
        %dma_wait3A_209 = tpu.memref_slice %arg6[%dma_wait3A_207, %dma_wait3A_208] : memref<10240x128xf32, #tpu.memory_space<vmem_shared>> -> memref<10240x128xf32, #tpu.memory_space<vmem_shared>>
        tpu.wait_indirect_dma semaphore(%arg19 : memref<!tpu.dma_semaphore, #tpu.memory_space<semaphore_mem>>) src(%arg9 : memref<40x128xf32, #tpu.memory_space<vmem>>) dst(%dma_wait3A_209 : memref<10240x128xf32, #tpu.memory_space<vmem_shared>>)
        %mul3A_210 = arith.constant 40 : i32
        %mul3A_211 = arith.muli %sub3A_115, %mul3A_210 : i32
        %dma_start3A_212 = tpu.memref_slice %arg7[%mul3A_211] : memref<10000xi32, #tpu.memory_space<vmem>> -> memref<40xi32, #tpu.memory_space<vmem>>
        %dma_start3A_213 = arith.constant 0 : i32
        %dma_start3A_214 = arith.constant 0 : i32
        %dma_start3A_215 = tpu.memref_slice %arg2[%dma_start3A_213, %dma_start3A_214] : memref<10000x128xf32, #tpu.memory_space<hbm>> -> memref<10000x128xf32, #tpu.memory_space<hbm>>
        tpu.enqueue_indirect_dma source(%dma_start3A_215 : memref<10000x128xf32, #tpu.memory_space<hbm>>) target(%arg9 : memref<40x128xf32, #tpu.memory_space<vmem>>) offsets(%dma_start3A_212 : memref<40xi32, #tpu.memory_space<vmem>>) semaphore(%arg14 : memref<!tpu.dma_semaphore, #tpu.memory_space<semaphore_mem>>)
      } else {
      }
      %mul3A_124 = arith.constant 5 : i32
      %mul3A_125 = arith.muli %add3A_75, %mul3A_124 : i32
      %add3A_126 = arith.constant 2 : i32
      %add3A_127 = arith.addi %mul3A_125, %add3A_126 : i32
      %dma_wait3A_128 = arith.constant 0 : i32
      %dma_wait3A_129 = tpu.memref_slice %arg7[%dma_wait3A_128] : memref<10000xi32, #tpu.memory_space<vmem>> -> memref<40xi32, #tpu.memory_space<vmem>>
      %dma_wait3A_130 = arith.constant 0 : i32
      %dma_wait3A_131 = arith.constant 0 : i32
      %dma_wait3A_132 = tpu.memref_slice %arg2[%dma_wait3A_130, %dma_wait3A_131] : memref<10000x128xf32, #tpu.memory_space<hbm>> -> memref<10000x128xf32, #tpu.memory_space<hbm>>
      tpu.wait_indirect_dma semaphore(%arg16 : memref<!tpu.dma_semaphore, #tpu.memory_space<semaphore_mem>>) src(%dma_wait3A_132 : memref<10000x128xf32, #tpu.memory_space<hbm>>) dst(%arg11 : memref<40x128xf32, #tpu.memory_space<vmem>>)
      %mul3A_133 = arith.constant 40 : i32
      %mul3A_134 = arith.muli %add3A_127, %mul3A_133 : i32
      %dma_start3A_135 = tpu.memref_slice %arg8[%mul3A_134] : memref<10000xi32, #tpu.memory_space<vmem>> -> memref<40xi32, #tpu.memory_space<vmem>>
      %dma_start3A_136 = arith.constant 0 : i32
      %dma_start3A_137 = arith.constant 0 : i32
      %dma_start3A_138 = tpu.memref_slice %arg6[%dma_start3A_136, %dma_start3A_137] : memref<10240x128xf32, #tpu.memory_space<vmem_shared>> -> memref<10240x128xf32, #tpu.memory_space<vmem_shared>>
      tpu.enqueue_indirect_dma source(%arg11 : memref<40x128xf32, #tpu.memory_space<vmem>>) target(%dma_start3A_138 : memref<10240x128xf32, #tpu.memory_space<vmem_shared>>) offsets(%dma_start3A_135 : memref<40xi32, #tpu.memory_space<vmem>>) semaphore(%arg21 : memref<!tpu.dma_semaphore, #tpu.memory_space<semaphore_mem>>) {add = true}
      %add3A_139 = arith.constant 5 : i32
      %add3A_140 = arith.addi %add3A_127, %add3A_139 : i32
      %sub3A_141 = arith.constant 1 : i32
      %sub3A_142 = arith.subi %add3A_140, %sub3A_141 : i32
      %ge3A_143 = arith.constant 1 : i32
      %ge3A_144 = arith.cmpi sge, %add3A_127, %ge3A_143 : i32
      %lt3A_145 = arith.constant 250 : i32
      %lt3A_146 = arith.cmpi slt, %sub3A_142, %lt3A_145 : i32
      %and3A_147 = arith.andi %ge3A_144, %lt3A_146 : i1
      %convert_element_type3A_148 = arith.extui %and3A_147 : i1 to i32
      %cond3A_149 = arith.constant 0 : i32
      %cond3A_150 = arith.cmpi ne, %convert_element_type3A_148, %cond3A_149 : i32
      scf.if %cond3A_150 {
        %dma_wait3A_205 = arith.constant 0 : i32
        %dma_wait3A_206 = tpu.memref_slice %arg8[%dma_wait3A_205] : memref<10000xi32, #tpu.memory_space<vmem>> -> memref<40xi32, #tpu.memory_space<vmem>>
        %dma_wait3A_207 = arith.constant 0 : i32
        %dma_wait3A_208 = arith.constant 0 : i32
        %dma_wait3A_209 = tpu.memref_slice %arg6[%dma_wait3A_207, %dma_wait3A_208] : memref<10240x128xf32, #tpu.memory_space<vmem_shared>> -> memref<10240x128xf32, #tpu.memory_space<vmem_shared>>
        tpu.wait_indirect_dma semaphore(%arg20 : memref<!tpu.dma_semaphore, #tpu.memory_space<semaphore_mem>>) src(%arg10 : memref<40x128xf32, #tpu.memory_space<vmem>>) dst(%dma_wait3A_209 : memref<10240x128xf32, #tpu.memory_space<vmem_shared>>)
        %mul3A_210 = arith.constant 40 : i32
        %mul3A_211 = arith.muli %sub3A_142, %mul3A_210 : i32
        %dma_start3A_212 = tpu.memref_slice %arg7[%mul3A_211] : memref<10000xi32, #tpu.memory_space<vmem>> -> memref<40xi32, #tpu.memory_space<vmem>>
        %dma_start3A_213 = arith.constant 0 : i32
        %dma_start3A_214 = arith.constant 0 : i32
        %dma_start3A_215 = tpu.memref_slice %arg2[%dma_start3A_213, %dma_start3A_214] : memref<10000x128xf32, #tpu.memory_space<hbm>> -> memref<10000x128xf32, #tpu.memory_space<hbm>>
        tpu.enqueue_indirect_dma source(%dma_start3A_215 : memref<10000x128xf32, #tpu.memory_space<hbm>>) target(%arg10 : memref<40x128xf32, #tpu.memory_space<vmem>>) offsets(%dma_start3A_212 : memref<40xi32, #tpu.memory_space<vmem>>) semaphore(%arg15 : memref<!tpu.dma_semaphore, #tpu.memory_space<semaphore_mem>>)
      } else {
      }
      %mul3A_151 = arith.constant 5 : i32
      %mul3A_152 = arith.muli %add3A_75, %mul3A_151 : i32
      %add3A_153 = arith.constant 3 : i32
      %add3A_154 = arith.addi %mul3A_152, %add3A_153 : i32
      %dma_wait3A_155 = arith.constant 0 : i32
      %dma_wait3A_156 = tpu.memref_slice %arg7[%dma_wait3A_155] : memref<10000xi32, #tpu.memory_space<vmem>> -> memref<40xi32, #tpu.memory_space<vmem>>
      %dma_wait3A_157 = arith.constant 0 : i32
      %dma_wait3A_158 = arith.constant 0 : i32
      %dma_wait3A_159 = tpu.memref_slice %arg2[%dma_wait3A_157, %dma_wait3A_158] : memref<10000x128xf32, #tpu.memory_space<hbm>> -> memref<10000x128xf32, #tpu.memory_space<hbm>>
      tpu.wait_indirect_dma semaphore(%arg17 : memref<!tpu.dma_semaphore, #tpu.memory_space<semaphore_mem>>) src(%dma_wait3A_159 : memref<10000x128xf32, #tpu.memory_space<hbm>>) dst(%arg12 : memref<40x128xf32, #tpu.memory_space<vmem>>)
      %mul3A_160 = arith.constant 40 : i32
      %mul3A_161 = arith.muli %add3A_154, %mul3A_160 : i32
      %dma_start3A_162 = tpu.memref_slice %arg8[%mul3A_161] : memref<10000xi32, #tpu.memory_space<vmem>> -> memref<40xi32, #tpu.memory_space<vmem>>
      %dma_start3A_163 = arith.constant 0 : i32
      %dma_start3A_164 = arith.constant 0 : i32
      %dma_start3A_165 = tpu.memref_slice %arg6[%dma_start3A_163, %dma_start3A_164] : memref<10240x128xf32, #tpu.memory_space<vmem_shared>> -> memref<10240x128xf32, #tpu.memory_space<vmem_shared>>
      tpu.enqueue_indirect_dma source(%arg12 : memref<40x128xf32, #tpu.memory_space<vmem>>) target(%dma_start3A_165 : memref<10240x128xf32, #tpu.memory_space<vmem_shared>>) offsets(%dma_start3A_162 : memref<40xi32, #tpu.memory_space<vmem>>) semaphore(%arg22 : memref<!tpu.dma_semaphore, #tpu.memory_space<semaphore_mem>>) {add = true}
      %add3A_166 = arith.constant 5 : i32
      %add3A_167 = arith.addi %add3A_154, %add3A_166 : i32
      %sub3A_168 = arith.constant 1 : i32
      %sub3A_169 = arith.subi %add3A_167, %sub3A_168 : i32
      %ge3A_170 = arith.constant 1 : i32
      %ge3A_171 = arith.cmpi sge, %add3A_154, %ge3A_170 : i32
      %lt3A_172 = arith.constant 250 : i32
      %lt3A_173 = arith.cmpi slt, %sub3A_169, %lt3A_172 : i32
      %and3A_174 = arith.andi %ge3A_171, %lt3A_173 : i1
      %convert_element_type3A_175 = arith.extui %and3A_174 : i1 to i32
      %cond3A_176 = arith.constant 0 : i32
      %cond3A_177 = arith.cmpi ne, %convert_element_type3A_175, %cond3A_176 : i32
      scf.if %cond3A_177 {
        %dma_wait3A_205 = arith.constant 0 : i32
        %dma_wait3A_206 = tpu.memref_slice %arg8[%dma_wait3A_205] : memref<10000xi32, #tpu.memory_space<vmem>> -> memref<40xi32, #tpu.memory_space<vmem>>
        %dma_wait3A_207 = arith.constant 0 : i32
        %dma_wait3A_208 = arith.constant 0 : i32
        %dma_wait3A_209 = tpu.memref_slice %arg6[%dma_wait3A_207, %dma_wait3A_208] : memref<10240x128xf32, #tpu.memory_space<vmem_shared>> -> memref<10240x128xf32, #tpu.memory_space<vmem_shared>>
        tpu.wait_indirect_dma semaphore(%arg21 : memref<!tpu.dma_semaphore, #tpu.memory_space<semaphore_mem>>) src(%arg11 : memref<40x128xf32, #tpu.memory_space<vmem>>) dst(%dma_wait3A_209 : memref<10240x128xf32, #tpu.memory_space<vmem_shared>>)
        %mul3A_210 = arith.constant 40 : i32
        %mul3A_211 = arith.muli %sub3A_169, %mul3A_210 : i32
        %dma_start3A_212 = tpu.memref_slice %arg7[%mul3A_211] : memref<10000xi32, #tpu.memory_space<vmem>> -> memref<40xi32, #tpu.memory_space<vmem>>
        %dma_start3A_213 = arith.constant 0 : i32
        %dma_start3A_214 = arith.constant 0 : i32
        %dma_start3A_215 = tpu.memref_slice %arg2[%dma_start3A_213, %dma_start3A_214] : memref<10000x128xf32, #tpu.memory_space<hbm>> -> memref<10000x128xf32, #tpu.memory_space<hbm>>
        tpu.enqueue_indirect_dma source(%dma_start3A_215 : memref<10000x128xf32, #tpu.memory_space<hbm>>) target(%arg11 : memref<40x128xf32, #tpu.memory_space<vmem>>) offsets(%dma_start3A_212 : memref<40xi32, #tpu.memory_space<vmem>>) semaphore(%arg16 : memref<!tpu.dma_semaphore, #tpu.memory_space<semaphore_mem>>)
      } else {
      }
      %mul3A_178 = arith.constant 5 : i32
      %mul3A_179 = arith.muli %add3A_75, %mul3A_178 : i32
      %add3A_180 = arith.constant 4 : i32
      %add3A_181 = arith.addi %mul3A_179, %add3A_180 : i32
      %dma_wait3A_182 = arith.constant 0 : i32
      %dma_wait3A_183 = tpu.memref_slice %arg7[%dma_wait3A_182] : memref<10000xi32, #tpu.memory_space<vmem>> -> memref<40xi32, #tpu.memory_space<vmem>>
      %dma_wait3A_184 = arith.constant 0 : i32
      %dma_wait3A_185 = arith.constant 0 : i32
      %dma_wait3A_186 = tpu.memref_slice %arg2[%dma_wait3A_184, %dma_wait3A_185] : memref<10000x128xf32, #tpu.memory_space<hbm>> -> memref<10000x128xf32, #tpu.memory_space<hbm>>
      tpu.wait_indirect_dma semaphore(%arg18 : memref<!tpu.dma_semaphore, #tpu.memory_space<semaphore_mem>>) src(%dma_wait3A_186 : memref<10000x128xf32, #tpu.memory_space<hbm>>) dst(%arg13 : memref<40x128xf32, #tpu.memory_space<vmem>>)
      %mul3A_187 = arith.constant 40 : i32
      %mul3A_188 = arith.muli %add3A_181, %mul3A_187 : i32
      %dma_start3A_189 = tpu.memref_slice %arg8[%mul3A_188] : memref<10000xi32, #tpu.memory_space<vmem>> -> memref<40xi32, #tpu.memory_space<vmem>>
      %dma_start3A_190 = arith.constant 0 : i32
      %dma_start3A_191 = arith.constant 0 : i32
      %dma_start3A_192 = tpu.memref_slice %arg6[%dma_start3A_190, %dma_start3A_191] : memref<10240x128xf32, #tpu.memory_space<vmem_shared>> -> memref<10240x128xf32, #tpu.memory_space<vmem_shared>>
      tpu.enqueue_indirect_dma source(%arg13 : memref<40x128xf32, #tpu.memory_space<vmem>>) target(%dma_start3A_192 : memref<10240x128xf32, #tpu.memory_space<vmem_shared>>) offsets(%dma_start3A_189 : memref<40xi32, #tpu.memory_space<vmem>>) semaphore(%arg23 : memref<!tpu.dma_semaphore, #tpu.memory_space<semaphore_mem>>) {add = true}
      %add3A_193 = arith.constant 5 : i32
      %add3A_194 = arith.addi %add3A_181, %add3A_193 : i32
      %sub3A_195 = arith.constant 1 : i32
      %sub3A_196 = arith.subi %add3A_194, %sub3A_195 : i32
      %ge3A_197 = arith.constant 1 : i32
      %ge3A_198 = arith.cmpi sge, %add3A_181, %ge3A_197 : i32
      %lt3A_199 = arith.constant 250 : i32
      %lt3A_200 = arith.cmpi slt, %sub3A_196, %lt3A_199 : i32
      %and3A_201 = arith.andi %ge3A_198, %lt3A_200 : i1
      %convert_element_type3A_202 = arith.extui %and3A_201 : i1 to i32
      %cond3A_203 = arith.constant 0 : i32
      %cond3A_204 = arith.cmpi ne, %convert_element_type3A_202, %cond3A_203 : i32
      scf.if %cond3A_204 {
        %dma_wait3A_205 = arith.constant 0 : i32
        %dma_wait3A_206 = tpu.memref_slice %arg8[%dma_wait3A_205] : memref<10000xi32, #tpu.memory_space<vmem>> -> memref<40xi32, #tpu.memory_space<vmem>>
        %dma_wait3A_207 = arith.constant 0 : i32
        %dma_wait3A_208 = arith.constant 0 : i32
        %dma_wait3A_209 = tpu.memref_slice %arg6[%dma_wait3A_207, %dma_wait3A_208] : memref<10240x128xf32, #tpu.memory_space<vmem_shared>> -> memref<10240x128xf32, #tpu.memory_space<vmem_shared>>
        tpu.wait_indirect_dma semaphore(%arg22 : memref<!tpu.dma_semaphore, #tpu.memory_space<semaphore_mem>>) src(%arg12 : memref<40x128xf32, #tpu.memory_space<vmem>>) dst(%dma_wait3A_209 : memref<10240x128xf32, #tpu.memory_space<vmem_shared>>)
        %mul3A_210 = arith.constant 40 : i32
        %mul3A_211 = arith.muli %sub3A_196, %mul3A_210 : i32
        %dma_start3A_212 = tpu.memref_slice %arg7[%mul3A_211] : memref<10000xi32, #tpu.memory_space<vmem>> -> memref<40xi32, #tpu.memory_space<vmem>>
        %dma_start3A_213 = arith.constant 0 : i32
        %dma_start3A_214 = arith.constant 0 : i32
        %dma_start3A_215 = tpu.memref_slice %arg2[%dma_start3A_213, %dma_start3A_214] : memref<10000x128xf32, #tpu.memory_space<hbm>> -> memref<10000x128xf32, #tpu.memory_space<hbm>>
        tpu.enqueue_indirect_dma source(%dma_start3A_215 : memref<10000x128xf32, #tpu.memory_space<hbm>>) target(%arg12 : memref<40x128xf32, #tpu.memory_space<vmem>>) offsets(%dma_start3A_212 : memref<40xi32, #tpu.memory_space<vmem>>) semaphore(%arg17 : memref<!tpu.dma_semaphore, #tpu.memory_space<semaphore_mem>>)
      } else {
      }
    }
    %scan3A_40 = arith.constant 50 : i32
    %dma_wait3A = arith.constant 0 : i32
    %dma_wait3A_41 = tpu.memref_slice %arg8[%dma_wait3A] : memref<10000xi32, #tpu.memory_space<vmem>> -> memref<40xi32, #tpu.memory_space<vmem>>
    %dma_wait3A_42 = arith.constant 0 : i32
    %dma_wait3A_43 = arith.constant 0 : i32
    %dma_wait3A_44 = tpu.memref_slice %arg6[%dma_wait3A_42, %dma_wait3A_43] : memref<10240x128xf32, #tpu.memory_space<vmem_shared>> -> memref<10240x128xf32, #tpu.memory_space<vmem_shared>>
    tpu.wait_indirect_dma semaphore(%arg19 : memref<!tpu.dma_semaphore, #tpu.memory_space<semaphore_mem>>) src(%arg9 : memref<40x128xf32, #tpu.memory_space<vmem>>) dst(%dma_wait3A_44 : memref<10240x128xf32, #tpu.memory_space<vmem_shared>>)
    %dma_wait3A_45 = arith.constant 0 : i32
    %dma_wait3A_46 = tpu.memref_slice %arg8[%dma_wait3A_45] : memref<10000xi32, #tpu.memory_space<vmem>> -> memref<40xi32, #tpu.memory_space<vmem>>
    %dma_wait3A_47 = arith.constant 0 : i32
    %dma_wait3A_48 = arith.constant 0 : i32
    %dma_wait3A_49 = tpu.memref_slice %arg6[%dma_wait3A_47, %dma_wait3A_48] : memref<10240x128xf32, #tpu.memory_space<vmem_shared>> -> memref<10240x128xf32, #tpu.memory_space<vmem_shared>>
    tpu.wait_indirect_dma semaphore(%arg20 : memref<!tpu.dma_semaphore, #tpu.memory_space<semaphore_mem>>) src(%arg10 : memref<40x128xf32, #tpu.memory_space<vmem>>) dst(%dma_wait3A_49 : memref<10240x128xf32, #tpu.memory_space<vmem_shared>>)
    %dma_wait3A_50 = arith.constant 0 : i32
    %dma_wait3A_51 = tpu.memref_slice %arg8[%dma_wait3A_50] : memref<10000xi32, #tpu.memory_space<vmem>> -> memref<40xi32, #tpu.memory_space<vmem>>
    %dma_wait3A_52 = arith.constant 0 : i32
    %dma_wait3A_53 = arith.constant 0 : i32
    %dma_wait3A_54 = tpu.memref_slice %arg6[%dma_wait3A_52, %dma_wait3A_53] : memref<10240x128xf32, #tpu.memory_space<vmem_shared>> -> memref<10240x128xf32, #tpu.memory_space<vmem_shared>>
    tpu.wait_indirect_dma semaphore(%arg21 : memref<!tpu.dma_semaphore, #tpu.memory_space<semaphore_mem>>) src(%arg11 : memref<40x128xf32, #tpu.memory_space<vmem>>) dst(%dma_wait3A_54 : memref<10240x128xf32, #tpu.memory_space<vmem_shared>>)
    %dma_wait3A_55 = arith.constant 0 : i32
    %dma_wait3A_56 = tpu.memref_slice %arg8[%dma_wait3A_55] : memref<10000xi32, #tpu.memory_space<vmem>> -> memref<40xi32, #tpu.memory_space<vmem>>
    %dma_wait3A_57 = arith.constant 0 : i32
    %dma_wait3A_58 = arith.constant 0 : i32
    %dma_wait3A_59 = tpu.memref_slice %arg6[%dma_wait3A_57, %dma_wait3A_58] : memref<10240x128xf32, #tpu.memory_space<vmem_shared>> -> memref<10240x128xf32, #tpu.memory_space<vmem_shared>>
    tpu.wait_indirect_dma semaphore(%arg22 : memref<!tpu.dma_semaphore, #tpu.memory_space<semaphore_mem>>) src(%arg12 : memref<40x128xf32, #tpu.memory_space<vmem>>) dst(%dma_wait3A_59 : memref<10240x128xf32, #tpu.memory_space<vmem_shared>>)
    %dma_wait3A_60 = arith.constant 0 : i32
    %dma_wait3A_61 = tpu.memref_slice %arg8[%dma_wait3A_60] : memref<10000xi32, #tpu.memory_space<vmem>> -> memref<40xi32, #tpu.memory_space<vmem>>
    %dma_wait3A_62 = arith.constant 0 : i32
    %dma_wait3A_63 = arith.constant 0 : i32
    %dma_wait3A_64 = tpu.memref_slice %arg6[%dma_wait3A_62, %dma_wait3A_63] : memref<10240x128xf32, #tpu.memory_space<vmem_shared>> -> memref<10240x128xf32, #tpu.memory_space<vmem_shared>>
    tpu.wait_indirect_dma semaphore(%arg23 : memref<!tpu.dma_semaphore, #tpu.memory_space<semaphore_mem>>) src(%arg13 : memref<40x128xf32, #tpu.memory_space<vmem>>) dst(%dma_wait3A_64 : memref<10240x128xf32, #tpu.memory_space<vmem_shared>>)
    %barrier3A_65 = arith.constant 0 : index
    tpu.barrier barrier_id(%barrier3A_65)
    %scan3A_66 = arith.constant 0 : i32
    %scan3A_67 = arith.constant 5 : i32
    %scan3A_68 = arith.addi %scan3A_66, %scan3A_67 : i32
    %scan3A_69 = arith.constant 1 : i32
    scf.for %scan3A_71 = %scan3A_66 to %scan3A_68 step %scan3A_69  : i32 {
      %mul3A_72 = arith.constant 1 : i32
      %mul3A_73 = arith.muli %scan3A_71, %mul3A_72 : i32
      %add3A_74 = arith.constant 0 : i32
      %add3A_75 = arith.addi %add3A_74, %mul3A_73 : i32
      %mul3A_76 = arith.constant 640 : i32
      %mul3A_77 = arith.muli %arg1, %mul3A_76 : i32
      %mul3A_78 = arith.constant 128 : i32
      %mul3A_79 = arith.muli %add3A_75, %mul3A_78 : i32
      %add3A_80 = arith.addi %mul3A_77, %mul3A_79 : i32
      %mul3A_81 = arith.constant 10240 : i32
      %mul3A_82 = arith.muli %arg0, %mul3A_81 : i32
      %add3A_83 = arith.addi %mul3A_82, %add3A_80 : i32
      "tpu.region"() ({
        %run_scoped3A = tpu.sem_alloc : memref<!tpu.dma_semaphore, #tpu.memory_space<semaphore_mem>>
        %dma_start3A_84 = arith.constant 0 : i32
        %dma_start3A_85 = tpu.memref_slice %arg5[%add3A_83, %dma_start3A_84] : memref<20480x128xf32, #tpu.memory_space<hbm>> -> memref<128x128xf32, #tpu.memory_space<hbm>>
        %dma_start3A_86 = arith.constant 0 : i32
        %dma_start3A_87 = tpu.memref_slice %arg6[%add3A_80, %dma_start3A_86] : memref<10240x128xf32, #tpu.memory_space<vmem_shared>> -> memref<128x128xf32, #tpu.memory_space<vmem_shared>>
        tpu.enqueue_dma source(%dma_start3A_87 : memref<128x128xf32, #tpu.memory_space<vmem_shared>>) target(%dma_start3A_85 : memref<128x128xf32, #tpu.memory_space<hbm>>) target_semaphore(%run_scoped3A : memref<!tpu.dma_semaphore, #tpu.memory_space<semaphore_mem>>)
        %dma_wait3A_88 = arith.constant 0 : i32
        %dma_wait3A_89 = tpu.memref_slice %arg5[%add3A_83, %dma_wait3A_88] : memref<20480x128xf32, #tpu.memory_space<hbm>> -> memref<128x128xf32, #tpu.memory_space<hbm>>
        %dma_wait3A_90 = arith.constant 0 : i32
        %dma_wait3A_91 = tpu.memref_slice %arg6[%add3A_80, %dma_wait3A_90] : memref<10240x128xf32, #tpu.memory_space<vmem_shared>> -> memref<128x128xf32, #tpu.memory_space<vmem_shared>>
        tpu.wait_dma2 semaphore(%run_scoped3A : memref<!tpu.dma_semaphore, #tpu.memory_space<semaphore_mem>>) src(%dma_wait3A_91 : memref<128x128xf32, #tpu.memory_space<vmem_shared>>) dst(%dma_wait3A_89 : memref<128x128xf32, #tpu.memory_space<hbm>>)
        tpu.yield
      }) : () -> ()
    }
    %scan3A_70 = arith.constant 5 : i32
    return
  }
}

#map = affine_map<(d0, d1) -> (0, 0)>
#map1 = affine_map<(d0, d1) -> (0)>
module attributes {stable_mosaic.version = 14 : i64} {
  func.func @segsum(%arg0: i32, %arg1: i32, %arg2: memref<10000x128xf32, #tpu.memory_space<hbm>>, %arg3: memref<320000xi32, #tpu.memory_space<hbm>>, %arg4: memref<320000xi32, #tpu.memory_space<hbm>>, %arg5: memref<20480x128xf32, #tpu.memory_space<hbm>>, %arg6: memref<10240x128xf32, #tpu.memory_space<vmem_shared>>, %arg7: memref<10000xi32, #tpu.memory_space<vmem>>, %arg8: memref<10000xi32, #tpu.memory_space<vmem>>, %arg9: memref<40x128xf32, #tpu.memory_space<vmem>>, %arg10: memref<40x128xf32, #tpu.memory_space<vmem>>, %arg11: memref<40x128xf32, #tpu.memory_space<vmem>>, %arg12: memref<40x128xf32, #tpu.memory_space<vmem>>, %arg13: memref<40x128xf32, #tpu.memory_space<vmem>>, %arg14: memref<!tpu.dma_semaphore, #tpu.memory_space<semaphore_mem>>, %arg15: memref<!tpu.dma_semaphore, #tpu.memory_space<semaphore_mem>>, %arg16: memref<!tpu.dma_semaphore, #tpu.memory_space<semaphore_mem>>, %arg17: memref<!tpu.dma_semaphore, #tpu.memory_space<semaphore_mem>>, %arg18: memref<!tpu.dma_semaphore, #tpu.memory_space<semaphore_mem>>, %arg19: memref<!tpu.dma_semaphore, #tpu.memory_space<semaphore_mem>>, %arg20: memref<!tpu.dma_semaphore, #tpu.memory_space<semaphore_mem>>, %arg21: memref<!tpu.dma_semaphore, #tpu.memory_space<semaphore_mem>>, %arg22: memref<!tpu.dma_semaphore, #tpu.memory_space<semaphore_mem>>, %arg23: memref<!tpu.dma_semaphore, #tpu.memory_space<semaphore_mem>>) attributes {dimension_semantics = [#tpu.dimension_semantics<core_parallel>, #tpu.dimension_semantics<subcore_parallel>], iteration_bounds = array<i64: 2, 16>, scalar_prefetch = 0 : i64, scratch_operands = 18 : i64, tpu.core_type = #tpu.core_type<sc_vector_subcore>, window_params = [{transform_indices = #map}, {transform_indices = #map1}, {transform_indices = #map1}, {transform_indices = #map}]} {
    %mul3A = arith.constant 2 : i32
    %mul3A_0 = arith.muli %arg1, %mul3A : i32
    %add3A = arith.addi %mul3A_0, %arg0 : i32
    %scan3A = arith.constant 0 : i32
    %scan3A_1 = arith.constant 320 : i32
    %scan3A_2 = arith.addi %scan3A, %scan3A_1 : i32
    %scan3A_3 = arith.constant 1 : i32
    scf.for %scan3A_71 = %scan3A to %scan3A_2 step %scan3A_3  : i32 {
      %mul3A_72 = arith.constant 1 : i32
      %mul3A_73 = arith.muli %scan3A_71, %mul3A_72 : i32
      %add3A_74 = arith.constant 0 : i32
      %add3A_75 = arith.addi %add3A_74, %mul3A_73 : i32
      %broadcast_in_dim3A = arith.constant 0.000000e+00 : f32
      %broadcast_in_dim3A_76 = vector.broadcast %broadcast_in_dim3A : f32 to vector<16xf32>
      %jit3A = arith.constant 8 : i32
      %div3A = arith.divsi %add3A_75, %jit3A : i32
      %sign3A = arith.constant 0 : i32
      %sign3A_77 = arith.cmpi sgt, %add3A_75, %sign3A : i32
      %sign3A_78 = arith.extui %sign3A_77 : i1 to i32
      %sign3A_79 = arith.constant 0 : i32
      %sign3A_80 = arith.cmpi slt, %add3A_75, %sign3A_79 : i32
      %sign3A_81 = arith.extui %sign3A_80 : i1 to i32
      %sign3A_82 = arith.subi %sign3A_78, %sign3A_81 : i32
      %sign3A_83 = arith.constant 0 : i32
      %sign3A_84 = arith.cmpi sgt, %jit3A, %sign3A_83 : i32
      %sign3A_85 = arith.extui %sign3A_84 : i1 to i32
      %sign3A_86 = arith.constant 0 : i32
      %sign3A_87 = arith.cmpi slt, %jit3A, %sign3A_86 : i32
      %sign3A_88 = arith.extui %sign3A_87 : i1 to i32
      %sign3A_89 = arith.subi %sign3A_85, %sign3A_88 : i32
      %ne3A = arith.cmpi ne, %sign3A_82, %sign3A_89 : i32
      %rem3A = arith.remsi %add3A_75, %jit3A : i32
      %ne3A_90 = arith.constant 0 : i32
      %ne3A_91 = arith.cmpi ne, %rem3A, %ne3A_90 : i32
      %and3A = arith.andi %ne3A, %ne3A_91 : i1
      %sub3A = arith.constant 1 : i32
      %sub3A_92 = arith.subi %div3A, %sub3A : i32
      %select_n3A = arith.select %and3A, %sub3A_92, %div3A : i32
      %jit3A_93 = arith.constant 8 : i32
      %eq3A = arith.constant 0 : i32
      %eq3A_94 = arith.cmpi eq, %jit3A_93, %eq3A : i32
      %jit3A_95 = arith.constant 1 : i32
      %select_n3A_96 = arith.select %eq3A_94, %jit3A_95, %jit3A_93 : i32
      %rem3A_97 = arith.remsi %add3A_75, %select_n3A_96 : i32
      %ne3A_98 = arith.constant 0 : i32
      %ne3A_99 = arith.cmpi ne, %rem3A_97, %ne3A_98 : i32
      %lt3A = arith.constant 0 : i32
      %lt3A_100 = arith.cmpi slt, %rem3A_97, %lt3A : i32
      %lt3A_101 = arith.constant 0 : i32
      %lt3A_102 = arith.cmpi slt, %select_n3A_96, %lt3A_101 : i32
      %ne3A_103 = arith.xori %lt3A_100, %lt3A_102 : i1
      %and3A_104 = arith.andi %ne3A_103, %ne3A_99 : i1
      %add3A_105 = arith.addi %rem3A_97, %select_n3A_96 : i32
      %select_n3A_106 = arith.select %and3A_104, %add3A_105, %rem3A_97 : i32
      %mul3A_107 = arith.constant 16 : i32
      %mul3A_108 = arith.muli %select_n3A_106, %mul3A_107 : i32
      %swap3A = arith.index_cast %select_n3A : i32 to index
      %swap3A_109 = arith.index_cast %mul3A_108 : i32 to index
      %swap3A_110 = tpu.vector_load %arg9[%swap3A, %swap3A_109] {strides = array<i32>} : memref<40x128xf32, #tpu.memory_space<vmem>>, vector<1x16xf32>,
      %swap3A_111 = vector.shape_cast %swap3A_110 : vector<1x16xf32> to vector<16xf32>
      %swap3A_112 = vector.shape_cast %broadcast_in_dim3A_76 : vector<16xf32> to vector<1x16xf32>
      tpu.vector_store %arg9[%swap3A, %swap3A_109], %swap3A_112 {strides = array<i32>} : memref<40x128xf32, #tpu.memory_space<vmem>>, vector<1x16xf32>,
    }
    %scan3A_4 = arith.constant 320 : i32
    %scan3A_5 = arith.constant 0 : i32
    %scan3A_6 = arith.constant 16 : i32
    %scan3A_7 = arith.addi %scan3A_5, %scan3A_6 : i32
    %scan3A_8 = arith.constant 1 : i32
    scf.for %scan3A_71 = %scan3A_5 to %scan3A_7 step %scan3A_8  : i32 {
      %mul3A_72 = arith.constant 1 : i32
      %mul3A_73 = arith.muli %scan3A_71, %mul3A_72 : i32
      %add3A_74 = arith.constant 0 : i32
      %add3A_75 = arith.addi %add3A_74, %mul3A_73 : i32
      %mul3A_76 = arith.constant 640 : i32
      %mul3A_77 = arith.muli %arg1, %mul3A_76 : i32
      %mul3A_78 = arith.constant 40 : i32
      %mul3A_79 = arith.muli %add3A_75, %mul3A_78 : i32
      %add3A_80 = arith.addi %mul3A_77, %mul3A_79 : i32
      "tpu.region"() ({
        %run_scoped3A = tpu.sem_alloc : memref<!tpu.dma_semaphore, #tpu.memory_space<semaphore_mem>>
        %dma_start3A_81 = arith.constant 0 : i32
        %dma_start3A_82 = tpu.memref_slice %arg6[%add3A_80, %dma_start3A_81] : memref<10240x128xf32, #tpu.memory_space<vmem_shared>> -> memref<40x128xf32, #tpu.memory_space<vmem_shared>>
        %dma_start3A_83 = arith.constant 0 : i32
        %dma_start3A_84 = tpu.memref_slice %arg6[%add3A_80, %dma_start3A_83] : memref<10240x128xf32, #tpu.memory_space<vmem_shared>> -> memref<40x128xf32, #tpu.memory_space<vmem_shared>>
        tpu.enqueue_dma source(%arg9 : memref<40x128xf32, #tpu.memory_space<vmem>>) target(%dma_start3A_84 : memref<40x128xf32, #tpu.memory_space<vmem_shared>>) target_semaphore(%run_scoped3A : memref<!tpu.dma_semaphore, #tpu.memory_space<semaphore_mem>>)
        %dma_wait3A_85 = arith.constant 0 : i32
        %dma_wait3A_86 = tpu.memref_slice %arg6[%add3A_80, %dma_wait3A_85] : memref<10240x128xf32, #tpu.memory_space<vmem_shared>> -> memref<40x128xf32, #tpu.memory_space<vmem_shared>>
        %dma_wait3A_87 = arith.constant 0 : i32
        %dma_wait3A_88 = tpu.memref_slice %arg6[%add3A_80, %dma_wait3A_87] : memref<10240x128xf32, #tpu.memory_space<vmem_shared>> -> memref<40x128xf32, #tpu.memory_space<vmem_shared>>
        tpu.wait_dma2 semaphore(%run_scoped3A : memref<!tpu.dma_semaphore, #tpu.memory_space<semaphore_mem>>) src(%arg9 : memref<40x128xf32, #tpu.memory_space<vmem>>) dst(%dma_wait3A_88 : memref<40x128xf32, #tpu.memory_space<vmem_shared>>)
        tpu.yield
      }) : () -> ()
    }
    %scan3A_9 = arith.constant 16 : i32
    %mul3A_10 = arith.constant 10000 : i32
    %mul3A_11 = arith.muli %add3A, %mul3A_10 : i32
    "tpu.region"() ({
      %run_scoped3A = tpu.sem_alloc : memref<!tpu.dma_semaphore, #tpu.memory_space<semaphore_mem>>
      %dma_start3A_71 = tpu.memref_slice %arg3[%mul3A_11] : memref<320000xi32, #tpu.memory_space<hbm>> -> memref<10000xi32, #tpu.memory_space<hbm>>
      %dma_start3A_72 = tpu.memref_slice %arg3[%mul3A_11] : memref<320000xi32, #tpu.memory_space<hbm>> -> memref<10000xi32, #tpu.memory_space<hbm>>
      tpu.enqueue_dma source(%dma_start3A_72 : memref<10000xi32, #tpu.memory_space<hbm>>) target(%arg7 : memref<10000xi32, #tpu.memory_space<vmem>>) target_semaphore(%run_scoped3A : memref<!tpu.dma_semaphore, #tpu.memory_space<semaphore_mem>>)
      %dma_wait3A_73 = tpu.memref_slice %arg3[%mul3A_11] : memref<320000xi32, #tpu.memory_space<hbm>> -> memref<10000xi32, #tpu.memory_space<hbm>>
      %dma_wait3A_74 = tpu.memref_slice %arg3[%mul3A_11] : memref<320000xi32, #tpu.memory_space<hbm>> -> memref<10000xi32, #tpu.memory_space<hbm>>
      tpu.wait_dma2 semaphore(%run_scoped3A : memref<!tpu.dma_semaphore, #tpu.memory_space<semaphore_mem>>) src(%dma_wait3A_74 : memref<10000xi32, #tpu.memory_space<hbm>>) dst(%arg7 : memref<10000xi32, #tpu.memory_space<vmem>>)
      tpu.yield
    }) : () -> ()
    "tpu.region"() ({
      %run_scoped3A = tpu.sem_alloc : memref<!tpu.dma_semaphore, #tpu.memory_space<semaphore_mem>>
      %dma_start3A_71 = tpu.memref_slice %arg4[%mul3A_11] : memref<320000xi32, #tpu.memory_space<hbm>> -> memref<10000xi32, #tpu.memory_space<hbm>>
      %dma_start3A_72 = tpu.memref_slice %arg4[%mul3A_11] : memref<320000xi32, #tpu.memory_space<hbm>> -> memref<10000xi32, #tpu.memory_space<hbm>>
      tpu.enqueue_dma source(%dma_start3A_72 : memref<10000xi32, #tpu.memory_space<hbm>>) target(%arg8 : memref<10000xi32, #tpu.memory_space<vmem>>) target_semaphore(%run_scoped3A : memref<!tpu.dma_semaphore, #tpu.memory_space<semaphore_mem>>)
      %dma_wait3A_73 = tpu.memref_slice %arg4[%mul3A_11] : memref<320000xi32, #tpu.memory_space<hbm>> -> memref<10000xi32, #tpu.memory_space<hbm>>
      %dma_wait3A_74 = tpu.memref_slice %arg4[%mul3A_11] : memref<320000xi32, #tpu.memory_space<hbm>> -> memref<10000xi32, #tpu.memory_space<hbm>>
      tpu.wait_dma2 semaphore(%run_scoped3A : memref<!tpu.dma_semaphore, #tpu.memory_space<semaphore_mem>>) src(%dma_wait3A_74 : memref<10000xi32, #tpu.memory_space<hbm>>) dst(%arg8 : memref<10000xi32, #tpu.memory_space<vmem>>)
      tpu.yield
    }) : () -> ()
    %barrier3A = arith.constant 0 : index
    tpu.barrier barrier_id(%barrier3A)
    %dma_start3A = arith.constant 0 : i32
    %dma_start3A_12 = tpu.memref_slice %arg7[%dma_start3A] : memref<10000xi32, #tpu.memory_space<vmem>> -> memref<40xi32, #tpu.memory_space<vmem>>
    %dma_start3A_13 = arith.constant 0 : i32
    %dma_start3A_14 = arith.constant 0 : i32
    %dma_start3A_15 = tpu.memref_slice %arg2[%dma_start3A_13, %dma_start3A_14] : memref<10000x128xf32, #tpu.memory_space<hbm>> -> memref<10000x128xf32, #tpu.memory_space<hbm>>
    tpu.enqueue_indirect_dma source(%dma_start3A_15 : memref<10000x128xf32, #tpu.memory_space<hbm>>) target(%arg9 : memref<40x128xf32, #tpu.memory_space<vmem>>) offsets(%dma_start3A_12 : memref<40xi32, #tpu.memory_space<vmem>>) semaphore(%arg14 : memref<!tpu.dma_semaphore, #tpu.memory_space<semaphore_mem>>)
    %dma_start3A_16 = arith.constant 40 : i32
    %dma_start3A_17 = tpu.memref_slice %arg7[%dma_start3A_16] : memref<10000xi32, #tpu.memory_space<vmem>> -> memref<40xi32, #tpu.memory_space<vmem>>
    %dma_start3A_18 = arith.constant 0 : i32
    %dma_start3A_19 = arith.constant 0 : i32
    %dma_start3A_20 = tpu.memref_slice %arg2[%dma_start3A_18, %dma_start3A_19] : memref<10000x128xf32, #tpu.memory_space<hbm>> -> memref<10000x128xf32, #tpu.memory_space<hbm>>
    tpu.enqueue_indirect_dma source(%dma_start3A_20 : memref<10000x128xf32, #tpu.memory_space<hbm>>) target(%arg10 : memref<40x128xf32, #tpu.memory_space<vmem>>) offsets(%dma_start3A_17 : memref<40xi32, #tpu.memory_space<vmem>>) semaphore(%arg15 : memref<!tpu.dma_semaphore, #tpu.memory_space<semaphore_mem>>)
    %dma_start3A_21 = arith.constant 80 : i32
    %dma_start3A_22 = tpu.memref_slice %arg7[%dma_start3A_21] : memref<10000xi32, #tpu.memory_space<vmem>> -> memref<40xi32, #tpu.memory_space<vmem>>
    %dma_start3A_23 = arith.constant 0 : i32
    %dma_start3A_24 = arith.constant 0 : i32
    %dma_start3A_25 = tpu.memref_slice %arg2[%dma_start3A_23, %dma_start3A_24] : memref<10000x128xf32, #tpu.memory_space<hbm>> -> memref<10000x128xf32, #tpu.memory_space<hbm>>
    tpu.enqueue_indirect_dma source(%dma_start3A_25 : memref<10000x128xf32, #tpu.memory_space<hbm>>) target(%arg11 : memref<40x128xf32, #tpu.memory_space<vmem>>) offsets(%dma_start3A_22 : memref<40xi32, #tpu.memory_space<vmem>>) semaphore(%arg16 : memref<!tpu.dma_semaphore, #tpu.memory_space<semaphore_mem>>)
    %dma_start3A_26 = arith.constant 120 : i32
    %dma_start3A_27 = tpu.memref_slice %arg7[%dma_start3A_26] : memref<10000xi32, #tpu.memory_space<vmem>> -> memref<40xi32, #tpu.memory_space<vmem>>
    %dma_start3A_28 = arith.constant 0 : i32
    %dma_start3A_29 = arith.constant 0 : i32
    %dma_start3A_30 = tpu.memref_slice %arg2[%dma_start3A_28, %dma_start3A_29] : memref<10000x128xf32, #tpu.memory_space<hbm>> -> memref<10000x128xf32, #tpu.memory_space<hbm>>
    tpu.enqueue_indirect_dma source(%dma_start3A_30 : memref<10000x128xf32, #tpu.memory_space<hbm>>) target(%arg12 : memref<40x128xf32, #tpu.memory_space<vmem>>) offsets(%dma_start3A_27 : memref<40xi32, #tpu.memory_space<vmem>>) semaphore(%arg17 : memref<!tpu.dma_semaphore, #tpu.memory_space<semaphore_mem>>)
    %dma_start3A_31 = arith.constant 160 : i32
    %dma_start3A_32 = tpu.memref_slice %arg7[%dma_start3A_31] : memref<10000xi32, #tpu.memory_space<vmem>> -> memref<40xi32, #tpu.memory_space<vmem>>
    %dma_start3A_33 = arith.constant 0 : i32
    %dma_start3A_34 = arith.constant 0 : i32
    %dma_start3A_35 = tpu.memref_slice %arg2[%dma_start3A_33, %dma_start3A_34] : memref<10000x128xf32, #tpu.memory_space<hbm>> -> memref<10000x128xf32, #tpu.memory_space<hbm>>
    tpu.enqueue_indirect_dma source(%dma_start3A_35 : memref<10000x128xf32, #tpu.memory_space<hbm>>) target(%arg13 : memref<40x128xf32, #tpu.memory_space<vmem>>) offsets(%dma_start3A_32 : memref<40xi32, #tpu.memory_space<vmem>>) semaphore(%arg18 : memref<!tpu.dma_semaphore, #tpu.memory_space<semaphore_mem>>)
    %scan3A_36 = arith.constant 0 : i32
    %scan3A_37 = arith.constant 50 : i32
    %scan3A_38 = arith.addi %scan3A_36, %scan3A_37 : i32
    %scan3A_39 = arith.constant 1 : i32
    scf.for %scan3A_71 = %scan3A_36 to %scan3A_38 step %scan3A_39  : i32 {
      %mul3A_72 = arith.constant 1 : i32
      %mul3A_73 = arith.muli %scan3A_71, %mul3A_72 : i32
      %add3A_74 = arith.constant 0 : i32
      %add3A_75 = arith.addi %add3A_74, %mul3A_73 : i32
      %mul3A_76 = arith.constant 5 : i32
      %mul3A_77 = arith.muli %add3A_75, %mul3A_76 : i32
      %add3A_78 = arith.constant 0 : i32
      %add3A_79 = arith.addi %mul3A_77, %add3A_78 : i32
      %dma_wait3A_80 = arith.constant 0 : i32
      %dma_wait3A_81 = tpu.memref_slice %arg7[%dma_wait3A_80] : memref<10000xi32, #tpu.memory_space<vmem>> -> memref<40xi32, #tpu.memory_space<vmem>>
      %dma_wait3A_82 = arith.constant 0 : i32
      %dma_wait3A_83 = arith.constant 0 : i32
      %dma_wait3A_84 = tpu.memref_slice %arg2[%dma_wait3A_82, %dma_wait3A_83] : memref<10000x128xf32, #tpu.memory_space<hbm>> -> memref<10000x128xf32, #tpu.memory_space<hbm>>
      tpu.wait_indirect_dma semaphore(%arg14 : memref<!tpu.dma_semaphore, #tpu.memory_space<semaphore_mem>>) src(%dma_wait3A_84 : memref<10000x128xf32, #tpu.memory_space<hbm>>) dst(%arg9 : memref<40x128xf32, #tpu.memory_space<vmem>>)
      %mul3A_85 = arith.constant 40 : i32
      %mul3A_86 = arith.muli %add3A_79, %mul3A_85 : i32
      %dma_start3A_87 = tpu.memref_slice %arg8[%mul3A_86] : memref<10000xi32, #tpu.memory_space<vmem>> -> memref<40xi32, #tpu.memory_space<vmem>>
      %dma_start3A_88 = arith.constant 0 : i32
      %dma_start3A_89 = arith.constant 0 : i32
      %dma_start3A_90 = tpu.memref_slice %arg6[%dma_start3A_88, %dma_start3A_89] : memref<10240x128xf32, #tpu.memory_space<vmem_shared>> -> memref<10240x128xf32, #tpu.memory_space<vmem_shared>>
      tpu.enqueue_indirect_dma source(%arg9 : memref<40x128xf32, #tpu.memory_space<vmem>>) target(%dma_start3A_90 : memref<10240x128xf32, #tpu.memory_space<vmem_shared>>) offsets(%dma_start3A_87 : memref<40xi32, #tpu.memory_space<vmem>>) semaphore(%arg19 : memref<!tpu.dma_semaphore, #tpu.memory_space<semaphore_mem>>) {add = true}
      %add3A_91 = arith.constant 5 : i32
      %add3A_92 = arith.addi %add3A_79, %add3A_91 : i32
      %sub3A = arith.constant 1 : i32
      %sub3A_93 = arith.subi %add3A_92, %sub3A : i32
      %ge3A = arith.constant 1 : i32
      %ge3A_94 = arith.cmpi sge, %add3A_79, %ge3A : i32
      %lt3A = arith.constant 250 : i32
      %lt3A_95 = arith.cmpi slt, %sub3A_93, %lt3A : i32
      %and3A = arith.andi %ge3A_94, %lt3A_95 : i1
      %convert_element_type3A = arith.extui %and3A : i1 to i32
      %cond3A = arith.constant 0 : i32
      %cond3A_96 = arith.cmpi ne, %convert_element_type3A, %cond3A : i32
      scf.if %cond3A_96 {
        %dma_wait3A_205 = arith.constant 0 : i32
        %dma_wait3A_206 = tpu.memref_slice %arg8[%dma_wait3A_205] : memref<10000xi32, #tpu.memory_space<vmem>> -> memref<40xi32, #tpu.memory_space<vmem>>
        %dma_wait3A_207 = arith.constant 0 : i32
        %dma_wait3A_208 = arith.constant 0 : i32
        %dma_wait3A_209 = tpu.memref_slice %arg6[%dma_wait3A_207, %dma_wait3A_208] : memref<10240x128xf32, #tpu.memory_space<vmem_shared>> -> memref<10240x128xf32, #tpu.memory_space<vmem_shared>>
        tpu.wait_indirect_dma semaphore(%arg23 : memref<!tpu.dma_semaphore, #tpu.memory_space<semaphore_mem>>) src(%arg13 : memref<40x128xf32, #tpu.memory_space<vmem>>) dst(%dma_wait3A_209 : memref<10240x128xf32, #tpu.memory_space<vmem_shared>>)
        %mul3A_210 = arith.constant 40 : i32
        %mul3A_211 = arith.muli %sub3A_93, %mul3A_210 : i32
        %dma_start3A_212 = tpu.memref_slice %arg7[%mul3A_211] : memref<10000xi32, #tpu.memory_space<vmem>> -> memref<40xi32, #tpu.memory_space<vmem>>
        %dma_start3A_213 = arith.constant 0 : i32
        %dma_start3A_214 = arith.constant 0 : i32
        %dma_start3A_215 = tpu.memref_slice %arg2[%dma_start3A_213, %dma_start3A_214] : memref<10000x128xf32, #tpu.memory_space<hbm>> -> memref<10000x128xf32, #tpu.memory_space<hbm>>
        tpu.enqueue_indirect_dma source(%dma_start3A_215 : memref<10000x128xf32, #tpu.memory_space<hbm>>) target(%arg13 : memref<40x128xf32, #tpu.memory_space<vmem>>) offsets(%dma_start3A_212 : memref<40xi32, #tpu.memory_space<vmem>>) semaphore(%arg18 : memref<!tpu.dma_semaphore, #tpu.memory_space<semaphore_mem>>)
      } else {
      }
      %mul3A_97 = arith.constant 5 : i32
      %mul3A_98 = arith.muli %add3A_75, %mul3A_97 : i32
      %add3A_99 = arith.constant 1 : i32
      %add3A_100 = arith.addi %mul3A_98, %add3A_99 : i32
      %dma_wait3A_101 = arith.constant 0 : i32
      %dma_wait3A_102 = tpu.memref_slice %arg7[%dma_wait3A_101] : memref<10000xi32, #tpu.memory_space<vmem>> -> memref<40xi32, #tpu.memory_space<vmem>>
      %dma_wait3A_103 = arith.constant 0 : i32
      %dma_wait3A_104 = arith.constant 0 : i32
      %dma_wait3A_105 = tpu.memref_slice %arg2[%dma_wait3A_103, %dma_wait3A_104] : memref<10000x128xf32, #tpu.memory_space<hbm>> -> memref<10000x128xf32, #tpu.memory_space<hbm>>
      tpu.wait_indirect_dma semaphore(%arg15 : memref<!tpu.dma_semaphore, #tpu.memory_space<semaphore_mem>>) src(%dma_wait3A_105 : memref<10000x128xf32, #tpu.memory_space<hbm>>) dst(%arg10 : memref<40x128xf32, #tpu.memory_space<vmem>>)
      %mul3A_106 = arith.constant 40 : i32
      %mul3A_107 = arith.muli %add3A_100, %mul3A_106 : i32
      %dma_start3A_108 = tpu.memref_slice %arg8[%mul3A_107] : memref<10000xi32, #tpu.memory_space<vmem>> -> memref<40xi32, #tpu.memory_space<vmem>>
      %dma_start3A_109 = arith.constant 0 : i32
      %dma_start3A_110 = arith.constant 0 : i32
      %dma_start3A_111 = tpu.memref_slice %arg6[%dma_start3A_109, %dma_start3A_110] : memref<10240x128xf32, #tpu.memory_space<vmem_shared>> -> memref<10240x128xf32, #tpu.memory_space<vmem_shared>>
      tpu.enqueue_indirect_dma source(%arg10 : memref<40x128xf32, #tpu.memory_space<vmem>>) target(%dma_start3A_111 : memref<10240x128xf32, #tpu.memory_space<vmem_shared>>) offsets(%dma_start3A_108 : memref<40xi32, #tpu.memory_space<vmem>>) semaphore(%arg20 : memref<!tpu.dma_semaphore, #tpu.memory_space<semaphore_mem>>) {add = true}
      %add3A_112 = arith.constant 5 : i32
      %add3A_113 = arith.addi %add3A_100, %add3A_112 : i32
      %sub3A_114 = arith.constant 1 : i32
      %sub3A_115 = arith.subi %add3A_113, %sub3A_114 : i32
      %ge3A_116 = arith.constant 1 : i32
      %ge3A_117 = arith.cmpi sge, %add3A_100, %ge3A_116 : i32
      %lt3A_118 = arith.constant 250 : i32
      %lt3A_119 = arith.cmpi slt, %sub3A_115, %lt3A_118 : i32
      %and3A_120 = arith.andi %ge3A_117, %lt3A_119 : i1
      %convert_element_type3A_121 = arith.extui %and3A_120 : i1 to i32
      %cond3A_122 = arith.constant 0 : i32
      %cond3A_123 = arith.cmpi ne, %convert_element_type3A_121, %cond3A_122 : i32
      scf.if %cond3A_123 {
        %dma_wait3A_205 = arith.constant 0 : i32
        %dma_wait3A_206 = tpu.memref_slice %arg8[%dma_wait3A_205] : memref<10000xi32, #tpu.memory_space<vmem>> -> memref<40xi32, #tpu.memory_space<vmem>>
        %dma_wait3A_207 = arith.constant 0 : i32
        %dma_wait3A_208 = arith.constant 0 : i32
        %dma_wait3A_209 = tpu.memref_slice %arg6[%dma_wait3A_207, %dma_wait3A_208] : memref<10240x128xf32, #tpu.memory_space<vmem_shared>> -> memref<10240x128xf32, #tpu.memory_space<vmem_shared>>
        tpu.wait_indirect_dma semaphore(%arg19 : memref<!tpu.dma_semaphore, #tpu.memory_space<semaphore_mem>>) src(%arg9 : memref<40x128xf32, #tpu.memory_space<vmem>>) dst(%dma_wait3A_209 : memref<10240x128xf32, #tpu.memory_space<vmem_shared>>)
        %mul3A_210 = arith.constant 40 : i32
        %mul3A_211 = arith.muli %sub3A_115, %mul3A_210 : i32
        %dma_start3A_212 = tpu.memref_slice %arg7[%mul3A_211] : memref<10000xi32, #tpu.memory_space<vmem>> -> memref<40xi32, #tpu.memory_space<vmem>>
        %dma_start3A_213 = arith.constant 0 : i32
        %dma_start3A_214 = arith.constant 0 : i32
        %dma_start3A_215 = tpu.memref_slice %arg2[%dma_start3A_213, %dma_start3A_214] : memref<10000x128xf32, #tpu.memory_space<hbm>> -> memref<10000x128xf32, #tpu.memory_space<hbm>>
        tpu.enqueue_indirect_dma source(%dma_start3A_215 : memref<10000x128xf32, #tpu.memory_space<hbm>>) target(%arg9 : memref<40x128xf32, #tpu.memory_space<vmem>>) offsets(%dma_start3A_212 : memref<40xi32, #tpu.memory_space<vmem>>) semaphore(%arg14 : memref<!tpu.dma_semaphore, #tpu.memory_space<semaphore_mem>>)
      } else {
      }
      %mul3A_124 = arith.constant 5 : i32
      %mul3A_125 = arith.muli %add3A_75, %mul3A_124 : i32
      %add3A_126 = arith.constant 2 : i32
      %add3A_127 = arith.addi %mul3A_125, %add3A_126 : i32
      %dma_wait3A_128 = arith.constant 0 : i32
      %dma_wait3A_129 = tpu.memref_slice %arg7[%dma_wait3A_128] : memref<10000xi32, #tpu.memory_space<vmem>> -> memref<40xi32, #tpu.memory_space<vmem>>
      %dma_wait3A_130 = arith.constant 0 : i32
      %dma_wait3A_131 = arith.constant 0 : i32
      %dma_wait3A_132 = tpu.memref_slice %arg2[%dma_wait3A_130, %dma_wait3A_131] : memref<10000x128xf32, #tpu.memory_space<hbm>> -> memref<10000x128xf32, #tpu.memory_space<hbm>>
      tpu.wait_indirect_dma semaphore(%arg16 : memref<!tpu.dma_semaphore, #tpu.memory_space<semaphore_mem>>) src(%dma_wait3A_132 : memref<10000x128xf32, #tpu.memory_space<hbm>>) dst(%arg11 : memref<40x128xf32, #tpu.memory_space<vmem>>)
      %mul3A_133 = arith.constant 40 : i32
      %mul3A_134 = arith.muli %add3A_127, %mul3A_133 : i32
      %dma_start3A_135 = tpu.memref_slice %arg8[%mul3A_134] : memref<10000xi32, #tpu.memory_space<vmem>> -> memref<40xi32, #tpu.memory_space<vmem>>
      %dma_start3A_136 = arith.constant 0 : i32
      %dma_start3A_137 = arith.constant 0 : i32
      %dma_start3A_138 = tpu.memref_slice %arg6[%dma_start3A_136, %dma_start3A_137] : memref<10240x128xf32, #tpu.memory_space<vmem_shared>> -> memref<10240x128xf32, #tpu.memory_space<vmem_shared>>
      tpu.enqueue_indirect_dma source(%arg11 : memref<40x128xf32, #tpu.memory_space<vmem>>) target(%dma_start3A_138 : memref<10240x128xf32, #tpu.memory_space<vmem_shared>>) offsets(%dma_start3A_135 : memref<40xi32, #tpu.memory_space<vmem>>) semaphore(%arg21 : memref<!tpu.dma_semaphore, #tpu.memory_space<semaphore_mem>>) {add = true}
      %add3A_139 = arith.constant 5 : i32
      %add3A_140 = arith.addi %add3A_127, %add3A_139 : i32
      %sub3A_141 = arith.constant 1 : i32
      %sub3A_142 = arith.subi %add3A_140, %sub3A_141 : i32
      %ge3A_143 = arith.constant 1 : i32
      %ge3A_144 = arith.cmpi sge, %add3A_127, %ge3A_143 : i32
      %lt3A_145 = arith.constant 250 : i32
      %lt3A_146 = arith.cmpi slt, %sub3A_142, %lt3A_145 : i32
      %and3A_147 = arith.andi %ge3A_144, %lt3A_146 : i1
      %convert_element_type3A_148 = arith.extui %and3A_147 : i1 to i32
      %cond3A_149 = arith.constant 0 : i32
      %cond3A_150 = arith.cmpi ne, %convert_element_type3A_148, %cond3A_149 : i32
      scf.if %cond3A_150 {
        %dma_wait3A_205 = arith.constant 0 : i32
        %dma_wait3A_206 = tpu.memref_slice %arg8[%dma_wait3A_205] : memref<10000xi32, #tpu.memory_space<vmem>> -> memref<40xi32, #tpu.memory_space<vmem>>
        %dma_wait3A_207 = arith.constant 0 : i32
        %dma_wait3A_208 = arith.constant 0 : i32
        %dma_wait3A_209 = tpu.memref_slice %arg6[%dma_wait3A_207, %dma_wait3A_208] : memref<10240x128xf32, #tpu.memory_space<vmem_shared>> -> memref<10240x128xf32, #tpu.memory_space<vmem_shared>>
        tpu.wait_indirect_dma semaphore(%arg20 : memref<!tpu.dma_semaphore, #tpu.memory_space<semaphore_mem>>) src(%arg10 : memref<40x128xf32, #tpu.memory_space<vmem>>) dst(%dma_wait3A_209 : memref<10240x128xf32, #tpu.memory_space<vmem_shared>>)
        %mul3A_210 = arith.constant 40 : i32
        %mul3A_211 = arith.muli %sub3A_142, %mul3A_210 : i32
        %dma_start3A_212 = tpu.memref_slice %arg7[%mul3A_211] : memref<10000xi32, #tpu.memory_space<vmem>> -> memref<40xi32, #tpu.memory_space<vmem>>
        %dma_start3A_213 = arith.constant 0 : i32
        %dma_start3A_214 = arith.constant 0 : i32
        %dma_start3A_215 = tpu.memref_slice %arg2[%dma_start3A_213, %dma_start3A_214] : memref<10000x128xf32, #tpu.memory_space<hbm>> -> memref<10000x128xf32, #tpu.memory_space<hbm>>
        tpu.enqueue_indirect_dma source(%dma_start3A_215 : memref<10000x128xf32, #tpu.memory_space<hbm>>) target(%arg10 : memref<40x128xf32, #tpu.memory_space<vmem>>) offsets(%dma_start3A_212 : memref<40xi32, #tpu.memory_space<vmem>>) semaphore(%arg15 : memref<!tpu.dma_semaphore, #tpu.memory_space<semaphore_mem>>)
      } else {
      }
      %mul3A_151 = arith.constant 5 : i32
      %mul3A_152 = arith.muli %add3A_75, %mul3A_151 : i32
      %add3A_153 = arith.constant 3 : i32
      %add3A_154 = arith.addi %mul3A_152, %add3A_153 : i32
      %dma_wait3A_155 = arith.constant 0 : i32
      %dma_wait3A_156 = tpu.memref_slice %arg7[%dma_wait3A_155] : memref<10000xi32, #tpu.memory_space<vmem>> -> memref<40xi32, #tpu.memory_space<vmem>>
      %dma_wait3A_157 = arith.constant 0 : i32
      %dma_wait3A_158 = arith.constant 0 : i32
      %dma_wait3A_159 = tpu.memref_slice %arg2[%dma_wait3A_157, %dma_wait3A_158] : memref<10000x128xf32, #tpu.memory_space<hbm>> -> memref<10000x128xf32, #tpu.memory_space<hbm>>
      tpu.wait_indirect_dma semaphore(%arg17 : memref<!tpu.dma_semaphore, #tpu.memory_space<semaphore_mem>>) src(%dma_wait3A_159 : memref<10000x128xf32, #tpu.memory_space<hbm>>) dst(%arg12 : memref<40x128xf32, #tpu.memory_space<vmem>>)
      %mul3A_160 = arith.constant 40 : i32
      %mul3A_161 = arith.muli %add3A_154, %mul3A_160 : i32
      %dma_start3A_162 = tpu.memref_slice %arg8[%mul3A_161] : memref<10000xi32, #tpu.memory_space<vmem>> -> memref<40xi32, #tpu.memory_space<vmem>>
      %dma_start3A_163 = arith.constant 0 : i32
      %dma_start3A_164 = arith.constant 0 : i32
      %dma_start3A_165 = tpu.memref_slice %arg6[%dma_start3A_163, %dma_start3A_164] : memref<10240x128xf32, #tpu.memory_space<vmem_shared>> -> memref<10240x128xf32, #tpu.memory_space<vmem_shared>>
      tpu.enqueue_indirect_dma source(%arg12 : memref<40x128xf32, #tpu.memory_space<vmem>>) target(%dma_start3A_165 : memref<10240x128xf32, #tpu.memory_space<vmem_shared>>) offsets(%dma_start3A_162 : memref<40xi32, #tpu.memory_space<vmem>>) semaphore(%arg22 : memref<!tpu.dma_semaphore, #tpu.memory_space<semaphore_mem>>) {add = true}
      %add3A_166 = arith.constant 5 : i32
      %add3A_167 = arith.addi %add3A_154, %add3A_166 : i32
      %sub3A_168 = arith.constant 1 : i32
      %sub3A_169 = arith.subi %add3A_167, %sub3A_168 : i32
      %ge3A_170 = arith.constant 1 : i32
      %ge3A_171 = arith.cmpi sge, %add3A_154, %ge3A_170 : i32
      %lt3A_172 = arith.constant 250 : i32
      %lt3A_173 = arith.cmpi slt, %sub3A_169, %lt3A_172 : i32
      %and3A_174 = arith.andi %ge3A_171, %lt3A_173 : i1
      %convert_element_type3A_175 = arith.extui %and3A_174 : i1 to i32
      %cond3A_176 = arith.constant 0 : i32
      %cond3A_177 = arith.cmpi ne, %convert_element_type3A_175, %cond3A_176 : i32
      scf.if %cond3A_177 {
        %dma_wait3A_205 = arith.constant 0 : i32
        %dma_wait3A_206 = tpu.memref_slice %arg8[%dma_wait3A_205] : memref<10000xi32, #tpu.memory_space<vmem>> -> memref<40xi32, #tpu.memory_space<vmem>>
        %dma_wait3A_207 = arith.constant 0 : i32
        %dma_wait3A_208 = arith.constant 0 : i32
        %dma_wait3A_209 = tpu.memref_slice %arg6[%dma_wait3A_207, %dma_wait3A_208] : memref<10240x128xf32, #tpu.memory_space<vmem_shared>> -> memref<10240x128xf32, #tpu.memory_space<vmem_shared>>
        tpu.wait_indirect_dma semaphore(%arg21 : memref<!tpu.dma_semaphore, #tpu.memory_space<semaphore_mem>>) src(%arg11 : memref<40x128xf32, #tpu.memory_space<vmem>>) dst(%dma_wait3A_209 : memref<10240x128xf32, #tpu.memory_space<vmem_shared>>)
        %mul3A_210 = arith.constant 40 : i32
        %mul3A_211 = arith.muli %sub3A_169, %mul3A_210 : i32
        %dma_start3A_212 = tpu.memref_slice %arg7[%mul3A_211] : memref<10000xi32, #tpu.memory_space<vmem>> -> memref<40xi32, #tpu.memory_space<vmem>>
        %dma_start3A_213 = arith.constant 0 : i32
        %dma_start3A_214 = arith.constant 0 : i32
        %dma_start3A_215 = tpu.memref_slice %arg2[%dma_start3A_213, %dma_start3A_214] : memref<10000x128xf32, #tpu.memory_space<hbm>> -> memref<10000x128xf32, #tpu.memory_space<hbm>>
        tpu.enqueue_indirect_dma source(%dma_start3A_215 : memref<10000x128xf32, #tpu.memory_space<hbm>>) target(%arg11 : memref<40x128xf32, #tpu.memory_space<vmem>>) offsets(%dma_start3A_212 : memref<40xi32, #tpu.memory_space<vmem>>) semaphore(%arg16 : memref<!tpu.dma_semaphore, #tpu.memory_space<semaphore_mem>>)
      } else {
      }
      %mul3A_178 = arith.constant 5 : i32
      %mul3A_179 = arith.muli %add3A_75, %mul3A_178 : i32
      %add3A_180 = arith.constant 4 : i32
      %add3A_181 = arith.addi %mul3A_179, %add3A_180 : i32
      %dma_wait3A_182 = arith.constant 0 : i32
      %dma_wait3A_183 = tpu.memref_slice %arg7[%dma_wait3A_182] : memref<10000xi32, #tpu.memory_space<vmem>> -> memref<40xi32, #tpu.memory_space<vmem>>
      %dma_wait3A_184 = arith.constant 0 : i32
      %dma_wait3A_185 = arith.constant 0 : i32
      %dma_wait3A_186 = tpu.memref_slice %arg2[%dma_wait3A_184, %dma_wait3A_185] : memref<10000x128xf32, #tpu.memory_space<hbm>> -> memref<10000x128xf32, #tpu.memory_space<hbm>>
      tpu.wait_indirect_dma semaphore(%arg18 : memref<!tpu.dma_semaphore, #tpu.memory_space<semaphore_mem>>) src(%dma_wait3A_186 : memref<10000x128xf32, #tpu.memory_space<hbm>>) dst(%arg13 : memref<40x128xf32, #tpu.memory_space<vmem>>)
      %mul3A_187 = arith.constant 40 : i32
      %mul3A_188 = arith.muli %add3A_181, %mul3A_187 : i32
      %dma_start3A_189 = tpu.memref_slice %arg8[%mul3A_188] : memref<10000xi32, #tpu.memory_space<vmem>> -> memref<40xi32, #tpu.memory_space<vmem>>
      %dma_start3A_190 = arith.constant 0 : i32
      %dma_start3A_191 = arith.constant 0 : i32
      %dma_start3A_192 = tpu.memref_slice %arg6[%dma_start3A_190, %dma_start3A_191] : memref<10240x128xf32, #tpu.memory_space<vmem_shared>> -> memref<10240x128xf32, #tpu.memory_space<vmem_shared>>
      tpu.enqueue_indirect_dma source(%arg13 : memref<40x128xf32, #tpu.memory_space<vmem>>) target(%dma_start3A_192 : memref<10240x128xf32, #tpu.memory_space<vmem_shared>>) offsets(%dma_start3A_189 : memref<40xi32, #tpu.memory_space<vmem>>) semaphore(%arg23 : memref<!tpu.dma_semaphore, #tpu.memory_space<semaphore_mem>>) {add = true}
      %add3A_193 = arith.constant 5 : i32
      %add3A_194 = arith.addi %add3A_181, %add3A_193 : i32
      %sub3A_195 = arith.constant 1 : i32
      %sub3A_196 = arith.subi %add3A_194, %sub3A_195 : i32
      %ge3A_197 = arith.constant 1 : i32
      %ge3A_198 = arith.cmpi sge, %add3A_181, %ge3A_197 : i32
      %lt3A_199 = arith.constant 250 : i32
      %lt3A_200 = arith.cmpi slt, %sub3A_196, %lt3A_199 : i32
      %and3A_201 = arith.andi %ge3A_198, %lt3A_200 : i1
      %convert_element_type3A_202 = arith.extui %and3A_201 : i1 to i32
      %cond3A_203 = arith.constant 0 : i32
      %cond3A_204 = arith.cmpi ne, %convert_element_type3A_202, %cond3A_203 : i32
      scf.if %cond3A_204 {
        %dma_wait3A_205 = arith.constant 0 : i32
        %dma_wait3A_206 = tpu.memref_slice %arg8[%dma_wait3A_205] : memref<10000xi32, #tpu.memory_space<vmem>> -> memref<40xi32, #tpu.memory_space<vmem>>
        %dma_wait3A_207 = arith.constant 0 : i32
        %dma_wait3A_208 = arith.constant 0 : i32
        %dma_wait3A_209 = tpu.memref_slice %arg6[%dma_wait3A_207, %dma_wait3A_208] : memref<10240x128xf32, #tpu.memory_space<vmem_shared>> -> memref<10240x128xf32, #tpu.memory_space<vmem_shared>>
        tpu.wait_indirect_dma semaphore(%arg22 : memref<!tpu.dma_semaphore, #tpu.memory_space<semaphore_mem>>) src(%arg12 : memref<40x128xf32, #tpu.memory_space<vmem>>) dst(%dma_wait3A_209 : memref<10240x128xf32, #tpu.memory_space<vmem_shared>>)
        %mul3A_210 = arith.constant 40 : i32
        %mul3A_211 = arith.muli %sub3A_196, %mul3A_210 : i32
        %dma_start3A_212 = tpu.memref_slice %arg7[%mul3A_211] : memref<10000xi32, #tpu.memory_space<vmem>> -> memref<40xi32, #tpu.memory_space<vmem>>
        %dma_start3A_213 = arith.constant 0 : i32
        %dma_start3A_214 = arith.constant 0 : i32
        %dma_start3A_215 = tpu.memref_slice %arg2[%dma_start3A_213, %dma_start3A_214] : memref<10000x128xf32, #tpu.memory_space<hbm>> -> memref<10000x128xf32, #tpu.memory_space<hbm>>
        tpu.enqueue_indirect_dma source(%dma_start3A_215 : memref<10000x128xf32, #tpu.memory_space<hbm>>) target(%arg12 : memref<40x128xf32, #tpu.memory_space<vmem>>) offsets(%dma_start3A_212 : memref<40xi32, #tpu.memory_space<vmem>>) semaphore(%arg17 : memref<!tpu.dma_semaphore, #tpu.memory_space<semaphore_mem>>)
      } else {
      }
    }
    %scan3A_40 = arith.constant 50 : i32
    %dma_wait3A = arith.constant 0 : i32
    %dma_wait3A_41 = tpu.memref_slice %arg8[%dma_wait3A] : memref<10000xi32, #tpu.memory_space<vmem>> -> memref<40xi32, #tpu.memory_space<vmem>>
    %dma_wait3A_42 = arith.constant 0 : i32
    %dma_wait3A_43 = arith.constant 0 : i32
    %dma_wait3A_44 = tpu.memref_slice %arg6[%dma_wait3A_42, %dma_wait3A_43] : memref<10240x128xf32, #tpu.memory_space<vmem_shared>> -> memref<10240x128xf32, #tpu.memory_space<vmem_shared>>
    tpu.wait_indirect_dma semaphore(%arg19 : memref<!tpu.dma_semaphore, #tpu.memory_space<semaphore_mem>>) src(%arg9 : memref<40x128xf32, #tpu.memory_space<vmem>>) dst(%dma_wait3A_44 : memref<10240x128xf32, #tpu.memory_space<vmem_shared>>)
    %dma_wait3A_45 = arith.constant 0 : i32
    %dma_wait3A_46 = tpu.memref_slice %arg8[%dma_wait3A_45] : memref<10000xi32, #tpu.memory_space<vmem>> -> memref<40xi32, #tpu.memory_space<vmem>>
    %dma_wait3A_47 = arith.constant 0 : i32
    %dma_wait3A_48 = arith.constant 0 : i32
    %dma_wait3A_49 = tpu.memref_slice %arg6[%dma_wait3A_47, %dma_wait3A_48] : memref<10240x128xf32, #tpu.memory_space<vmem_shared>> -> memref<10240x128xf32, #tpu.memory_space<vmem_shared>>
    tpu.wait_indirect_dma semaphore(%arg20 : memref<!tpu.dma_semaphore, #tpu.memory_space<semaphore_mem>>) src(%arg10 : memref<40x128xf32, #tpu.memory_space<vmem>>) dst(%dma_wait3A_49 : memref<10240x128xf32, #tpu.memory_space<vmem_shared>>)
    %dma_wait3A_50 = arith.constant 0 : i32
    %dma_wait3A_51 = tpu.memref_slice %arg8[%dma_wait3A_50] : memref<10000xi32, #tpu.memory_space<vmem>> -> memref<40xi32, #tpu.memory_space<vmem>>
    %dma_wait3A_52 = arith.constant 0 : i32
    %dma_wait3A_53 = arith.constant 0 : i32
    %dma_wait3A_54 = tpu.memref_slice %arg6[%dma_wait3A_52, %dma_wait3A_53] : memref<10240x128xf32, #tpu.memory_space<vmem_shared>> -> memref<10240x128xf32, #tpu.memory_space<vmem_shared>>
    tpu.wait_indirect_dma semaphore(%arg21 : memref<!tpu.dma_semaphore, #tpu.memory_space<semaphore_mem>>) src(%arg11 : memref<40x128xf32, #tpu.memory_space<vmem>>) dst(%dma_wait3A_54 : memref<10240x128xf32, #tpu.memory_space<vmem_shared>>)
    %dma_wait3A_55 = arith.constant 0 : i32
    %dma_wait3A_56 = tpu.memref_slice %arg8[%dma_wait3A_55] : memref<10000xi32, #tpu.memory_space<vmem>> -> memref<40xi32, #tpu.memory_space<vmem>>
    %dma_wait3A_57 = arith.constant 0 : i32
    %dma_wait3A_58 = arith.constant 0 : i32
    %dma_wait3A_59 = tpu.memref_slice %arg6[%dma_wait3A_57, %dma_wait3A_58] : memref<10240x128xf32, #tpu.memory_space<vmem_shared>> -> memref<10240x128xf32, #tpu.memory_space<vmem_shared>>
    tpu.wait_indirect_dma semaphore(%arg22 : memref<!tpu.dma_semaphore, #tpu.memory_space<semaphore_mem>>) src(%arg12 : memref<40x128xf32, #tpu.memory_space<vmem>>) dst(%dma_wait3A_59 : memref<10240x128xf32, #tpu.memory_space<vmem_shared>>)
    %dma_wait3A_60 = arith.constant 0 : i32
    %dma_wait3A_61 = tpu.memref_slice %arg8[%dma_wait3A_60] : memref<10000xi32, #tpu.memory_space<vmem>> -> memref<40xi32, #tpu.memory_space<vmem>>
    %dma_wait3A_62 = arith.constant 0 : i32
    %dma_wait3A_63 = arith.constant 0 : i32
    %dma_wait3A_64 = tpu.memref_slice %arg6[%dma_wait3A_62, %dma_wait3A_63] : memref<10240x128xf32, #tpu.memory_space<vmem_shared>> -> memref<10240x128xf32, #tpu.memory_space<vmem_shared>>
    tpu.wait_indirect_dma semaphore(%arg23 : memref<!tpu.dma_semaphore, #tpu.memory_space<semaphore_mem>>) src(%arg13 : memref<40x128xf32, #tpu.memory_space<vmem>>) dst(%dma_wait3A_64 : memref<10240x128xf32, #tpu.memory_space<vmem_shared>>)
    %barrier3A_65 = arith.constant 0 : index
    tpu.barrier barrier_id(%barrier3A_65)
    %scan3A_66 = arith.constant 0 : i32
    %scan3A_67 = arith.constant 5 : i32
    %scan3A_68 = arith.addi %scan3A_66, %scan3A_67 : i32
    %scan3A_69 = arith.constant 1 : i32
    scf.for %scan3A_71 = %scan3A_66 to %scan3A_68 step %scan3A_69  : i32 {
      %mul3A_72 = arith.constant 1 : i32
      %mul3A_73 = arith.muli %scan3A_71, %mul3A_72 : i32
      %add3A_74 = arith.constant 0 : i32
      %add3A_75 = arith.addi %add3A_74, %mul3A_73 : i32
      %mul3A_76 = arith.constant 640 : i32
      %mul3A_77 = arith.muli %arg1, %mul3A_76 : i32
      %mul3A_78 = arith.constant 128 : i32
      %mul3A_79 = arith.muli %add3A_75, %mul3A_78 : i32
      %add3A_80 = arith.addi %mul3A_77, %mul3A_79 : i32
      %mul3A_81 = arith.constant 10240 : i32
      %mul3A_82 = arith.muli %arg0, %mul3A_81 : i32
      %add3A_83 = arith.addi %mul3A_82, %add3A_80 : i32
      "tpu.region"() ({
        %run_scoped3A = tpu.sem_alloc : memref<!tpu.dma_semaphore, #tpu.memory_space<semaphore_mem>>
        %dma_start3A_84 = arith.constant 0 : i32
        %dma_start3A_85 = tpu.memref_slice %arg5[%add3A_83, %dma_start3A_84] : memref<20480x128xf32, #tpu.memory_space<hbm>> -> memref<128x128xf32, #tpu.memory_space<hbm>>
        %dma_start3A_86 = arith.constant 0 : i32
        %dma_start3A_87 = tpu.memref_slice %arg6[%add3A_80, %dma_start3A_86] : memref<10240x128xf32, #tpu.memory_space<vmem_shared>> -> memref<128x128xf32, #tpu.memory_space<vmem_shared>>
        tpu.enqueue_dma source(%dma_start3A_87 : memref<128x128xf32, #tpu.memory_space<vmem_shared>>) target(%dma_start3A_85 : memref<128x128xf32, #tpu.memory_space<hbm>>) target_semaphore(%run_scoped3A : memref<!tpu.dma_semaphore, #tpu.memory_space<semaphore_mem>>)
        %dma_wait3A_88 = arith.constant 0 : i32
        %dma_wait3A_89 = tpu.memref_slice %arg5[%add3A_83, %dma_wait3A_88] : memref<20480x128xf32, #tpu.memory_space<hbm>> -> memref<128x128xf32, #tpu.memory_space<hbm>>
        %dma_wait3A_90 = arith.constant 0 : i32
        %dma_wait3A_91 = tpu.memref_slice %arg6[%add3A_80, %dma_wait3A_90] : memref<10240x128xf32, #tpu.memory_space<vmem_shared>> -> memref<128x128xf32, #tpu.memory_space<vmem_shared>>
        tpu.wait_dma2 semaphore(%run_scoped3A : memref<!tpu.dma_semaphore, #tpu.memory_space<semaphore_mem>>) src(%dma_wait3A_91 : memref<128x128xf32, #tpu.memory_space<vmem_shared>>) dst(%dma_wait3A_89 : memref<128x128xf32, #tpu.memory_space<hbm>>)
        tpu.yield
      }) : () -> ()
    }
    %scan3A_70 = arith.constant 5 : i32
    return
  }
}

#map = affine_map<(d0, d1) -> (0, 0)>
#map1 = affine_map<(d0, d1) -> (0)>
module attributes {stable_mosaic.version = 14 : i64} {
  func.func @segsum(%arg0: i32, %arg1: i32, %arg2: memref<10000x64xf32, #tpu.memory_space<hbm>>, %arg3: memref<320000xi32, #tpu.memory_space<hbm>>, %arg4: memref<320000xi32, #tpu.memory_space<hbm>>, %arg5: memref<20480x64xf32, #tpu.memory_space<hbm>>, %arg6: memref<10240x64xf32, #tpu.memory_space<vmem_shared>>, %arg7: memref<10000xi32, #tpu.memory_space<vmem>>, %arg8: memref<10000xi32, #tpu.memory_space<vmem>>, %arg9: memref<40x64xf32, #tpu.memory_space<vmem>>, %arg10: memref<40x64xf32, #tpu.memory_space<vmem>>, %arg11: memref<40x64xf32, #tpu.memory_space<vmem>>, %arg12: memref<40x64xf32, #tpu.memory_space<vmem>>, %arg13: memref<40x64xf32, #tpu.memory_space<vmem>>, %arg14: memref<!tpu.dma_semaphore, #tpu.memory_space<semaphore_mem>>, %arg15: memref<!tpu.dma_semaphore, #tpu.memory_space<semaphore_mem>>, %arg16: memref<!tpu.dma_semaphore, #tpu.memory_space<semaphore_mem>>, %arg17: memref<!tpu.dma_semaphore, #tpu.memory_space<semaphore_mem>>, %arg18: memref<!tpu.dma_semaphore, #tpu.memory_space<semaphore_mem>>, %arg19: memref<!tpu.dma_semaphore, #tpu.memory_space<semaphore_mem>>, %arg20: memref<!tpu.dma_semaphore, #tpu.memory_space<semaphore_mem>>, %arg21: memref<!tpu.dma_semaphore, #tpu.memory_space<semaphore_mem>>, %arg22: memref<!tpu.dma_semaphore, #tpu.memory_space<semaphore_mem>>, %arg23: memref<!tpu.dma_semaphore, #tpu.memory_space<semaphore_mem>>) attributes {dimension_semantics = [#tpu.dimension_semantics<core_parallel>, #tpu.dimension_semantics<subcore_parallel>], iteration_bounds = array<i64: 2, 16>, scalar_prefetch = 0 : i64, scratch_operands = 18 : i64, tpu.core_type = #tpu.core_type<sc_vector_subcore>, window_params = [{transform_indices = #map}, {transform_indices = #map1}, {transform_indices = #map1}, {transform_indices = #map}]} {
    %mul3A = arith.constant 2 : i32
    %mul3A_0 = arith.muli %arg1, %mul3A : i32
    %add3A = arith.addi %mul3A_0, %arg0 : i32
    %scan3A = arith.constant 0 : i32
    %scan3A_1 = arith.constant 160 : i32
    %scan3A_2 = arith.addi %scan3A, %scan3A_1 : i32
    %scan3A_3 = arith.constant 1 : i32
    scf.for %scan3A_71 = %scan3A to %scan3A_2 step %scan3A_3  : i32 {
      %mul3A_72 = arith.constant 1 : i32
      %mul3A_73 = arith.muli %scan3A_71, %mul3A_72 : i32
      %add3A_74 = arith.constant 0 : i32
      %add3A_75 = arith.addi %add3A_74, %mul3A_73 : i32
      %broadcast_in_dim3A = arith.constant 0.000000e+00 : f32
      %broadcast_in_dim3A_76 = vector.broadcast %broadcast_in_dim3A : f32 to vector<16xf32>
      %jit3A = arith.constant 4 : i32
      %div3A = arith.divsi %add3A_75, %jit3A : i32
      %sign3A = arith.constant 0 : i32
      %sign3A_77 = arith.cmpi sgt, %add3A_75, %sign3A : i32
      %sign3A_78 = arith.extui %sign3A_77 : i1 to i32
      %sign3A_79 = arith.constant 0 : i32
      %sign3A_80 = arith.cmpi slt, %add3A_75, %sign3A_79 : i32
      %sign3A_81 = arith.extui %sign3A_80 : i1 to i32
      %sign3A_82 = arith.subi %sign3A_78, %sign3A_81 : i32
      %sign3A_83 = arith.constant 0 : i32
      %sign3A_84 = arith.cmpi sgt, %jit3A, %sign3A_83 : i32
      %sign3A_85 = arith.extui %sign3A_84 : i1 to i32
      %sign3A_86 = arith.constant 0 : i32
      %sign3A_87 = arith.cmpi slt, %jit3A, %sign3A_86 : i32
      %sign3A_88 = arith.extui %sign3A_87 : i1 to i32
      %sign3A_89 = arith.subi %sign3A_85, %sign3A_88 : i32
      %ne3A = arith.cmpi ne, %sign3A_82, %sign3A_89 : i32
      %rem3A = arith.remsi %add3A_75, %jit3A : i32
      %ne3A_90 = arith.constant 0 : i32
      %ne3A_91 = arith.cmpi ne, %rem3A, %ne3A_90 : i32
      %and3A = arith.andi %ne3A, %ne3A_91 : i1
      %sub3A = arith.constant 1 : i32
      %sub3A_92 = arith.subi %div3A, %sub3A : i32
      %select_n3A = arith.select %and3A, %sub3A_92, %div3A : i32
      %jit3A_93 = arith.constant 4 : i32
      %eq3A = arith.constant 0 : i32
      %eq3A_94 = arith.cmpi eq, %jit3A_93, %eq3A : i32
      %jit3A_95 = arith.constant 1 : i32
      %select_n3A_96 = arith.select %eq3A_94, %jit3A_95, %jit3A_93 : i32
      %rem3A_97 = arith.remsi %add3A_75, %select_n3A_96 : i32
      %ne3A_98 = arith.constant 0 : i32
      %ne3A_99 = arith.cmpi ne, %rem3A_97, %ne3A_98 : i32
      %lt3A = arith.constant 0 : i32
      %lt3A_100 = arith.cmpi slt, %rem3A_97, %lt3A : i32
      %lt3A_101 = arith.constant 0 : i32
      %lt3A_102 = arith.cmpi slt, %select_n3A_96, %lt3A_101 : i32
      %ne3A_103 = arith.xori %lt3A_100, %lt3A_102 : i1
      %and3A_104 = arith.andi %ne3A_103, %ne3A_99 : i1
      %add3A_105 = arith.addi %rem3A_97, %select_n3A_96 : i32
      %select_n3A_106 = arith.select %and3A_104, %add3A_105, %rem3A_97 : i32
      %mul3A_107 = arith.constant 16 : i32
      %mul3A_108 = arith.muli %select_n3A_106, %mul3A_107 : i32
      %swap3A = arith.index_cast %select_n3A : i32 to index
      %swap3A_109 = arith.index_cast %mul3A_108 : i32 to index
      %swap3A_110 = tpu.vector_load %arg9[%swap3A, %swap3A_109] {strides = array<i32>} : memref<40x64xf32, #tpu.memory_space<vmem>>, vector<1x16xf32>,
      %swap3A_111 = vector.shape_cast %swap3A_110 : vector<1x16xf32> to vector<16xf32>
      %swap3A_112 = vector.shape_cast %broadcast_in_dim3A_76 : vector<16xf32> to vector<1x16xf32>
      tpu.vector_store %arg9[%swap3A, %swap3A_109], %swap3A_112 {strides = array<i32>} : memref<40x64xf32, #tpu.memory_space<vmem>>, vector<1x16xf32>,
    }
    %scan3A_4 = arith.constant 160 : i32
    %scan3A_5 = arith.constant 0 : i32
    %scan3A_6 = arith.constant 16 : i32
    %scan3A_7 = arith.addi %scan3A_5, %scan3A_6 : i32
    %scan3A_8 = arith.constant 1 : i32
    scf.for %scan3A_71 = %scan3A_5 to %scan3A_7 step %scan3A_8  : i32 {
      %mul3A_72 = arith.constant 1 : i32
      %mul3A_73 = arith.muli %scan3A_71, %mul3A_72 : i32
      %add3A_74 = arith.constant 0 : i32
      %add3A_75 = arith.addi %add3A_74, %mul3A_73 : i32
      %mul3A_76 = arith.constant 640 : i32
      %mul3A_77 = arith.muli %arg1, %mul3A_76 : i32
      %mul3A_78 = arith.constant 40 : i32
      %mul3A_79 = arith.muli %add3A_75, %mul3A_78 : i32
      %add3A_80 = arith.addi %mul3A_77, %mul3A_79 : i32
      "tpu.region"() ({
        %run_scoped3A = tpu.sem_alloc : memref<!tpu.dma_semaphore, #tpu.memory_space<semaphore_mem>>
        %dma_start3A_81 = arith.constant 0 : i32
        %dma_start3A_82 = tpu.memref_slice %arg6[%add3A_80, %dma_start3A_81] : memref<10240x64xf32, #tpu.memory_space<vmem_shared>> -> memref<40x64xf32, #tpu.memory_space<vmem_shared>>
        %dma_start3A_83 = arith.constant 0 : i32
        %dma_start3A_84 = tpu.memref_slice %arg6[%add3A_80, %dma_start3A_83] : memref<10240x64xf32, #tpu.memory_space<vmem_shared>> -> memref<40x64xf32, #tpu.memory_space<vmem_shared>>
        tpu.enqueue_dma source(%arg9 : memref<40x64xf32, #tpu.memory_space<vmem>>) target(%dma_start3A_84 : memref<40x64xf32, #tpu.memory_space<vmem_shared>>) target_semaphore(%run_scoped3A : memref<!tpu.dma_semaphore, #tpu.memory_space<semaphore_mem>>)
        %dma_wait3A_85 = arith.constant 0 : i32
        %dma_wait3A_86 = tpu.memref_slice %arg6[%add3A_80, %dma_wait3A_85] : memref<10240x64xf32, #tpu.memory_space<vmem_shared>> -> memref<40x64xf32, #tpu.memory_space<vmem_shared>>
        %dma_wait3A_87 = arith.constant 0 : i32
        %dma_wait3A_88 = tpu.memref_slice %arg6[%add3A_80, %dma_wait3A_87] : memref<10240x64xf32, #tpu.memory_space<vmem_shared>> -> memref<40x64xf32, #tpu.memory_space<vmem_shared>>
        tpu.wait_dma2 semaphore(%run_scoped3A : memref<!tpu.dma_semaphore, #tpu.memory_space<semaphore_mem>>) src(%arg9 : memref<40x64xf32, #tpu.memory_space<vmem>>) dst(%dma_wait3A_88 : memref<40x64xf32, #tpu.memory_space<vmem_shared>>)
        tpu.yield
      }) : () -> ()
    }
    %scan3A_9 = arith.constant 16 : i32
    %mul3A_10 = arith.constant 10000 : i32
    %mul3A_11 = arith.muli %add3A, %mul3A_10 : i32
    "tpu.region"() ({
      %run_scoped3A = tpu.sem_alloc : memref<!tpu.dma_semaphore, #tpu.memory_space<semaphore_mem>>
      %dma_start3A_71 = tpu.memref_slice %arg3[%mul3A_11] : memref<320000xi32, #tpu.memory_space<hbm>> -> memref<10000xi32, #tpu.memory_space<hbm>>
      %dma_start3A_72 = tpu.memref_slice %arg3[%mul3A_11] : memref<320000xi32, #tpu.memory_space<hbm>> -> memref<10000xi32, #tpu.memory_space<hbm>>
      tpu.enqueue_dma source(%dma_start3A_72 : memref<10000xi32, #tpu.memory_space<hbm>>) target(%arg7 : memref<10000xi32, #tpu.memory_space<vmem>>) target_semaphore(%run_scoped3A : memref<!tpu.dma_semaphore, #tpu.memory_space<semaphore_mem>>)
      %dma_wait3A_73 = tpu.memref_slice %arg3[%mul3A_11] : memref<320000xi32, #tpu.memory_space<hbm>> -> memref<10000xi32, #tpu.memory_space<hbm>>
      %dma_wait3A_74 = tpu.memref_slice %arg3[%mul3A_11] : memref<320000xi32, #tpu.memory_space<hbm>> -> memref<10000xi32, #tpu.memory_space<hbm>>
      tpu.wait_dma2 semaphore(%run_scoped3A : memref<!tpu.dma_semaphore, #tpu.memory_space<semaphore_mem>>) src(%dma_wait3A_74 : memref<10000xi32, #tpu.memory_space<hbm>>) dst(%arg7 : memref<10000xi32, #tpu.memory_space<vmem>>)
      tpu.yield
    }) : () -> ()
    "tpu.region"() ({
      %run_scoped3A = tpu.sem_alloc : memref<!tpu.dma_semaphore, #tpu.memory_space<semaphore_mem>>
      %dma_start3A_71 = tpu.memref_slice %arg4[%mul3A_11] : memref<320000xi32, #tpu.memory_space<hbm>> -> memref<10000xi32, #tpu.memory_space<hbm>>
      %dma_start3A_72 = tpu.memref_slice %arg4[%mul3A_11] : memref<320000xi32, #tpu.memory_space<hbm>> -> memref<10000xi32, #tpu.memory_space<hbm>>
      tpu.enqueue_dma source(%dma_start3A_72 : memref<10000xi32, #tpu.memory_space<hbm>>) target(%arg8 : memref<10000xi32, #tpu.memory_space<vmem>>) target_semaphore(%run_scoped3A : memref<!tpu.dma_semaphore, #tpu.memory_space<semaphore_mem>>)
      %dma_wait3A_73 = tpu.memref_slice %arg4[%mul3A_11] : memref<320000xi32, #tpu.memory_space<hbm>> -> memref<10000xi32, #tpu.memory_space<hbm>>
      %dma_wait3A_74 = tpu.memref_slice %arg4[%mul3A_11] : memref<320000xi32, #tpu.memory_space<hbm>> -> memref<10000xi32, #tpu.memory_space<hbm>>
      tpu.wait_dma2 semaphore(%run_scoped3A : memref<!tpu.dma_semaphore, #tpu.memory_space<semaphore_mem>>) src(%dma_wait3A_74 : memref<10000xi32, #tpu.memory_space<hbm>>) dst(%arg8 : memref<10000xi32, #tpu.memory_space<vmem>>)
      tpu.yield
    }) : () -> ()
    %barrier3A = arith.constant 0 : index
    tpu.barrier barrier_id(%barrier3A)
    %dma_start3A = arith.constant 0 : i32
    %dma_start3A_12 = tpu.memref_slice %arg7[%dma_start3A] : memref<10000xi32, #tpu.memory_space<vmem>> -> memref<40xi32, #tpu.memory_space<vmem>>
    %dma_start3A_13 = arith.constant 0 : i32
    %dma_start3A_14 = arith.constant 0 : i32
    %dma_start3A_15 = tpu.memref_slice %arg2[%dma_start3A_13, %dma_start3A_14] : memref<10000x64xf32, #tpu.memory_space<hbm>> -> memref<10000x64xf32, #tpu.memory_space<hbm>>
    tpu.enqueue_indirect_dma source(%dma_start3A_15 : memref<10000x64xf32, #tpu.memory_space<hbm>>) target(%arg9 : memref<40x64xf32, #tpu.memory_space<vmem>>) offsets(%dma_start3A_12 : memref<40xi32, #tpu.memory_space<vmem>>) semaphore(%arg14 : memref<!tpu.dma_semaphore, #tpu.memory_space<semaphore_mem>>)
    %dma_start3A_16 = arith.constant 40 : i32
    %dma_start3A_17 = tpu.memref_slice %arg7[%dma_start3A_16] : memref<10000xi32, #tpu.memory_space<vmem>> -> memref<40xi32, #tpu.memory_space<vmem>>
    %dma_start3A_18 = arith.constant 0 : i32
    %dma_start3A_19 = arith.constant 0 : i32
    %dma_start3A_20 = tpu.memref_slice %arg2[%dma_start3A_18, %dma_start3A_19] : memref<10000x64xf32, #tpu.memory_space<hbm>> -> memref<10000x64xf32, #tpu.memory_space<hbm>>
    tpu.enqueue_indirect_dma source(%dma_start3A_20 : memref<10000x64xf32, #tpu.memory_space<hbm>>) target(%arg10 : memref<40x64xf32, #tpu.memory_space<vmem>>) offsets(%dma_start3A_17 : memref<40xi32, #tpu.memory_space<vmem>>) semaphore(%arg15 : memref<!tpu.dma_semaphore, #tpu.memory_space<semaphore_mem>>)
    %dma_start3A_21 = arith.constant 80 : i32
    %dma_start3A_22 = tpu.memref_slice %arg7[%dma_start3A_21] : memref<10000xi32, #tpu.memory_space<vmem>> -> memref<40xi32, #tpu.memory_space<vmem>>
    %dma_start3A_23 = arith.constant 0 : i32
    %dma_start3A_24 = arith.constant 0 : i32
    %dma_start3A_25 = tpu.memref_slice %arg2[%dma_start3A_23, %dma_start3A_24] : memref<10000x64xf32, #tpu.memory_space<hbm>> -> memref<10000x64xf32, #tpu.memory_space<hbm>>
    tpu.enqueue_indirect_dma source(%dma_start3A_25 : memref<10000x64xf32, #tpu.memory_space<hbm>>) target(%arg11 : memref<40x64xf32, #tpu.memory_space<vmem>>) offsets(%dma_start3A_22 : memref<40xi32, #tpu.memory_space<vmem>>) semaphore(%arg16 : memref<!tpu.dma_semaphore, #tpu.memory_space<semaphore_mem>>)
    %dma_start3A_26 = arith.constant 120 : i32
    %dma_start3A_27 = tpu.memref_slice %arg7[%dma_start3A_26] : memref<10000xi32, #tpu.memory_space<vmem>> -> memref<40xi32, #tpu.memory_space<vmem>>
    %dma_start3A_28 = arith.constant 0 : i32
    %dma_start3A_29 = arith.constant 0 : i32
    %dma_start3A_30 = tpu.memref_slice %arg2[%dma_start3A_28, %dma_start3A_29] : memref<10000x64xf32, #tpu.memory_space<hbm>> -> memref<10000x64xf32, #tpu.memory_space<hbm>>
    tpu.enqueue_indirect_dma source(%dma_start3A_30 : memref<10000x64xf32, #tpu.memory_space<hbm>>) target(%arg12 : memref<40x64xf32, #tpu.memory_space<vmem>>) offsets(%dma_start3A_27 : memref<40xi32, #tpu.memory_space<vmem>>) semaphore(%arg17 : memref<!tpu.dma_semaphore, #tpu.memory_space<semaphore_mem>>)
    %dma_start3A_31 = arith.constant 160 : i32
    %dma_start3A_32 = tpu.memref_slice %arg7[%dma_start3A_31] : memref<10000xi32, #tpu.memory_space<vmem>> -> memref<40xi32, #tpu.memory_space<vmem>>
    %dma_start3A_33 = arith.constant 0 : i32
    %dma_start3A_34 = arith.constant 0 : i32
    %dma_start3A_35 = tpu.memref_slice %arg2[%dma_start3A_33, %dma_start3A_34] : memref<10000x64xf32, #tpu.memory_space<hbm>> -> memref<10000x64xf32, #tpu.memory_space<hbm>>
    tpu.enqueue_indirect_dma source(%dma_start3A_35 : memref<10000x64xf32, #tpu.memory_space<hbm>>) target(%arg13 : memref<40x64xf32, #tpu.memory_space<vmem>>) offsets(%dma_start3A_32 : memref<40xi32, #tpu.memory_space<vmem>>) semaphore(%arg18 : memref<!tpu.dma_semaphore, #tpu.memory_space<semaphore_mem>>)
    %scan3A_36 = arith.constant 0 : i32
    %scan3A_37 = arith.constant 50 : i32
    %scan3A_38 = arith.addi %scan3A_36, %scan3A_37 : i32
    %scan3A_39 = arith.constant 1 : i32
    scf.for %scan3A_71 = %scan3A_36 to %scan3A_38 step %scan3A_39  : i32 {
      %mul3A_72 = arith.constant 1 : i32
      %mul3A_73 = arith.muli %scan3A_71, %mul3A_72 : i32
      %add3A_74 = arith.constant 0 : i32
      %add3A_75 = arith.addi %add3A_74, %mul3A_73 : i32
      %mul3A_76 = arith.constant 5 : i32
      %mul3A_77 = arith.muli %add3A_75, %mul3A_76 : i32
      %add3A_78 = arith.constant 0 : i32
      %add3A_79 = arith.addi %mul3A_77, %add3A_78 : i32
      %dma_wait3A_80 = arith.constant 0 : i32
      %dma_wait3A_81 = tpu.memref_slice %arg7[%dma_wait3A_80] : memref<10000xi32, #tpu.memory_space<vmem>> -> memref<40xi32, #tpu.memory_space<vmem>>
      %dma_wait3A_82 = arith.constant 0 : i32
      %dma_wait3A_83 = arith.constant 0 : i32
      %dma_wait3A_84 = tpu.memref_slice %arg2[%dma_wait3A_82, %dma_wait3A_83] : memref<10000x64xf32, #tpu.memory_space<hbm>> -> memref<10000x64xf32, #tpu.memory_space<hbm>>
      tpu.wait_indirect_dma semaphore(%arg14 : memref<!tpu.dma_semaphore, #tpu.memory_space<semaphore_mem>>) src(%dma_wait3A_84 : memref<10000x64xf32, #tpu.memory_space<hbm>>) dst(%arg9 : memref<40x64xf32, #tpu.memory_space<vmem>>)
      %mul3A_85 = arith.constant 40 : i32
      %mul3A_86 = arith.muli %add3A_79, %mul3A_85 : i32
      %dma_start3A_87 = tpu.memref_slice %arg8[%mul3A_86] : memref<10000xi32, #tpu.memory_space<vmem>> -> memref<40xi32, #tpu.memory_space<vmem>>
      %dma_start3A_88 = arith.constant 0 : i32
      %dma_start3A_89 = arith.constant 0 : i32
      %dma_start3A_90 = tpu.memref_slice %arg6[%dma_start3A_88, %dma_start3A_89] : memref<10240x64xf32, #tpu.memory_space<vmem_shared>> -> memref<10240x64xf32, #tpu.memory_space<vmem_shared>>
      tpu.enqueue_indirect_dma source(%arg9 : memref<40x64xf32, #tpu.memory_space<vmem>>) target(%dma_start3A_90 : memref<10240x64xf32, #tpu.memory_space<vmem_shared>>) offsets(%dma_start3A_87 : memref<40xi32, #tpu.memory_space<vmem>>) semaphore(%arg19 : memref<!tpu.dma_semaphore, #tpu.memory_space<semaphore_mem>>) {add = true}
      %add3A_91 = arith.constant 5 : i32
      %add3A_92 = arith.addi %add3A_79, %add3A_91 : i32
      %sub3A = arith.constant 1 : i32
      %sub3A_93 = arith.subi %add3A_92, %sub3A : i32
      %ge3A = arith.constant 1 : i32
      %ge3A_94 = arith.cmpi sge, %add3A_79, %ge3A : i32
      %lt3A = arith.constant 250 : i32
      %lt3A_95 = arith.cmpi slt, %sub3A_93, %lt3A : i32
      %and3A = arith.andi %ge3A_94, %lt3A_95 : i1
      %convert_element_type3A = arith.extui %and3A : i1 to i32
      %cond3A = arith.constant 0 : i32
      %cond3A_96 = arith.cmpi ne, %convert_element_type3A, %cond3A : i32
      scf.if %cond3A_96 {
        %dma_wait3A_205 = arith.constant 0 : i32
        %dma_wait3A_206 = tpu.memref_slice %arg8[%dma_wait3A_205] : memref<10000xi32, #tpu.memory_space<vmem>> -> memref<40xi32, #tpu.memory_space<vmem>>
        %dma_wait3A_207 = arith.constant 0 : i32
        %dma_wait3A_208 = arith.constant 0 : i32
        %dma_wait3A_209 = tpu.memref_slice %arg6[%dma_wait3A_207, %dma_wait3A_208] : memref<10240x64xf32, #tpu.memory_space<vmem_shared>> -> memref<10240x64xf32, #tpu.memory_space<vmem_shared>>
        tpu.wait_indirect_dma semaphore(%arg23 : memref<!tpu.dma_semaphore, #tpu.memory_space<semaphore_mem>>) src(%arg13 : memref<40x64xf32, #tpu.memory_space<vmem>>) dst(%dma_wait3A_209 : memref<10240x64xf32, #tpu.memory_space<vmem_shared>>)
        %mul3A_210 = arith.constant 40 : i32
        %mul3A_211 = arith.muli %sub3A_93, %mul3A_210 : i32
        %dma_start3A_212 = tpu.memref_slice %arg7[%mul3A_211] : memref<10000xi32, #tpu.memory_space<vmem>> -> memref<40xi32, #tpu.memory_space<vmem>>
        %dma_start3A_213 = arith.constant 0 : i32
        %dma_start3A_214 = arith.constant 0 : i32
        %dma_start3A_215 = tpu.memref_slice %arg2[%dma_start3A_213, %dma_start3A_214] : memref<10000x64xf32, #tpu.memory_space<hbm>> -> memref<10000x64xf32, #tpu.memory_space<hbm>>
        tpu.enqueue_indirect_dma source(%dma_start3A_215 : memref<10000x64xf32, #tpu.memory_space<hbm>>) target(%arg13 : memref<40x64xf32, #tpu.memory_space<vmem>>) offsets(%dma_start3A_212 : memref<40xi32, #tpu.memory_space<vmem>>) semaphore(%arg18 : memref<!tpu.dma_semaphore, #tpu.memory_space<semaphore_mem>>)
      } else {
      }
      %mul3A_97 = arith.constant 5 : i32
      %mul3A_98 = arith.muli %add3A_75, %mul3A_97 : i32
      %add3A_99 = arith.constant 1 : i32
      %add3A_100 = arith.addi %mul3A_98, %add3A_99 : i32
      %dma_wait3A_101 = arith.constant 0 : i32
      %dma_wait3A_102 = tpu.memref_slice %arg7[%dma_wait3A_101] : memref<10000xi32, #tpu.memory_space<vmem>> -> memref<40xi32, #tpu.memory_space<vmem>>
      %dma_wait3A_103 = arith.constant 0 : i32
      %dma_wait3A_104 = arith.constant 0 : i32
      %dma_wait3A_105 = tpu.memref_slice %arg2[%dma_wait3A_103, %dma_wait3A_104] : memref<10000x64xf32, #tpu.memory_space<hbm>> -> memref<10000x64xf32, #tpu.memory_space<hbm>>
      tpu.wait_indirect_dma semaphore(%arg15 : memref<!tpu.dma_semaphore, #tpu.memory_space<semaphore_mem>>) src(%dma_wait3A_105 : memref<10000x64xf32, #tpu.memory_space<hbm>>) dst(%arg10 : memref<40x64xf32, #tpu.memory_space<vmem>>)
      %mul3A_106 = arith.constant 40 : i32
      %mul3A_107 = arith.muli %add3A_100, %mul3A_106 : i32
      %dma_start3A_108 = tpu.memref_slice %arg8[%mul3A_107] : memref<10000xi32, #tpu.memory_space<vmem>> -> memref<40xi32, #tpu.memory_space<vmem>>
      %dma_start3A_109 = arith.constant 0 : i32
      %dma_start3A_110 = arith.constant 0 : i32
      %dma_start3A_111 = tpu.memref_slice %arg6[%dma_start3A_109, %dma_start3A_110] : memref<10240x64xf32, #tpu.memory_space<vmem_shared>> -> memref<10240x64xf32, #tpu.memory_space<vmem_shared>>
      tpu.enqueue_indirect_dma source(%arg10 : memref<40x64xf32, #tpu.memory_space<vmem>>) target(%dma_start3A_111 : memref<10240x64xf32, #tpu.memory_space<vmem_shared>>) offsets(%dma_start3A_108 : memref<40xi32, #tpu.memory_space<vmem>>) semaphore(%arg20 : memref<!tpu.dma_semaphore, #tpu.memory_space<semaphore_mem>>) {add = true}
      %add3A_112 = arith.constant 5 : i32
      %add3A_113 = arith.addi %add3A_100, %add3A_112 : i32
      %sub3A_114 = arith.constant 1 : i32
      %sub3A_115 = arith.subi %add3A_113, %sub3A_114 : i32
      %ge3A_116 = arith.constant 1 : i32
      %ge3A_117 = arith.cmpi sge, %add3A_100, %ge3A_116 : i32
      %lt3A_118 = arith.constant 250 : i32
      %lt3A_119 = arith.cmpi slt, %sub3A_115, %lt3A_118 : i32
      %and3A_120 = arith.andi %ge3A_117, %lt3A_119 : i1
      %convert_element_type3A_121 = arith.extui %and3A_120 : i1 to i32
      %cond3A_122 = arith.constant 0 : i32
      %cond3A_123 = arith.cmpi ne, %convert_element_type3A_121, %cond3A_122 : i32
      scf.if %cond3A_123 {
        %dma_wait3A_205 = arith.constant 0 : i32
        %dma_wait3A_206 = tpu.memref_slice %arg8[%dma_wait3A_205] : memref<10000xi32, #tpu.memory_space<vmem>> -> memref<40xi32, #tpu.memory_space<vmem>>
        %dma_wait3A_207 = arith.constant 0 : i32
        %dma_wait3A_208 = arith.constant 0 : i32
        %dma_wait3A_209 = tpu.memref_slice %arg6[%dma_wait3A_207, %dma_wait3A_208] : memref<10240x64xf32, #tpu.memory_space<vmem_shared>> -> memref<10240x64xf32, #tpu.memory_space<vmem_shared>>
        tpu.wait_indirect_dma semaphore(%arg19 : memref<!tpu.dma_semaphore, #tpu.memory_space<semaphore_mem>>) src(%arg9 : memref<40x64xf32, #tpu.memory_space<vmem>>) dst(%dma_wait3A_209 : memref<10240x64xf32, #tpu.memory_space<vmem_shared>>)
        %mul3A_210 = arith.constant 40 : i32
        %mul3A_211 = arith.muli %sub3A_115, %mul3A_210 : i32
        %dma_start3A_212 = tpu.memref_slice %arg7[%mul3A_211] : memref<10000xi32, #tpu.memory_space<vmem>> -> memref<40xi32, #tpu.memory_space<vmem>>
        %dma_start3A_213 = arith.constant 0 : i32
        %dma_start3A_214 = arith.constant 0 : i32
        %dma_start3A_215 = tpu.memref_slice %arg2[%dma_start3A_213, %dma_start3A_214] : memref<10000x64xf32, #tpu.memory_space<hbm>> -> memref<10000x64xf32, #tpu.memory_space<hbm>>
        tpu.enqueue_indirect_dma source(%dma_start3A_215 : memref<10000x64xf32, #tpu.memory_space<hbm>>) target(%arg9 : memref<40x64xf32, #tpu.memory_space<vmem>>) offsets(%dma_start3A_212 : memref<40xi32, #tpu.memory_space<vmem>>) semaphore(%arg14 : memref<!tpu.dma_semaphore, #tpu.memory_space<semaphore_mem>>)
      } else {
      }
      %mul3A_124 = arith.constant 5 : i32
      %mul3A_125 = arith.muli %add3A_75, %mul3A_124 : i32
      %add3A_126 = arith.constant 2 : i32
      %add3A_127 = arith.addi %mul3A_125, %add3A_126 : i32
      %dma_wait3A_128 = arith.constant 0 : i32
      %dma_wait3A_129 = tpu.memref_slice %arg7[%dma_wait3A_128] : memref<10000xi32, #tpu.memory_space<vmem>> -> memref<40xi32, #tpu.memory_space<vmem>>
      %dma_wait3A_130 = arith.constant 0 : i32
      %dma_wait3A_131 = arith.constant 0 : i32
      %dma_wait3A_132 = tpu.memref_slice %arg2[%dma_wait3A_130, %dma_wait3A_131] : memref<10000x64xf32, #tpu.memory_space<hbm>> -> memref<10000x64xf32, #tpu.memory_space<hbm>>
      tpu.wait_indirect_dma semaphore(%arg16 : memref<!tpu.dma_semaphore, #tpu.memory_space<semaphore_mem>>) src(%dma_wait3A_132 : memref<10000x64xf32, #tpu.memory_space<hbm>>) dst(%arg11 : memref<40x64xf32, #tpu.memory_space<vmem>>)
      %mul3A_133 = arith.constant 40 : i32
      %mul3A_134 = arith.muli %add3A_127, %mul3A_133 : i32
      %dma_start3A_135 = tpu.memref_slice %arg8[%mul3A_134] : memref<10000xi32, #tpu.memory_space<vmem>> -> memref<40xi32, #tpu.memory_space<vmem>>
      %dma_start3A_136 = arith.constant 0 : i32
      %dma_start3A_137 = arith.constant 0 : i32
      %dma_start3A_138 = tpu.memref_slice %arg6[%dma_start3A_136, %dma_start3A_137] : memref<10240x64xf32, #tpu.memory_space<vmem_shared>> -> memref<10240x64xf32, #tpu.memory_space<vmem_shared>>
      tpu.enqueue_indirect_dma source(%arg11 : memref<40x64xf32, #tpu.memory_space<vmem>>) target(%dma_start3A_138 : memref<10240x64xf32, #tpu.memory_space<vmem_shared>>) offsets(%dma_start3A_135 : memref<40xi32, #tpu.memory_space<vmem>>) semaphore(%arg21 : memref<!tpu.dma_semaphore, #tpu.memory_space<semaphore_mem>>) {add = true}
      %add3A_139 = arith.constant 5 : i32
      %add3A_140 = arith.addi %add3A_127, %add3A_139 : i32
      %sub3A_141 = arith.constant 1 : i32
      %sub3A_142 = arith.subi %add3A_140, %sub3A_141 : i32
      %ge3A_143 = arith.constant 1 : i32
      %ge3A_144 = arith.cmpi sge, %add3A_127, %ge3A_143 : i32
      %lt3A_145 = arith.constant 250 : i32
      %lt3A_146 = arith.cmpi slt, %sub3A_142, %lt3A_145 : i32
      %and3A_147 = arith.andi %ge3A_144, %lt3A_146 : i1
      %convert_element_type3A_148 = arith.extui %and3A_147 : i1 to i32
      %cond3A_149 = arith.constant 0 : i32
      %cond3A_150 = arith.cmpi ne, %convert_element_type3A_148, %cond3A_149 : i32
      scf.if %cond3A_150 {
        %dma_wait3A_205 = arith.constant 0 : i32
        %dma_wait3A_206 = tpu.memref_slice %arg8[%dma_wait3A_205] : memref<10000xi32, #tpu.memory_space<vmem>> -> memref<40xi32, #tpu.memory_space<vmem>>
        %dma_wait3A_207 = arith.constant 0 : i32
        %dma_wait3A_208 = arith.constant 0 : i32
        %dma_wait3A_209 = tpu.memref_slice %arg6[%dma_wait3A_207, %dma_wait3A_208] : memref<10240x64xf32, #tpu.memory_space<vmem_shared>> -> memref<10240x64xf32, #tpu.memory_space<vmem_shared>>
        tpu.wait_indirect_dma semaphore(%arg20 : memref<!tpu.dma_semaphore, #tpu.memory_space<semaphore_mem>>) src(%arg10 : memref<40x64xf32, #tpu.memory_space<vmem>>) dst(%dma_wait3A_209 : memref<10240x64xf32, #tpu.memory_space<vmem_shared>>)
        %mul3A_210 = arith.constant 40 : i32
        %mul3A_211 = arith.muli %sub3A_142, %mul3A_210 : i32
        %dma_start3A_212 = tpu.memref_slice %arg7[%mul3A_211] : memref<10000xi32, #tpu.memory_space<vmem>> -> memref<40xi32, #tpu.memory_space<vmem>>
        %dma_start3A_213 = arith.constant 0 : i32
        %dma_start3A_214 = arith.constant 0 : i32
        %dma_start3A_215 = tpu.memref_slice %arg2[%dma_start3A_213, %dma_start3A_214] : memref<10000x64xf32, #tpu.memory_space<hbm>> -> memref<10000x64xf32, #tpu.memory_space<hbm>>
        tpu.enqueue_indirect_dma source(%dma_start3A_215 : memref<10000x64xf32, #tpu.memory_space<hbm>>) target(%arg10 : memref<40x64xf32, #tpu.memory_space<vmem>>) offsets(%dma_start3A_212 : memref<40xi32, #tpu.memory_space<vmem>>) semaphore(%arg15 : memref<!tpu.dma_semaphore, #tpu.memory_space<semaphore_mem>>)
      } else {
      }
      %mul3A_151 = arith.constant 5 : i32
      %mul3A_152 = arith.muli %add3A_75, %mul3A_151 : i32
      %add3A_153 = arith.constant 3 : i32
      %add3A_154 = arith.addi %mul3A_152, %add3A_153 : i32
      %dma_wait3A_155 = arith.constant 0 : i32
      %dma_wait3A_156 = tpu.memref_slice %arg7[%dma_wait3A_155] : memref<10000xi32, #tpu.memory_space<vmem>> -> memref<40xi32, #tpu.memory_space<vmem>>
      %dma_wait3A_157 = arith.constant 0 : i32
      %dma_wait3A_158 = arith.constant 0 : i32
      %dma_wait3A_159 = tpu.memref_slice %arg2[%dma_wait3A_157, %dma_wait3A_158] : memref<10000x64xf32, #tpu.memory_space<hbm>> -> memref<10000x64xf32, #tpu.memory_space<hbm>>
      tpu.wait_indirect_dma semaphore(%arg17 : memref<!tpu.dma_semaphore, #tpu.memory_space<semaphore_mem>>) src(%dma_wait3A_159 : memref<10000x64xf32, #tpu.memory_space<hbm>>) dst(%arg12 : memref<40x64xf32, #tpu.memory_space<vmem>>)
      %mul3A_160 = arith.constant 40 : i32
      %mul3A_161 = arith.muli %add3A_154, %mul3A_160 : i32
      %dma_start3A_162 = tpu.memref_slice %arg8[%mul3A_161] : memref<10000xi32, #tpu.memory_space<vmem>> -> memref<40xi32, #tpu.memory_space<vmem>>
      %dma_start3A_163 = arith.constant 0 : i32
      %dma_start3A_164 = arith.constant 0 : i32
      %dma_start3A_165 = tpu.memref_slice %arg6[%dma_start3A_163, %dma_start3A_164] : memref<10240x64xf32, #tpu.memory_space<vmem_shared>> -> memref<10240x64xf32, #tpu.memory_space<vmem_shared>>
      tpu.enqueue_indirect_dma source(%arg12 : memref<40x64xf32, #tpu.memory_space<vmem>>) target(%dma_start3A_165 : memref<10240x64xf32, #tpu.memory_space<vmem_shared>>) offsets(%dma_start3A_162 : memref<40xi32, #tpu.memory_space<vmem>>) semaphore(%arg22 : memref<!tpu.dma_semaphore, #tpu.memory_space<semaphore_mem>>) {add = true}
      %add3A_166 = arith.constant 5 : i32
      %add3A_167 = arith.addi %add3A_154, %add3A_166 : i32
      %sub3A_168 = arith.constant 1 : i32
      %sub3A_169 = arith.subi %add3A_167, %sub3A_168 : i32
      %ge3A_170 = arith.constant 1 : i32
      %ge3A_171 = arith.cmpi sge, %add3A_154, %ge3A_170 : i32
      %lt3A_172 = arith.constant 250 : i32
      %lt3A_173 = arith.cmpi slt, %sub3A_169, %lt3A_172 : i32
      %and3A_174 = arith.andi %ge3A_171, %lt3A_173 : i1
      %convert_element_type3A_175 = arith.extui %and3A_174 : i1 to i32
      %cond3A_176 = arith.constant 0 : i32
      %cond3A_177 = arith.cmpi ne, %convert_element_type3A_175, %cond3A_176 : i32
      scf.if %cond3A_177 {
        %dma_wait3A_205 = arith.constant 0 : i32
        %dma_wait3A_206 = tpu.memref_slice %arg8[%dma_wait3A_205] : memref<10000xi32, #tpu.memory_space<vmem>> -> memref<40xi32, #tpu.memory_space<vmem>>
        %dma_wait3A_207 = arith.constant 0 : i32
        %dma_wait3A_208 = arith.constant 0 : i32
        %dma_wait3A_209 = tpu.memref_slice %arg6[%dma_wait3A_207, %dma_wait3A_208] : memref<10240x64xf32, #tpu.memory_space<vmem_shared>> -> memref<10240x64xf32, #tpu.memory_space<vmem_shared>>
        tpu.wait_indirect_dma semaphore(%arg21 : memref<!tpu.dma_semaphore, #tpu.memory_space<semaphore_mem>>) src(%arg11 : memref<40x64xf32, #tpu.memory_space<vmem>>) dst(%dma_wait3A_209 : memref<10240x64xf32, #tpu.memory_space<vmem_shared>>)
        %mul3A_210 = arith.constant 40 : i32
        %mul3A_211 = arith.muli %sub3A_169, %mul3A_210 : i32
        %dma_start3A_212 = tpu.memref_slice %arg7[%mul3A_211] : memref<10000xi32, #tpu.memory_space<vmem>> -> memref<40xi32, #tpu.memory_space<vmem>>
        %dma_start3A_213 = arith.constant 0 : i32
        %dma_start3A_214 = arith.constant 0 : i32
        %dma_start3A_215 = tpu.memref_slice %arg2[%dma_start3A_213, %dma_start3A_214] : memref<10000x64xf32, #tpu.memory_space<hbm>> -> memref<10000x64xf32, #tpu.memory_space<hbm>>
        tpu.enqueue_indirect_dma source(%dma_start3A_215 : memref<10000x64xf32, #tpu.memory_space<hbm>>) target(%arg11 : memref<40x64xf32, #tpu.memory_space<vmem>>) offsets(%dma_start3A_212 : memref<40xi32, #tpu.memory_space<vmem>>) semaphore(%arg16 : memref<!tpu.dma_semaphore, #tpu.memory_space<semaphore_mem>>)
      } else {
      }
      %mul3A_178 = arith.constant 5 : i32
      %mul3A_179 = arith.muli %add3A_75, %mul3A_178 : i32
      %add3A_180 = arith.constant 4 : i32
      %add3A_181 = arith.addi %mul3A_179, %add3A_180 : i32
      %dma_wait3A_182 = arith.constant 0 : i32
      %dma_wait3A_183 = tpu.memref_slice %arg7[%dma_wait3A_182] : memref<10000xi32, #tpu.memory_space<vmem>> -> memref<40xi32, #tpu.memory_space<vmem>>
      %dma_wait3A_184 = arith.constant 0 : i32
      %dma_wait3A_185 = arith.constant 0 : i32
      %dma_wait3A_186 = tpu.memref_slice %arg2[%dma_wait3A_184, %dma_wait3A_185] : memref<10000x64xf32, #tpu.memory_space<hbm>> -> memref<10000x64xf32, #tpu.memory_space<hbm>>
      tpu.wait_indirect_dma semaphore(%arg18 : memref<!tpu.dma_semaphore, #tpu.memory_space<semaphore_mem>>) src(%dma_wait3A_186 : memref<10000x64xf32, #tpu.memory_space<hbm>>) dst(%arg13 : memref<40x64xf32, #tpu.memory_space<vmem>>)
      %mul3A_187 = arith.constant 40 : i32
      %mul3A_188 = arith.muli %add3A_181, %mul3A_187 : i32
      %dma_start3A_189 = tpu.memref_slice %arg8[%mul3A_188] : memref<10000xi32, #tpu.memory_space<vmem>> -> memref<40xi32, #tpu.memory_space<vmem>>
      %dma_start3A_190 = arith.constant 0 : i32
      %dma_start3A_191 = arith.constant 0 : i32
      %dma_start3A_192 = tpu.memref_slice %arg6[%dma_start3A_190, %dma_start3A_191] : memref<10240x64xf32, #tpu.memory_space<vmem_shared>> -> memref<10240x64xf32, #tpu.memory_space<vmem_shared>>
      tpu.enqueue_indirect_dma source(%arg13 : memref<40x64xf32, #tpu.memory_space<vmem>>) target(%dma_start3A_192 : memref<10240x64xf32, #tpu.memory_space<vmem_shared>>) offsets(%dma_start3A_189 : memref<40xi32, #tpu.memory_space<vmem>>) semaphore(%arg23 : memref<!tpu.dma_semaphore, #tpu.memory_space<semaphore_mem>>) {add = true}
      %add3A_193 = arith.constant 5 : i32
      %add3A_194 = arith.addi %add3A_181, %add3A_193 : i32
      %sub3A_195 = arith.constant 1 : i32
      %sub3A_196 = arith.subi %add3A_194, %sub3A_195 : i32
      %ge3A_197 = arith.constant 1 : i32
      %ge3A_198 = arith.cmpi sge, %add3A_181, %ge3A_197 : i32
      %lt3A_199 = arith.constant 250 : i32
      %lt3A_200 = arith.cmpi slt, %sub3A_196, %lt3A_199 : i32
      %and3A_201 = arith.andi %ge3A_198, %lt3A_200 : i1
      %convert_element_type3A_202 = arith.extui %and3A_201 : i1 to i32
      %cond3A_203 = arith.constant 0 : i32
      %cond3A_204 = arith.cmpi ne, %convert_element_type3A_202, %cond3A_203 : i32
      scf.if %cond3A_204 {
        %dma_wait3A_205 = arith.constant 0 : i32
        %dma_wait3A_206 = tpu.memref_slice %arg8[%dma_wait3A_205] : memref<10000xi32, #tpu.memory_space<vmem>> -> memref<40xi32, #tpu.memory_space<vmem>>
        %dma_wait3A_207 = arith.constant 0 : i32
        %dma_wait3A_208 = arith.constant 0 : i32
        %dma_wait3A_209 = tpu.memref_slice %arg6[%dma_wait3A_207, %dma_wait3A_208] : memref<10240x64xf32, #tpu.memory_space<vmem_shared>> -> memref<10240x64xf32, #tpu.memory_space<vmem_shared>>
        tpu.wait_indirect_dma semaphore(%arg22 : memref<!tpu.dma_semaphore, #tpu.memory_space<semaphore_mem>>) src(%arg12 : memref<40x64xf32, #tpu.memory_space<vmem>>) dst(%dma_wait3A_209 : memref<10240x64xf32, #tpu.memory_space<vmem_shared>>)
        %mul3A_210 = arith.constant 40 : i32
        %mul3A_211 = arith.muli %sub3A_196, %mul3A_210 : i32
        %dma_start3A_212 = tpu.memref_slice %arg7[%mul3A_211] : memref<10000xi32, #tpu.memory_space<vmem>> -> memref<40xi32, #tpu.memory_space<vmem>>
        %dma_start3A_213 = arith.constant 0 : i32
        %dma_start3A_214 = arith.constant 0 : i32
        %dma_start3A_215 = tpu.memref_slice %arg2[%dma_start3A_213, %dma_start3A_214] : memref<10000x64xf32, #tpu.memory_space<hbm>> -> memref<10000x64xf32, #tpu.memory_space<hbm>>
        tpu.enqueue_indirect_dma source(%dma_start3A_215 : memref<10000x64xf32, #tpu.memory_space<hbm>>) target(%arg12 : memref<40x64xf32, #tpu.memory_space<vmem>>) offsets(%dma_start3A_212 : memref<40xi32, #tpu.memory_space<vmem>>) semaphore(%arg17 : memref<!tpu.dma_semaphore, #tpu.memory_space<semaphore_mem>>)
      } else {
      }
    }
    %scan3A_40 = arith.constant 50 : i32
    %dma_wait3A = arith.constant 0 : i32
    %dma_wait3A_41 = tpu.memref_slice %arg8[%dma_wait3A] : memref<10000xi32, #tpu.memory_space<vmem>> -> memref<40xi32, #tpu.memory_space<vmem>>
    %dma_wait3A_42 = arith.constant 0 : i32
    %dma_wait3A_43 = arith.constant 0 : i32
    %dma_wait3A_44 = tpu.memref_slice %arg6[%dma_wait3A_42, %dma_wait3A_43] : memref<10240x64xf32, #tpu.memory_space<vmem_shared>> -> memref<10240x64xf32, #tpu.memory_space<vmem_shared>>
    tpu.wait_indirect_dma semaphore(%arg19 : memref<!tpu.dma_semaphore, #tpu.memory_space<semaphore_mem>>) src(%arg9 : memref<40x64xf32, #tpu.memory_space<vmem>>) dst(%dma_wait3A_44 : memref<10240x64xf32, #tpu.memory_space<vmem_shared>>)
    %dma_wait3A_45 = arith.constant 0 : i32
    %dma_wait3A_46 = tpu.memref_slice %arg8[%dma_wait3A_45] : memref<10000xi32, #tpu.memory_space<vmem>> -> memref<40xi32, #tpu.memory_space<vmem>>
    %dma_wait3A_47 = arith.constant 0 : i32
    %dma_wait3A_48 = arith.constant 0 : i32
    %dma_wait3A_49 = tpu.memref_slice %arg6[%dma_wait3A_47, %dma_wait3A_48] : memref<10240x64xf32, #tpu.memory_space<vmem_shared>> -> memref<10240x64xf32, #tpu.memory_space<vmem_shared>>
    tpu.wait_indirect_dma semaphore(%arg20 : memref<!tpu.dma_semaphore, #tpu.memory_space<semaphore_mem>>) src(%arg10 : memref<40x64xf32, #tpu.memory_space<vmem>>) dst(%dma_wait3A_49 : memref<10240x64xf32, #tpu.memory_space<vmem_shared>>)
    %dma_wait3A_50 = arith.constant 0 : i32
    %dma_wait3A_51 = tpu.memref_slice %arg8[%dma_wait3A_50] : memref<10000xi32, #tpu.memory_space<vmem>> -> memref<40xi32, #tpu.memory_space<vmem>>
    %dma_wait3A_52 = arith.constant 0 : i32
    %dma_wait3A_53 = arith.constant 0 : i32
    %dma_wait3A_54 = tpu.memref_slice %arg6[%dma_wait3A_52, %dma_wait3A_53] : memref<10240x64xf32, #tpu.memory_space<vmem_shared>> -> memref<10240x64xf32, #tpu.memory_space<vmem_shared>>
    tpu.wait_indirect_dma semaphore(%arg21 : memref<!tpu.dma_semaphore, #tpu.memory_space<semaphore_mem>>) src(%arg11 : memref<40x64xf32, #tpu.memory_space<vmem>>) dst(%dma_wait3A_54 : memref<10240x64xf32, #tpu.memory_space<vmem_shared>>)
    %dma_wait3A_55 = arith.constant 0 : i32
    %dma_wait3A_56 = tpu.memref_slice %arg8[%dma_wait3A_55] : memref<10000xi32, #tpu.memory_space<vmem>> -> memref<40xi32, #tpu.memory_space<vmem>>
    %dma_wait3A_57 = arith.constant 0 : i32
    %dma_wait3A_58 = arith.constant 0 : i32
    %dma_wait3A_59 = tpu.memref_slice %arg6[%dma_wait3A_57, %dma_wait3A_58] : memref<10240x64xf32, #tpu.memory_space<vmem_shared>> -> memref<10240x64xf32, #tpu.memory_space<vmem_shared>>
    tpu.wait_indirect_dma semaphore(%arg22 : memref<!tpu.dma_semaphore, #tpu.memory_space<semaphore_mem>>) src(%arg12 : memref<40x64xf32, #tpu.memory_space<vmem>>) dst(%dma_wait3A_59 : memref<10240x64xf32, #tpu.memory_space<vmem_shared>>)
    %dma_wait3A_60 = arith.constant 0 : i32
    %dma_wait3A_61 = tpu.memref_slice %arg8[%dma_wait3A_60] : memref<10000xi32, #tpu.memory_space<vmem>> -> memref<40xi32, #tpu.memory_space<vmem>>
    %dma_wait3A_62 = arith.constant 0 : i32
    %dma_wait3A_63 = arith.constant 0 : i32
    %dma_wait3A_64 = tpu.memref_slice %arg6[%dma_wait3A_62, %dma_wait3A_63] : memref<10240x64xf32, #tpu.memory_space<vmem_shared>> -> memref<10240x64xf32, #tpu.memory_space<vmem_shared>>
    tpu.wait_indirect_dma semaphore(%arg23 : memref<!tpu.dma_semaphore, #tpu.memory_space<semaphore_mem>>) src(%arg13 : memref<40x64xf32, #tpu.memory_space<vmem>>) dst(%dma_wait3A_64 : memref<10240x64xf32, #tpu.memory_space<vmem_shared>>)
    %barrier3A_65 = arith.constant 0 : index
    tpu.barrier barrier_id(%barrier3A_65)
    %scan3A_66 = arith.constant 0 : i32
    %scan3A_67 = arith.constant 5 : i32
    %scan3A_68 = arith.addi %scan3A_66, %scan3A_67 : i32
    %scan3A_69 = arith.constant 1 : i32
    scf.for %scan3A_71 = %scan3A_66 to %scan3A_68 step %scan3A_69  : i32 {
      %mul3A_72 = arith.constant 1 : i32
      %mul3A_73 = arith.muli %scan3A_71, %mul3A_72 : i32
      %add3A_74 = arith.constant 0 : i32
      %add3A_75 = arith.addi %add3A_74, %mul3A_73 : i32
      %mul3A_76 = arith.constant 640 : i32
      %mul3A_77 = arith.muli %arg1, %mul3A_76 : i32
      %mul3A_78 = arith.constant 128 : i32
      %mul3A_79 = arith.muli %add3A_75, %mul3A_78 : i32
      %add3A_80 = arith.addi %mul3A_77, %mul3A_79 : i32
      %mul3A_81 = arith.constant 10240 : i32
      %mul3A_82 = arith.muli %arg0, %mul3A_81 : i32
      %add3A_83 = arith.addi %mul3A_82, %add3A_80 : i32
      "tpu.region"() ({
        %run_scoped3A = tpu.sem_alloc : memref<!tpu.dma_semaphore, #tpu.memory_space<semaphore_mem>>
        %dma_start3A_84 = arith.constant 0 : i32
        %dma_start3A_85 = tpu.memref_slice %arg5[%add3A_83, %dma_start3A_84] : memref<20480x64xf32, #tpu.memory_space<hbm>> -> memref<128x64xf32, #tpu.memory_space<hbm>>
        %dma_start3A_86 = arith.constant 0 : i32
        %dma_start3A_87 = tpu.memref_slice %arg6[%add3A_80, %dma_start3A_86] : memref<10240x64xf32, #tpu.memory_space<vmem_shared>> -> memref<128x64xf32, #tpu.memory_space<vmem_shared>>
        tpu.enqueue_dma source(%dma_start3A_87 : memref<128x64xf32, #tpu.memory_space<vmem_shared>>) target(%dma_start3A_85 : memref<128x64xf32, #tpu.memory_space<hbm>>) target_semaphore(%run_scoped3A : memref<!tpu.dma_semaphore, #tpu.memory_space<semaphore_mem>>)
        %dma_wait3A_88 = arith.constant 0 : i32
        %dma_wait3A_89 = tpu.memref_slice %arg5[%add3A_83, %dma_wait3A_88] : memref<20480x64xf32, #tpu.memory_space<hbm>> -> memref<128x64xf32, #tpu.memory_space<hbm>>
        %dma_wait3A_90 = arith.constant 0 : i32
        %dma_wait3A_91 = tpu.memref_slice %arg6[%add3A_80, %dma_wait3A_90] : memref<10240x64xf32, #tpu.memory_space<vmem_shared>> -> memref<128x64xf32, #tpu.memory_space<vmem_shared>>
        tpu.wait_dma2 semaphore(%run_scoped3A : memref<!tpu.dma_semaphore, #tpu.memory_space<semaphore_mem>>) src(%dma_wait3A_91 : memref<128x64xf32, #tpu.memory_space<vmem_shared>>) dst(%dma_wait3A_89 : memref<128x64xf32, #tpu.memory_space<hbm>>)
        tpu.yield
      }) : () -> ()
    }
    %scan3A_70 = arith.constant 5 : i32
    return
  }
}

#map = affine_map<(d0, d1) -> (0, 0)>
#map1 = affine_map<(d0, d1) -> (0)>
module attributes {stable_mosaic.version = 14 : i64} {
  func.func @_decode_body(%arg0: i32, %arg1: i32, %arg2: memref<10240x64xf32, #tpu.memory_space<hbm>>, %arg3: memref<320000xi32, #tpu.memory_space<hbm>>, %arg4: memref<320000xi32, #tpu.memory_space<hbm>>, %arg5: memref<320000xf32, #tpu.memory_space<hbm>>, %arg6: memref<10240x64xf32, #tpu.memory_space<vmem_shared>>, %arg7: memref<40xi32, #tpu.memory_space<vmem>>, %arg8: memref<40xi32, #tpu.memory_space<vmem>>, %arg9: memref<40xi32, #tpu.memory_space<vmem>>, %arg10: memref<40xi32, #tpu.memory_space<vmem>>, %arg11: memref<40x64xf32, #tpu.memory_space<vmem>>, %arg12: memref<40x64xf32, #tpu.memory_space<vmem>>, %arg13: memref<40x64xf32, #tpu.memory_space<vmem>>, %arg14: memref<40x64xf32, #tpu.memory_space<vmem>>, %arg15: memref<10000xf32, #tpu.memory_space<vmem>>, %arg16: memref<!tpu.dma_semaphore, #tpu.memory_space<semaphore_mem>>, %arg17: memref<!tpu.dma_semaphore, #tpu.memory_space<semaphore_mem>>, %arg18: memref<!tpu.dma_semaphore, #tpu.memory_space<semaphore_mem>>, %arg19: memref<!tpu.dma_semaphore, #tpu.memory_space<semaphore_mem>>, %arg20: memref<!tpu.dma_semaphore, #tpu.memory_space<semaphore_mem>>, %arg21: memref<!tpu.dma_semaphore, #tpu.memory_space<semaphore_mem>>, %arg22: memref<!tpu.dma_semaphore, #tpu.memory_space<semaphore_mem>>, %arg23: memref<!tpu.dma_semaphore, #tpu.memory_space<semaphore_mem>>) attributes {dimension_semantics = [#tpu.dimension_semantics<core_parallel>, #tpu.dimension_semantics<subcore_parallel>], iteration_bounds = array<i64: 2, 16>, scalar_prefetch = 0 : i64, scratch_operands = 18 : i64, tpu.core_type = #tpu.core_type<sc_vector_subcore>, window_params = [{transform_indices = #map}, {transform_indices = #map1}, {transform_indices = #map1}, {transform_indices = #map1}]} {
    %mul3A = arith.constant 2 : i32
    %mul3A_0 = arith.muli %arg1, %mul3A : i32
    %add3A = arith.addi %mul3A_0, %arg0 : i32
    %mul3A_1 = arith.constant 640 : i32
    %mul3A_2 = arith.muli %arg1, %mul3A_1 : i32
    "tpu.region"() ({
      %run_scoped3A = tpu.sem_alloc : memref<!tpu.dma_semaphore, #tpu.memory_space<semaphore_mem>>
      %dma_start3A_44 = arith.constant 0 : i32
      %dma_start3A_45 = tpu.memref_slice %arg6[%mul3A_2, %dma_start3A_44] : memref<10240x64xf32, #tpu.memory_space<vmem_shared>> -> memref<640x64xf32, #tpu.memory_space<vmem_shared>>
      %dma_start3A_46 = arith.constant 0 : i32
      %dma_start3A_47 = tpu.memref_slice %arg2[%mul3A_2, %dma_start3A_46] : memref<10240x64xf32, #tpu.memory_space<hbm>> -> memref<640x64xf32, #tpu.memory_space<hbm>>
      tpu.enqueue_dma source(%dma_start3A_47 : memref<640x64xf32, #tpu.memory_space<hbm>>) target(%dma_start3A_45 : memref<640x64xf32, #tpu.memory_space<vmem_shared>>) target_semaphore(%run_scoped3A : memref<!tpu.dma_semaphore, #tpu.memory_space<semaphore_mem>>)
      %dma_wait3A_48 = arith.constant 0 : i32
      %dma_wait3A_49 = tpu.memref_slice %arg6[%mul3A_2, %dma_wait3A_48] : memref<10240x64xf32, #tpu.memory_space<vmem_shared>> -> memref<640x64xf32, #tpu.memory_space<vmem_shared>>
      %dma_wait3A_50 = arith.constant 0 : i32
      %dma_wait3A_51 = tpu.memref_slice %arg2[%mul3A_2, %dma_wait3A_50] : memref<10240x64xf32, #tpu.memory_space<hbm>> -> memref<640x64xf32, #tpu.memory_space<hbm>>
      tpu.wait_dma2 semaphore(%run_scoped3A : memref<!tpu.dma_semaphore, #tpu.memory_space<semaphore_mem>>) src(%dma_wait3A_51 : memref<640x64xf32, #tpu.memory_space<hbm>>) dst(%dma_wait3A_49 : memref<640x64xf32, #tpu.memory_space<vmem_shared>>)
      tpu.yield
    }) : () -> ()
    %barrier3A = arith.constant 0 : index
    tpu.barrier barrier_id(%barrier3A)
    %mul3A_3 = arith.constant 10000 : i32
    %mul3A_4 = arith.muli %add3A, %mul3A_3 : i32
    %iota3A = tpu.iota {dimensions = array<i32: 0>} : vector<16xi32>
    %eq3A = arith.constant 15 : i32
    %eq3A_5 = vector.broadcast %eq3A : i32 to vector<16xi32>
    %eq3A_6 = arith.cmpi eq, %iota3A, %eq3A_5 : vector<16xi32>
    %add3A_7 = arith.constant 0 : i32
    %add3A_8 = arith.addi %mul3A_4, %add3A_7 : i32
    %dma_start3A = tpu.memref_slice %arg3[%add3A_8] : memref<320000xi32, #tpu.memory_space<hbm>> -> memref<40xi32, #tpu.memory_space<hbm>>
    %dma_start3A_9 = tpu.memref_slice %arg3[%add3A_8] : memref<320000xi32, #tpu.memory_space<hbm>> -> memref<40xi32, #tpu.memory_space<hbm>>
    tpu.enqueue_dma source(%dma_start3A_9 : memref<40xi32, #tpu.memory_space<hbm>>) target(%arg7 : memref<40xi32, #tpu.memory_space<vmem>>) target_semaphore(%arg16 : memref<!tpu.dma_semaphore, #tpu.memory_space<semaphore_mem>>)
    %add3A_10 = arith.constant 0 : i32
    %add3A_11 = arith.addi %mul3A_4, %add3A_10 : i32
    %dma_start3A_12 = tpu.memref_slice %arg4[%add3A_11] : memref<320000xi32, #tpu.memory_space<hbm>> -> memref<40xi32, #tpu.memory_space<hbm>>
    %dma_start3A_13 = tpu.memref_slice %arg4[%add3A_11] : memref<320000xi32, #tpu.memory_space<hbm>> -> memref<40xi32, #tpu.memory_space<hbm>>
    tpu.enqueue_dma source(%dma_start3A_13 : memref<40xi32, #tpu.memory_space<hbm>>) target(%arg9 : memref<40xi32, #tpu.memory_space<vmem>>) target_semaphore(%arg18 : memref<!tpu.dma_semaphore, #tpu.memory_space<semaphore_mem>>)
    %add3A_14 = arith.constant 40 : i32
    %add3A_15 = arith.addi %mul3A_4, %add3A_14 : i32
    %dma_start3A_16 = tpu.memref_slice %arg3[%add3A_15] : memref<320000xi32, #tpu.memory_space<hbm>> -> memref<40xi32, #tpu.memory_space<hbm>>
    %dma_start3A_17 = tpu.memref_slice %arg3[%add3A_15] : memref<320000xi32, #tpu.memory_space<hbm>> -> memref<40xi32, #tpu.memory_space<hbm>>
    tpu.enqueue_dma source(%dma_start3A_17 : memref<40xi32, #tpu.memory_space<hbm>>) target(%arg8 : memref<40xi32, #tpu.memory_space<vmem>>) target_semaphore(%arg17 : memref<!tpu.dma_semaphore, #tpu.memory_space<semaphore_mem>>)
    %add3A_18 = arith.constant 40 : i32
    %add3A_19 = arith.addi %mul3A_4, %add3A_18 : i32
    %dma_start3A_20 = tpu.memref_slice %arg4[%add3A_19] : memref<320000xi32, #tpu.memory_space<hbm>> -> memref<40xi32, #tpu.memory_space<hbm>>
    %dma_start3A_21 = tpu.memref_slice %arg4[%add3A_19] : memref<320000xi32, #tpu.memory_space<hbm>> -> memref<40xi32, #tpu.memory_space<hbm>>
    tpu.enqueue_dma source(%dma_start3A_21 : memref<40xi32, #tpu.memory_space<hbm>>) target(%arg10 : memref<40xi32, #tpu.memory_space<vmem>>) target_semaphore(%arg19 : memref<!tpu.dma_semaphore, #tpu.memory_space<semaphore_mem>>)
    %dma_wait3A = arith.constant 0 : i32
    %dma_wait3A_22 = tpu.memref_slice %arg3[%dma_wait3A] : memref<320000xi32, #tpu.memory_space<hbm>> -> memref<40xi32, #tpu.memory_space<hbm>>
    %dma_wait3A_23 = arith.constant 0 : i32
    %dma_wait3A_24 = tpu.memref_slice %arg3[%dma_wait3A_23] : memref<320000xi32, #tpu.memory_space<hbm>> -> memref<40xi32, #tpu.memory_space<hbm>>
    tpu.wait_dma2 semaphore(%arg16 : memref<!tpu.dma_semaphore, #tpu.memory_space<semaphore_mem>>) src(%dma_wait3A_24 : memref<40xi32, #tpu.memory_space<hbm>>) dst(%arg7 : memref<40xi32, #tpu.memory_space<vmem>>)
    %dma_wait3A_25 = arith.constant 0 : i32
    %dma_wait3A_26 = tpu.memref_slice %arg4[%dma_wait3A_25] : memref<320000xi32, #tpu.memory_space<hbm>> -> memref<40xi32, #tpu.memory_space<hbm>>
    %dma_wait3A_27 = arith.constant 0 : i32
    %dma_wait3A_28 = tpu.memref_slice %arg4[%dma_wait3A_27] : memref<320000xi32, #tpu.memory_space<hbm>> -> memref<40xi32, #tpu.memory_space<hbm>>
    tpu.wait_dma2 semaphore(%arg18 : memref<!tpu.dma_semaphore, #tpu.memory_space<semaphore_mem>>) src(%dma_wait3A_28 : memref<40xi32, #tpu.memory_space<hbm>>) dst(%arg9 : memref<40xi32, #tpu.memory_space<vmem>>)
    %dma_start3A_29 = arith.constant 0 : i32
    %dma_start3A_30 = arith.constant 0 : i32
    %dma_start3A_31 = tpu.memref_slice %arg6[%dma_start3A_29, %dma_start3A_30] : memref<10240x64xf32, #tpu.memory_space<vmem_shared>> -> memref<10240x64xf32, #tpu.memory_space<vmem_shared>>
    tpu.enqueue_indirect_dma source(%dma_start3A_31 : memref<10240x64xf32, #tpu.memory_space<vmem_shared>>) target(%arg11 : memref<40x64xf32, #tpu.memory_space<vmem>>) offsets(%arg7 : memref<40xi32, #tpu.memory_space<vmem>>) semaphore(%arg20 : memref<!tpu.dma_semaphore, #tpu.memory_space<semaphore_mem>>)
    %dma_start3A_32 = arith.constant 0 : i32
    %dma_start3A_33 = arith.constant 0 : i32
    %dma_start3A_34 = tpu.memref_slice %arg6[%dma_start3A_32, %dma_start3A_33] : memref<10240x64xf32, #tpu.memory_space<vmem_shared>> -> memref<10240x64xf32, #tpu.memory_space<vmem_shared>>
    tpu.enqueue_indirect_dma source(%dma_start3A_34 : memref<10240x64xf32, #tpu.memory_space<vmem_shared>>) target(%arg13 : memref<40x64xf32, #tpu.memory_space<vmem>>) offsets(%arg9 : memref<40xi32, #tpu.memory_space<vmem>>) semaphore(%arg22 : memref<!tpu.dma_semaphore, #tpu.memory_space<semaphore_mem>>)
    %scan3A = arith.constant 0 : i32
    %scan3A_35 = arith.constant 125 : i32
    %scan3A_36 = arith.addi %scan3A, %scan3A_35 : i32
    %scan3A_37 = arith.constant 1 : i32
    scf.for %scan3A_44 = %scan3A to %scan3A_36 step %scan3A_37  : i32 {
      %mul3A_45 = arith.constant 1 : i32
      %mul3A_46 = arith.muli %scan3A_44, %mul3A_45 : i32
      %add3A_47 = arith.constant 0 : i32
      %add3A_48 = arith.addi %add3A_47, %mul3A_46 : i32
      %mul3A_49 = arith.constant 2 : i32
      %mul3A_50 = arith.muli %add3A_48, %mul3A_49 : i32
      %add3A_51 = arith.constant 0 : i32
      %add3A_52 = arith.addi %mul3A_50, %add3A_51 : i32
      %dma_wait3A_53 = arith.constant 0 : i32
      %dma_wait3A_54 = arith.constant 0 : i32
      %dma_wait3A_55 = tpu.memref_slice %arg6[%dma_wait3A_53, %dma_wait3A_54] : memref<10240x64xf32, #tpu.memory_space<vmem_shared>> -> memref<10240x64xf32, #tpu.memory_space<vmem_shared>>
      tpu.wait_indirect_dma semaphore(%arg20 : memref<!tpu.dma_semaphore, #tpu.memory_space<semaphore_mem>>) src(%dma_wait3A_55 : memref<10240x64xf32, #tpu.memory_space<vmem_shared>>) dst(%arg11 : memref<40x64xf32, #tpu.memory_space<vmem>>)
      %dma_wait3A_56 = arith.constant 0 : i32
      %dma_wait3A_57 = arith.constant 0 : i32
      %dma_wait3A_58 = tpu.memref_slice %arg6[%dma_wait3A_56, %dma_wait3A_57] : memref<10240x64xf32, #tpu.memory_space<vmem_shared>> -> memref<10240x64xf32, #tpu.memory_space<vmem_shared>>
      tpu.wait_indirect_dma semaphore(%arg22 : memref<!tpu.dma_semaphore, #tpu.memory_space<semaphore_mem>>) src(%dma_wait3A_58 : memref<10240x64xf32, #tpu.memory_space<vmem_shared>>) dst(%arg13 : memref<40x64xf32, #tpu.memory_space<vmem>>)
      %scan3A_59 = arith.constant 0 : i32
      %scan3A_60 = arith.constant 40 : i32
      %scan3A_61 = arith.addi %scan3A_59, %scan3A_60 : i32
      %scan3A_62 = arith.constant 8 : i32
      scf.for %scan3A_104 = %scan3A_59 to %scan3A_61 step %scan3A_62  : i32 {
        %mul3A_105 = arith.constant 1 : i32
        %mul3A_106 = arith.muli %scan3A_104, %mul3A_105 : i32
        %add3A_107 = arith.constant 0 : i32
        %add3A_108 = arith.addi %add3A_107, %mul3A_106 : i32
        %broadcast_in_dim3A = arith.constant 0.000000e+00 : f32
        %broadcast_in_dim3A_109 = vector.broadcast %broadcast_in_dim3A : f32 to vector<16xf32>
        %get3A = arith.index_cast %add3A_108 : i32 to index
        %get3A_110 = arith.constant 0 : index
        %get3A_111 = tpu.vector_load %arg11[%get3A, %get3A_110] {strides = array<i32>} : memref<40x64xf32, #tpu.memory_space<vmem>>, vector<16xf32>,
        %get3A_112 = arith.index_cast %add3A_108 : i32 to index
        %get3A_113 = arith.constant 0 : index
        %get3A_114 = tpu.vector_load %arg13[%get3A_112, %get3A_113] {strides = array<i32>} : memref<40x64xf32, #tpu.memory_space<vmem>>, vector<16xf32>,
        %mul3A_115 = arith.mulf %get3A_111, %get3A_114 : vector<16xf32>
        %add3A_116 = arith.addf %broadcast_in_dim3A_109, %mul3A_115 : vector<16xf32>
        %get3A_117 = arith.index_cast %add3A_108 : i32 to index
        %get3A_118 = arith.constant 16 : index
        %get3A_119 = tpu.vector_load %arg11[%get3A_117, %get3A_118] {strides = array<i32>} : memref<40x64xf32, #tpu.memory_space<vmem>>, vector<16xf32>,
        %get3A_120 = arith.index_cast %add3A_108 : i32 to index
        %get3A_121 = arith.constant 16 : index
        %get3A_122 = tpu.vector_load %arg13[%get3A_120, %get3A_121] {strides = array<i32>} : memref<40x64xf32, #tpu.memory_space<vmem>>, vector<16xf32>,
        %mul3A_123 = arith.mulf %get3A_119, %get3A_122 : vector<16xf32>
        %add3A_124 = arith.addf %add3A_116, %mul3A_123 : vector<16xf32>
        %get3A_125 = arith.index_cast %add3A_108 : i32 to index
        %get3A_126 = arith.constant 32 : index
        %get3A_127 = tpu.vector_load %arg11[%get3A_125, %get3A_126] {strides = array<i32>} : memref<40x64xf32, #tpu.memory_space<vmem>>, vector<16xf32>,
        %get3A_128 = arith.index_cast %add3A_108 : i32 to index
        %get3A_129 = arith.constant 32 : index
        %get3A_130 = tpu.vector_load %arg13[%get3A_128, %get3A_129] {strides = array<i32>} : memref<40x64xf32, #tpu.memory_space<vmem>>, vector<16xf32>,
        %mul3A_131 = arith.mulf %get3A_127, %get3A_130 : vector<16xf32>
        %add3A_132 = arith.addf %add3A_124, %mul3A_131 : vector<16xf32>
        %get3A_133 = arith.index_cast %add3A_108 : i32 to index
        %get3A_134 = arith.constant 48 : index
        %get3A_135 = tpu.vector_load %arg11[%get3A_133, %get3A_134] {strides = array<i32>} : memref<40x64xf32, #tpu.memory_space<vmem>>, vector<16xf32>,
        %get3A_136 = arith.index_cast %add3A_108 : i32 to index
        %get3A_137 = arith.constant 48 : index
        %get3A_138 = tpu.vector_load %arg13[%get3A_136, %get3A_137] {strides = array<i32>} : memref<40x64xf32, #tpu.memory_space<vmem>>, vector<16xf32>,
        %mul3A_139 = arith.mulf %get3A_135, %get3A_138 : vector<16xf32>
        %add3A_140 = arith.addf %add3A_132, %mul3A_139 : vector<16xf32>
        %broadcast_in_dim3A_141 = arith.constant true
        %broadcast_in_dim3A_142 = vector.broadcast %broadcast_in_dim3A_141 : i1 to vector<16xi1>
        %masked_cumsum3A = tpu.scan <sum>, %add3A_140 masked %broadcast_in_dim3A_142 : vector<16xf32>, vector<16xi1> -> vector<16xf32>
        %mul3A_143 = arith.constant 40 : i32
        %mul3A_144 = arith.muli %add3A_52, %mul3A_143 : i32
        %add3A_145 = arith.addi %mul3A_144, %add3A_108 : i32
        %broadcast_in_dim3A_146 = vector.broadcast %add3A_145 : i32 to vector<16xi32>
        tpu.vector_store_idx %arg15[%broadcast_in_dim3A_146], %masked_cumsum3A masked %eq3A_6 : memref<10000xf32, #tpu.memory_space<vmem>>[vector<16xi32>], vector<16xf32>, vector<16xi1>
        %scan3A_147 = arith.constant 1 : i32
        %scan3A_148 = arith.addi %scan3A_104, %scan3A_147 : i32
        %mul3A_149 = arith.constant 1 : i32
        %mul3A_150 = arith.muli %scan3A_148, %mul3A_149 : i32
        %add3A_151 = arith.constant 0 : i32
        %add3A_152 = arith.addi %add3A_151, %mul3A_150 : i32
        %broadcast_in_dim3A_153 = arith.constant 0.000000e+00 : f32
        %broadcast_in_dim3A_154 = vector.broadcast %broadcast_in_dim3A_153 : f32 to vector<16xf32>
        %get3A_155 = arith.index_cast %add3A_152 : i32 to index
        %get3A_156 = arith.constant 0 : index
        %get3A_157 = tpu.vector_load %arg11[%get3A_155, %get3A_156] {strides = array<i32>} : memref<40x64xf32, #tpu.memory_space<vmem>>, vector<16xf32>,
        %get3A_158 = arith.index_cast %add3A_152 : i32 to index
        %get3A_159 = arith.constant 0 : index
        %get3A_160 = tpu.vector_load %arg13[%get3A_158, %get3A_159] {strides = array<i32>} : memref<40x64xf32, #tpu.memory_space<vmem>>, vector<16xf32>,
        %mul3A_161 = arith.mulf %get3A_157, %get3A_160 : vector<16xf32>
        %add3A_162 = arith.addf %broadcast_in_dim3A_154, %mul3A_161 : vector<16xf32>
        %get3A_163 = arith.index_cast %add3A_152 : i32 to index
        %get3A_164 = arith.constant 16 : index
        %get3A_165 = tpu.vector_load %arg11[%get3A_163, %get3A_164] {strides = array<i32>} : memref<40x64xf32, #tpu.memory_space<vmem>>, vector<16xf32>,
        %get3A_166 = arith.index_cast %add3A_152 : i32 to index
        %get3A_167 = arith.constant 16 : index
        %get3A_168 = tpu.vector_load %arg13[%get3A_166, %get3A_167] {strides = array<i32>} : memref<40x64xf32, #tpu.memory_space<vmem>>, vector<16xf32>,
        %mul3A_169 = arith.mulf %get3A_165, %get3A_168 : vector<16xf32>
        %add3A_170 = arith.addf %add3A_162, %mul3A_169 : vector<16xf32>
        %get3A_171 = arith.index_cast %add3A_152 : i32 to index
        %get3A_172 = arith.constant 32 : index
        %get3A_173 = tpu.vector_load %arg11[%get3A_171, %get3A_172] {strides = array<i32>} : memref<40x64xf32, #tpu.memory_space<vmem>>, vector<16xf32>,
        %get3A_174 = arith.index_cast %add3A_152 : i32 to index
        %get3A_175 = arith.constant 32 : index
        %get3A_176 = tpu.vector_load %arg13[%get3A_174, %get3A_175] {strides = array<i32>} : memref<40x64xf32, #tpu.memory_space<vmem>>, vector<16xf32>,
        %mul3A_177 = arith.mulf %get3A_173, %get3A_176 : vector<16xf32>
        %add3A_178 = arith.addf %add3A_170, %mul3A_177 : vector<16xf32>
        %get3A_179 = arith.index_cast %add3A_152 : i32 to index
        %get3A_180 = arith.constant 48 : index
        %get3A_181 = tpu.vector_load %arg11[%get3A_179, %get3A_180] {strides = array<i32>} : memref<40x64xf32, #tpu.memory_space<vmem>>, vector<16xf32>,
        %get3A_182 = arith.index_cast %add3A_152 : i32 to index
        %get3A_183 = arith.constant 48 : index
        %get3A_184 = tpu.vector_load %arg13[%get3A_182, %get3A_183] {strides = array<i32>} : memref<40x64xf32, #tpu.memory_space<vmem>>, vector<16xf32>,
        %mul3A_185 = arith.mulf %get3A_181, %get3A_184 : vector<16xf32>
        %add3A_186 = arith.addf %add3A_178, %mul3A_185 : vector<16xf32>
        %broadcast_in_dim3A_187 = arith.constant true
        %broadcast_in_dim3A_188 = vector.broadcast %broadcast_in_dim3A_187 : i1 to vector<16xi1>
        %masked_cumsum3A_189 = tpu.scan <sum>, %add3A_186 masked %broadcast_in_dim3A_188 : vector<16xf32>, vector<16xi1> -> vector<16xf32>
        %mul3A_190 = arith.constant 40 : i32
        %mul3A_191 = arith.muli %add3A_52, %mul3A_190 : i32
        %add3A_192 = arith.addi %mul3A_191, %add3A_152 : i32
        %broadcast_in_dim3A_193 = vector.broadcast %add3A_192 : i32 to vector<16xi32>
        tpu.vector_store_idx %arg15[%broadcast_in_dim3A_193], %masked_cumsum3A_189 masked %eq3A_6 : memref<10000xf32, #tpu.memory_space<vmem>>[vector<16xi32>], vector<16xf32>, vector<16xi1>
        %scan3A_194 = arith.constant 2 : i32
        %scan3A_195 = arith.addi %scan3A_104, %scan3A_194 : i32
        %mul3A_196 = arith.constant 1 : i32
        %mul3A_197 = arith.muli %scan3A_195, %mul3A_196 : i32
        %add3A_198 = arith.constant 0 : i32
        %add3A_199 = arith.addi %add3A_198, %mul3A_197 : i32
        %broadcast_in_dim3A_200 = arith.constant 0.000000e+00 : f32
        %broadcast_in_dim3A_201 = vector.broadcast %broadcast_in_dim3A_200 : f32 to vector<16xf32>
        %get3A_202 = arith.index_cast %add3A_199 : i32 to index
        %get3A_203 = arith.constant 0 : index
        %get3A_204 = tpu.vector_load %arg11[%get3A_202, %get3A_203] {strides = array<i32>} : memref<40x64xf32, #tpu.memory_space<vmem>>, vector<16xf32>,
        %get3A_205 = arith.index_cast %add3A_199 : i32 to index
        %get3A_206 = arith.constant 0 : index
        %get3A_207 = tpu.vector_load %arg13[%get3A_205, %get3A_206] {strides = array<i32>} : memref<40x64xf32, #tpu.memory_space<vmem>>, vector<16xf32>,
        %mul3A_208 = arith.mulf %get3A_204, %get3A_207 : vector<16xf32>
        %add3A_209 = arith.addf %broadcast_in_dim3A_201, %mul3A_208 : vector<16xf32>
        %get3A_210 = arith.index_cast %add3A_199 : i32 to index
        %get3A_211 = arith.constant 16 : index
        %get3A_212 = tpu.vector_load %arg11[%get3A_210, %get3A_211] {strides = array<i32>} : memref<40x64xf32, #tpu.memory_space<vmem>>, vector<16xf32>,
        %get3A_213 = arith.index_cast %add3A_199 : i32 to index
        %get3A_214 = arith.constant 16 : index
        %get3A_215 = tpu.vector_load %arg13[%get3A_213, %get3A_214] {strides = array<i32>} : memref<40x64xf32, #tpu.memory_space<vmem>>, vector<16xf32>,
        %mul3A_216 = arith.mulf %get3A_212, %get3A_215 : vector<16xf32>
        %add3A_217 = arith.addf %add3A_209, %mul3A_216 : vector<16xf32>
        %get3A_218 = arith.index_cast %add3A_199 : i32 to index
        %get3A_219 = arith.constant 32 : index
        %get3A_220 = tpu.vector_load %arg11[%get3A_218, %get3A_219] {strides = array<i32>} : memref<40x64xf32, #tpu.memory_space<vmem>>, vector<16xf32>,
        %get3A_221 = arith.index_cast %add3A_199 : i32 to index
        %get3A_222 = arith.constant 32 : index
        %get3A_223 = tpu.vector_load %arg13[%get3A_221, %get3A_222] {strides = array<i32>} : memref<40x64xf32, #tpu.memory_space<vmem>>, vector<16xf32>,
        %mul3A_224 = arith.mulf %get3A_220, %get3A_223 : vector<16xf32>
        %add3A_225 = arith.addf %add3A_217, %mul3A_224 : vector<16xf32>
        %get3A_226 = arith.index_cast %add3A_199 : i32 to index
        %get3A_227 = arith.constant 48 : index
        %get3A_228 = tpu.vector_load %arg11[%get3A_226, %get3A_227] {strides = array<i32>} : memref<40x64xf32, #tpu.memory_space<vmem>>, vector<16xf32>,
        %get3A_229 = arith.index_cast %add3A_199 : i32 to index
        %get3A_230 = arith.constant 48 : index
        %get3A_231 = tpu.vector_load %arg13[%get3A_229, %get3A_230] {strides = array<i32>} : memref<40x64xf32, #tpu.memory_space<vmem>>, vector<16xf32>,
        %mul3A_232 = arith.mulf %get3A_228, %get3A_231 : vector<16xf32>
        %add3A_233 = arith.addf %add3A_225, %mul3A_232 : vector<16xf32>
        %broadcast_in_dim3A_234 = arith.constant true
        %broadcast_in_dim3A_235 = vector.broadcast %broadcast_in_dim3A_234 : i1 to vector<16xi1>
        %masked_cumsum3A_236 = tpu.scan <sum>, %add3A_233 masked %broadcast_in_dim3A_235 : vector<16xf32>, vector<16xi1> -> vector<16xf32>
        %mul3A_237 = arith.constant 40 : i32
        %mul3A_238 = arith.muli %add3A_52, %mul3A_237 : i32
        %add3A_239 = arith.addi %mul3A_238, %add3A_199 : i32
        %broadcast_in_dim3A_240 = vector.broadcast %add3A_239 : i32 to vector<16xi32>
        tpu.vector_store_idx %arg15[%broadcast_in_dim3A_240], %masked_cumsum3A_236 masked %eq3A_6 : memref<10000xf32, #tpu.memory_space<vmem>>[vector<16xi32>], vector<16xf32>, vector<16xi1>
        %scan3A_241 = arith.constant 3 : i32
        %scan3A_242 = arith.addi %scan3A_104, %scan3A_241 : i32
        %mul3A_243 = arith.constant 1 : i32
        %mul3A_244 = arith.muli %scan3A_242, %mul3A_243 : i32
        %add3A_245 = arith.constant 0 : i32
        %add3A_246 = arith.addi %add3A_245, %mul3A_244 : i32
        %broadcast_in_dim3A_247 = arith.constant 0.000000e+00 : f32
        %broadcast_in_dim3A_248 = vector.broadcast %broadcast_in_dim3A_247 : f32 to vector<16xf32>
        %get3A_249 = arith.index_cast %add3A_246 : i32 to index
        %get3A_250 = arith.constant 0 : index
        %get3A_251 = tpu.vector_load %arg11[%get3A_249, %get3A_250] {strides = array<i32>} : memref<40x64xf32, #tpu.memory_space<vmem>>, vector<16xf32>,
        %get3A_252 = arith.index_cast %add3A_246 : i32 to index
        %get3A_253 = arith.constant 0 : index
        %get3A_254 = tpu.vector_load %arg13[%get3A_252, %get3A_253] {strides = array<i32>} : memref<40x64xf32, #tpu.memory_space<vmem>>, vector<16xf32>,
        %mul3A_255 = arith.mulf %get3A_251, %get3A_254 : vector<16xf32>
        %add3A_256 = arith.addf %broadcast_in_dim3A_248, %mul3A_255 : vector<16xf32>
        %get3A_257 = arith.index_cast %add3A_246 : i32 to index
        %get3A_258 = arith.constant 16 : index
        %get3A_259 = tpu.vector_load %arg11[%get3A_257, %get3A_258] {strides = array<i32>} : memref<40x64xf32, #tpu.memory_space<vmem>>, vector<16xf32>,
        %get3A_260 = arith.index_cast %add3A_246 : i32 to index
        %get3A_261 = arith.constant 16 : index
        %get3A_262 = tpu.vector_load %arg13[%get3A_260, %get3A_261] {strides = array<i32>} : memref<40x64xf32, #tpu.memory_space<vmem>>, vector<16xf32>,
        %mul3A_263 = arith.mulf %get3A_259, %get3A_262 : vector<16xf32>
        %add3A_264 = arith.addf %add3A_256, %mul3A_263 : vector<16xf32>
        %get3A_265 = arith.index_cast %add3A_246 : i32 to index
        %get3A_266 = arith.constant 32 : index
        %get3A_267 = tpu.vector_load %arg11[%get3A_265, %get3A_266] {strides = array<i32>} : memref<40x64xf32, #tpu.memory_space<vmem>>, vector<16xf32>,
        %get3A_268 = arith.index_cast %add3A_246 : i32 to index
        %get3A_269 = arith.constant 32 : index
        %get3A_270 = tpu.vector_load %arg13[%get3A_268, %get3A_269] {strides = array<i32>} : memref<40x64xf32, #tpu.memory_space<vmem>>, vector<16xf32>,
        %mul3A_271 = arith.mulf %get3A_267, %get3A_270 : vector<16xf32>
        %add3A_272 = arith.addf %add3A_264, %mul3A_271 : vector<16xf32>
        %get3A_273 = arith.index_cast %add3A_246 : i32 to index
        %get3A_274 = arith.constant 48 : index
        %get3A_275 = tpu.vector_load %arg11[%get3A_273, %get3A_274] {strides = array<i32>} : memref<40x64xf32, #tpu.memory_space<vmem>>, vector<16xf32>,
        %get3A_276 = arith.index_cast %add3A_246 : i32 to index
        %get3A_277 = arith.constant 48 : index
        %get3A_278 = tpu.vector_load %arg13[%get3A_276, %get3A_277] {strides = array<i32>} : memref<40x64xf32, #tpu.memory_space<vmem>>, vector<16xf32>,
        %mul3A_279 = arith.mulf %get3A_275, %get3A_278 : vector<16xf32>
        %add3A_280 = arith.addf %add3A_272, %mul3A_279 : vector<16xf32>
        %broadcast_in_dim3A_281 = arith.constant true
        %broadcast_in_dim3A_282 = vector.broadcast %broadcast_in_dim3A_281 : i1 to vector<16xi1>
        %masked_cumsum3A_283 = tpu.scan <sum>, %add3A_280 masked %broadcast_in_dim3A_282 : vector<16xf32>, vector<16xi1> -> vector<16xf32>
        %mul3A_284 = arith.constant 40 : i32
        %mul3A_285 = arith.muli %add3A_52, %mul3A_284 : i32
        %add3A_286 = arith.addi %mul3A_285, %add3A_246 : i32
        %broadcast_in_dim3A_287 = vector.broadcast %add3A_286 : i32 to vector<16xi32>
        tpu.vector_store_idx %arg15[%broadcast_in_dim3A_287], %masked_cumsum3A_283 masked %eq3A_6 : memref<10000xf32, #tpu.memory_space<vmem>>[vector<16xi32>], vector<16xf32>, vector<16xi1>
        %scan3A_288 = arith.constant 4 : i32
        %scan3A_289 = arith.addi %scan3A_104, %scan3A_288 : i32
        %mul3A_290 = arith.constant 1 : i32
        %mul3A_291 = arith.muli %scan3A_289, %mul3A_290 : i32
        %add3A_292 = arith.constant 0 : i32
        %add3A_293 = arith.addi %add3A_292, %mul3A_291 : i32
        %broadcast_in_dim3A_294 = arith.constant 0.000000e+00 : f32
        %broadcast_in_dim3A_295 = vector.broadcast %broadcast_in_dim3A_294 : f32 to vector<16xf32>
        %get3A_296 = arith.index_cast %add3A_293 : i32 to index
        %get3A_297 = arith.constant 0 : index
        %get3A_298 = tpu.vector_load %arg11[%get3A_296, %get3A_297] {strides = array<i32>} : memref<40x64xf32, #tpu.memory_space<vmem>>, vector<16xf32>,
        %get3A_299 = arith.index_cast %add3A_293 : i32 to index
        %get3A_300 = arith.constant 0 : index
        %get3A_301 = tpu.vector_load %arg13[%get3A_299, %get3A_300] {strides = array<i32>} : memref<40x64xf32, #tpu.memory_space<vmem>>, vector<16xf32>,
        %mul3A_302 = arith.mulf %get3A_298, %get3A_301 : vector<16xf32>
        %add3A_303 = arith.addf %broadcast_in_dim3A_295, %mul3A_302 : vector<16xf32>
        %get3A_304 = arith.index_cast %add3A_293 : i32 to index
        %get3A_305 = arith.constant 16 : index
        %get3A_306 = tpu.vector_load %arg11[%get3A_304, %get3A_305] {strides = array<i32>} : memref<40x64xf32, #tpu.memory_space<vmem>>, vector<16xf32>,
        %get3A_307 = arith.index_cast %add3A_293 : i32 to index
        %get3A_308 = arith.constant 16 : index
        %get3A_309 = tpu.vector_load %arg13[%get3A_307, %get3A_308] {strides = array<i32>} : memref<40x64xf32, #tpu.memory_space<vmem>>, vector<16xf32>,
        %mul3A_310 = arith.mulf %get3A_306, %get3A_309 : vector<16xf32>
        %add3A_311 = arith.addf %add3A_303, %mul3A_310 : vector<16xf32>
        %get3A_312 = arith.index_cast %add3A_293 : i32 to index
        %get3A_313 = arith.constant 32 : index
        %get3A_314 = tpu.vector_load %arg11[%get3A_312, %get3A_313] {strides = array<i32>} : memref<40x64xf32, #tpu.memory_space<vmem>>, vector<16xf32>,
        %get3A_315 = arith.index_cast %add3A_293 : i32 to index
        %get3A_316 = arith.constant 32 : index
        %get3A_317 = tpu.vector_load %arg13[%get3A_315, %get3A_316] {strides = array<i32>} : memref<40x64xf32, #tpu.memory_space<vmem>>, vector<16xf32>,
        %mul3A_318 = arith.mulf %get3A_314, %get3A_317 : vector<16xf32>
        %add3A_319 = arith.addf %add3A_311, %mul3A_318 : vector<16xf32>
        %get3A_320 = arith.index_cast %add3A_293 : i32 to index
        %get3A_321 = arith.constant 48 : index
        %get3A_322 = tpu.vector_load %arg11[%get3A_320, %get3A_321] {strides = array<i32>} : memref<40x64xf32, #tpu.memory_space<vmem>>, vector<16xf32>,
        %get3A_323 = arith.index_cast %add3A_293 : i32 to index
        %get3A_324 = arith.constant 48 : index
        %get3A_325 = tpu.vector_load %arg13[%get3A_323, %get3A_324] {strides = array<i32>} : memref<40x64xf32, #tpu.memory_space<vmem>>, vector<16xf32>,
        %mul3A_326 = arith.mulf %get3A_322, %get3A_325 : vector<16xf32>
        %add3A_327 = arith.addf %add3A_319, %mul3A_326 : vector<16xf32>
        %broadcast_in_dim3A_328 = arith.constant true
        %broadcast_in_dim3A_329 = vector.broadcast %broadcast_in_dim3A_328 : i1 to vector<16xi1>
        %masked_cumsum3A_330 = tpu.scan <sum>, %add3A_327 masked %broadcast_in_dim3A_329 : vector<16xf32>, vector<16xi1> -> vector<16xf32>
        %mul3A_331 = arith.constant 40 : i32
        %mul3A_332 = arith.muli %add3A_52, %mul3A_331 : i32
        %add3A_333 = arith.addi %mul3A_332, %add3A_293 : i32
        %broadcast_in_dim3A_334 = vector.broadcast %add3A_333 : i32 to vector<16xi32>
        tpu.vector_store_idx %arg15[%broadcast_in_dim3A_334], %masked_cumsum3A_330 masked %eq3A_6 : memref<10000xf32, #tpu.memory_space<vmem>>[vector<16xi32>], vector<16xf32>, vector<16xi1>
        %scan3A_335 = arith.constant 5 : i32
        %scan3A_336 = arith.addi %scan3A_104, %scan3A_335 : i32
        %mul3A_337 = arith.constant 1 : i32
        %mul3A_338 = arith.muli %scan3A_336, %mul3A_337 : i32
        %add3A_339 = arith.constant 0 : i32
        %add3A_340 = arith.addi %add3A_339, %mul3A_338 : i32
        %broadcast_in_dim3A_341 = arith.constant 0.000000e+00 : f32
        %broadcast_in_dim3A_342 = vector.broadcast %broadcast_in_dim3A_341 : f32 to vector<16xf32>
        %get3A_343 = arith.index_cast %add3A_340 : i32 to index
        %get3A_344 = arith.constant 0 : index
        %get3A_345 = tpu.vector_load %arg11[%get3A_343, %get3A_344] {strides = array<i32>} : memref<40x64xf32, #tpu.memory_space<vmem>>, vector<16xf32>,
        %get3A_346 = arith.index_cast %add3A_340 : i32 to index
        %get3A_347 = arith.constant 0 : index
        %get3A_348 = tpu.vector_load %arg13[%get3A_346, %get3A_347] {strides = array<i32>} : memref<40x64xf32, #tpu.memory_space<vmem>>, vector<16xf32>,
        %mul3A_349 = arith.mulf %get3A_345, %get3A_348 : vector<16xf32>
        %add3A_350 = arith.addf %broadcast_in_dim3A_342, %mul3A_349 : vector<16xf32>
        %get3A_351 = arith.index_cast %add3A_340 : i32 to index
        %get3A_352 = arith.constant 16 : index
        %get3A_353 = tpu.vector_load %arg11[%get3A_351, %get3A_352] {strides = array<i32>} : memref<40x64xf32, #tpu.memory_space<vmem>>, vector<16xf32>,
        %get3A_354 = arith.index_cast %add3A_340 : i32 to index
        %get3A_355 = arith.constant 16 : index
        %get3A_356 = tpu.vector_load %arg13[%get3A_354, %get3A_355] {strides = array<i32>} : memref<40x64xf32, #tpu.memory_space<vmem>>, vector<16xf32>,
        %mul3A_357 = arith.mulf %get3A_353, %get3A_356 : vector<16xf32>
        %add3A_358 = arith.addf %add3A_350, %mul3A_357 : vector<16xf32>
        %get3A_359 = arith.index_cast %add3A_340 : i32 to index
        %get3A_360 = arith.constant 32 : index
        %get3A_361 = tpu.vector_load %arg11[%get3A_359, %get3A_360] {strides = array<i32>} : memref<40x64xf32, #tpu.memory_space<vmem>>, vector<16xf32>,
        %get3A_362 = arith.index_cast %add3A_340 : i32 to index
        %get3A_363 = arith.constant 32 : index
        %get3A_364 = tpu.vector_load %arg13[%get3A_362, %get3A_363] {strides = array<i32>} : memref<40x64xf32, #tpu.memory_space<vmem>>, vector<16xf32>,
        %mul3A_365 = arith.mulf %get3A_361, %get3A_364 : vector<16xf32>
        %add3A_366 = arith.addf %add3A_358, %mul3A_365 : vector<16xf32>
        %get3A_367 = arith.index_cast %add3A_340 : i32 to index
        %get3A_368 = arith.constant 48 : index
        %get3A_369 = tpu.vector_load %arg11[%get3A_367, %get3A_368] {strides = array<i32>} : memref<40x64xf32, #tpu.memory_space<vmem>>, vector<16xf32>,
        %get3A_370 = arith.index_cast %add3A_340 : i32 to index
        %get3A_371 = arith.constant 48 : index
        %get3A_372 = tpu.vector_load %arg13[%get3A_370, %get3A_371] {strides = array<i32>} : memref<40x64xf32, #tpu.memory_space<vmem>>, vector<16xf32>,
        %mul3A_373 = arith.mulf %get3A_369, %get3A_372 : vector<16xf32>
        %add3A_374 = arith.addf %add3A_366, %mul3A_373 : vector<16xf32>
        %broadcast_in_dim3A_375 = arith.constant true
        %broadcast_in_dim3A_376 = vector.broadcast %broadcast_in_dim3A_375 : i1 to vector<16xi1>
        %masked_cumsum3A_377 = tpu.scan <sum>, %add3A_374 masked %broadcast_in_dim3A_376 : vector<16xf32>, vector<16xi1> -> vector<16xf32>
        %mul3A_378 = arith.constant 40 : i32
        %mul3A_379 = arith.muli %add3A_52, %mul3A_378 : i32
        %add3A_380 = arith.addi %mul3A_379, %add3A_340 : i32
        %broadcast_in_dim3A_381 = vector.broadcast %add3A_380 : i32 to vector<16xi32>
        tpu.vector_store_idx %arg15[%broadcast_in_dim3A_381], %masked_cumsum3A_377 masked %eq3A_6 : memref<10000xf32, #tpu.memory_space<vmem>>[vector<16xi32>], vector<16xf32>, vector<16xi1>
        %scan3A_382 = arith.constant 6 : i32
        %scan3A_383 = arith.addi %scan3A_104, %scan3A_382 : i32
        %mul3A_384 = arith.constant 1 : i32
        %mul3A_385 = arith.muli %scan3A_383, %mul3A_384 : i32
        %add3A_386 = arith.constant 0 : i32
        %add3A_387 = arith.addi %add3A_386, %mul3A_385 : i32
        %broadcast_in_dim3A_388 = arith.constant 0.000000e+00 : f32
        %broadcast_in_dim3A_389 = vector.broadcast %broadcast_in_dim3A_388 : f32 to vector<16xf32>
        %get3A_390 = arith.index_cast %add3A_387 : i32 to index
        %get3A_391 = arith.constant 0 : index
        %get3A_392 = tpu.vector_load %arg11[%get3A_390, %get3A_391] {strides = array<i32>} : memref<40x64xf32, #tpu.memory_space<vmem>>, vector<16xf32>,
        %get3A_393 = arith.index_cast %add3A_387 : i32 to index
        %get3A_394 = arith.constant 0 : index
        %get3A_395 = tpu.vector_load %arg13[%get3A_393, %get3A_394] {strides = array<i32>} : memref<40x64xf32, #tpu.memory_space<vmem>>, vector<16xf32>,
        %mul3A_396 = arith.mulf %get3A_392, %get3A_395 : vector<16xf32>
        %add3A_397 = arith.addf %broadcast_in_dim3A_389, %mul3A_396 : vector<16xf32>
        %get3A_398 = arith.index_cast %add3A_387 : i32 to index
        %get3A_399 = arith.constant 16 : index
        %get3A_400 = tpu.vector_load %arg11[%get3A_398, %get3A_399] {strides = array<i32>} : memref<40x64xf32, #tpu.memory_space<vmem>>, vector<16xf32>,
        %get3A_401 = arith.index_cast %add3A_387 : i32 to index
        %get3A_402 = arith.constant 16 : index
        %get3A_403 = tpu.vector_load %arg13[%get3A_401, %get3A_402] {strides = array<i32>} : memref<40x64xf32, #tpu.memory_space<vmem>>, vector<16xf32>,
        %mul3A_404 = arith.mulf %get3A_400, %get3A_403 : vector<16xf32>
        %add3A_405 = arith.addf %add3A_397, %mul3A_404 : vector<16xf32>
        %get3A_406 = arith.index_cast %add3A_387 : i32 to index
        %get3A_407 = arith.constant 32 : index
        %get3A_408 = tpu.vector_load %arg11[%get3A_406, %get3A_407] {strides = array<i32>} : memref<40x64xf32, #tpu.memory_space<vmem>>, vector<16xf32>,
        %get3A_409 = arith.index_cast %add3A_387 : i32 to index
        %get3A_410 = arith.constant 32 : index
        %get3A_411 = tpu.vector_load %arg13[%get3A_409, %get3A_410] {strides = array<i32>} : memref<40x64xf32, #tpu.memory_space<vmem>>, vector<16xf32>,
        %mul3A_412 = arith.mulf %get3A_408, %get3A_411 : vector<16xf32>
        %add3A_413 = arith.addf %add3A_405, %mul3A_412 : vector<16xf32>
        %get3A_414 = arith.index_cast %add3A_387 : i32 to index
        %get3A_415 = arith.constant 48 : index
        %get3A_416 = tpu.vector_load %arg11[%get3A_414, %get3A_415] {strides = array<i32>} : memref<40x64xf32, #tpu.memory_space<vmem>>, vector<16xf32>,
        %get3A_417 = arith.index_cast %add3A_387 : i32 to index
        %get3A_418 = arith.constant 48 : index
        %get3A_419 = tpu.vector_load %arg13[%get3A_417, %get3A_418] {strides = array<i32>} : memref<40x64xf32, #tpu.memory_space<vmem>>, vector<16xf32>,
        %mul3A_420 = arith.mulf %get3A_416, %get3A_419 : vector<16xf32>
        %add3A_421 = arith.addf %add3A_413, %mul3A_420 : vector<16xf32>
        %broadcast_in_dim3A_422 = arith.constant true
        %broadcast_in_dim3A_423 = vector.broadcast %broadcast_in_dim3A_422 : i1 to vector<16xi1>
        %masked_cumsum3A_424 = tpu.scan <sum>, %add3A_421 masked %broadcast_in_dim3A_423 : vector<16xf32>, vector<16xi1> -> vector<16xf32>
        %mul3A_425 = arith.constant 40 : i32
        %mul3A_426 = arith.muli %add3A_52, %mul3A_425 : i32
        %add3A_427 = arith.addi %mul3A_426, %add3A_387 : i32
        %broadcast_in_dim3A_428 = vector.broadcast %add3A_427 : i32 to vector<16xi32>
        tpu.vector_store_idx %arg15[%broadcast_in_dim3A_428], %masked_cumsum3A_424 masked %eq3A_6 : memref<10000xf32, #tpu.memory_space<vmem>>[vector<16xi32>], vector<16xf32>, vector<16xi1>
        %scan3A_429 = arith.constant 7 : i32
        %scan3A_430 = arith.addi %scan3A_104, %scan3A_429 : i32
        %mul3A_431 = arith.constant 1 : i32
        %mul3A_432 = arith.muli %scan3A_430, %mul3A_431 : i32
        %add3A_433 = arith.constant 0 : i32
        %add3A_434 = arith.addi %add3A_433, %mul3A_432 : i32
        %broadcast_in_dim3A_435 = arith.constant 0.000000e+00 : f32
        %broadcast_in_dim3A_436 = vector.broadcast %broadcast_in_dim3A_435 : f32 to vector<16xf32>
        %get3A_437 = arith.index_cast %add3A_434 : i32 to index
        %get3A_438 = arith.constant 0 : index
        %get3A_439 = tpu.vector_load %arg11[%get3A_437, %get3A_438] {strides = array<i32>} : memref<40x64xf32, #tpu.memory_space<vmem>>, vector<16xf32>,
        %get3A_440 = arith.index_cast %add3A_434 : i32 to index
        %get3A_441 = arith.constant 0 : index
        %get3A_442 = tpu.vector_load %arg13[%get3A_440, %get3A_441] {strides = array<i32>} : memref<40x64xf32, #tpu.memory_space<vmem>>, vector<16xf32>,
        %mul3A_443 = arith.mulf %get3A_439, %get3A_442 : vector<16xf32>
        %add3A_444 = arith.addf %broadcast_in_dim3A_436, %mul3A_443 : vector<16xf32>
        %get3A_445 = arith.index_cast %add3A_434 : i32 to index
        %get3A_446 = arith.constant 16 : index
        %get3A_447 = tpu.vector_load %arg11[%get3A_445, %get3A_446] {strides = array<i32>} : memref<40x64xf32, #tpu.memory_space<vmem>>, vector<16xf32>,
        %get3A_448 = arith.index_cast %add3A_434 : i32 to index
        %get3A_449 = arith.constant 16 : index
        %get3A_450 = tpu.vector_load %arg13[%get3A_448, %get3A_449] {strides = array<i32>} : memref<40x64xf32, #tpu.memory_space<vmem>>, vector<16xf32>,
        %mul3A_451 = arith.mulf %get3A_447, %get3A_450 : vector<16xf32>
        %add3A_452 = arith.addf %add3A_444, %mul3A_451 : vector<16xf32>
        %get3A_453 = arith.index_cast %add3A_434 : i32 to index
        %get3A_454 = arith.constant 32 : index
        %get3A_455 = tpu.vector_load %arg11[%get3A_453, %get3A_454] {strides = array<i32>} : memref<40x64xf32, #tpu.memory_space<vmem>>, vector<16xf32>,
        %get3A_456 = arith.index_cast %add3A_434 : i32 to index
        %get3A_457 = arith.constant 32 : index
        %get3A_458 = tpu.vector_load %arg13[%get3A_456, %get3A_457] {strides = array<i32>} : memref<40x64xf32, #tpu.memory_space<vmem>>, vector<16xf32>,
        %mul3A_459 = arith.mulf %get3A_455, %get3A_458 : vector<16xf32>
        %add3A_460 = arith.addf %add3A_452, %mul3A_459 : vector<16xf32>
        %get3A_461 = arith.index_cast %add3A_434 : i32 to index
        %get3A_462 = arith.constant 48 : index
        %get3A_463 = tpu.vector_load %arg11[%get3A_461, %get3A_462] {strides = array<i32>} : memref<40x64xf32, #tpu.memory_space<vmem>>, vector<16xf32>,
        %get3A_464 = arith.index_cast %add3A_434 : i32 to index
        %get3A_465 = arith.constant 48 : index
        %get3A_466 = tpu.vector_load %arg13[%get3A_464, %get3A_465] {strides = array<i32>} : memref<40x64xf32, #tpu.memory_space<vmem>>, vector<16xf32>,
        %mul3A_467 = arith.mulf %get3A_463, %get3A_466 : vector<16xf32>
        %add3A_468 = arith.addf %add3A_460, %mul3A_467 : vector<16xf32>
        %broadcast_in_dim3A_469 = arith.constant true
        %broadcast_in_dim3A_470 = vector.broadcast %broadcast_in_dim3A_469 : i1 to vector<16xi1>
        %masked_cumsum3A_471 = tpu.scan <sum>, %add3A_468 masked %broadcast_in_dim3A_470 : vector<16xf32>, vector<16xi1> -> vector<16xf32>
        %mul3A_472 = arith.constant 40 : i32
        %mul3A_473 = arith.muli %add3A_52, %mul3A_472 : i32
        %add3A_474 = arith.addi %mul3A_473, %add3A_434 : i32
        %broadcast_in_dim3A_475 = vector.broadcast %add3A_474 : i32 to vector<16xi32>
        tpu.vector_store_idx %arg15[%broadcast_in_dim3A_475], %masked_cumsum3A_471 masked %eq3A_6 : memref<10000xf32, #tpu.memory_space<vmem>>[vector<16xi32>], vector<16xf32>, vector<16xi1>
      }
      %scan3A_63 = arith.constant 40 : i32
      %add3A_64 = arith.constant 2 : i32
      %add3A_65 = arith.addi %add3A_52, %add3A_64 : i32
      %lt3A = arith.constant 250 : i32
      %lt3A_66 = arith.cmpi slt, %add3A_65, %lt3A : i32
      %convert_element_type3A = arith.extui %lt3A_66 : i1 to i32
      %cond3A = arith.constant 0 : i32
      %cond3A_67 = arith.cmpi ne, %convert_element_type3A, %cond3A : i32
      scf.if %cond3A_67 {
        %add3A_104 = arith.constant 2 : i32
        %add3A_105 = arith.addi %add3A_52, %add3A_104 : i32
        %mul3A_106 = arith.constant 40 : i32
        %mul3A_107 = arith.muli %add3A_105, %mul3A_106 : i32
        %add3A_108 = arith.addi %mul3A_4, %mul3A_107 : i32
        %dma_start3A_109 = tpu.memref_slice %arg3[%add3A_108] : memref<320000xi32, #tpu.memory_space<hbm>> -> memref<40xi32, #tpu.memory_space<hbm>>
        %dma_start3A_110 = tpu.memref_slice %arg3[%add3A_108] : memref<320000xi32, #tpu.memory_space<hbm>> -> memref<40xi32, #tpu.memory_space<hbm>>
        tpu.enqueue_dma source(%dma_start3A_110 : memref<40xi32, #tpu.memory_space<hbm>>) target(%arg7 : memref<40xi32, #tpu.memory_space<vmem>>) target_semaphore(%arg16 : memref<!tpu.dma_semaphore, #tpu.memory_space<semaphore_mem>>)
        %mul3A_111 = arith.constant 40 : i32
        %mul3A_112 = arith.muli %add3A_105, %mul3A_111 : i32
        %add3A_113 = arith.addi %mul3A_4, %mul3A_112 : i32
        %dma_start3A_114 = tpu.memref_slice %arg4[%add3A_113] : memref<320000xi32, #tpu.memory_space<hbm>> -> memref<40xi32, #tpu.memory_space<hbm>>
        %dma_start3A_115 = tpu.memref_slice %arg4[%add3A_113] : memref<320000xi32, #tpu.memory_space<hbm>> -> memref<40xi32, #tpu.memory_space<hbm>>
        tpu.enqueue_dma source(%dma_start3A_115 : memref<40xi32, #tpu.memory_space<hbm>>) target(%arg9 : memref<40xi32, #tpu.memory_space<vmem>>) target_semaphore(%arg18 : memref<!tpu.dma_semaphore, #tpu.memory_space<semaphore_mem>>)
      } else {
      }
      %add3A_68 = arith.constant 1 : i32
      %add3A_69 = arith.addi %add3A_52, %add3A_68 : i32
      %lt3A_70 = arith.constant 250 : i32
      %lt3A_71 = arith.cmpi slt, %add3A_69, %lt3A_70 : i32
      %convert_element_type3A_72 = arith.extui %lt3A_71 : i1 to i32
      %cond3A_73 = arith.constant 0 : i32
      %cond3A_74 = arith.cmpi ne, %convert_element_type3A_72, %cond3A_73 : i32
      scf.if %cond3A_74 {
        %dma_wait3A_104 = arith.constant 0 : i32
        %dma_wait3A_105 = tpu.memref_slice %arg3[%dma_wait3A_104] : memref<320000xi32, #tpu.memory_space<hbm>> -> memref<40xi32, #tpu.memory_space<hbm>>
        %dma_wait3A_106 = arith.constant 0 : i32
        %dma_wait3A_107 = tpu.memref_slice %arg3[%dma_wait3A_106] : memref<320000xi32, #tpu.memory_space<hbm>> -> memref<40xi32, #tpu.memory_space<hbm>>
        tpu.wait_dma2 semaphore(%arg17 : memref<!tpu.dma_semaphore, #tpu.memory_space<semaphore_mem>>) src(%dma_wait3A_107 : memref<40xi32, #tpu.memory_space<hbm>>) dst(%arg8 : memref<40xi32, #tpu.memory_space<vmem>>)
        %dma_wait3A_108 = arith.constant 0 : i32
        %dma_wait3A_109 = tpu.memref_slice %arg4[%dma_wait3A_108] : memref<320000xi32, #tpu.memory_space<hbm>> -> memref<40xi32, #tpu.memory_space<hbm>>
        %dma_wait3A_110 = arith.constant 0 : i32
        %dma_wait3A_111 = tpu.memref_slice %arg4[%dma_wait3A_110] : memref<320000xi32, #tpu.memory_space<hbm>> -> memref<40xi32, #tpu.memory_space<hbm>>
        tpu.wait_dma2 semaphore(%arg19 : memref<!tpu.dma_semaphore, #tpu.memory_space<semaphore_mem>>) src(%dma_wait3A_111 : memref<40xi32, #tpu.memory_space<hbm>>) dst(%arg10 : memref<40xi32, #tpu.memory_space<vmem>>)
        %dma_start3A_112 = arith.constant 0 : i32
        %dma_start3A_113 = arith.constant 0 : i32
        %dma_start3A_114 = tpu.memref_slice %arg6[%dma_start3A_112, %dma_start3A_113] : memref<10240x64xf32, #tpu.memory_space<vmem_shared>> -> memref<10240x64xf32, #tpu.memory_space<vmem_shared>>
        tpu.enqueue_indirect_dma source(%dma_start3A_114 : memref<10240x64xf32, #tpu.memory_space<vmem_shared>>) target(%arg12 : memref<40x64xf32, #tpu.memory_space<vmem>>) offsets(%arg8 : memref<40xi32, #tpu.memory_space<vmem>>) semaphore(%arg21 : memref<!tpu.dma_semaphore, #tpu.memory_space<semaphore_mem>>)
        %dma_start3A_115 = arith.constant 0 : i32
        %dma_start3A_116 = arith.constant 0 : i32
        %dma_start3A_117 = tpu.memref_slice %arg6[%dma_start3A_115, %dma_start3A_116] : memref<10240x64xf32, #tpu.memory_space<vmem_shared>> -> memref<10240x64xf32, #tpu.memory_space<vmem_shared>>
        tpu.enqueue_indirect_dma source(%dma_start3A_117 : memref<10240x64xf32, #tpu.memory_space<vmem_shared>>) target(%arg14 : memref<40x64xf32, #tpu.memory_space<vmem>>) offsets(%arg10 : memref<40xi32, #tpu.memory_space<vmem>>) semaphore(%arg23 : memref<!tpu.dma_semaphore, #tpu.memory_space<semaphore_mem>>)
      } else {
      }
      %mul3A_75 = arith.constant 2 : i32
      %mul3A_76 = arith.muli %add3A_48, %mul3A_75 : i32
      %add3A_77 = arith.constant 1 : i32
      %add3A_78 = arith.addi %mul3A_76, %add3A_77 : i32
      %dma_wait3A_79 = arith.constant 0 : i32
      %dma_wait3A_80 = arith.constant 0 : i32
      %dma_wait3A_81 = tpu.memref_slice %arg6[%dma_wait3A_79, %dma_wait3A_80] : memref<10240x64xf32, #tpu.memory_space<vmem_shared>> -> memref<10240x64xf32, #tpu.memory_space<vmem_shared>>
      tpu.wait_indirect_dma semaphore(%arg21 : memref<!tpu.dma_semaphore, #tpu.memory_space<semaphore_mem>>) src(%dma_wait3A_81 : memref<10240x64xf32, #tpu.memory_space<vmem_shared>>) dst(%arg12 : memref<40x64xf32, #tpu.memory_space<vmem>>)
      %dma_wait3A_82 = arith.constant 0 : i32
      %dma_wait3A_83 = arith.constant 0 : i32
      %dma_wait3A_84 = tpu.memref_slice %arg6[%dma_wait3A_82, %dma_wait3A_83] : memref<10240x64xf32, #tpu.memory_space<vmem_shared>> -> memref<10240x64xf32, #tpu.memory_space<vmem_shared>>
      tpu.wait_indirect_dma semaphore(%arg23 : memref<!tpu.dma_semaphore, #tpu.memory_space<semaphore_mem>>) src(%dma_wait3A_84 : memref<10240x64xf32, #tpu.memory_space<vmem_shared>>) dst(%arg14 : memref<40x64xf32, #tpu.memory_space<vmem>>)
      %scan3A_85 = arith.constant 0 : i32
      %scan3A_86 = arith.constant 40 : i32
      %scan3A_87 = arith.addi %scan3A_85, %scan3A_86 : i32
      %scan3A_88 = arith.constant 8 : i32
      scf.for %scan3A_104 = %scan3A_85 to %scan3A_87 step %scan3A_88  : i32 {
        %mul3A_105 = arith.constant 1 : i32
        %mul3A_106 = arith.muli %scan3A_104, %mul3A_105 : i32
        %add3A_107 = arith.constant 0 : i32
        %add3A_108 = arith.addi %add3A_107, %mul3A_106 : i32
        %broadcast_in_dim3A = arith.constant 0.000000e+00 : f32
        %broadcast_in_dim3A_109 = vector.broadcast %broadcast_in_dim3A : f32 to vector<16xf32>
        %get3A = arith.index_cast %add3A_108 : i32 to index
        %get3A_110 = arith.constant 0 : index
        %get3A_111 = tpu.vector_load %arg12[%get3A, %get3A_110] {strides = array<i32>} : memref<40x64xf32, #tpu.memory_space<vmem>>, vector<16xf32>,
        %get3A_112 = arith.index_cast %add3A_108 : i32 to index
        %get3A_113 = arith.constant 0 : index
        %get3A_114 = tpu.vector_load %arg14[%get3A_112, %get3A_113] {strides = array<i32>} : memref<40x64xf32, #tpu.memory_space<vmem>>, vector<16xf32>,
        %mul3A_115 = arith.mulf %get3A_111, %get3A_114 : vector<16xf32>
        %add3A_116 = arith.addf %broadcast_in_dim3A_109, %mul3A_115 : vector<16xf32>
        %get3A_117 = arith.index_cast %add3A_108 : i32 to index
        %get3A_118 = arith.constant 16 : index
        %get3A_119 = tpu.vector_load %arg12[%get3A_117, %get3A_118] {strides = array<i32>} : memref<40x64xf32, #tpu.memory_space<vmem>>, vector<16xf32>,
        %get3A_120 = arith.index_cast %add3A_108 : i32 to index
        %get3A_121 = arith.constant 16 : index
        %get3A_122 = tpu.vector_load %arg14[%get3A_120, %get3A_121] {strides = array<i32>} : memref<40x64xf32, #tpu.memory_space<vmem>>, vector<16xf32>,
        %mul3A_123 = arith.mulf %get3A_119, %get3A_122 : vector<16xf32>
        %add3A_124 = arith.addf %add3A_116, %mul3A_123 : vector<16xf32>
        %get3A_125 = arith.index_cast %add3A_108 : i32 to index
        %get3A_126 = arith.constant 32 : index
        %get3A_127 = tpu.vector_load %arg12[%get3A_125, %get3A_126] {strides = array<i32>} : memref<40x64xf32, #tpu.memory_space<vmem>>, vector<16xf32>,
        %get3A_128 = arith.index_cast %add3A_108 : i32 to index
        %get3A_129 = arith.constant 32 : index
        %get3A_130 = tpu.vector_load %arg14[%get3A_128, %get3A_129] {strides = array<i32>} : memref<40x64xf32, #tpu.memory_space<vmem>>, vector<16xf32>,
        %mul3A_131 = arith.mulf %get3A_127, %get3A_130 : vector<16xf32>
        %add3A_132 = arith.addf %add3A_124, %mul3A_131 : vector<16xf32>
        %get3A_133 = arith.index_cast %add3A_108 : i32 to index
        %get3A_134 = arith.constant 48 : index
        %get3A_135 = tpu.vector_load %arg12[%get3A_133, %get3A_134] {strides = array<i32>} : memref<40x64xf32, #tpu.memory_space<vmem>>, vector<16xf32>,
        %get3A_136 = arith.index_cast %add3A_108 : i32 to index
        %get3A_137 = arith.constant 48 : index
        %get3A_138 = tpu.vector_load %arg14[%get3A_136, %get3A_137] {strides = array<i32>} : memref<40x64xf32, #tpu.memory_space<vmem>>, vector<16xf32>,
        %mul3A_139 = arith.mulf %get3A_135, %get3A_138 : vector<16xf32>
        %add3A_140 = arith.addf %add3A_132, %mul3A_139 : vector<16xf32>
        %broadcast_in_dim3A_141 = arith.constant true
        %broadcast_in_dim3A_142 = vector.broadcast %broadcast_in_dim3A_141 : i1 to vector<16xi1>
        %masked_cumsum3A = tpu.scan <sum>, %add3A_140 masked %broadcast_in_dim3A_142 : vector<16xf32>, vector<16xi1> -> vector<16xf32>
        %mul3A_143 = arith.constant 40 : i32
        %mul3A_144 = arith.muli %add3A_78, %mul3A_143 : i32
        %add3A_145 = arith.addi %mul3A_144, %add3A_108 : i32
        %broadcast_in_dim3A_146 = vector.broadcast %add3A_145 : i32 to vector<16xi32>
        tpu.vector_store_idx %arg15[%broadcast_in_dim3A_146], %masked_cumsum3A masked %eq3A_6 : memref<10000xf32, #tpu.memory_space<vmem>>[vector<16xi32>], vector<16xf32>, vector<16xi1>
        %scan3A_147 = arith.constant 1 : i32
        %scan3A_148 = arith.addi %scan3A_104, %scan3A_147 : i32
        %mul3A_149 = arith.constant 1 : i32
        %mul3A_150 = arith.muli %scan3A_148, %mul3A_149 : i32
        %add3A_151 = arith.constant 0 : i32
        %add3A_152 = arith.addi %add3A_151, %mul3A_150 : i32
        %broadcast_in_dim3A_153 = arith.constant 0.000000e+00 : f32
        %broadcast_in_dim3A_154 = vector.broadcast %broadcast_in_dim3A_153 : f32 to vector<16xf32>
        %get3A_155 = arith.index_cast %add3A_152 : i32 to index
        %get3A_156 = arith.constant 0 : index
        %get3A_157 = tpu.vector_load %arg12[%get3A_155, %get3A_156] {strides = array<i32>} : memref<40x64xf32, #tpu.memory_space<vmem>>, vector<16xf32>,
        %get3A_158 = arith.index_cast %add3A_152 : i32 to index
        %get3A_159 = arith.constant 0 : index
        %get3A_160 = tpu.vector_load %arg14[%get3A_158, %get3A_159] {strides = array<i32>} : memref<40x64xf32, #tpu.memory_space<vmem>>, vector<16xf32>,
        %mul3A_161 = arith.mulf %get3A_157, %get3A_160 : vector<16xf32>
        %add3A_162 = arith.addf %broadcast_in_dim3A_154, %mul3A_161 : vector<16xf32>
        %get3A_163 = arith.index_cast %add3A_152 : i32 to index
        %get3A_164 = arith.constant 16 : index
        %get3A_165 = tpu.vector_load %arg12[%get3A_163, %get3A_164] {strides = array<i32>} : memref<40x64xf32, #tpu.memory_space<vmem>>, vector<16xf32>,
        %get3A_166 = arith.index_cast %add3A_152 : i32 to index
        %get3A_167 = arith.constant 16 : index
        %get3A_168 = tpu.vector_load %arg14[%get3A_166, %get3A_167] {strides = array<i32>} : memref<40x64xf32, #tpu.memory_space<vmem>>, vector<16xf32>,
        %mul3A_169 = arith.mulf %get3A_165, %get3A_168 : vector<16xf32>
        %add3A_170 = arith.addf %add3A_162, %mul3A_169 : vector<16xf32>
        %get3A_171 = arith.index_cast %add3A_152 : i32 to index
        %get3A_172 = arith.constant 32 : index
        %get3A_173 = tpu.vector_load %arg12[%get3A_171, %get3A_172] {strides = array<i32>} : memref<40x64xf32, #tpu.memory_space<vmem>>, vector<16xf32>,
        %get3A_174 = arith.index_cast %add3A_152 : i32 to index
        %get3A_175 = arith.constant 32 : index
        %get3A_176 = tpu.vector_load %arg14[%get3A_174, %get3A_175] {strides = array<i32>} : memref<40x64xf32, #tpu.memory_space<vmem>>, vector<16xf32>,
        %mul3A_177 = arith.mulf %get3A_173, %get3A_176 : vector<16xf32>
        %add3A_178 = arith.addf %add3A_170, %mul3A_177 : vector<16xf32>
        %get3A_179 = arith.index_cast %add3A_152 : i32 to index
        %get3A_180 = arith.constant 48 : index
        %get3A_181 = tpu.vector_load %arg12[%get3A_179, %get3A_180] {strides = array<i32>} : memref<40x64xf32, #tpu.memory_space<vmem>>, vector<16xf32>,
        %get3A_182 = arith.index_cast %add3A_152 : i32 to index
        %get3A_183 = arith.constant 48 : index
        %get3A_184 = tpu.vector_load %arg14[%get3A_182, %get3A_183] {strides = array<i32>} : memref<40x64xf32, #tpu.memory_space<vmem>>, vector<16xf32>,
        %mul3A_185 = arith.mulf %get3A_181, %get3A_184 : vector<16xf32>
        %add3A_186 = arith.addf %add3A_178, %mul3A_185 : vector<16xf32>
        %broadcast_in_dim3A_187 = arith.constant true
        %broadcast_in_dim3A_188 = vector.broadcast %broadcast_in_dim3A_187 : i1 to vector<16xi1>
        %masked_cumsum3A_189 = tpu.scan <sum>, %add3A_186 masked %broadcast_in_dim3A_188 : vector<16xf32>, vector<16xi1> -> vector<16xf32>
        %mul3A_190 = arith.constant 40 : i32
        %mul3A_191 = arith.muli %add3A_78, %mul3A_190 : i32
        %add3A_192 = arith.addi %mul3A_191, %add3A_152 : i32
        %broadcast_in_dim3A_193 = vector.broadcast %add3A_192 : i32 to vector<16xi32>
        tpu.vector_store_idx %arg15[%broadcast_in_dim3A_193], %masked_cumsum3A_189 masked %eq3A_6 : memref<10000xf32, #tpu.memory_space<vmem>>[vector<16xi32>], vector<16xf32>, vector<16xi1>
        %scan3A_194 = arith.constant 2 : i32
        %scan3A_195 = arith.addi %scan3A_104, %scan3A_194 : i32
        %mul3A_196 = arith.constant 1 : i32
        %mul3A_197 = arith.muli %scan3A_195, %mul3A_196 : i32
        %add3A_198 = arith.constant 0 : i32
        %add3A_199 = arith.addi %add3A_198, %mul3A_197 : i32
        %broadcast_in_dim3A_200 = arith.constant 0.000000e+00 : f32
        %broadcast_in_dim3A_201 = vector.broadcast %broadcast_in_dim3A_200 : f32 to vector<16xf32>
        %get3A_202 = arith.index_cast %add3A_199 : i32 to index
        %get3A_203 = arith.constant 0 : index
        %get3A_204 = tpu.vector_load %arg12[%get3A_202, %get3A_203] {strides = array<i32>} : memref<40x64xf32, #tpu.memory_space<vmem>>, vector<16xf32>,
        %get3A_205 = arith.index_cast %add3A_199 : i32 to index
        %get3A_206 = arith.constant 0 : index
        %get3A_207 = tpu.vector_load %arg14[%get3A_205, %get3A_206] {strides = array<i32>} : memref<40x64xf32, #tpu.memory_space<vmem>>, vector<16xf32>,
        %mul3A_208 = arith.mulf %get3A_204, %get3A_207 : vector<16xf32>
        %add3A_209 = arith.addf %broadcast_in_dim3A_201, %mul3A_208 : vector<16xf32>
        %get3A_210 = arith.index_cast %add3A_199 : i32 to index
        %get3A_211 = arith.constant 16 : index
        %get3A_212 = tpu.vector_load %arg12[%get3A_210, %get3A_211] {strides = array<i32>} : memref<40x64xf32, #tpu.memory_space<vmem>>, vector<16xf32>,
        %get3A_213 = arith.index_cast %add3A_199 : i32 to index
        %get3A_214 = arith.constant 16 : index
        %get3A_215 = tpu.vector_load %arg14[%get3A_213, %get3A_214] {strides = array<i32>} : memref<40x64xf32, #tpu.memory_space<vmem>>, vector<16xf32>,
        %mul3A_216 = arith.mulf %get3A_212, %get3A_215 : vector<16xf32>
        %add3A_217 = arith.addf %add3A_209, %mul3A_216 : vector<16xf32>
        %get3A_218 = arith.index_cast %add3A_199 : i32 to index
        %get3A_219 = arith.constant 32 : index
        %get3A_220 = tpu.vector_load %arg12[%get3A_218, %get3A_219] {strides = array<i32>} : memref<40x64xf32, #tpu.memory_space<vmem>>, vector<16xf32>,
        %get3A_221 = arith.index_cast %add3A_199 : i32 to index
        %get3A_222 = arith.constant 32 : index
        %get3A_223 = tpu.vector_load %arg14[%get3A_221, %get3A_222] {strides = array<i32>} : memref<40x64xf32, #tpu.memory_space<vmem>>, vector<16xf32>,
        %mul3A_224 = arith.mulf %get3A_220, %get3A_223 : vector<16xf32>
        %add3A_225 = arith.addf %add3A_217, %mul3A_224 : vector<16xf32>
        %get3A_226 = arith.index_cast %add3A_199 : i32 to index
        %get3A_227 = arith.constant 48 : index
        %get3A_228 = tpu.vector_load %arg12[%get3A_226, %get3A_227] {strides = array<i32>} : memref<40x64xf32, #tpu.memory_space<vmem>>, vector<16xf32>,
        %get3A_229 = arith.index_cast %add3A_199 : i32 to index
        %get3A_230 = arith.constant 48 : index
        %get3A_231 = tpu.vector_load %arg14[%get3A_229, %get3A_230] {strides = array<i32>} : memref<40x64xf32, #tpu.memory_space<vmem>>, vector<16xf32>,
        %mul3A_232 = arith.mulf %get3A_228, %get3A_231 : vector<16xf32>
        %add3A_233 = arith.addf %add3A_225, %mul3A_232 : vector<16xf32>
        %broadcast_in_dim3A_234 = arith.constant true
        %broadcast_in_dim3A_235 = vector.broadcast %broadcast_in_dim3A_234 : i1 to vector<16xi1>
        %masked_cumsum3A_236 = tpu.scan <sum>, %add3A_233 masked %broadcast_in_dim3A_235 : vector<16xf32>, vector<16xi1> -> vector<16xf32>
        %mul3A_237 = arith.constant 40 : i32
        %mul3A_238 = arith.muli %add3A_78, %mul3A_237 : i32
        %add3A_239 = arith.addi %mul3A_238, %add3A_199 : i32
        %broadcast_in_dim3A_240 = vector.broadcast %add3A_239 : i32 to vector<16xi32>
        tpu.vector_store_idx %arg15[%broadcast_in_dim3A_240], %masked_cumsum3A_236 masked %eq3A_6 : memref<10000xf32, #tpu.memory_space<vmem>>[vector<16xi32>], vector<16xf32>, vector<16xi1>
        %scan3A_241 = arith.constant 3 : i32
        %scan3A_242 = arith.addi %scan3A_104, %scan3A_241 : i32
        %mul3A_243 = arith.constant 1 : i32
        %mul3A_244 = arith.muli %scan3A_242, %mul3A_243 : i32
        %add3A_245 = arith.constant 0 : i32
        %add3A_246 = arith.addi %add3A_245, %mul3A_244 : i32
        %broadcast_in_dim3A_247 = arith.constant 0.000000e+00 : f32
        %broadcast_in_dim3A_248 = vector.broadcast %broadcast_in_dim3A_247 : f32 to vector<16xf32>
        %get3A_249 = arith.index_cast %add3A_246 : i32 to index
        %get3A_250 = arith.constant 0 : index
        %get3A_251 = tpu.vector_load %arg12[%get3A_249, %get3A_250] {strides = array<i32>} : memref<40x64xf32, #tpu.memory_space<vmem>>, vector<16xf32>,
        %get3A_252 = arith.index_cast %add3A_246 : i32 to index
        %get3A_253 = arith.constant 0 : index
        %get3A_254 = tpu.vector_load %arg14[%get3A_252, %get3A_253] {strides = array<i32>} : memref<40x64xf32, #tpu.memory_space<vmem>>, vector<16xf32>,
        %mul3A_255 = arith.mulf %get3A_251, %get3A_254 : vector<16xf32>
        %add3A_256 = arith.addf %broadcast_in_dim3A_248, %mul3A_255 : vector<16xf32>
        %get3A_257 = arith.index_cast %add3A_246 : i32 to index
        %get3A_258 = arith.constant 16 : index
        %get3A_259 = tpu.vector_load %arg12[%get3A_257, %get3A_258] {strides = array<i32>} : memref<40x64xf32, #tpu.memory_space<vmem>>, vector<16xf32>,
        %get3A_260 = arith.index_cast %add3A_246 : i32 to index
        %get3A_261 = arith.constant 16 : index
        %get3A_262 = tpu.vector_load %arg14[%get3A_260, %get3A_261] {strides = array<i32>} : memref<40x64xf32, #tpu.memory_space<vmem>>, vector<16xf32>,
        %mul3A_263 = arith.mulf %get3A_259, %get3A_262 : vector<16xf32>
        %add3A_264 = arith.addf %add3A_256, %mul3A_263 : vector<16xf32>
        %get3A_265 = arith.index_cast %add3A_246 : i32 to index
        %get3A_266 = arith.constant 32 : index
        %get3A_267 = tpu.vector_load %arg12[%get3A_265, %get3A_266] {strides = array<i32>} : memref<40x64xf32, #tpu.memory_space<vmem>>, vector<16xf32>,
        %get3A_268 = arith.index_cast %add3A_246 : i32 to index
        %get3A_269 = arith.constant 32 : index
        %get3A_270 = tpu.vector_load %arg14[%get3A_268, %get3A_269] {strides = array<i32>} : memref<40x64xf32, #tpu.memory_space<vmem>>, vector<16xf32>,
        %mul3A_271 = arith.mulf %get3A_267, %get3A_270 : vector<16xf32>
        %add3A_272 = arith.addf %add3A_264, %mul3A_271 : vector<16xf32>
        %get3A_273 = arith.index_cast %add3A_246 : i32 to index
        %get3A_274 = arith.constant 48 : index
        %get3A_275 = tpu.vector_load %arg12[%get3A_273, %get3A_274] {strides = array<i32>} : memref<40x64xf32, #tpu.memory_space<vmem>>, vector<16xf32>,
        %get3A_276 = arith.index_cast %add3A_246 : i32 to index
        %get3A_277 = arith.constant 48 : index
        %get3A_278 = tpu.vector_load %arg14[%get3A_276, %get3A_277] {strides = array<i32>} : memref<40x64xf32, #tpu.memory_space<vmem>>, vector<16xf32>,
        %mul3A_279 = arith.mulf %get3A_275, %get3A_278 : vector<16xf32>
        %add3A_280 = arith.addf %add3A_272, %mul3A_279 : vector<16xf32>
        %broadcast_in_dim3A_281 = arith.constant true
        %broadcast_in_dim3A_282 = vector.broadcast %broadcast_in_dim3A_281 : i1 to vector<16xi1>
        %masked_cumsum3A_283 = tpu.scan <sum>, %add3A_280 masked %broadcast_in_dim3A_282 : vector<16xf32>, vector<16xi1> -> vector<16xf32>
        %mul3A_284 = arith.constant 40 : i32
        %mul3A_285 = arith.muli %add3A_78, %mul3A_284 : i32
        %add3A_286 = arith.addi %mul3A_285, %add3A_246 : i32
        %broadcast_in_dim3A_287 = vector.broadcast %add3A_286 : i32 to vector<16xi32>
        tpu.vector_store_idx %arg15[%broadcast_in_dim3A_287], %masked_cumsum3A_283 masked %eq3A_6 : memref<10000xf32, #tpu.memory_space<vmem>>[vector<16xi32>], vector<16xf32>, vector<16xi1>
        %scan3A_288 = arith.constant 4 : i32
        %scan3A_289 = arith.addi %scan3A_104, %scan3A_288 : i32
        %mul3A_290 = arith.constant 1 : i32
        %mul3A_291 = arith.muli %scan3A_289, %mul3A_290 : i32
        %add3A_292 = arith.constant 0 : i32
        %add3A_293 = arith.addi %add3A_292, %mul3A_291 : i32
        %broadcast_in_dim3A_294 = arith.constant 0.000000e+00 : f32
        %broadcast_in_dim3A_295 = vector.broadcast %broadcast_in_dim3A_294 : f32 to vector<16xf32>
        %get3A_296 = arith.index_cast %add3A_293 : i32 to index
        %get3A_297 = arith.constant 0 : index
        %get3A_298 = tpu.vector_load %arg12[%get3A_296, %get3A_297] {strides = array<i32>} : memref<40x64xf32, #tpu.memory_space<vmem>>, vector<16xf32>,
        %get3A_299 = arith.index_cast %add3A_293 : i32 to index
        %get3A_300 = arith.constant 0 : index
        %get3A_301 = tpu.vector_load %arg14[%get3A_299, %get3A_300] {strides = array<i32>} : memref<40x64xf32, #tpu.memory_space<vmem>>, vector<16xf32>,
        %mul3A_302 = arith.mulf %get3A_298, %get3A_301 : vector<16xf32>
        %add3A_303 = arith.addf %broadcast_in_dim3A_295, %mul3A_302 : vector<16xf32>
        %get3A_304 = arith.index_cast %add3A_293 : i32 to index
        %get3A_305 = arith.constant 16 : index
        %get3A_306 = tpu.vector_load %arg12[%get3A_304, %get3A_305] {strides = array<i32>} : memref<40x64xf32, #tpu.memory_space<vmem>>, vector<16xf32>,
        %get3A_307 = arith.index_cast %add3A_293 : i32 to index
        %get3A_308 = arith.constant 16 : index
        %get3A_309 = tpu.vector_load %arg14[%get3A_307, %get3A_308] {strides = array<i32>} : memref<40x64xf32, #tpu.memory_space<vmem>>, vector<16xf32>,
        %mul3A_310 = arith.mulf %get3A_306, %get3A_309 : vector<16xf32>
        %add3A_311 = arith.addf %add3A_303, %mul3A_310 : vector<16xf32>
        %get3A_312 = arith.index_cast %add3A_293 : i32 to index
        %get3A_313 = arith.constant 32 : index
        %get3A_314 = tpu.vector_load %arg12[%get3A_312, %get3A_313] {strides = array<i32>} : memref<40x64xf32, #tpu.memory_space<vmem>>, vector<16xf32>,
        %get3A_315 = arith.index_cast %add3A_293 : i32 to index
        %get3A_316 = arith.constant 32 : index
        %get3A_317 = tpu.vector_load %arg14[%get3A_315, %get3A_316] {strides = array<i32>} : memref<40x64xf32, #tpu.memory_space<vmem>>, vector<16xf32>,
        %mul3A_318 = arith.mulf %get3A_314, %get3A_317 : vector<16xf32>
        %add3A_319 = arith.addf %add3A_311, %mul3A_318 : vector<16xf32>
        %get3A_320 = arith.index_cast %add3A_293 : i32 to index
        %get3A_321 = arith.constant 48 : index
        %get3A_322 = tpu.vector_load %arg12[%get3A_320, %get3A_321] {strides = array<i32>} : memref<40x64xf32, #tpu.memory_space<vmem>>, vector<16xf32>,
        %get3A_323 = arith.index_cast %add3A_293 : i32 to index
        %get3A_324 = arith.constant 48 : index
        %get3A_325 = tpu.vector_load %arg14[%get3A_323, %get3A_324] {strides = array<i32>} : memref<40x64xf32, #tpu.memory_space<vmem>>, vector<16xf32>,
        %mul3A_326 = arith.mulf %get3A_322, %get3A_325 : vector<16xf32>
        %add3A_327 = arith.addf %add3A_319, %mul3A_326 : vector<16xf32>
        %broadcast_in_dim3A_328 = arith.constant true
        %broadcast_in_dim3A_329 = vector.broadcast %broadcast_in_dim3A_328 : i1 to vector<16xi1>
        %masked_cumsum3A_330 = tpu.scan <sum>, %add3A_327 masked %broadcast_in_dim3A_329 : vector<16xf32>, vector<16xi1> -> vector<16xf32>
        %mul3A_331 = arith.constant 40 : i32
        %mul3A_332 = arith.muli %add3A_78, %mul3A_331 : i32
        %add3A_333 = arith.addi %mul3A_332, %add3A_293 : i32
        %broadcast_in_dim3A_334 = vector.broadcast %add3A_333 : i32 to vector<16xi32>
        tpu.vector_store_idx %arg15[%broadcast_in_dim3A_334], %masked_cumsum3A_330 masked %eq3A_6 : memref<10000xf32, #tpu.memory_space<vmem>>[vector<16xi32>], vector<16xf32>, vector<16xi1>
        %scan3A_335 = arith.constant 5 : i32
        %scan3A_336 = arith.addi %scan3A_104, %scan3A_335 : i32
        %mul3A_337 = arith.constant 1 : i32
        %mul3A_338 = arith.muli %scan3A_336, %mul3A_337 : i32
        %add3A_339 = arith.constant 0 : i32
        %add3A_340 = arith.addi %add3A_339, %mul3A_338 : i32
        %broadcast_in_dim3A_341 = arith.constant 0.000000e+00 : f32
        %broadcast_in_dim3A_342 = vector.broadcast %broadcast_in_dim3A_341 : f32 to vector<16xf32>
        %get3A_343 = arith.index_cast %add3A_340 : i32 to index
        %get3A_344 = arith.constant 0 : index
        %get3A_345 = tpu.vector_load %arg12[%get3A_343, %get3A_344] {strides = array<i32>} : memref<40x64xf32, #tpu.memory_space<vmem>>, vector<16xf32>,
        %get3A_346 = arith.index_cast %add3A_340 : i32 to index
        %get3A_347 = arith.constant 0 : index
        %get3A_348 = tpu.vector_load %arg14[%get3A_346, %get3A_347] {strides = array<i32>} : memref<40x64xf32, #tpu.memory_space<vmem>>, vector<16xf32>,
        %mul3A_349 = arith.mulf %get3A_345, %get3A_348 : vector<16xf32>
        %add3A_350 = arith.addf %broadcast_in_dim3A_342, %mul3A_349 : vector<16xf32>
        %get3A_351 = arith.index_cast %add3A_340 : i32 to index
        %get3A_352 = arith.constant 16 : index
        %get3A_353 = tpu.vector_load %arg12[%get3A_351, %get3A_352] {strides = array<i32>} : memref<40x64xf32, #tpu.memory_space<vmem>>, vector<16xf32>,
        %get3A_354 = arith.index_cast %add3A_340 : i32 to index
        %get3A_355 = arith.constant 16 : index
        %get3A_356 = tpu.vector_load %arg14[%get3A_354, %get3A_355] {strides = array<i32>} : memref<40x64xf32, #tpu.memory_space<vmem>>, vector<16xf32>,
        %mul3A_357 = arith.mulf %get3A_353, %get3A_356 : vector<16xf32>
        %add3A_358 = arith.addf %add3A_350, %mul3A_357 : vector<16xf32>
        %get3A_359 = arith.index_cast %add3A_340 : i32 to index
        %get3A_360 = arith.constant 32 : index
        %get3A_361 = tpu.vector_load %arg12[%get3A_359, %get3A_360] {strides = array<i32>} : memref<40x64xf32, #tpu.memory_space<vmem>>, vector<16xf32>,
        %get3A_362 = arith.index_cast %add3A_340 : i32 to index
        %get3A_363 = arith.constant 32 : index
        %get3A_364 = tpu.vector_load %arg14[%get3A_362, %get3A_363] {strides = array<i32>} : memref<40x64xf32, #tpu.memory_space<vmem>>, vector<16xf32>,
        %mul3A_365 = arith.mulf %get3A_361, %get3A_364 : vector<16xf32>
        %add3A_366 = arith.addf %add3A_358, %mul3A_365 : vector<16xf32>
        %get3A_367 = arith.index_cast %add3A_340 : i32 to index
        %get3A_368 = arith.constant 48 : index
        %get3A_369 = tpu.vector_load %arg12[%get3A_367, %get3A_368] {strides = array<i32>} : memref<40x64xf32, #tpu.memory_space<vmem>>, vector<16xf32>,
        %get3A_370 = arith.index_cast %add3A_340 : i32 to index
        %get3A_371 = arith.constant 48 : index
        %get3A_372 = tpu.vector_load %arg14[%get3A_370, %get3A_371] {strides = array<i32>} : memref<40x64xf32, #tpu.memory_space<vmem>>, vector<16xf32>,
        %mul3A_373 = arith.mulf %get3A_369, %get3A_372 : vector<16xf32>
        %add3A_374 = arith.addf %add3A_366, %mul3A_373 : vector<16xf32>
        %broadcast_in_dim3A_375 = arith.constant true
        %broadcast_in_dim3A_376 = vector.broadcast %broadcast_in_dim3A_375 : i1 to vector<16xi1>
        %masked_cumsum3A_377 = tpu.scan <sum>, %add3A_374 masked %broadcast_in_dim3A_376 : vector<16xf32>, vector<16xi1> -> vector<16xf32>
        %mul3A_378 = arith.constant 40 : i32
        %mul3A_379 = arith.muli %add3A_78, %mul3A_378 : i32
        %add3A_380 = arith.addi %mul3A_379, %add3A_340 : i32
        %broadcast_in_dim3A_381 = vector.broadcast %add3A_380 : i32 to vector<16xi32>
        tpu.vector_store_idx %arg15[%broadcast_in_dim3A_381], %masked_cumsum3A_377 masked %eq3A_6 : memref<10000xf32, #tpu.memory_space<vmem>>[vector<16xi32>], vector<16xf32>, vector<16xi1>
        %scan3A_382 = arith.constant 6 : i32
        %scan3A_383 = arith.addi %scan3A_104, %scan3A_382 : i32
        %mul3A_384 = arith.constant 1 : i32
        %mul3A_385 = arith.muli %scan3A_383, %mul3A_384 : i32
        %add3A_386 = arith.constant 0 : i32
        %add3A_387 = arith.addi %add3A_386, %mul3A_385 : i32
        %broadcast_in_dim3A_388 = arith.constant 0.000000e+00 : f32
        %broadcast_in_dim3A_389 = vector.broadcast %broadcast_in_dim3A_388 : f32 to vector<16xf32>
        %get3A_390 = arith.index_cast %add3A_387 : i32 to index
        %get3A_391 = arith.constant 0 : index
        %get3A_392 = tpu.vector_load %arg12[%get3A_390, %get3A_391] {strides = array<i32>} : memref<40x64xf32, #tpu.memory_space<vmem>>, vector<16xf32>,
        %get3A_393 = arith.index_cast %add3A_387 : i32 to index
        %get3A_394 = arith.constant 0 : index
        %get3A_395 = tpu.vector_load %arg14[%get3A_393, %get3A_394] {strides = array<i32>} : memref<40x64xf32, #tpu.memory_space<vmem>>, vector<16xf32>,
        %mul3A_396 = arith.mulf %get3A_392, %get3A_395 : vector<16xf32>
        %add3A_397 = arith.addf %broadcast_in_dim3A_389, %mul3A_396 : vector<16xf32>
        %get3A_398 = arith.index_cast %add3A_387 : i32 to index
        %get3A_399 = arith.constant 16 : index
        %get3A_400 = tpu.vector_load %arg12[%get3A_398, %get3A_399] {strides = array<i32>} : memref<40x64xf32, #tpu.memory_space<vmem>>, vector<16xf32>,
        %get3A_401 = arith.index_cast %add3A_387 : i32 to index
        %get3A_402 = arith.constant 16 : index
        %get3A_403 = tpu.vector_load %arg14[%get3A_401, %get3A_402] {strides = array<i32>} : memref<40x64xf32, #tpu.memory_space<vmem>>, vector<16xf32>,
        %mul3A_404 = arith.mulf %get3A_400, %get3A_403 : vector<16xf32>
        %add3A_405 = arith.addf %add3A_397, %mul3A_404 : vector<16xf32>
        %get3A_406 = arith.index_cast %add3A_387 : i32 to index
        %get3A_407 = arith.constant 32 : index
        %get3A_408 = tpu.vector_load %arg12[%get3A_406, %get3A_407] {strides = array<i32>} : memref<40x64xf32, #tpu.memory_space<vmem>>, vector<16xf32>,
        %get3A_409 = arith.index_cast %add3A_387 : i32 to index
        %get3A_410 = arith.constant 32 : index
        %get3A_411 = tpu.vector_load %arg14[%get3A_409, %get3A_410] {strides = array<i32>} : memref<40x64xf32, #tpu.memory_space<vmem>>, vector<16xf32>,
        %mul3A_412 = arith.mulf %get3A_408, %get3A_411 : vector<16xf32>
        %add3A_413 = arith.addf %add3A_405, %mul3A_412 : vector<16xf32>
        %get3A_414 = arith.index_cast %add3A_387 : i32 to index
        %get3A_415 = arith.constant 48 : index
        %get3A_416 = tpu.vector_load %arg12[%get3A_414, %get3A_415] {strides = array<i32>} : memref<40x64xf32, #tpu.memory_space<vmem>>, vector<16xf32>,
        %get3A_417 = arith.index_cast %add3A_387 : i32 to index
        %get3A_418 = arith.constant 48 : index
        %get3A_419 = tpu.vector_load %arg14[%get3A_417, %get3A_418] {strides = array<i32>} : memref<40x64xf32, #tpu.memory_space<vmem>>, vector<16xf32>,
        %mul3A_420 = arith.mulf %get3A_416, %get3A_419 : vector<16xf32>
        %add3A_421 = arith.addf %add3A_413, %mul3A_420 : vector<16xf32>
        %broadcast_in_dim3A_422 = arith.constant true
        %broadcast_in_dim3A_423 = vector.broadcast %broadcast_in_dim3A_422 : i1 to vector<16xi1>
        %masked_cumsum3A_424 = tpu.scan <sum>, %add3A_421 masked %broadcast_in_dim3A_423 : vector<16xf32>, vector<16xi1> -> vector<16xf32>
        %mul3A_425 = arith.constant 40 : i32
        %mul3A_426 = arith.muli %add3A_78, %mul3A_425 : i32
        %add3A_427 = arith.addi %mul3A_426, %add3A_387 : i32
        %broadcast_in_dim3A_428 = vector.broadcast %add3A_427 : i32 to vector<16xi32>
        tpu.vector_store_idx %arg15[%broadcast_in_dim3A_428], %masked_cumsum3A_424 masked %eq3A_6 : memref<10000xf32, #tpu.memory_space<vmem>>[vector<16xi32>], vector<16xf32>, vector<16xi1>
        %scan3A_429 = arith.constant 7 : i32
        %scan3A_430 = arith.addi %scan3A_104, %scan3A_429 : i32
        %mul3A_431 = arith.constant 1 : i32
        %mul3A_432 = arith.muli %scan3A_430, %mul3A_431 : i32
        %add3A_433 = arith.constant 0 : i32
        %add3A_434 = arith.addi %add3A_433, %mul3A_432 : i32
        %broadcast_in_dim3A_435 = arith.constant 0.000000e+00 : f32
        %broadcast_in_dim3A_436 = vector.broadcast %broadcast_in_dim3A_435 : f32 to vector<16xf32>
        %get3A_437 = arith.index_cast %add3A_434 : i32 to index
        %get3A_438 = arith.constant 0 : index
        %get3A_439 = tpu.vector_load %arg12[%get3A_437, %get3A_438] {strides = array<i32>} : memref<40x64xf32, #tpu.memory_space<vmem>>, vector<16xf32>,
        %get3A_440 = arith.index_cast %add3A_434 : i32 to index
        %get3A_441 = arith.constant 0 : index
        %get3A_442 = tpu.vector_load %arg14[%get3A_440, %get3A_441] {strides = array<i32>} : memref<40x64xf32, #tpu.memory_space<vmem>>, vector<16xf32>,
        %mul3A_443 = arith.mulf %get3A_439, %get3A_442 : vector<16xf32>
        %add3A_444 = arith.addf %broadcast_in_dim3A_436, %mul3A_443 : vector<16xf32>
        %get3A_445 = arith.index_cast %add3A_434 : i32 to index
        %get3A_446 = arith.constant 16 : index
        %get3A_447 = tpu.vector_load %arg12[%get3A_445, %get3A_446] {strides = array<i32>} : memref<40x64xf32, #tpu.memory_space<vmem>>, vector<16xf32>,
        %get3A_448 = arith.index_cast %add3A_434 : i32 to index
        %get3A_449 = arith.constant 16 : index
        %get3A_450 = tpu.vector_load %arg14[%get3A_448, %get3A_449] {strides = array<i32>} : memref<40x64xf32, #tpu.memory_space<vmem>>, vector<16xf32>,
        %mul3A_451 = arith.mulf %get3A_447, %get3A_450 : vector<16xf32>
        %add3A_452 = arith.addf %add3A_444, %mul3A_451 : vector<16xf32>
        %get3A_453 = arith.index_cast %add3A_434 : i32 to index
        %get3A_454 = arith.constant 32 : index
        %get3A_455 = tpu.vector_load %arg12[%get3A_453, %get3A_454] {strides = array<i32>} : memref<40x64xf32, #tpu.memory_space<vmem>>, vector<16xf32>,
        %get3A_456 = arith.index_cast %add3A_434 : i32 to index
        %get3A_457 = arith.constant 32 : index
        %get3A_458 = tpu.vector_load %arg14[%get3A_456, %get3A_457] {strides = array<i32>} : memref<40x64xf32, #tpu.memory_space<vmem>>, vector<16xf32>,
        %mul3A_459 = arith.mulf %get3A_455, %get3A_458 : vector<16xf32>
        %add3A_460 = arith.addf %add3A_452, %mul3A_459 : vector<16xf32>
        %get3A_461 = arith.index_cast %add3A_434 : i32 to index
        %get3A_462 = arith.constant 48 : index
        %get3A_463 = tpu.vector_load %arg12[%get3A_461, %get3A_462] {strides = array<i32>} : memref<40x64xf32, #tpu.memory_space<vmem>>, vector<16xf32>,
        %get3A_464 = arith.index_cast %add3A_434 : i32 to index
        %get3A_465 = arith.constant 48 : index
        %get3A_466 = tpu.vector_load %arg14[%get3A_464, %get3A_465] {strides = array<i32>} : memref<40x64xf32, #tpu.memory_space<vmem>>, vector<16xf32>,
        %mul3A_467 = arith.mulf %get3A_463, %get3A_466 : vector<16xf32>
        %add3A_468 = arith.addf %add3A_460, %mul3A_467 : vector<16xf32>
        %broadcast_in_dim3A_469 = arith.constant true
        %broadcast_in_dim3A_470 = vector.broadcast %broadcast_in_dim3A_469 : i1 to vector<16xi1>
        %masked_cumsum3A_471 = tpu.scan <sum>, %add3A_468 masked %broadcast_in_dim3A_470 : vector<16xf32>, vector<16xi1> -> vector<16xf32>
        %mul3A_472 = arith.constant 40 : i32
        %mul3A_473 = arith.muli %add3A_78, %mul3A_472 : i32
        %add3A_474 = arith.addi %mul3A_473, %add3A_434 : i32
        %broadcast_in_dim3A_475 = vector.broadcast %add3A_474 : i32 to vector<16xi32>
        tpu.vector_store_idx %arg15[%broadcast_in_dim3A_475], %masked_cumsum3A_471 masked %eq3A_6 : memref<10000xf32, #tpu.memory_space<vmem>>[vector<16xi32>], vector<16xf32>, vector<16xi1>
      }
      %scan3A_89 = arith.constant 40 : i32
      %add3A_90 = arith.constant 2 : i32
      %add3A_91 = arith.addi %add3A_78, %add3A_90 : i32
      %lt3A_92 = arith.constant 250 : i32
      %lt3A_93 = arith.cmpi slt, %add3A_91, %lt3A_92 : i32
      %convert_element_type3A_94 = arith.extui %lt3A_93 : i1 to i32
      %cond3A_95 = arith.constant 0 : i32
      %cond3A_96 = arith.cmpi ne, %convert_element_type3A_94, %cond3A_95 : i32
      scf.if %cond3A_96 {
        %add3A_104 = arith.constant 2 : i32
        %add3A_105 = arith.addi %add3A_78, %add3A_104 : i32
        %mul3A_106 = arith.constant 40 : i32
        %mul3A_107 = arith.muli %add3A_105, %mul3A_106 : i32
        %add3A_108 = arith.addi %mul3A_4, %mul3A_107 : i32
        %dma_start3A_109 = tpu.memref_slice %arg3[%add3A_108] : memref<320000xi32, #tpu.memory_space<hbm>> -> memref<40xi32, #tpu.memory_space<hbm>>
        %dma_start3A_110 = tpu.memref_slice %arg3[%add3A_108] : memref<320000xi32, #tpu.memory_space<hbm>> -> memref<40xi32, #tpu.memory_space<hbm>>
        tpu.enqueue_dma source(%dma_start3A_110 : memref<40xi32, #tpu.memory_space<hbm>>) target(%arg8 : memref<40xi32, #tpu.memory_space<vmem>>) target_semaphore(%arg17 : memref<!tpu.dma_semaphore, #tpu.memory_space<semaphore_mem>>)
        %mul3A_111 = arith.constant 40 : i32
        %mul3A_112 = arith.muli %add3A_105, %mul3A_111 : i32
        %add3A_113 = arith.addi %mul3A_4, %mul3A_112 : i32
        %dma_start3A_114 = tpu.memref_slice %arg4[%add3A_113] : memref<320000xi32, #tpu.memory_space<hbm>> -> memref<40xi32, #tpu.memory_space<hbm>>
        %dma_start3A_115 = tpu.memref_slice %arg4[%add3A_113] : memref<320000xi32, #tpu.memory_space<hbm>> -> memref<40xi32, #tpu.memory_space<hbm>>
        tpu.enqueue_dma source(%dma_start3A_115 : memref<40xi32, #tpu.memory_space<hbm>>) target(%arg10 : memref<40xi32, #tpu.memory_space<vmem>>) target_semaphore(%arg19 : memref<!tpu.dma_semaphore, #tpu.memory_space<semaphore_mem>>)
      } else {
      }
      %add3A_97 = arith.constant 1 : i32
      %add3A_98 = arith.addi %add3A_78, %add3A_97 : i32
      %lt3A_99 = arith.constant 250 : i32
      %lt3A_100 = arith.cmpi slt, %add3A_98, %lt3A_99 : i32
      %convert_element_type3A_101 = arith.extui %lt3A_100 : i1 to i32
      %cond3A_102 = arith.constant 0 : i32
      %cond3A_103 = arith.cmpi ne, %convert_element_type3A_101, %cond3A_102 : i32
      scf.if %cond3A_103 {
        %dma_wait3A_104 = arith.constant 0 : i32
        %dma_wait3A_105 = tpu.memref_slice %arg3[%dma_wait3A_104] : memref<320000xi32, #tpu.memory_space<hbm>> -> memref<40xi32, #tpu.memory_space<hbm>>
        %dma_wait3A_106 = arith.constant 0 : i32
        %dma_wait3A_107 = tpu.memref_slice %arg3[%dma_wait3A_106] : memref<320000xi32, #tpu.memory_space<hbm>> -> memref<40xi32, #tpu.memory_space<hbm>>
        tpu.wait_dma2 semaphore(%arg16 : memref<!tpu.dma_semaphore, #tpu.memory_space<semaphore_mem>>) src(%dma_wait3A_107 : memref<40xi32, #tpu.memory_space<hbm>>) dst(%arg7 : memref<40xi32, #tpu.memory_space<vmem>>)
        %dma_wait3A_108 = arith.constant 0 : i32
        %dma_wait3A_109 = tpu.memref_slice %arg4[%dma_wait3A_108] : memref<320000xi32, #tpu.memory_space<hbm>> -> memref<40xi32, #tpu.memory_space<hbm>>
        %dma_wait3A_110 = arith.constant 0 : i32
        %dma_wait3A_111 = tpu.memref_slice %arg4[%dma_wait3A_110] : memref<320000xi32, #tpu.memory_space<hbm>> -> memref<40xi32, #tpu.memory_space<hbm>>
        tpu.wait_dma2 semaphore(%arg18 : memref<!tpu.dma_semaphore, #tpu.memory_space<semaphore_mem>>) src(%dma_wait3A_111 : memref<40xi32, #tpu.memory_space<hbm>>) dst(%arg9 : memref<40xi32, #tpu.memory_space<vmem>>)
        %dma_start3A_112 = arith.constant 0 : i32
        %dma_start3A_113 = arith.constant 0 : i32
        %dma_start3A_114 = tpu.memref_slice %arg6[%dma_start3A_112, %dma_start3A_113] : memref<10240x64xf32, #tpu.memory_space<vmem_shared>> -> memref<10240x64xf32, #tpu.memory_space<vmem_shared>>
        tpu.enqueue_indirect_dma source(%dma_start3A_114 : memref<10240x64xf32, #tpu.memory_space<vmem_shared>>) target(%arg11 : memref<40x64xf32, #tpu.memory_space<vmem>>) offsets(%arg7 : memref<40xi32, #tpu.memory_space<vmem>>) semaphore(%arg20 : memref<!tpu.dma_semaphore, #tpu.memory_space<semaphore_mem>>)
        %dma_start3A_115 = arith.constant 0 : i32
        %dma_start3A_116 = arith.constant 0 : i32
        %dma_start3A_117 = tpu.memref_slice %arg6[%dma_start3A_115, %dma_start3A_116] : memref<10240x64xf32, #tpu.memory_space<vmem_shared>> -> memref<10240x64xf32, #tpu.memory_space<vmem_shared>>
        tpu.enqueue_indirect_dma source(%dma_start3A_117 : memref<10240x64xf32, #tpu.memory_space<vmem_shared>>) target(%arg13 : memref<40x64xf32, #tpu.memory_space<vmem>>) offsets(%arg9 : memref<40xi32, #tpu.memory_space<vmem>>) semaphore(%arg22 : memref<!tpu.dma_semaphore, #tpu.memory_space<semaphore_mem>>)
      } else {
      }
    }
    %scan3A_38 = arith.constant 125 : i32
    %scan3A_39 = arith.constant 0 : i32
    %scan3A_40 = arith.constant 625 : i32
    %scan3A_41 = arith.addi %scan3A_39, %scan3A_40 : i32
    %scan3A_42 = arith.constant 1 : i32
    scf.for %scan3A_44 = %scan3A_39 to %scan3A_41 step %scan3A_42  : i32 {
      %mul3A_45 = arith.constant 1 : i32
      %mul3A_46 = arith.muli %scan3A_44, %mul3A_45 : i32
      %add3A_47 = arith.constant 0 : i32
      %add3A_48 = arith.addi %add3A_47, %mul3A_46 : i32
      %mul3A_49 = arith.constant 16 : i32
      %mul3A_50 = arith.muli %add3A_48, %mul3A_49 : i32
      %get3A = arith.index_cast %mul3A_50 : i32 to index
      %get3A_51 = tpu.vector_load %arg15[%get3A] {strides = array<i32>} : memref<10000xf32, #tpu.memory_space<vmem>>, vector<16xf32>,
      %neg3A = arith.constant 0.000000e+00 : f32
      %neg3A_52 = vector.broadcast %neg3A : f32 to vector<16xf32>
      %neg3A_53 = arith.subf %neg3A_52, %get3A_51 : vector<16xf32>
      %exp3A = math.exp %neg3A_53 : vector<16xf32>
      %add3A_54 = arith.constant 1.000000e+00 : f32
      %add3A_55 = vector.broadcast %add3A_54 : f32 to vector<16xf32>
      %add3A_56 = arith.addf %add3A_55, %exp3A : vector<16xf32>
      %div3A = arith.constant 1.000000e+00 : f32
      %div3A_57 = vector.broadcast %div3A : f32 to vector<16xf32>
      %div3A_58 = arith.divf %div3A_57, %add3A_56 : vector<16xf32>
      %mul3A_59 = arith.constant 16 : i32
      %mul3A_60 = arith.muli %add3A_48, %mul3A_59 : i32
      %swap3A = arith.index_cast %mul3A_60 : i32 to index
      %swap3A_61 = tpu.vector_load %arg15[%swap3A] {strides = array<i32>} : memref<10000xf32, #tpu.memory_space<vmem>>, vector<16xf32>,
      tpu.vector_store %arg15[%swap3A], %div3A_58 {strides = array<i32>} : memref<10000xf32, #tpu.memory_space<vmem>>, vector<16xf32>,
    }
    %scan3A_43 = arith.constant 625 : i32
    "tpu.region"() ({
      %run_scoped3A = tpu.sem_alloc : memref<!tpu.dma_semaphore, #tpu.memory_space<semaphore_mem>>
      %dma_start3A_44 = tpu.memref_slice %arg5[%mul3A_4] : memref<320000xf32, #tpu.memory_space<hbm>> -> memref<10000xf32, #tpu.memory_space<hbm>>
      %dma_start3A_45 = tpu.memref_slice %arg5[%mul3A_4] : memref<320000xf32, #tpu.memory_space<hbm>> -> memref<10000xf32, #tpu.memory_space<hbm>>
      tpu.enqueue_dma source(%arg15 : memref<10000xf32, #tpu.memory_space<vmem>>) target(%dma_start3A_45 : memref<10000xf32, #tpu.memory_space<hbm>>) target_semaphore(%run_scoped3A : memref<!tpu.dma_semaphore, #tpu.memory_space<semaphore_mem>>)
      %dma_wait3A_46 = tpu.memref_slice %arg5[%mul3A_4] : memref<320000xf32, #tpu.memory_space<hbm>> -> memref<10000xf32, #tpu.memory_space<hbm>>
      %dma_wait3A_47 = tpu.memref_slice %arg5[%mul3A_4] : memref<320000xf32, #tpu.memory_space<hbm>> -> memref<10000xf32, #tpu.memory_space<hbm>>
      tpu.wait_dma2 semaphore(%run_scoped3A : memref<!tpu.dma_semaphore, #tpu.memory_space<semaphore_mem>>) src(%arg15 : memref<10000xf32, #tpu.memory_space<vmem>>) dst(%dma_wait3A_47 : memref<10000xf32, #tpu.memory_space<hbm>>)
      tpu.yield
    }) : () -> ()
    return
  }
}

module attributes {stable_mosaic.version = 14 : i64} {
  func.func @_layer1_body(%arg0: i32, %arg1: memref<512x128xf32, #tpu.memory_space<vmem>>, %arg2: memref<512x128xf32, #tpu.memory_space<vmem>>, %arg3: memref<512x128xf32, #tpu.memory_space<vmem>>, %arg4: memref<512x128xf32, #tpu.memory_space<vmem>>, %arg5: memref<128x256xf32, #tpu.memory_space<vmem>>, %arg6: memref<1x256xf32, #tpu.memory_space<vmem>>, %arg7: memref<256x128xf32, #tpu.memory_space<vmem>>, %arg8: memref<512x128xf32, #tpu.memory_space<vmem>>) attributes {dimension_semantics = [#tpu.dimension_semantics<arbitrary>], iteration_bounds = array<i64: 20>, scalar_prefetch = 0 : i64, scratch_operands = 0 : i64, tpu.core_type = #tpu.core_type<tc>, window_params = [{transform_indices = @transform_0, window_bounds = array<i64: 512, 128>}, {transform_indices = @transform_1, window_bounds = array<i64: 512, 128>}, {transform_indices = @transform_2, window_bounds = array<i64: 512, 128>}, {transform_indices = @transform_3, window_bounds = array<i64: 512, 128>}, {pipeline_mode = #tpu.pipeline_mode<synchronous>, transform_indices = @transform_4, window_bounds = array<i64: 128, 256>}, {pipeline_mode = #tpu.pipeline_mode<synchronous>, transform_indices = @transform_5, window_bounds = array<i64: 1, 256>}, {pipeline_mode = #tpu.pipeline_mode<synchronous>, transform_indices = @transform_6, window_bounds = array<i64: 256, 128>}, {transform_indices = @transform_7, window_bounds = array<i64: 512, 128>}]} {
    %get3A = arith.constant 0 : index
    %get3A_0 = arith.constant 0 : index
    %get3A_1 = vector.load %arg4[%get3A, %get3A_0] : memref<512x128xf32, #tpu.memory_space<vmem>>, vector<512x128xf32>
    %get3A_2 = arith.constant 0 : index
    %get3A_3 = arith.constant 0 : index
    %get3A_4 = vector.load %arg1[%get3A_2, %get3A_3] : memref<512x128xf32, #tpu.memory_space<vmem>>, vector<512x128xf32>
    %get3A_5 = arith.constant 0 : index
    %get3A_6 = arith.constant 0 : index
    %get3A_7 = vector.load %arg2[%get3A_5, %get3A_6] : memref<512x128xf32, #tpu.memory_space<vmem>>, vector<512x128xf32>
    %add3A = arith.addf %get3A_4, %get3A_7 : vector<512x128xf32>
    %get3A_8 = arith.constant 0 : index
    %get3A_9 = arith.constant 0 : index
    %get3A_10 = vector.load %arg3[%get3A_8, %get3A_9] : memref<512x128xf32, #tpu.memory_space<vmem>>, vector<512x128xf32>
    %add3A_11 = arith.addf %add3A, %get3A_10 : vector<512x128xf32>
    %mul3A = arith.mulf %get3A_1, %add3A_11 : vector<512x128xf32>
    %get3A_12 = arith.constant 0 : index
    %get3A_13 = arith.constant 0 : index
    %get3A_14 = vector.load %arg5[%get3A_12, %get3A_13] : memref<128x256xf32, #tpu.memory_space<vmem>>, vector<128x256xf32>
    %dot_general3A = arith.constant dense<0.000000e+00> : vector<512x256xf32>
    %dot_general3A_15 = tpu.matmul %mul3A, %get3A_14, %dot_general3A {dimension_numbers = #tpu.dot_dimension_numbers<[1], [0], [0], [1], [0, 0, 1, 1], [], []>, transpose_lhs_hint = false} : vector<512x128xf32>, vector<128x256xf32>, vector<512x256xf32> -> vector<512x256xf32>
    %get3A_16 = arith.constant 0 : index
    %get3A_17 = arith.constant 0 : index
    %get3A_18 = vector.load %arg6[%get3A_16, %get3A_17] : memref<1x256xf32, #tpu.memory_space<vmem>>, vector<1x256xf32>
    %add3A_19 = vector.broadcast %get3A_18 : vector<1x256xf32> to vector<512x256xf32>
    %add3A_20 = arith.addf %dot_general3A_15, %add3A_19 : vector<512x256xf32>
    %max3A = arith.constant 0.000000e+00 : f32
    %max3A_21 = vector.broadcast %max3A : f32 to vector<512x256xf32>
    %max3A_22 = arith.maximumf %add3A_20, %max3A_21 : vector<512x256xf32>
    %get3A_23 = arith.constant 0 : index
    %get3A_24 = arith.constant 0 : index
    %get3A_25 = vector.load %arg7[%get3A_23, %get3A_24] : memref<256x128xf32, #tpu.memory_space<vmem>>, vector<256x128xf32>
    %dot_general3A_26 = arith.constant dense<0.000000e+00> : vector<512x128xf32>
    %dot_general3A_27 = tpu.matmul %max3A_22, %get3A_25, %dot_general3A_26 {dimension_numbers = #tpu.dot_dimension_numbers<[1], [0], [0], [1], [0, 0, 1, 1], [], []>, transpose_lhs_hint = false} : vector<512x256xf32>, vector<256x128xf32>, vector<512x128xf32> -> vector<512x128xf32>
    %mul3A_28 = arith.mulf %get3A_1, %dot_general3A_27 : vector<512x128xf32>
    %swap3A = arith.constant 0 : index
    %swap3A_29 = arith.constant 0 : index
    %swap3A_30 = vector.load %arg8[%swap3A, %swap3A_29] : memref<512x128xf32, #tpu.memory_space<vmem>>, vector<512x128xf32>
    tpu.vector_store %arg8[%swap3A, %swap3A_29], %mul3A_28 {strides = array<i32>} : memref<512x128xf32, #tpu.memory_space<vmem>>, vector<512x128xf32>,
    return
  }
  func.func @transform_0(%arg0: i32) -> (i32, i32) {
    %c0_i32 = arith.constant 0 : i32
    %c0_i32_0 = arith.constant 0 : i32
    return %arg0, %c0_i32 : i32, i32
  }
  func.func @transform_1(%arg0: i32) -> (i32, i32) {
    %add3A = arith.constant 20 : i32
    %add3A_0 = arith.addi %arg0, %add3A : i32
    %c0_i32 = arith.constant 0 : i32
    %c0_i32_1 = arith.constant 0 : i32
    return %add3A_0, %c0_i32 : i32, i32
  }
  func.func @transform_2(%arg0: i32) -> (i32, i32) {
    %c0_i32 = arith.constant 0 : i32
    %c0_i32_0 = arith.constant 0 : i32
    return %arg0, %c0_i32 : i32, i32
  }
  func.func @transform_3(%arg0: i32) -> (i32, i32) {
    %c0_i32 = arith.constant 0 : i32
    %c0_i32_0 = arith.constant 0 : i32
    return %arg0, %c0_i32 : i32, i32
  }
  func.func @transform_4(%arg0: i32) -> (i32, i32) {
    %c0_i32 = arith.constant 0 : i32
    %c0_i32_0 = arith.constant 0 : i32
    %c0_i32_1 = arith.constant 0 : i32
    return %c0_i32, %c0_i32_0 : i32, i32
  }
  func.func @transform_5(%arg0: i32) -> (i32, i32) {
    %c0_i32 = arith.constant 0 : i32
    %c0_i32_0 = arith.constant 0 : i32
    %c0_i32_1 = arith.constant 0 : i32
    return %c0_i32, %c0_i32_0 : i32, i32
  }
  func.func @transform_6(%arg0: i32) -> (i32, i32) {
    %c0_i32 = arith.constant 0 : i32
    %c0_i32_0 = arith.constant 0 : i32
    %c0_i32_1 = arith.constant 0 : i32
    return %c0_i32, %c0_i32_0 : i32, i32
  }
  func.func @transform_7(%arg0: i32) -> (i32, i32) {
    %c0_i32 = arith.constant 0 : i32
    %c0_i32_0 = arith.constant 0 : i32
    return %arg0, %c0_i32 : i32, i32
  }
}

module attributes {stable_mosaic.version = 14 : i64} {
  func.func @_prep_body(%arg0: i32, %arg1: memref<512x16xf32, #tpu.memory_space<vmem>>, %arg2: memref<512x16xf32, #tpu.memory_space<vmem>>, %arg3: memref<512x128xf32, #tpu.memory_space<vmem>>, %arg4: memref<512x128xf32, #tpu.memory_space<vmem>>, %arg5: memref<512x128xf32, #tpu.memory_space<vmem>>) attributes {dimension_semantics = [#tpu.dimension_semantics<arbitrary>], iteration_bounds = array<i64: 20>, scalar_prefetch = 0 : i64, scratch_operands = 0 : i64, tpu.core_type = #tpu.core_type<tc>, window_params = [{transform_indices = @transform_0, window_bounds = array<i64: 512, 16>}, {transform_indices = @transform_1, window_bounds = array<i64: 512, 16>}, {transform_indices = @transform_2, window_bounds = array<i64: 512, 128>}, {transform_indices = @transform_3, window_bounds = array<i64: 512, 128>}, {transform_indices = @transform_4, window_bounds = array<i64: 512, 128>}]} {
    %get3A = arith.constant 0 : index
    %get3A_0 = arith.constant 0 : index
    %get3A_1 = vector.load %arg1[%get3A, %get3A_0] : memref<512x16xf32, #tpu.memory_space<vmem>>, vector<512x1xf32>
    %get3A_2 = arith.constant 0 : index
    %get3A_3 = arith.constant 0 : index
    %get3A_4 = vector.load %arg2[%get3A_2, %get3A_3] : memref<512x16xf32, #tpu.memory_space<vmem>>, vector<512x1xf32>
    %add3A = arith.addf %get3A_1, %get3A_4 : vector<512x1xf32>
    %add3A_5 = arith.constant 1.000000e+00 : f32
    %add3A_6 = vector.broadcast %add3A_5 : f32 to vector<512x1xf32>
    %add3A_7 = arith.addf %add3A, %add3A_6 : vector<512x1xf32>
    %rsqrt3A = math.rsqrt %add3A_7 : vector<512x1xf32>
    %broadcast_in_dim3A = vector.shape_cast %rsqrt3A : vector<512x1xf32> to vector<512x1xf32>
    %broadcast_in_dim3A_8 = vector.broadcast %broadcast_in_dim3A : vector<512x1xf32> to vector<512x128xf32>
    %swap3A = arith.constant 0 : index
    %swap3A_9 = arith.constant 0 : index
    %swap3A_10 = vector.load %arg4[%swap3A, %swap3A_9] : memref<512x128xf32, #tpu.memory_space<vmem>>, vector<512x128xf32>
    tpu.vector_store %arg4[%swap3A, %swap3A_9], %broadcast_in_dim3A_8 {strides = array<i32>} : memref<512x128xf32, #tpu.memory_space<vmem>>, vector<512x128xf32>,
    %get3A_11 = arith.constant 0 : index
    %get3A_12 = arith.constant 0 : index
    %get3A_13 = vector.load %arg3[%get3A_11, %get3A_12] : memref<512x128xf32, #tpu.memory_space<vmem>>, vector<512x128xf32>
    %mul3A = arith.mulf %broadcast_in_dim3A_8, %get3A_13 : vector<512x128xf32>
    %swap3A_14 = arith.constant 0 : index
    %swap3A_15 = arith.constant 0 : index
    %swap3A_16 = vector.load %arg5[%swap3A_14, %swap3A_15] : memref<512x128xf32, #tpu.memory_space<vmem>>, vector<512x128xf32>
    tpu.vector_store %arg5[%swap3A_14, %swap3A_15], %mul3A {strides = array<i32>} : memref<512x128xf32, #tpu.memory_space<vmem>>, vector<512x128xf32>,
    return
  }
  func.func @transform_0(%arg0: i32) -> (i32, i32) {
    %c0_i32 = arith.constant 0 : i32
    %c0_i32_0 = arith.constant 0 : i32
    return %arg0, %c0_i32 : i32, i32
  }
  func.func @transform_1(%arg0: i32) -> (i32, i32) {
    %add3A = arith.constant 20 : i32
    %add3A_0 = arith.addi %arg0, %add3A : i32
    %c0_i32 = arith.constant 0 : i32
    %c0_i32_1 = arith.constant 0 : i32
    return %add3A_0, %c0_i32 : i32, i32
  }
  func.func @transform_2(%arg0: i32) -> (i32, i32) {
    %c0_i32 = arith.constant 0 : i32
    %c0_i32_0 = arith.constant 0 : i32
    return %arg0, %c0_i32 : i32, i32
  }
  func.func @transform_3(%arg0: i32) -> (i32, i32) {
    %c0_i32 = arith.constant 0 : i32
    %c0_i32_0 = arith.constant 0 : i32
    return %arg0, %c0_i32 : i32, i32
  }
  func.func @transform_4(%arg0: i32) -> (i32, i32) {
    %c0_i32 = arith.constant 0 : i32
    %c0_i32_0 = arith.constant 0 : i32
    return %arg0, %c0_i32 : i32, i32
  }
}

module attributes {stable_mosaic.version = 14 : i64} {
  func.func @_layer2_body(%arg0: i32, %arg1: memref<512x128xf32, #tpu.memory_space<vmem>>, %arg2: memref<512x128xf32, #tpu.memory_space<vmem>>, %arg3: memref<512x128xf32, #tpu.memory_space<vmem>>, %arg4: memref<512x128xf32, #tpu.memory_space<vmem>>, %arg5: memref<1x128xf32, #tpu.memory_space<vmem>>, %arg6: memref<128x64xf32, #tpu.memory_space<vmem>>, %arg7: memref<512x64xf32, #tpu.memory_space<vmem>>) attributes {dimension_semantics = [#tpu.dimension_semantics<arbitrary>], iteration_bounds = array<i64: 20>, scalar_prefetch = 0 : i64, scratch_operands = 0 : i64, tpu.core_type = #tpu.core_type<tc>, window_params = [{transform_indices = @transform_0, window_bounds = array<i64: 512, 128>}, {transform_indices = @transform_1, window_bounds = array<i64: 512, 128>}, {transform_indices = @transform_2, window_bounds = array<i64: 512, 128>}, {transform_indices = @transform_3, window_bounds = array<i64: 512, 128>}, {pipeline_mode = #tpu.pipeline_mode<synchronous>, transform_indices = @transform_4, window_bounds = array<i64: 1, 128>}, {pipeline_mode = #tpu.pipeline_mode<synchronous>, transform_indices = @transform_5, window_bounds = array<i64: 128, 64>}, {transform_indices = @transform_6, window_bounds = array<i64: 512, 64>}]} {
    %get3A = arith.constant 0 : index
    %get3A_0 = arith.constant 0 : index
    %get3A_1 = vector.load %arg4[%get3A, %get3A_0] : memref<512x128xf32, #tpu.memory_space<vmem>>, vector<512x128xf32>
    %get3A_2 = arith.constant 0 : index
    %get3A_3 = arith.constant 0 : index
    %get3A_4 = vector.load %arg1[%get3A_2, %get3A_3] : memref<512x128xf32, #tpu.memory_space<vmem>>, vector<512x128xf32>
    %get3A_5 = arith.constant 0 : index
    %get3A_6 = arith.constant 0 : index
    %get3A_7 = vector.load %arg2[%get3A_5, %get3A_6] : memref<512x128xf32, #tpu.memory_space<vmem>>, vector<512x128xf32>
    %add3A = arith.addf %get3A_4, %get3A_7 : vector<512x128xf32>
    %get3A_8 = arith.constant 0 : index
    %get3A_9 = arith.constant 0 : index
    %get3A_10 = vector.load %arg3[%get3A_8, %get3A_9] : memref<512x128xf32, #tpu.memory_space<vmem>>, vector<512x128xf32>
    %add3A_11 = arith.addf %add3A, %get3A_10 : vector<512x128xf32>
    %mul3A = arith.mulf %get3A_1, %add3A_11 : vector<512x128xf32>
    %get3A_12 = arith.constant 0 : index
    %get3A_13 = arith.constant 0 : index
    %get3A_14 = vector.load %arg5[%get3A_12, %get3A_13] : memref<1x128xf32, #tpu.memory_space<vmem>>, vector<1x128xf32>
    %add3A_15 = vector.broadcast %get3A_14 : vector<1x128xf32> to vector<512x128xf32>
    %add3A_16 = arith.addf %mul3A, %add3A_15 : vector<512x128xf32>
    %max3A = arith.constant 0.000000e+00 : f32
    %max3A_17 = vector.broadcast %max3A : f32 to vector<512x128xf32>
    %max3A_18 = arith.maximumf %add3A_16, %max3A_17 : vector<512x128xf32>
    %get3A_19 = arith.constant 0 : index
    %get3A_20 = arith.constant 0 : index
    %get3A_21 = vector.load %arg6[%get3A_19, %get3A_20] : memref<128x64xf32, #tpu.memory_space<vmem>>, vector<128x64xf32>
    %dot_general3A = arith.constant dense<0.000000e+00> : vector<512x64xf32>
    %dot_general3A_22 = tpu.matmul %max3A_18, %get3A_21, %dot_general3A {dimension_numbers = #tpu.dot_dimension_numbers<[1], [0], [0], [1], [0, 0, 1, 1], [], []>, transpose_lhs_hint = false} : vector<512x128xf32>, vector<128x64xf32>, vector<512x64xf32> -> vector<512x64xf32>
    %slice3A = vector.extract_strided_slice %get3A_1 {offsets = [0, 0], sizes = [512, 64], strides = [1, 1]} : vector<512x128xf32> to vector<512x64xf32>
    %mul3A_23 = arith.mulf %slice3A, %dot_general3A_22 : vector<512x64xf32>
    %swap3A = arith.constant 0 : index
    %swap3A_24 = arith.constant 0 : index
    %swap3A_25 = vector.load %arg7[%swap3A, %swap3A_24] : memref<512x64xf32, #tpu.memory_space<vmem>>, vector<512x64xf32>
    tpu.vector_store %arg7[%swap3A, %swap3A_24], %mul3A_23 {strides = array<i32>} : memref<512x64xf32, #tpu.memory_space<vmem>>, vector<512x64xf32>,
    return
  }
  func.func @transform_0(%arg0: i32) -> (i32, i32) {
    %c0_i32 = arith.constant 0 : i32
    %c0_i32_0 = arith.constant 0 : i32
    return %arg0, %c0_i32 : i32, i32
  }
  func.func @transform_1(%arg0: i32) -> (i32, i32) {
    %add3A = arith.constant 20 : i32
    %add3A_0 = arith.addi %arg0, %add3A : i32
    %c0_i32 = arith.constant 0 : i32
    %c0_i32_1 = arith.constant 0 : i32
    return %add3A_0, %c0_i32 : i32, i32
  }
  func.func @transform_2(%arg0: i32) -> (i32, i32) {
    %c0_i32 = arith.constant 0 : i32
    %c0_i32_0 = arith.constant 0 : i32
    return %arg0, %c0_i32 : i32, i32
  }
  func.func @transform_3(%arg0: i32) -> (i32, i32) {
    %c0_i32 = arith.constant 0 : i32
    %c0_i32_0 = arith.constant 0 : i32
    return %arg0, %c0_i32 : i32, i32
  }
  func.func @transform_4(%arg0: i32) -> (i32, i32) {
    %c0_i32 = arith.constant 0 : i32
    %c0_i32_0 = arith.constant 0 : i32
    %c0_i32_1 = arith.constant 0 : i32
    return %c0_i32, %c0_i32_0 : i32, i32
  }
  func.func @transform_5(%arg0: i32) -> (i32, i32) {
    %c0_i32 = arith.constant 0 : i32
    %c0_i32_0 = arith.constant 0 : i32
    %c0_i32_1 = arith.constant 0 : i32
    return %c0_i32, %c0_i32_0 : i32, i32
  }
  func.func @transform_6(%arg0: i32) -> (i32, i32) {
    %c0_i32 = arith.constant 0 : i32
    %c0_i32_0 = arith.constant 0 : i32
    return %arg0, %c0_i32 : i32, i32
  }
}

module attributes {stable_mosaic.version = 14 : i64} {
  func.func @_layer3_body(%arg0: i32, %arg1: memref<512x64xf32, #tpu.memory_space<vmem>>, %arg2: memref<512x64xf32, #tpu.memory_space<vmem>>, %arg3: memref<512x64xf32, #tpu.memory_space<vmem>>, %arg4: memref<512x128xf32, #tpu.memory_space<vmem>>, %arg5: memref<1x64xf32, #tpu.memory_space<vmem>>, %arg6: memref<512x64xf32, #tpu.memory_space<vmem>>) attributes {dimension_semantics = [#tpu.dimension_semantics<arbitrary>], iteration_bounds = array<i64: 20>, scalar_prefetch = 0 : i64, scratch_operands = 0 : i64, tpu.core_type = #tpu.core_type<tc>, window_params = [{transform_indices = @transform_0, window_bounds = array<i64: 512, 64>}, {transform_indices = @transform_1, window_bounds = array<i64: 512, 64>}, {transform_indices = @transform_2, window_bounds = array<i64: 512, 64>}, {transform_indices = @transform_3, window_bounds = array<i64: 512, 128>}, {pipeline_mode = #tpu.pipeline_mode<synchronous>, transform_indices = @transform_4, window_bounds = array<i64: 1, 64>}, {transform_indices = @transform_5, window_bounds = array<i64: 512, 64>}]} {
    %get3A = arith.constant 0 : index
    %get3A_0 = arith.constant 0 : index
    %get3A_1 = vector.load %arg4[%get3A, %get3A_0] : memref<512x128xf32, #tpu.memory_space<vmem>>, vector<512x64xf32>
    %get3A_2 = arith.constant 0 : index
    %get3A_3 = arith.constant 0 : index
    %get3A_4 = vector.load %arg1[%get3A_2, %get3A_3] : memref<512x64xf32, #tpu.memory_space<vmem>>, vector<512x64xf32>
    %get3A_5 = arith.constant 0 : index
    %get3A_6 = arith.constant 0 : index
    %get3A_7 = vector.load %arg2[%get3A_5, %get3A_6] : memref<512x64xf32, #tpu.memory_space<vmem>>, vector<512x64xf32>
    %add3A = arith.addf %get3A_4, %get3A_7 : vector<512x64xf32>
    %get3A_8 = arith.constant 0 : index
    %get3A_9 = arith.constant 0 : index
    %get3A_10 = vector.load %arg3[%get3A_8, %get3A_9] : memref<512x64xf32, #tpu.memory_space<vmem>>, vector<512x64xf32>
    %add3A_11 = arith.addf %add3A, %get3A_10 : vector<512x64xf32>
    %mul3A = arith.mulf %get3A_1, %add3A_11 : vector<512x64xf32>
    %get3A_12 = arith.constant 0 : index
    %get3A_13 = arith.constant 0 : index
    %get3A_14 = vector.load %arg5[%get3A_12, %get3A_13] : memref<1x64xf32, #tpu.memory_space<vmem>>, vector<1x64xf32>
    %add3A_15 = vector.broadcast %get3A_14 : vector<1x64xf32> to vector<512x64xf32>
    %add3A_16 = arith.addf %mul3A, %add3A_15 : vector<512x64xf32>
    %max3A = arith.constant 0.000000e+00 : f32
    %max3A_17 = vector.broadcast %max3A : f32 to vector<512x64xf32>
    %max3A_18 = arith.maximumf %add3A_16, %max3A_17 : vector<512x64xf32>
    %swap3A = arith.constant 0 : index
    %swap3A_19 = arith.constant 0 : index
    %swap3A_20 = vector.load %arg6[%swap3A, %swap3A_19] : memref<512x64xf32, #tpu.memory_space<vmem>>, vector<512x64xf32>
    tpu.vector_store %arg6[%swap3A, %swap3A_19], %max3A_18 {strides = array<i32>} : memref<512x64xf32, #tpu.memory_space<vmem>>, vector<512x64xf32>,
    return
  }
  func.func @transform_0(%arg0: i32) -> (i32, i32) {
    %c0_i32 = arith.constant 0 : i32
    %c0_i32_0 = arith.constant 0 : i32
    return %arg0, %c0_i32 : i32, i32
  }
  func.func @transform_1(%arg0: i32) -> (i32, i32) {
    %add3A = arith.constant 20 : i32
    %add3A_0 = arith.addi %arg0, %add3A : i32
    %c0_i32 = arith.constant 0 : i32
    %c0_i32_1 = arith.constant 0 : i32
    return %add3A_0, %c0_i32 : i32, i32
  }
  func.func @transform_2(%arg0: i32) -> (i32, i32) {
    %c0_i32 = arith.constant 0 : i32
    %c0_i32_0 = arith.constant 0 : i32
    return %arg0, %c0_i32 : i32, i32
  }
  func.func @transform_3(%arg0: i32) -> (i32, i32) {
    %c0_i32 = arith.constant 0 : i32
    %c0_i32_0 = arith.constant 0 : i32
    return %arg0, %c0_i32 : i32, i32
  }
  func.func @transform_4(%arg0: i32) -> (i32, i32) {
    %c0_i32 = arith.constant 0 : i32
    %c0_i32_0 = arith.constant 0 : i32
    %c0_i32_1 = arith.constant 0 : i32
    return %c0_i32, %c0_i32_0 : i32, i32
  }
  func.func @transform_5(%arg0: i32) -> (i32, i32) {
    %c0_i32 = arith.constant 0 : i32
    %c0_i32_0 = arith.constant 0 : i32
    return %arg0, %c0_i32 : i32, i32
  }
}

</mosaic_0001>

<sc_bundles>
// kernel: kernel.11.cloned.1.call-start
scs
__scs_entry_jumppad:
0x0: {  	(pc) =	sbr.rel $0x88, $3  }
0x1: {  	(tag) =	ssettag $0x0;
	lr =	simm.s32 $0x1  }
0x2: {  	[smem:$0x3F99] =	sst lr;
	_ =	strace $0xD0000000  }
0x3: {  	_ = 	snop  }
0x4: {  	_ = 	snop  }
0x5: {  	_ = 	snop  }
0x6: {  	_ = 	snop  }
0x7: {  	_ = 	snop  }
__scs_overlays_trampoline_lowered:
0x8: {  	[smem:$0x3FA8] =	sst s0  }
0x9: {  	[smem:$0x3FA9] =	sst s1  }
0xa: {  	[smem:$0x3FAA] =	sst s2  }
0xb: {  	[smem:$0x3FAB] =	sst s3  }
0xc: {  	[smem:$0x3FAC] =	sst s4  }
0xd: {  	[smem:$0x3FAD] =	sst s5  }
0xe: {  	[smem:$0x3FAE] =	sst s6  }
0xf: {  	[smem:$0x3FAF] =	sst s7  }
0x10: {  	[smem:$0x3FB0] =	sst s8  }
0x11: {  	[smem:$0x3FB1] =	sst s9;
	s0 =	simm.s32 @!p0 $0x0  }
0x12: {  	s1 =	sld [smem:$0x3F97];
	s0 =	simm.s32 @p0 $0x1  }
0x13: {  	[smem:$0x3FB2] =	sst s0;
	s0 =	simm.s32 @!p1 $0x0  }
0x14: {  	s2 =	sld [smem:$0x3F96];
	s0 =	simm.s32 @p1 $0x1  }
0x15: {  	[smem:$0x3FB3] =	sst s0;
	s0 =	simm.s32 @!p2 $0x0  }
0x16: {  	s3 =	sld [smem:$0x3FDB];
	s0 =	simm.s32 @p2 $0x1  }
0x17: {  	s4 =	simm.s32 $0x1BF5;
	[smem:$0x3FB5] =	sst s0  }
0x18: {  	s0 =	sld [smem:$0x3F98];
	_ =	swait.ge [sflag:s4], $0x0  }
0x19: {  	s7 =	sld [smem:$0x3F99]  }
0x1a: {  	s8 =	sadd.s32 $0xFFFFE003, lr  }
0x1b: {  	s9 =	sadd.s32 $0xFFFFFEF7, lr;
	s5 =	simm.s32 $0xFFFFFFFF;
	p2 =	slt.u32 s8, $0xFFFFF086  }
0x1c: {  	p1 =	slt.u32 s9, $0xF7A;
	s5 =	simm.s32 @!p2 $0x0  }
0x1d: {  	s5 =	simm.s32 @p1 $0x1;
	p0 =	seq.s32 s7, s2  }
0x1e: {  	s7 =	smul.u32 @!p0 $0xF7A, s2;
	p2 =	seq.s32 @!p0 s5, $0x0  }
0x1f: {  	s9 =	smul.u32 $0xF7A, s1;
	s8 =	simm.s32 @!p0 $0x1BF5;
	p2 =	por !p2, p0  }
0x20: {  	[sflag:s8] =	ssyncset.s32 @!p0 $0xFFFFF086;
	s6 =	sadd.s32 @!p0 s3, s7;
	s7 =	simm.s32 @!p0 $0x108  }
0x21: {  	s3 =	sadd.s32 s3, s9;
	s6 =	sadd.s32 @!p0 $0x88, s6;
	s7 =	simm.s32 @p2 $0x1082  }
0x22: {  	[simem:s7], [sflag:s8] =	dma.local @!p0 [hbm:s6], $0xF7A  }
0x23: {  	s9 =	sor.u32 $0xD0000000, s2;
	s6 =	simm.s32 $0x108;
	_ =	swait.ge @!p0 [sflag:s8], $0x0  }
0x24: {  	s3 =	sadd.s32 $0x88, s3;
	s6 =	simm.s32 @!p1 $0x1082;
	[sflag:s4] =	ssyncset.s32 $0xFFFFF086  }
0x25: {  	[simem:s6], [sflag:s4] =	dma.local [hbm:s3], $0xF7A  }
0x26: {  	[smem:$0x3F99] =	sst s1;
	(tag) =	ssettag s2;
	_ =	strace s9  }
0x27: {  	s1 =	sld [smem:$0x3FA9]  }
0x28: {  	s2 =	sld [smem:$0x3FAA]  }
0x29: {  	s4 =	sld [smem:$0x3FAC]  }
0x2a: {  	p0 =	seq.s32 s5, $0x0;
	s5 =	sld [smem:$0x3FAD]  }
0x2b: {  	s6 =	sld [smem:$0x3FAE]  }
0x2c: {  	s7 =	sld [smem:$0x3FAF]  }
0x2d: {  	s3 =	simm.s32 $0x108;
	s8 =	sld [smem:$0x3FB0]  }
0x2e: {  	s3 =	simm.s32 @!p0 $0x1082;
	s9 =	sld [smem:$0x3FB1]  }
0x2f: {  	lr =	sadd.s32 s0, s3;
	s0 =	sld [smem:$0x3FA8]  }
0x30: {  	s3 =	sld [smem:$0x3FAB]  }
0x31: {  	[smem:$0x3FB4] =	sst s10  }
0x32: {  	s10 =	sld [smem:$0x3FB2];
	_ =	sdelay $0x3  }
0x33: {  	p0 =	seq.s32 s10, $0x1;
	s10 =	sld [smem:$0x3FB4];
	_ =	sdelay $0x3  }
0x34: {  	[smem:$0x3FB4] =	sst s10  }
0x35: {  	s10 =	sld [smem:$0x3FB3];
	_ =	sdelay $0x3  }
0x36: {  	p1 =	seq.s32 s10, $0x1;
	s10 =	sld [smem:$0x3FB4];
	_ =	sdelay $0x3  }
0x37: {  	[smem:$0x3FB4] =	sst s10  }
0x38: {  	s10 =	sld [smem:$0x3FB5]  }
0x39: {  	_ = 	snop;
	(pc) =	sbr.ind lr, $3  }
0x3a: {  	_ = 	snop  }
0x3b: {  	_ = 	snop  }
0x3c: {  	p2 =	seq.s32 s10, $0x1;
	s10 =	sld [smem:$0x3FB4]  }
0x3d: {  	_ =	shalt  }
0x3e: {  	_ =	shalt  }
0x3f: {  	_ =	shalt  }
0x40: {  	_ =	shalt  }
0x41: {  	_ =	shalt  }
0x42: {  	_ =	shalt  }
0x43: {  	_ =	shalt  }
0x44: {  	_ =	shalt  }
0x45: {  	_ =	shalt  }
0x46: {  	_ =	shalt  }
0x47: {  	_ =	shalt  }
0x48: {  	_ =	shalt  }
0x49: {  	_ =	shalt  }
0x4a: {  	_ =	shalt  }
0x4b: {  	_ =	shalt  }
0x4c: {  	_ =	shalt  }
0x4d: {  	_ =	shalt  }
0x4e: {  	_ =	shalt  }
0x4f: {  	_ =	shalt  }
0x50: {  	_ =	shalt  }
0x51: {  	_ =	shalt  }
0x52: {  	_ =	shalt  }
0x53: {  	_ =	shalt  }
0x54: {  	_ =	shalt  }
0x55: {  	_ =	shalt  }
0x56: {  	_ =	shalt  }
0x57: {  	_ =	shalt  }
0x58: {  	_ =	shalt  }
0x59: {  	_ =	shalt  }
0x5a: {  	_ =	shalt  }
0x5b: {  	_ =	shalt  }
0x5c: {  	_ =	shalt  }
0x5d: {  	_ =	shalt  }
0x5e: {  	_ =	shalt  }
0x5f: {  	_ =	shalt  }
0x60: {  	_ =	shalt  }
0x61: {  	_ =	shalt  }
0x62: {  	_ =	shalt  }
0x63: {  	_ =	shalt  }
0x64: {  	_ =	shalt  }
0x65: {  	_ =	shalt  }
0x66: {  	_ =	shalt  }
0x67: {  	_ =	shalt  }
0x68: {  	_ =	shalt  }
0x69: {  	_ =	shalt  }
0x6a: {  	_ =	shalt  }
0x6b: {  	_ =	shalt  }
0x6c: {  	_ =	shalt  }
0x6d: {  	_ =	shalt  }
0x6e: {  	_ =	shalt  }
0x6f: {  	_ =	shalt  }
0x70: {  	_ =	shalt  }
0x71: {  	_ =	shalt  }
0x72: {  	_ =	shalt  }
0x73: {  	_ =	shalt  }
0x74: {  	_ =	shalt  }
0x75: {  	_ =	shalt  }
0x76: {  	_ =	shalt  }
0x77: {  	_ =	shalt  }
0x78: {  	_ =	shalt  }
0x79: {  	_ =	shalt  }
0x7a: {  	_ =	shalt  }
0x7b: {  	_ =	shalt  }
0x7c: {  	_ =	shalt  }
0x7d: {  	_ =	shalt  }
0x7e: {  	_ =	shalt  }
0x7f: {  	_ =	shalt  }
0x80: {  	_ =	shalt  }
0x81: {  	_ =	shalt  }
0x82: {  	_ =	shalt  }
0x83: {  	_ =	shalt  }
0x84: {  	_ =	shalt  }
0x85: {  	_ =	shalt  }
0x86: {  	_ =	shalt  }
0x87: {  	_ =	shalt  }
.Lfunc_end0:
.L_simem_size_0:
called_computation_lowered:
.L_overlay_start_0:
0x88: {  	s2 =	sld [smem:$0x3FD9]  }
0x89: {  	s3 =	sld [smem:$0x3FFE];
	_ =	sdelay $0x1  }
0x8a: {  	s1 =	srdreg.scid  }
0x8b: {  	s0 =	sand.u32 $0x1, s1  }
0x8c: {  	s16 =	sshll.u32 s0, $0xA;
	s2 =	sadd.s32 s3, s2  }
0x8d: {  	s2 =	sadd.s32 s2, s16  }
0x8e: {  	[smem:$0x3FC0] =	sst s2  }
0x8f: {  	_ = 	snop  }
0x90: {  	(tm) =	ssettm $0x1  }
0x91: {  	s17 =	sld [smem:$0x3FFB];
	_ =	sdelay $0x3  }
0x92: {  	_ =	strace s17  }
0x93: {  	s2 =	sld [smem:$0x3FFC];
	_ =	sdelay $0x3  }
0x94: {  	_ =	strace s2  }
0x95: {  	s2 =	sld [smem:$0x3FFD];
	_ =	sdelay $0x3  }
0x96: {  	_ =	strace s2  }
0x97: {  	_ =	strace $0x8FFFFFFF  }
0x98: {  	s18 =	sld [smem:$0x3FDB];
	_ =	sdelay $0x1  }
0x99: {  	s19 =	simm.s32 $_scs_section_size  }
0x9a: {  	s4 =	simm.s32 $_size__tile_overlayer_lowered;
	s5 =	simm.s32 $_tile_overlayer_lowered  }
0x9b: {  	s22 =	simm.s32 $0x1BFF;
	s21 =	sshll.u32 s5, $0x1;
	s2 =	sadd.s32 s19, s18  }
0x9c: {  	s6 =	simm.s32 $0x0;
	s20 =	sshll.u32 s4, $0x1;
	s4 =	sadd.s32 s21, s2  }
0x9d: {  	[timem:s6], [sflag:s22] =	dma.local [hbm:s4], s20  }
0x9e: {  	_ =	swait.ge [sflag:s22], s20  }
0x9f: {  	s3 =	ssub.s32 $0x0, s20;
	[sflag:s22] =	ssyncset.done $0x0  }
0xa0: {  	[sflag:s22] =	ssyncadd.s32 s3;
	_ =	sdelay $0x1  }
0xa1: {  	s23 =	simm.s32 $0x1B8B  }
0xa2: {  	_ =	swait.ge [sflag:s23], $0x1  }
0xa3: {  	[sflag:s23] =	ssyncset.done $0x0  }
0xa4: {  	s25 =	simm.s32 $0x1B8E;
	s24 =	sld [smem:$0x3FFE];
	[sflag:s23] =	ssyncadd.s32 $0xFFFFFFFF  }
0xa5: {  	s26 =	simm.s32 $execute0_lowered;
	[smem:$0x3FD2] =	sst s25  }
0xa6: {  	s4 =	sshll.u32 s26, $0x1;
	_ =	strace $0x80000046;
	[dreg:$0x1] =	wrdreg $0xFFFFFFFF  }
0xa7: {  	s28 =	simm.s32 $_size_execute0_lowered;
	s2 =	sadd.s32 s2, s4;
	[dreg:$0x0] =	wrdreg $0x0  }
0xa8: {  	s4 =	sshll.u32 s28, $0x1;
	[dreg:$0x2] =	wrdreg s2  }
0xa9: {  	[dreg:$0x3] =	wrdreg s4  }
0xaa: {  	[dreg:$0x4] =	wrdreg $0xC0  }
0xab: {  	_ =	task [dreg:s6], $0x5FFFF  }
0xac: {  	[dreg:$0x1] =	wrdreg $0xFFFFFFFF  }
0xad: {  	[dreg:$0x0] =	wrdreg $0x60  }
0xae: {  	[dreg:$0x2] =	wrdreg s24  }
0xaf: {  	[dreg:$0x3] =	wrdreg $0x0  }
0xb0: {  	[dreg:$0x4] =	wrdreg $0x9  }
0xb1: {  	_ =	task.clear_ibuf [dreg:s6], $0x5FFFF;
	_ =	strace $0x90000046  }
0xb2: {  	s29 =	simm.s32 $0x9;
	_ =	strace $0x80000048  }
0xb3: {  	_ =	swait.ge [sflag:s29], $0x1  }
0xb4: {  	[sflag:s29] =	ssyncadd.s32 $0xFFFFFFFF  }
0xb5: {  	_ =	strace $0x90000048  }
0xb6: {  	_ =	sfence  }
0xb7: {  	s30 =	sld [smem:$0x0];
	_ =	sdelay $0x2  }
0xb8: {  	s31 =	sshll.u32 s1, $0xD;
	s1 =	sshrl.u32 s1, $0x2  }
0xb9: {  	s3 =	sand.u32 $0x4000, s31;
	s1 =	sadd.s32 s1, s30  }
0xba: {  	s0 =	sor.u32 s3, s0;
	s1 =	sshll.u32 s1, $0x11  }
0xbb: {  	s0 =	sor.u32 s1, s0  }
0xbc: {  	s0 =	sadd.s32 $0x8F2B, s0  }
0xbd: {  	[sflag:s0] =	ssyncadd.remote.s32 $0x1  }
0xbe: {  	_ =	sfence.sel $0xFFFF  }
0xbf: {  	[dreg:$0x0] =	wrdreg $0xFFFFFFFF;
	(pc) =	sbr.abs _section_cstart, $3  }
0xc0: {  	[dreg:$0x1] =	wrdreg $0xFFFFFFFF  }
0xc1: {  	_ =	task.clear_ibuf [dreg:s6], $0x2FFFF;
	_ =	strace $0x9FFFFFFF  }
0xc2: {  	(tm) =	ssettm $0x7FFFFFFF  }
0xc3: {  	_ =	shalt  }
tec
execute0_lowered:
.L_overlay_start_1:
0x0: {  	(tag) =	ssettag $0x1  }
0x1: {  	s0 =	srdreg.scid  }
0x2: {  	s4 =	stileid.u32;
	s1 =	rddreg [dreg:$0x0]  }
0x3: {  	s2 =	rddreg [dreg:$0x1];
	s5 =	simm.s32 $0x0;
	s19 =	simm.s32 $0x28  }
0x4: {  	s30 =	simm.s32 $0x1;
	s31 =	simm.s32 $0x2;
	s14 =	smul.u32 $0x280, s4  }
0x5: {  	s0 =	sand.u32 $0x1, s0;
	s3 =	sshll.u32 s4, $0x1;
	s4 =	smul.u32 $0xA000, s4  }
0x6: {  	[smem:$0x7FF] =	sst s5;
	s3 =	sor.u32 s0, s3;
	s15 =	smul.u32 $0x2800, s0  }
0x7: {  	_ =	strace $0x80000047;
	s0 =	ssub.s32 $0x2, s0;
	s3 =	smul.u32 $0x4E2, s3  }
0x8: {  	s20 =	sshrl.u32 s0, $0x1;
	s4 =	sshrl.u32 s4, $0x2;
	s21 =	sadd.s32 $0x80, s14  }
0x9: {  	s16 =	sadd.s32 $0x100, s14;
	s17 =	sadd.s32 $0x180, s14;
	s18 =	sadd.s32 $0x200, s14  }
0xa: {  	s6 =	sadd.s32 s15, s14;
	s0 =	ssub.s32 s0, s20;
	s4 =	sadd.s32 s4, s2  }
0xb: {  	s22 =	sadd.s32 s15, s21;
	s23 =	sadd.s32 s15, s16;
	s24 =	sshll.u32 s16, $0x4  }
0xc: {  	s25 =	sadd.s32 s15, s17;
	s26 =	sshll.u32 s17, $0x4;
	s15 =	sadd.s32 s15, s18  }
0xd: {  	s28 =	sshll.u32 s18, $0x4;
	s17 =	simm.s32 $0x6;
	s18 =	simm.s32 $0x2800  }
0xe: {  	s20 =	simm.s32 $0x5710;
	s3 =	sadd.s32 s3, s1;
	s1 =	sadd.s32 $0x16C00, s1  }
0xf: {  	s6 =	sshll.u32 s6, $0x1;
	s7 =	smax.u32 s0, $0x1;
	s8 =	sadd.s32 $0x800, s4  }
0x10: {  	s9 =	sadd.s32 $0x1000, s4;
	s10 =	sadd.s32 $0x1800, s4;
	s11 =	sadd.s32 $0x2000, s4  }
0x11: {  	s0 =	sshll.u32 s21, $0x4;
	s16 =	sshll.u32 s25, $0x1;
	s21 =	sadd.s32 s26, s2  }
0x12: {  	s15 =	sshll.u32 s15, $0x1;
	s29 =	sadd.s32 s28, s2;
	s5 =	sadd.s32 $0xCE00, s3  }
0x13: {  	s6 =	sadd.s32 s1, s6;
	s3 =	sshll.u32 s22, $0x1;
	s0 =	sadd.s32 s0, s2  }
0x14: {  	s14 =	sadd.s32 s1, s16;
	s15 =	sadd.s32 s1, s15;
	s16 =	simm.s32 $0x4F10  }
0x15: {  	s25 =	sshrl.u32 s29, $0x3;
	s12 =	sadd.s32 s1, s3;
	s3 =	sshll.u32 s23, $0x1  }
0x16: {  	s22 =	sshrl.u32 s0, $0x3;
	s0 =	simm.s32 $0x5;
	s13 =	sadd.s32 s1, s3  }
0x17: {  	s3 =	sadd.s32 s24, s2;
	s24 =	sshrl.u32 s21, $0x3;
	s1 =	simm.s32 $0x3  }
0x18: {  	v0 =	vimm.f32 $0.0e+00;
	v1 =	vimm.f32 $1.000000000e+00;
	s21 =	simm.s32 $0x0;
	s23 =	sshrl.u32 s3, $0x3;
	s3 =	simm.s32 $0x4  }
.LBB2_1:
0x19: {  	s26 =	simm.s32 $0x40;
	s28 =	simm.s32 $0x0  }
.LBB2_2:
0x1a: {  	p0 =	sne.s32 s26, $0x1FC0;
	[tilespmem:s28+$0x4F10] =	vst v0;
	s28 =	smov.u32 s26;
	s26 =	sadd.s32 $0x40, s26  }
.Ltmp0:
0x1b: {  	(pc) =	sbr.rel @p0 .LBB2_2-.Ltmp0, $2  }
0x1c: {  	_ =	sdelay $0x2  }
0x1d: {  	s28 =	sshra.s32 s28, $0x2  }
0x1e: {  	[tilespmem:s28+$0x4F10] =	vst v0  }
0x1f: {  	[spmem:s4] =	stream.linear.scatter [tilespmem:s16], [sflag:$0x6], $0x800, $0x38;
	[tilespmem:$0x5990] =	vst v63  }
0x20: {  	_ =	swait.ge [sflag:s17], $0x800  }
0x21: {  	[sflag:s17] =	ssyncset.done $0x0  }
0x22: {  	[sflag:s17] =	ssyncadd.s32 $0xFFFFF800  }
0x23: {  	[spmem:s8] =	stream.linear.scatter [tilespmem:s16], [sflag:$0x6], $0x800, $0x38;
	[tilespmem:$0x5990] =	vst v63  }
0x24: {  	_ =	swait.ge [sflag:s17], $0x800  }
0x25: {  	[sflag:s17] =	ssyncset.done $0x0  }
0x26: {  	[sflag:s17] =	ssyncadd.s32 $0xFFFFF800  }
0x27: {  	[spmem:s9] =	stream.linear.scatter [tilespmem:s16], [sflag:$0x6], $0x800, $0x38;
	[tilespmem:$0x5990] =	vst v63  }
0x28: {  	_ =	swait.ge [sflag:s17], $0x800  }
0x29: {  	[sflag:s17] =	ssyncset.done $0x0  }
0x2a: {  	[sflag:s17] =	ssyncadd.s32 $0xFFFFF800  }
0x2b: {  	[spmem:s10] =	stream.linear.scatter [tilespmem:s16], [sflag:$0x6], $0x800, $0x38;
	[tilespmem:$0x5990] =	vst v63  }
0x2c: {  	_ =	swait.ge [sflag:s17], $0x800  }
0x2d: {  	[sflag:s17] =	ssyncset.done $0x0  }
0x2e: {  	[sflag:s17] =	ssyncadd.s32 $0xFFFFF800  }
0x2f: {  	[spmem:s11] =	stream.linear.scatter [tilespmem:s16], [sflag:$0x6], $0x800, $0x38;
	[tilespmem:$0x5990] =	vst v63  }
0x30: {  	_ =	swait.ge [sflag:s17], $0x800  }
0x31: {  	[sflag:s17] =	ssyncset.done $0x0  }
0x32: {  	[sflag:s17] =	ssyncadd.s32 $0xFFFFF800  }
0x33: {  	[tilespmem:$0x5710] =	vst v1  }
0x34: {  	[tilespmem:$0x5720] =	vst v1  }
0x35: {  	[tilespmem:$0x5730] =	vst v1  }
0x36: {  	[tilespmem:$0x5740] =	vst v1  }
0x37: {  	[tilespmem:$0x5750] =	vst v1  }
0x38: {  	[tilespmem:$0x5760] =	vst v1  }
0x39: {  	[tilespmem:$0x5770] =	vst v1  }
0x3a: {  	[tilespmem:$0x5780] =	vst v1  }
0x3b: {  	[tilespmem:$0x5790] =	vst v1  }
0x3c: {  	[tilespmem:$0x57A0] =	vst v1  }
0x3d: {  	[tilespmem:$0x57B0] =	vst v1  }
0x3e: {  	[tilespmem:$0x57C0] =	vst v1  }
0x3f: {  	[tilespmem:$0x57D0] =	vst v1  }
0x40: {  	[tilespmem:$0x57E0] =	vst v1  }
0x41: {  	[tilespmem:$0x57F0] =	vst v1  }
0x42: {  	[tilespmem:$0x5800] =	vst v1  }
0x43: {  	[tilespmem:$0x5810] =	vst v1  }
0x44: {  	[tilespmem:$0x5820] =	vst v1  }
0x45: {  	[tilespmem:$0x5830] =	vst v1  }
0x46: {  	[tilespmem:$0x5840] =	vst v1  }
0x47: {  	[tilespmem:$0x5850] =	vst v1  }
0x48: {  	[tilespmem:$0x5860] =	vst v1  }
0x49: {  	[tilespmem:$0x5870] =	vst v1  }
0x4a: {  	[tilespmem:$0x5880] =	vst v1  }
0x4b: {  	[tilespmem:$0x5890] =	vst v1  }
0x4c: {  	[tilespmem:$0x58A0] =	vst v1  }
0x4d: {  	[tilespmem:$0x58B0] =	vst v1  }
0x4e: {  	[tilespmem:$0x58C0] =	vst v1  }
0x4f: {  	[tilespmem:$0x58D0] =	vst v1  }
0x50: {  	[tilespmem:$0x58E0] =	vst v1  }
0x51: {  	[tilespmem:$0x58F0] =	vst v1  }
0x52: {  	[tilespmem:$0x5900] =	vst v1  }
0x53: {  	[tilespmem:$0x5910] =	vst v1  }
0x54: {  	[tilespmem:$0x5920] =	vst v1  }
0x55: {  	[tilespmem:$0x5930] =	vst v1  }
0x56: {  	[tilespmem:$0x5940] =	vst v1  }
0x57: {  	[tilespmem:$0x5950] =	vst v1  }
0x58: {  	[tilespmem:$0x5960] =	vst v1  }
0x59: {  	[tilespmem:$0x5970] =	vst v1  }
0x5a: {  	s26 =	simm.s32 $0x0;
	[tilespmem:$0x5980] =	vst v1  }
0x5b: {  	[tilespmem:s18], [sflag:$0x6] =	stream.linear.gather [hbm4b:s5+s26], $0x2710, $0x38;
	[tilespmem:$0x5990] =	vst v63  }
0x5c: {  	_ =	swait.ge [sflag:s17], $0x2710  }
0x5d: {  	[sflag:s17] =	ssyncset.done $0x0  }
0x5e: {  	[sflag:s17] =	ssyncadd.s32 $0xFFFFD8F0  }
0x5f: {  	[bflag:$0x0] =	sbarrier.arrive $0xFFFF  }
0x60: {  	[spmem:s2] =	stream.indirect.scatter.add.f32 [tilespmem:s20], [sflag:$0x1], $0x10, s18, s19, $0xb8;
	[tilespmem:$0x5990] =	vst v63  }
0x61: {  	s29 =	simm.s32 $0x2828  }
0x62: {  	[spmem:s2] =	stream.indirect.scatter.add.f32 [tilespmem:s20], [sflag:$0x2], $0x10, s29, s19, $0xb8;
	[tilespmem:$0x5990] =	vst v63  }
0x63: {  	s29 =	simm.s32 $0x2850  }
0x64: {  	[spmem:s2] =	stream.indirect.scatter.add.f32 [tilespmem:s20], [sflag:$0x3], $0x10, s29, s19, $0xb8;
	[tilespmem:$0x5990] =	vst v63  }
0x65: {  	s29 =	simm.s32 $0x2878  }
0x66: {  	[spmem:s2] =	stream.indirect.scatter.add.f32 [tilespmem:s20], [sflag:$0x4], $0x10, s29, s19, $0xb8;
	[tilespmem:$0x5990] =	vst v63  }
0x67: {  	s29 =	simm.s32 $0x28A0  }
0x68: {  	[spmem:s2] =	stream.indirect.scatter.add.f32 [tilespmem:s20], [sflag:$0x5], $0x10, s29, s19, $0xb8;
	[tilespmem:$0x5990] =	vst v63  }
0x69: {  	_ =	swait.ge [sflag:s30], $0x280  }
0x6a: {  	[sflag:s30] =	ssyncset.done $0x0  }
0x6b: {  	s29 =	simm.s32 $0x28C8;
	[sflag:s30] =	ssyncadd.s32 $0xFFFFFD80  }
0x6c: {  	[spmem:s2] =	stream.indirect.scatter.add.f32 [tilespmem:s20], [sflag:$0x1], $0x10, s29, s19, $0xb8;
	[tilespmem:$0x5990] =	vst v63  }
0x6d: {  	_ =	swait.ge [sflag:s31], $0x280  }
0x6e: {  	[sflag:s31] =	ssyncset.done $0x0  }
0x6f: {  	s29 =	simm.s32 $0x28F0;
	[sflag:s31] =	ssyncadd.s32 $0xFFFFFD80  }
0x70: {  	[spmem:s2] =	stream.indirect.scatter.add.f32 [tilespmem:s20], [sflag:$0x2], $0x10, s29, s19, $0xb8;
	[tilespmem:$0x5990] =	vst v63  }
0x71: {  	_ =	swait.ge [sflag:s1], $0x280  }
0x72: {  	[sflag:s1] =	ssyncset.done $0x0  }
0x73: {  	s29 =	simm.s32 $0x2918;
	[sflag:s1] =	ssyncadd.s32 $0xFFFFFD80  }
0x74: {  	[spmem:s2] =	stream.indirect.scatter.add.f32 [tilespmem:s20], [sflag:$0x3], $0x10, s29, s19, $0xb8;
	[tilespmem:$0x5990] =	vst v63  }
0x75: {  	_ =	swait.ge [sflag:s3], $0x280  }
0x76: {  	[sflag:s3] =	ssyncset.done $0x0  }
0x77: {  	s29 =	simm.s32 $0x2940;
	[sflag:s3] =	ssyncadd.s32 $0xFFFFFD80  }
0x78: {  	[spmem:s2] =	stream.indirect.scatter.add.f32 [tilespmem:s20], [sflag:$0x4], $0x10, s29, s19, $0xb8;
	[tilespmem:$0x5990] =	vst v63  }
0x79: {  	_ =	swait.ge [sflag:s0], $0x280  }
0x7a: {  	[sflag:s0] =	ssyncset.done $0x0  }
0x7b: {  	s28 =	simm.s32 $0x2968;
	s26 =	simm.s32 $0xFFFF6A00;
	[sflag:s0] =	ssyncadd.s32 $0xFFFFFD80  }
.LBB2_4:
0x7c: {  	[spmem:s2] =	stream.indirect.scatter.add.f32 [tilespmem:s20], [sflag:$0x5], $0x10, s28, s19, $0xb8;
	[tilespmem:$0x5990] =	vst v63  }
0x7d: {  	s28 =	smov.u32 s26  }
0x7e: {  	p0 =	sne.s32 s26, $0xFFFFFCE0;
	s26 =	sadd.s32 $0x320, s26;
	_ =	swait.ge [sflag:s30], $0x280  }
0x7f: {  	s28 =	sshra.s32 s28, $0x2;
	[sflag:s30] =	ssyncset.done $0x0  }
0x80: {  	s29 =	sadd.s32 $0x4F10, s28;
	[sflag:s30] =	ssyncadd.s32 $0xFFFFFD80  }
0x81: {  	[spmem:s2] =	stream.indirect.scatter.add.f32 [tilespmem:s20], [sflag:$0x1], $0x10, s29, s19, $0xb8;
	[tilespmem:$0x5990] =	vst v63  }
0x82: {  	_ =	swait.ge [sflag:s31], $0x280  }
0x83: {  	[sflag:s31] =	ssyncset.done $0x0  }
0x84: {  	s29 =	sadd.s32 $0x4F38, s28;
	[sflag:s31] =	ssyncadd.s32 $0xFFFFFD80  }
0x85: {  	[spmem:s2] =	stream.indirect.scatter.add.f32 [tilespmem:s20], [sflag:$0x2], $0x10, s29, s19, $0xb8;
	[tilespmem:$0x5990] =	vst v63  }
0x86: {  	_ =	swait.ge [sflag:s1], $0x280  }
0x87: {  	[sflag:s1] =	ssyncset.done $0x0  }
0x88: {  	s29 =	sadd.s32 $0x4F60, s28;
	[sflag:s1] =	ssyncadd.s32 $0xFFFFFD80  }
0x89: {  	[spmem:s2] =	stream.indirect.scatter.add.f32 [tilespmem:s20], [sflag:$0x3], $0x10, s29, s19, $0xb8;
	[tilespmem:$0x5990] =	vst v63  }
0x8a: {  	_ =	swait.ge [sflag:s3], $0x280  }
0x8b: {  	[sflag:s3] =	ssyncset.done $0x0  }
.Ltmp1:
0x8c: {  	s29 =	sadd.s32 $0x4F88, s28;
	[sflag:s3] =	ssyncadd.s32 $0xFFFFFD80;
	(pc) =	sbr.rel @p0 .LBB2_4-.Ltmp1, $4  }
0x8d: {  	[spmem:s2] =	stream.indirect.scatter.add.f32 [tilespmem:s20], [sflag:$0x4], $0x10, s29, s19, $0xb8;
	[tilespmem:$0x5990] =	vst v63  }
0x8e: {  	_ =	swait.ge [sflag:s0], $0x280  }
0x8f: {  	[sflag:s0] =	ssyncset.done $0x0  }
0x90: {  	s28 =	sadd.s32 $0x4FB0, s28;
	[sflag:s0] =	ssyncadd.s32 $0xFFFFFD80  }
0x91: {  	[spmem:s2] =	stream.indirect.scatter.add.f32 [tilespmem:s20], [sflag:$0x5], $0x10, s28, s19, $0xb8;
	[tilespmem:$0x5990] =	vst v63  }
0x92: {  	_ =	swait.ge [sflag:s30], $0x280  }
0x93: {  	[sflag:s30] =	ssyncset.done $0x0  }
0x94: {  	[sflag:s30] =	ssyncadd.s32 $0xFFFFFD80  }
0x95: {  	_ =	swait.ge [sflag:s31], $0x280  }
0x96: {  	[sflag:s31] =	ssyncset.done $0x0  }
0x97: {  	[sflag:s31] =	ssyncadd.s32 $0xFFFFFD80  }
0x98: {  	_ =	swait.ge [sflag:s1], $0x280  }
0x99: {  	[sflag:s1] =	ssyncset.done $0x0  }
0x9a: {  	[sflag:s1] =	ssyncadd.s32 $0xFFFFFD80  }
0x9b: {  	_ =	swait.ge [sflag:s3], $0x280  }
0x9c: {  	[sflag:s3] =	ssyncset.done $0x0  }
0x9d: {  	[sflag:s3] =	ssyncadd.s32 $0xFFFFFD80  }
0x9e: {  	_ =	swait.ge [sflag:s0], $0x280  }
0x9f: {  	s26 =	stileid.u32;
	[sflag:s0] =	ssyncset.done $0x0  }
0xa0: {  	s26 =	sshll.u32 s26, $0x6;
	[sflag:s0] =	ssyncadd.s32 $0xFFFFFD80  }
0xa1: {  	s29 =	sshrl.u32 s4, $0x3;
	s26 =	sor.u32 $0x1C06, s26;
	[bflag:$0x0] =	sbarrier.arrive $0xFFFF  }
0xa2: {  	[hbm:s6], [sflag:s26] =	dma.local [spmem:s29], $0x100  }
0xa3: {  	_ =	swait.ge [sflag:s17], $0x100  }
0xa4: {  	[sflag:s17] =	ssyncset.done $0x0  }
0xa5: {  	[sflag:s17] =	ssyncadd.s32 $0xFFFFFF00  }
0xa6: {  	[hbm:s12], [sflag:s26] =	dma.local [spmem:s22], $0x100  }
0xa7: {  	_ =	swait.ge [sflag:s17], $0x100  }
0xa8: {  	[sflag:s17] =	ssyncset.done $0x0  }
0xa9: {  	[sflag:s17] =	ssyncadd.s32 $0xFFFFFF00  }
0xaa: {  	[hbm:s13], [sflag:s26] =	dma.local [spmem:s23], $0x100  }
0xab: {  	_ =	swait.ge [sflag:s17], $0x100  }
0xac: {  	[sflag:s17] =	ssyncset.done $0x0  }
0xad: {  	[sflag:s17] =	ssyncadd.s32 $0xFFFFFF00  }
0xae: {  	[hbm:s14], [sflag:s26] =	dma.local [spmem:s24], $0x100  }
0xaf: {  	s21 =	sadd.s32 $0x1, s21;
	_ =	swait.ge [sflag:s17], $0x100  }
0xb0: {  	p0 =	sne.s32 s21, s7;
	[sflag:s17] =	ssyncset.done $0x0  }
.Ltmp2:
0xb1: {  	[sflag:s17] =	ssyncadd.s32 $0xFFFFFF00;
	(pc) =	sbr.rel @p0 .LBB2_1-.Ltmp2, $4  }
0xb2: {  	[hbm:s15], [sflag:s26] =	dma.local [spmem:s25], $0x100  }
0xb3: {  	_ =	swait.ge [sflag:s17], $0x100  }
0xb4: {  	[sflag:s17] =	ssyncset.done $0x0  }
0xb5: {  	[sflag:s17] =	ssyncadd.s32 $0xFFFFFF00  }
0xb6: {  	_ =	sfence.sel $0x180000  }
0xb7: {  	[bflag:$0x0] =	sbarrier.arrive $0xFFFF  }
0xb8: {  	_ =	strace $0x90000047  }
0xb9: {  	s0 =	stileid.u32;
	[bflag:$0x2] =	sbarrier.arrive $0xFFFF  }
0xba: {  	p0 =	sne.s32 s0, $0x0;
	s0 =	rddreg [dreg:$0x2]  }
0xbb: {  	s0 =	sadd.s32 @!p0 $0x100000, s0  }
0xbc: {  	[sflag:s0] =	ssyncadd.tile.s32 @!p0 $0x1;
	_ =	shalt  }
.Lfunc_end2:
_tile_overlayer_lowered:
.L_overlay_start_2:
0xbd: {  	(tag) =	ssettag $0x2  }
0xbe: {  	s0 =	rddreg [dreg:$0x0];
	s2 =	stileid.u32  }
0xbf: {  	s1 =	rddreg [dreg:$0x1];
	p0 =	sne.s32 s2, $0x0  }
0xc0: {  	s3 =	rddreg [dreg:$0x2];
	[bflag:$0x3] =	sbarrier.arrive $0xFFFF;
	s2 =	simm.s32 @!p0 $0x1C06  }
0xc1: {  	[timem:s3], [sflag:s2] =	dma.local @!p0 [hbm:s0], s1  }
0xc2: {  	s0 =	simm.s32 @!p0 $0x6  }
0xc3: {  	_ =	swait.ge @!p0 [sflag:s0], s1  }
0xc4: {  	s1 =	ssub.s32 @!p0 $0x0, s1;
	[sflag:s0] =	ssyncset.done @!p0 $0x0  }
0xc5: {  	[sflag:s0] =	ssyncadd.s32 @!p0 s1  }
0xc6: {  	[bflag:$0x3] =	sbarrier.arrive $0xFFFF  }
0xc7: {  	_ =	shalt  }

// kernel: kernel.14.cloned.1.call-start
scs
__scs_entry_jumppad:
0x0: {  	(pc) =	sbr.rel $0x88, $3  }
0x1: {  	(tag) =	ssettag $0x0;
	lr =	simm.s32 $0x1  }
0x2: {  	[smem:$0x3F99] =	sst lr;
	_ =	strace $0xD0000000  }
0x3: {  	_ = 	snop  }
0x4: {  	_ = 	snop  }
0x5: {  	_ = 	snop  }
0x6: {  	_ = 	snop  }
0x7: {  	_ = 	snop  }
__scs_overlays_trampoline_lowered:
0x8: {  	[smem:$0x3FA8] =	sst s0  }
0x9: {  	[smem:$0x3FA9] =	sst s1  }
0xa: {  	[smem:$0x3FAA] =	sst s2  }
0xb: {  	[smem:$0x3FAB] =	sst s3  }
0xc: {  	[smem:$0x3FAC] =	sst s4  }
0xd: {  	[smem:$0x3FAD] =	sst s5  }
0xe: {  	[smem:$0x3FAE] =	sst s6  }
0xf: {  	[smem:$0x3FAF] =	sst s7  }
0x10: {  	[smem:$0x3FB0] =	sst s8  }
0x11: {  	[smem:$0x3FB1] =	sst s9;
	s0 =	simm.s32 @!p0 $0x0  }
0x12: {  	s1 =	sld [smem:$0x3F97];
	s0 =	simm.s32 @p0 $0x1  }
0x13: {  	[smem:$0x3FB2] =	sst s0;
	s0 =	simm.s32 @!p1 $0x0  }
0x14: {  	s2 =	sld [smem:$0x3F96];
	s0 =	simm.s32 @p1 $0x1  }
0x15: {  	[smem:$0x3FB3] =	sst s0;
	s0 =	simm.s32 @!p2 $0x0  }
0x16: {  	s3 =	sld [smem:$0x3FDB];
	s0 =	simm.s32 @p2 $0x1  }
0x17: {  	s4 =	simm.s32 $0x1BF5;
	[smem:$0x3FB5] =	sst s0  }
0x18: {  	s0 =	sld [smem:$0x3F98];
	_ =	swait.ge [sflag:s4], $0x0  }
0x19: {  	s7 =	sld [smem:$0x3F99]  }
0x1a: {  	s8 =	sadd.s32 $0xFFFFE003, lr  }
0x1b: {  	s9 =	sadd.s32 $0xFFFFFEF7, lr;
	s5 =	simm.s32 $0xFFFFFFFF;
	p2 =	slt.u32 s8, $0xFFFFF086  }
0x1c: {  	p1 =	slt.u32 s9, $0xF7A;
	s5 =	simm.s32 @!p2 $0x0  }
0x1d: {  	s5 =	simm.s32 @p1 $0x1;
	p0 =	seq.s32 s7, s2  }
0x1e: {  	s7 =	smul.u32 @!p0 $0xF7A, s2;
	p2 =	seq.s32 @!p0 s5, $0x0  }
0x1f: {  	s9 =	smul.u32 $0xF7A, s1;
	s8 =	simm.s32 @!p0 $0x1BF5;
	p2 =	por !p2, p0  }
0x20: {  	[sflag:s8] =	ssyncset.s32 @!p0 $0xFFFFF086;
	s6 =	sadd.s32 @!p0 s3, s7;
	s7 =	simm.s32 @!p0 $0x108  }
0x21: {  	s3 =	sadd.s32 s3, s9;
	s6 =	sadd.s32 @!p0 $0x88, s6;
	s7 =	simm.s32 @p2 $0x1082  }
0x22: {  	[simem:s7], [sflag:s8] =	dma.local @!p0 [hbm:s6], $0xF7A  }
0x23: {  	s9 =	sor.u32 $0xD0000000, s2;
	s6 =	simm.s32 $0x108;
	_ =	swait.ge @!p0 [sflag:s8], $0x0  }
0x24: {  	s3 =	sadd.s32 $0x88, s3;
	s6 =	simm.s32 @!p1 $0x1082;
	[sflag:s4] =	ssyncset.s32 $0xFFFFF086  }
0x25: {  	[simem:s6], [sflag:s4] =	dma.local [hbm:s3], $0xF7A  }
0x26: {  	[smem:$0x3F99] =	sst s1;
	(tag) =	ssettag s2;
	_ =	strace s9  }
0x27: {  	s1 =	sld [smem:$0x3FA9]  }
0x28: {  	s2 =	sld [smem:$0x3FAA]  }
0x29: {  	s4 =	sld [smem:$0x3FAC]  }
0x2a: {  	p0 =	seq.s32 s5, $0x0;
	s5 =	sld [smem:$0x3FAD]  }
0x2b: {  	s6 =	sld [smem:$0x3FAE]  }
0x2c: {  	s7 =	sld [smem:$0x3FAF]  }
0x2d: {  	s3 =	simm.s32 $0x108;
	s8 =	sld [smem:$0x3FB0]  }
0x2e: {  	s3 =	simm.s32 @!p0 $0x1082;
	s9 =	sld [smem:$0x3FB1]  }
0x2f: {  	lr =	sadd.s32 s0, s3;
	s0 =	sld [smem:$0x3FA8]  }
0x30: {  	s3 =	sld [smem:$0x3FAB]  }
0x31: {  	[smem:$0x3FB4] =	sst s10  }
0x32: {  	s10 =	sld [smem:$0x3FB2];
	_ =	sdelay $0x3  }
0x33: {  	p0 =	seq.s32 s10, $0x1;
	s10 =	sld [smem:$0x3FB4];
	_ =	sdelay $0x3  }
0x34: {  	[smem:$0x3FB4] =	sst s10  }
0x35: {  	s10 =	sld [smem:$0x3FB3];
	_ =	sdelay $0x3  }
0x36: {  	p1 =	seq.s32 s10, $0x1;
	s10 =	sld [smem:$0x3FB4];
	_ =	sdelay $0x3  }
0x37: {  	[smem:$0x3FB4] =	sst s10  }
0x38: {  	s10 =	sld [smem:$0x3FB5]  }
0x39: {  	_ = 	snop;
	(pc) =	sbr.ind lr, $3  }
0x3a: {  	_ = 	snop  }
0x3b: {  	_ = 	snop  }
0x3c: {  	p2 =	seq.s32 s10, $0x1;
	s10 =	sld [smem:$0x3FB4]  }
0x3d: {  	_ =	shalt  }
0x3e: {  	_ =	shalt  }
0x3f: {  	_ =	shalt  }
0x40: {  	_ =	shalt  }
0x41: {  	_ =	shalt  }
0x42: {  	_ =	shalt  }
0x43: {  	_ =	shalt  }
0x44: {  	_ =	shalt  }
0x45: {  	_ =	shalt  }
0x46: {  	_ =	shalt  }
0x47: {  	_ =	shalt  }
0x48: {  	_ =	shalt  }
0x49: {  	_ =	shalt  }
0x4a: {  	_ =	shalt  }
0x4b: {  	_ =	shalt  }
0x4c: {  	_ =	shalt  }
0x4d: {  	_ =	shalt  }
0x4e: {  	_ =	shalt  }
0x4f: {  	_ =	shalt  }
0x50: {  	_ =	shalt  }
0x51: {  	_ =	shalt  }
0x52: {  	_ =	shalt  }
0x53: {  	_ =	shalt  }
0x54: {  	_ =	shalt  }
0x55: {  	_ =	shalt  }
0x56: {  	_ =	shalt  }
0x57: {  	_ =	shalt  }
0x58: {  	_ =	shalt  }
0x59: {  	_ =	shalt  }
0x5a: {  	_ =	shalt  }
0x5b: {  	_ =	shalt  }
0x5c: {  	_ =	shalt  }
0x5d: {  	_ =	shalt  }
0x5e: {  	_ =	shalt  }
0x5f: {  	_ =	shalt  }
0x60: {  	_ =	shalt  }
0x61: {  	_ =	shalt  }
0x62: {  	_ =	shalt  }
0x63: {  	_ =	shalt  }
0x64: {  	_ =	shalt  }
0x65: {  	_ =	shalt  }
0x66: {  	_ =	shalt  }
0x67: {  	_ =	shalt  }
0x68: {  	_ =	shalt  }
0x69: {  	_ =	shalt  }
0x6a: {  	_ =	shalt  }
0x6b: {  	_ =	shalt  }
0x6c: {  	_ =	shalt  }
0x6d: {  	_ =	shalt  }
0x6e: {  	_ =	shalt  }
0x6f: {  	_ =	shalt  }
0x70: {  	_ =	shalt  }
0x71: {  	_ =	shalt  }
0x72: {  	_ =	shalt  }
0x73: {  	_ =	shalt  }
0x74: {  	_ =	shalt  }
0x75: {  	_ =	shalt  }
0x76: {  	_ =	shalt  }
0x77: {  	_ =	shalt  }
0x78: {  	_ =	shalt  }
0x79: {  	_ =	shalt  }
0x7a: {  	_ =	shalt  }
0x7b: {  	_ =	shalt  }
0x7c: {  	_ =	shalt  }
0x7d: {  	_ =	shalt  }
0x7e: {  	_ =	shalt  }
0x7f: {  	_ =	shalt  }
0x80: {  	_ =	shalt  }
0x81: {  	_ =	shalt  }
0x82: {  	_ =	shalt  }
0x83: {  	_ =	shalt  }
0x84: {  	_ =	shalt  }
0x85: {  	_ =	shalt  }
0x86: {  	_ =	shalt  }
0x87: {  	_ =	shalt  }
.Lfunc_end0:
.L_simem_size_0:
called_computation.1_lowered:
.L_overlay_start_0:
0x88: {  	s2 =	sld [smem:$0x3FD9]  }
0x89: {  	s3 =	sld [smem:$0x3FFE];
	_ =	sdelay $0x1  }
0x8a: {  	s1 =	srdreg.scid  }
0x8b: {  	s0 =	sand.u32 $0x1, s1  }
0x8c: {  	s16 =	sshll.u32 s0, $0xA;
	s2 =	sadd.s32 s3, s2  }
0x8d: {  	s2 =	sadd.s32 s2, s16  }
0x8e: {  	[smem:$0x3FC0] =	sst s2  }
0x8f: {  	_ = 	snop  }
0x90: {  	(tm) =	ssettm $0x1  }
0x91: {  	s17 =	sld [smem:$0x3FFB];
	_ =	sdelay $0x3  }
0x92: {  	_ =	strace s17  }
0x93: {  	s2 =	sld [smem:$0x3FFC];
	_ =	sdelay $0x3  }
0x94: {  	_ =	strace s2  }
0x95: {  	s2 =	sld [smem:$0x3FFD];
	_ =	sdelay $0x3  }
0x96: {  	_ =	strace s2  }
0x97: {  	_ =	strace $0x8FFFFFFF  }
0x98: {  	s18 =	sld [smem:$0x3FDB];
	_ =	sdelay $0x1  }
0x99: {  	s19 =	simm.s32 $_scs_section_size  }
0x9a: {  	s4 =	simm.s32 $_size__tile_overlayer_lowered;
	s5 =	simm.s32 $_tile_overlayer_lowered  }
0x9b: {  	s22 =	simm.s32 $0x1BFF;
	s21 =	sshll.u32 s5, $0x1;
	s2 =	sadd.s32 s19, s18  }
0x9c: {  	s6 =	simm.s32 $0x0;
	s20 =	sshll.u32 s4, $0x1;
	s4 =	sadd.s32 s21, s2  }
0x9d: {  	[timem:s6], [sflag:s22] =	dma.local [hbm:s4], s20  }
0x9e: {  	_ =	swait.ge [sflag:s22], s20  }
0x9f: {  	s3 =	ssub.s32 $0x0, s20;
	[sflag:s22] =	ssyncset.done $0x0  }
0xa0: {  	[sflag:s22] =	ssyncadd.s32 s3;
	_ =	sdelay $0x1  }
0xa1: {  	s23 =	simm.s32 $0x1B8B  }
0xa2: {  	_ =	swait.ge [sflag:s23], $0x1  }
0xa3: {  	[sflag:s23] =	ssyncset.done $0x0  }
0xa4: {  	s25 =	simm.s32 $0x1B8E;
	s24 =	sld [smem:$0x3FFE];
	[sflag:s23] =	ssyncadd.s32 $0xFFFFFFFF  }
0xa5: {  	s26 =	simm.s32 $execute0_lowered;
	[smem:$0x3FD2] =	sst s25  }
0xa6: {  	s4 =	sshll.u32 s26, $0x1;
	_ =	strace $0x80000049;
	[dreg:$0x1] =	wrdreg $0xFFFFFFFF  }
0xa7: {  	s28 =	simm.s32 $_size_execute0_lowered;
	s2 =	sadd.s32 s2, s4;
	[dreg:$0x0] =	wrdreg $0x0  }
0xa8: {  	s4 =	sshll.u32 s28, $0x1;
	[dreg:$0x2] =	wrdreg s2  }
0xa9: {  	[dreg:$0x3] =	wrdreg s4  }
0xaa: {  	[dreg:$0x4] =	wrdreg $0xC0  }
0xab: {  	_ =	task [dreg:s6], $0x5FFFF  }
0xac: {  	[dreg:$0x1] =	wrdreg $0xFFFFFFFF  }
0xad: {  	[dreg:$0x0] =	wrdreg $0x60  }
0xae: {  	[dreg:$0x2] =	wrdreg s24  }
0xaf: {  	[dreg:$0x3] =	wrdreg $0x0  }
0xb0: {  	[dreg:$0x4] =	wrdreg $0x9  }
0xb1: {  	_ =	task.clear_ibuf [dreg:s6], $0x5FFFF;
	_ =	strace $0x90000049  }
0xb2: {  	s29 =	simm.s32 $0x9;
	_ =	strace $0x8000004B  }
0xb3: {  	_ =	swait.ge [sflag:s29], $0x1  }
0xb4: {  	[sflag:s29] =	ssyncadd.s32 $0xFFFFFFFF  }
0xb5: {  	_ =	strace $0x9000004B  }
0xb6: {  	_ =	sfence  }
0xb7: {  	s30 =	sld [smem:$0x0];
	_ =	sdelay $0x2  }
0xb8: {  	s31 =	sshll.u32 s1, $0xD;
	s1 =	sshrl.u32 s1, $0x2  }
0xb9: {  	s3 =	sand.u32 $0x4000, s31;
	s1 =	sadd.s32 s1, s30  }
0xba: {  	s0 =	sor.u32 s3, s0;
	s1 =	sshll.u32 s1, $0x11  }
0xbb: {  	s0 =	sor.u32 s1, s0  }
0xbc: {  	s0 =	sadd.s32 $0x8F2B, s0  }
0xbd: {  	[sflag:s0] =	ssyncadd.remote.s32 $0x1  }
0xbe: {  	_ =	sfence.sel $0xFFFF  }
0xbf: {  	[dreg:$0x0] =	wrdreg $0xFFFFFFFF;
	(pc) =	sbr.abs _section_cstart, $3  }
0xc0: {  	[dreg:$0x1] =	wrdreg $0xFFFFFFFF  }
0xc1: {  	_ =	task.clear_ibuf [dreg:s6], $0x2FFFF;
	_ =	strace $0x9FFFFFFF  }
0xc2: {  	(tm) =	ssettm $0x7FFFFFFF  }
0xc3: {  	_ =	shalt  }
tec
execute0_lowered:
.L_overlay_start_1:
0x0: {  	(tag) =	ssettag $0x1  }
0x1: {  	s0 =	rddreg [dreg:$0x0]  }
0x2: {  	s1 =	srdreg.scid;
	s8 =	stileid.u32  }
0x3: {  	s2 =	rddreg [dreg:$0x1];
	s4 =	simm.s32 $0x0;
	s1 =	sand.u32 $0x1, s1  }
0x4: {  	s3 =	sshll.u32 s8, $0x1;
	[smem:$0x7FF] =	sst s4;
	s5 =	smul.u32 $0x280, s8  }
0x5: {  	s4 =	sadd.s32 $0x16C00, s0;
	s8 =	smul.u32 $0x50000, s8;
	s3 =	sor.u32 s1, s3  }
0x6: {  	_ =	strace $0x8000004A;
	s6 =	ssub.s32 $0x2, s1;
	s1 =	smul.u32 $0x2800, s1  }
0x7: {  	s3 =	smul.u32 $0x4E2, s3;
	s7 =	sshrl.u32 s6, $0x1;
	s28 =	sshrl.u32 s8, $0x2  }
0x8: {  	s9 =	sadd.s32 $0x80, s5;
	s16 =	sadd.s32 $0x100, s5;
	s17 =	sadd.s32 $0x180, s5  }
0x9: {  	s6 =	ssub.s32 s6, s7;
	s26 =	sadd.s32 s1, s5;
	s7 =	sadd.s32 s28, s2  }
0xa: {  	s12 =	sadd.s32 s1, s9;
	s5 =	sadd.s32 $0x200, s5;
	s31 =	smax.u32 s6, $0x1  }
0xb: {  	s21 =	sshll.u32 s16, $0x7;
	s6 =	sadd.s32 $0x1400, s7;
	[dreg:$0x6] =	wrdreg s31  }
0xc: {  	s22 =	sshll.u32 s17, $0x7;
	s8 =	sadd.s32 $0x2800, s7;
	[dreg:$0x7] =	wrdreg s6  }
0xd: {  	s3 =	sadd.s32 s3, s0;
	s10 =	sadd.s32 $0x3C00, s7;
	[dreg:$0x8] =	wrdreg s8  }
0xe: {  	s0 =	sadd.s32 $0x3DE00, s0;
	s11 =	sadd.s32 $0x5000, s7;
	[dreg:$0x9] =	wrdreg s10  }
0xf: {  	s29 =	sshll.u32 s26, $0x4;
	s13 =	sadd.s32 $0x6400, s7;
	[dreg:$0xa] =	wrdreg s11  }
0x10: {  	s14 =	sadd.s32 $0x7800, s7;
	s15 =	sadd.s32 $0x8C00, s7;
	[dreg:$0xb] =	wrdreg s13  }
0x11: {  	s19 =	sadd.s32 $0xA000, s7;
	s26 =	sadd.s32 $0xB400, s7;
	[dreg:$0xc] =	wrdreg s14  }
0x12: {  	s28 =	sadd.s32 $0xC800, s7;
	s25 =	sadd.s32 $0x3000, s3;
	[dreg:$0xd] =	wrdreg s15  }
0x13: {  	s3 =	sadd.s32 $0xCE00, s3;
	s30 =	sadd.s32 s0, s29;
	[dreg:$0x12] =	wrdreg s19  }
0x14: {  	s6 =	sshll.u32 s12, $0x4;
	s10 =	sadd.s32 s1, s17;
	[dreg:$0x17] =	wrdreg s26  }
0x15: {  	[dreg:$0x18] =	wrdreg s28;
	s29 =	sadd.s32 $0xDC00, s7;
	s31 =	sadd.s32 $0x10400, s7  }
0x16: {  	s8 =	simm.s32 $0x16780;
	s11 =	simm.s32 $0x1B700;
	s12 =	simm.s32 $0x1CB00  }
0x17: {  	s13 =	simm.s32 $0x1DF00;
	s14 =	simm.s32 $0x1;
	[dreg:$0x3] =	wrdreg s25  }
0x18: {  	s15 =	simm.s32 $0x2;
	s17 =	simm.s32 $0x3;
	[dreg:$0x4] =	wrdreg s3  }
0x19: {  	s19 =	simm.s32 $0x4;
	[dreg:$0x5] =	wrdreg s30;
	s3 =	sshll.u32 s9, $0x7  }
0x1a: {  	s6 =	sadd.s32 s0, s6;
	s9 =	sadd.s32 s1, s16;
	s1 =	sadd.s32 s1, s5  }
0x1b: {  	s10 =	sshll.u32 s10, $0x4;
	s5 =	sshll.u32 s5, $0x7;
	[dreg:$0x19] =	wrdreg s29  }
0x1c: {  	s30 =	sadd.s32 $0xF000, s7;
	[dreg:$0x1b] =	wrdreg s31;
	s16 =	simm.s32 $0x6  }
0x1d: {  	[dreg:$0xe] =	wrdreg s6;
	s9 =	sshll.u32 s9, $0x4;
	s1 =	sshll.u32 s1, $0x4  }
0x1e: {  	s18 =	sadd.s32 s0, s10;
	s20 =	sadd.s32 s3, s2;
	s3 =	sadd.s32 s22, s2  }
0x1f: {  	s5 =	sadd.s32 s5, s2;
	[dreg:$0x1a] =	wrdreg s30;
	s6 =	simm.s32 $0x14000  }
0x20: {  	s10 =	simm.s32 $0x1A300;
	s22 =	simm.s32 $0x9;
	s9 =	sadd.s32 s0, s9  }
0x21: {  	[dreg:$0x10] =	wrdreg s18;
	s0 =	sadd.s32 s0, s1;
	s1 =	sadd.s32 s21, s2  }
0x22: {  	s24 =	sshrl.u32 s3, $0x3;
	s25 =	sshrl.u32 s5, $0x3;
	s3 =	simm.s32 $0x18F00  }
0x23: {  	s5 =	simm.s32 $0xB;
	s18 =	simm.s32 $0x7;
	[dreg:$0xf] =	wrdreg s9  }
.Ltmp0:
0x24: {  	s21 =	simm.s32 $0x5;
	[dreg:$0x11] =	wrdreg s0;
	(pc) =	sbr.rel .LBB2_1-.Ltmp0, $4  }
0x25: {  	s0 =	sshrl.u32 s20, $0x3;
	s23 =	sshrl.u32 s1, $0x3;
	[dreg:$0x15] =	wrdreg s24  }
0x26: {  	[dreg:$0x16] =	wrdreg s25;
	s1 =	sadd.s32 $0x11800, s7;
	s9 =	simm.s32 $0x28  }
0x27: {  	s20 =	simm.s32 $0x8;
	s24 =	simm.s32 $0x0;
	[dreg:$0x13] =	wrdreg s0  }
0x28: {  	v0 =	vimm.f32 $0.0e+00;
	[dreg:$0x14] =	wrdreg s23;
	s0 =	sadd.s32 $0x12C00, s7;
	s23 =	simm.s32 $0xA  }
.LBB2_6:
0x29: {  	_ =	swait.ge [sflag:s21], $0x1400  }
0x2a: {  	[sflag:s21] =	ssyncset.done $0x0  }
0x2b: {  	[sflag:s21] =	ssyncadd.s32 $0xFFFFEC00  }
0x2c: {  	[spmem:s2] =	stream.indirect.scatter.add.f32 [tilespmem:s13], [sflag:$0xA], $0x80, s28, s9, $0xb8;
	[tilespmem:$0x1F300] =	vst v63  }
0x2d: {  	_ =	swait.ge [sflag:s16], $0x1400  }
0x2e: {  	[sflag:s16] =	ssyncset.done $0x0  }
0x2f: {  	[sflag:s16] =	ssyncadd.s32 $0xFFFFEC00  }
0x30: {  	_ =	swait.ge [sflag:s18], $0x1400  }
0x31: {  	[sflag:s18] =	ssyncset.done $0x0  }
0x32: {  	[sflag:s18] =	ssyncadd.s32 $0xFFFFEC00  }
0x33: {  	_ =	swait.ge [sflag:s20], $0x1400  }
0x34: {  	[sflag:s20] =	ssyncset.done $0x0  }
0x35: {  	[sflag:s20] =	ssyncadd.s32 $0xFFFFEC00  }
0x36: {  	_ =	swait.ge [sflag:s22], $0x1400  }
0x37: {  	[sflag:s22] =	ssyncset.done $0x0  }
0x38: {  	[sflag:s22] =	ssyncadd.s32 $0xFFFFEC00  }
0x39: {  	_ =	swait.ge [sflag:s23], $0x1400  }
0x3a: {  	[sflag:s23] =	ssyncset.done $0x0  }
0x3b: {  	s25 =	stileid.u32;
	[sflag:s23] =	ssyncadd.s32 $0xFFFFEC00  }
0x3c: {  	s25 =	sshll.u32 s25, $0x6;
	[bflag:$0x0] =	sbarrier.arrive $0xFFFF  }
0x3d: {  	s26 =	sshrl.u32 s7, $0x3;
	s25 =	sor.u32 $0x1C0B, s25;
	s31 =	rddreg [dreg:$0x5]  }
0x3e: {  	[hbm:s31], [sflag:s25] =	dma.local [spmem:s26], $0x800  }
0x3f: {  	_ =	swait.ge [sflag:s5], $0x800  }
0x40: {  	[sflag:s5] =	ssyncset.done $0x0;
	s29 =	rddreg [dreg:$0xe]  }
0x41: {  	s30 =	rddreg [dreg:$0x13];
	[sflag:s5] =	ssyncadd.s32 $0xFFFFF800  }
0x42: {  	[hbm:s29], [sflag:s25] =	dma.local [spmem:s30], $0x800  }
0x43: {  	_ =	swait.ge [sflag:s5], $0x800  }
0x44: {  	[sflag:s5] =	ssyncset.done $0x0;
	s31 =	rddreg [dreg:$0xf]  }
0x45: {  	s29 =	rddreg [dreg:$0x14];
	[sflag:s5] =	ssyncadd.s32 $0xFFFFF800  }
0x46: {  	[hbm:s31], [sflag:s25] =	dma.local [spmem:s29], $0x800  }
0x47: {  	_ =	swait.ge [sflag:s5], $0x800  }
0x48: {  	[sflag:s5] =	ssyncset.done $0x0;
	s30 =	rddreg [dreg:$0x10]  }
0x49: {  	s31 =	rddreg [dreg:$0x15];
	[sflag:s5] =	ssyncadd.s32 $0xFFFFF800  }
0x4a: {  	[hbm:s30], [sflag:s25] =	dma.local [spmem:s31], $0x800  }
0x4b: {  	_ =	swait.ge [sflag:s5], $0x800  }
0x4c: {  	[sflag:s5] =	ssyncset.done $0x0;
	s29 =	rddreg [dreg:$0x11]  }
0x4d: {  	s30 =	rddreg [dreg:$0x16];
	[sflag:s5] =	ssyncadd.s32 $0xFFFFF800  }
0x4e: {  	[hbm:s29], [sflag:s25] =	dma.local [spmem:s30], $0x800  }
0x4f: {  	_ =	swait.ge [sflag:s5], $0x800  }
0x50: {  	s24 =	sadd.s32 $0x1, s24;
	s31 =	rddreg [dreg:$0x6]  }
0x51: {  	p0 =	sne.s32 s24, s31  }
.Ltmp1:
0x52: {  	_ = 	snop;
	(pc) =	sbr.rel @!p0 .LBB2_7-.Ltmp1, $3  }
0x53: {  	_ =	sdelay $0x1  }
0x54: {  	[sflag:s5] =	ssyncset.done $0x0  }
0x55: {  	[sflag:s5] =	ssyncadd.s32 $0xFFFFF800  }
.LBB2_1:
0x56: {  	s26 =	simm.s32 $0x0  }
0x57: {  	s25 =	sand.u32 $0x7E00, s26  }
0x58: {  	s26 =	sand.u32 $0x70, s26;
	s28 =	sshrl.u32 s25, $0x2  }
0x59: {  	s25 =	simm.s32 $0x40;
	s28 =	sor.u32 s26, s28;
	s26 =	simm.s32 $0x0  }
.LBB2_2:
0x5a: {  	p0 =	sne.s32 s25, $0x4FC0  }
0x5b: {  	[tilespmem:s28+$0x18F00] =	vst v0;
	s26 =	sadd.s32 $0x10, s26;
	s28 =	smov.u32 s25;
	s25 =	sadd.s32 $0x40, s25  }
.Ltmp2:
0x5c: {  	(pc) =	sbr.rel @p0 .LBB2_2-.Ltmp2, $4  }
0x5d: {  	_ = 	snop  }
0x5e: {  	s28 =	sand.u32 $0x7E00, s28  }
0x5f: {  	s29 =	sand.u32 $0x70, s26;
	s28 =	sshrl.u32 s28, $0x2  }
0x60: {  	s28 =	sor.u32 s29, s28  }
0x61: {  	[tilespmem:s28+$0x18F00] =	vst v0  }
0x62: {  	[spmem:s7] =	stream.linear.scatter [tilespmem:s3], [sflag:$0xB], $0x1400, $0x38;
	[tilespmem:$0x1F300] =	vst v63  }
0x63: {  	_ =	swait.ge [sflag:s5], $0x1400  }
0x64: {  	[sflag:s5] =	ssyncset.done $0x0  }
0x65: {  	s25 =	rddreg [dreg:$0x7];
	[sflag:s5] =	ssyncadd.s32 $0xFFFFEC00  }
0x66: {  	[spmem:s25] =	stream.linear.scatter [tilespmem:s3], [sflag:$0xB], $0x1400, $0x38;
	[tilespmem:$0x1F300] =	vst v63  }
0x67: {  	_ =	swait.ge [sflag:s5], $0x1400  }
0x68: {  	[sflag:s5] =	ssyncset.done $0x0  }
0x69: {  	s29 =	rddreg [dreg:$0x8];
	[sflag:s5] =	ssyncadd.s32 $0xFFFFEC00  }
0x6a: {  	[spmem:s29] =	stream.linear.scatter [tilespmem:s3], [sflag:$0xB], $0x1400, $0x38;
	[tilespmem:$0x1F300] =	vst v63  }
0x6b: {  	_ =	swait.ge [sflag:s5], $0x1400  }
0x6c: {  	[sflag:s5] =	ssyncset.done $0x0  }
0x6d: {  	s30 =	rddreg [dreg:$0x9];
	[sflag:s5] =	ssyncadd.s32 $0xFFFFEC00  }
0x6e: {  	[spmem:s30] =	stream.linear.scatter [tilespmem:s3], [sflag:$0xB], $0x1400, $0x38;
	[tilespmem:$0x1F300] =	vst v63  }
0x6f: {  	_ =	swait.ge [sflag:s5], $0x1400  }
0x70: {  	[sflag:s5] =	ssyncset.done $0x0  }
0x71: {  	s31 =	rddreg [dreg:$0xa];
	[sflag:s5] =	ssyncadd.s32 $0xFFFFEC00  }
0x72: {  	[spmem:s31] =	stream.linear.scatter [tilespmem:s3], [sflag:$0xB], $0x1400, $0x38;
	[tilespmem:$0x1F300] =	vst v63  }
0x73: {  	_ =	swait.ge [sflag:s5], $0x1400  }
0x74: {  	[sflag:s5] =	ssyncset.done $0x0  }
0x75: {  	s26 =	rddreg [dreg:$0xb];
	[sflag:s5] =	ssyncadd.s32 $0xFFFFEC00  }
0x76: {  	[spmem:s26] =	stream.linear.scatter [tilespmem:s3], [sflag:$0xB], $0x1400, $0x38;
	[tilespmem:$0x1F300] =	vst v63  }
0x77: {  	_ =	swait.ge [sflag:s5], $0x1400  }
0x78: {  	[sflag:s5] =	ssyncset.done $0x0  }
0x79: {  	s28 =	rddreg [dreg:$0xc];
	[sflag:s5] =	ssyncadd.s32 $0xFFFFEC00  }
0x7a: {  	[spmem:s28] =	stream.linear.scatter [tilespmem:s3], [sflag:$0xB], $0x1400, $0x38;
	[tilespmem:$0x1F300] =	vst v63  }
0x7b: {  	_ =	swait.ge [sflag:s5], $0x1400  }
0x7c: {  	[sflag:s5] =	ssyncset.done $0x0  }
0x7d: {  	s29 =	rddreg [dreg:$0xd];
	[sflag:s5] =	ssyncadd.s32 $0xFFFFEC00  }
0x7e: {  	[spmem:s29] =	stream.linear.scatter [tilespmem:s3], [sflag:$0xB], $0x1400, $0x38;
	[tilespmem:$0x1F300] =	vst v63  }
0x7f: {  	_ =	swait.ge [sflag:s5], $0x1400  }
0x80: {  	[sflag:s5] =	ssyncset.done $0x0  }
0x81: {  	s30 =	rddreg [dreg:$0x12];
	[sflag:s5] =	ssyncadd.s32 $0xFFFFEC00  }
0x82: {  	[spmem:s30] =	stream.linear.scatter [tilespmem:s3], [sflag:$0xB], $0x1400, $0x38;
	[tilespmem:$0x1F300] =	vst v63  }
0x83: {  	_ =	swait.ge [sflag:s5], $0x1400  }
0x84: {  	[sflag:s5] =	ssyncset.done $0x0  }
0x85: {  	s31 =	rddreg [dreg:$0x17];
	[sflag:s5] =	ssyncadd.s32 $0xFFFFEC00  }
0x86: {  	[spmem:s31] =	stream.linear.scatter [tilespmem:s3], [sflag:$0xB], $0x1400, $0x38;
	[tilespmem:$0x1F300] =	vst v63  }
0x87: {  	_ =	swait.ge [sflag:s5], $0x1400  }
0x88: {  	[sflag:s5] =	ssyncset.done $0x0  }
0x89: {  	s26 =	rddreg [dreg:$0x18];
	[sflag:s5] =	ssyncadd.s32 $0xFFFFEC00  }
0x8a: {  	[spmem:s26] =	stream.linear.scatter [tilespmem:s3], [sflag:$0xB], $0x1400, $0x38;
	[tilespmem:$0x1F300] =	vst v63  }
0x8b: {  	_ =	swait.ge [sflag:s5], $0x1400  }
0x8c: {  	[sflag:s5] =	ssyncset.done $0x0  }
0x8d: {  	s28 =	rddreg [dreg:$0x19];
	[sflag:s5] =	ssyncadd.s32 $0xFFFFEC00  }
0x8e: {  	[spmem:s28] =	stream.linear.scatter [tilespmem:s3], [sflag:$0xB], $0x1400, $0x38;
	[tilespmem:$0x1F300] =	vst v63  }
0x8f: {  	_ =	swait.ge [sflag:s5], $0x1400  }
0x90: {  	[sflag:s5] =	ssyncset.done $0x0  }
0x91: {  	s29 =	rddreg [dreg:$0x1a];
	[sflag:s5] =	ssyncadd.s32 $0xFFFFEC00  }
0x92: {  	[spmem:s29] =	stream.linear.scatter [tilespmem:s3], [sflag:$0xB], $0x1400, $0x38;
	[tilespmem:$0x1F300] =	vst v63  }
0x93: {  	_ =	swait.ge [sflag:s5], $0x1400  }
0x94: {  	[sflag:s5] =	ssyncset.done $0x0  }
0x95: {  	s30 =	rddreg [dreg:$0x1b];
	[sflag:s5] =	ssyncadd.s32 $0xFFFFEC00  }
0x96: {  	[spmem:s30] =	stream.linear.scatter [tilespmem:s3], [sflag:$0xB], $0x1400, $0x38;
	[tilespmem:$0x1F300] =	vst v63  }
0x97: {  	_ =	swait.ge [sflag:s5], $0x1400  }
0x98: {  	[sflag:s5] =	ssyncset.done $0x0  }
0x99: {  	[sflag:s5] =	ssyncadd.s32 $0xFFFFEC00  }
0x9a: {  	[spmem:s1] =	stream.linear.scatter [tilespmem:s3], [sflag:$0xB], $0x1400, $0x38;
	[tilespmem:$0x1F300] =	vst v63  }
0x9b: {  	_ =	swait.ge [sflag:s5], $0x1400  }
0x9c: {  	[sflag:s5] =	ssyncset.done $0x0  }
0x9d: {  	[sflag:s5] =	ssyncadd.s32 $0xFFFFEC00  }
0x9e: {  	[spmem:s0] =	stream.linear.scatter [tilespmem:s3], [sflag:$0xB], $0x1400, $0x38;
	[tilespmem:$0x1F300] =	vst v63  }
0x9f: {  	_ =	swait.ge [sflag:s5], $0x1400  }
0xa0: {  	[sflag:s5] =	ssyncset.done $0x0  }
0xa1: {  	s25 =	simm.s32 $0x0;
	s26 =	rddreg [dreg:$0x3];
	[sflag:s5] =	ssyncadd.s32 $0xFFFFEC00  }
0xa2: {  	[tilespmem:s6], [sflag:$0xB] =	stream.linear.gather [hbm4b:s26+s25], $0x2710, $0x38;
	[tilespmem:$0x1F300] =	vst v63  }
0xa3: {  	_ =	swait.ge [sflag:s5], $0x2710  }
0xa4: {  	[sflag:s5] =	ssyncset.done $0x0  }
0xa5: {  	s31 =	rddreg [dreg:$0x4];
	[sflag:s5] =	ssyncadd.s32 $0xFFFFD8F0  }
0xa6: {  	[tilespmem:s8], [sflag:$0xB] =	stream.linear.gather [hbm4b:s31+s25], $0x2710, $0x38;
	[tilespmem:$0x1F300] =	vst v63  }
0xa7: {  	_ =	swait.ge [sflag:s5], $0x2710  }
0xa8: {  	[sflag:s5] =	ssyncset.done $0x0  }
0xa9: {  	[sflag:s5] =	ssyncadd.s32 $0xFFFFD8F0  }
0xaa: {  	[bflag:$0x0] =	sbarrier.arrive $0xFFFF  }
0xab: {  	[tilespmem:s3], [sflag:$0x1] =	stream.indirect.gather [hbm4b:s4+s9], $0x80, s6, s9, $0xb8;
	[tilespmem:$0x1F300] =	vst v63  }
0xac: {  	s28 =	simm.s32 $0x14028  }
0xad: {  	[tilespmem:s10], [sflag:$0x2] =	stream.indirect.gather [hbm4b:s4+s9], $0x80, s28, s9, $0xb8;
	[tilespmem:$0x1F300] =	vst v63  }
0xae: {  	s29 =	simm.s32 $0x14050  }
0xaf: {  	[tilespmem:s11], [sflag:$0x3] =	stream.indirect.gather [hbm4b:s4+s9], $0x80, s29, s9, $0xb8;
	[tilespmem:$0x1F300] =	vst v63  }
0xb0: {  	s30 =	simm.s32 $0x14078  }
0xb1: {  	[tilespmem:s12], [sflag:$0x4] =	stream.indirect.gather [hbm4b:s4+s9], $0x80, s30, s9, $0xb8;
	[tilespmem:$0x1F300] =	vst v63  }
0xb2: {  	s31 =	simm.s32 $0x140A0  }
0xb3: {  	[tilespmem:s13], [sflag:$0x5] =	stream.indirect.gather [hbm4b:s4+s9], $0x80, s31, s9, $0xb8;
	[tilespmem:$0x1F300] =	vst v63  }
0xb4: {  	_ =	swait.ge [sflag:s14], $0x1400  }
0xb5: {  	[sflag:s14] =	ssyncset.done $0x0  }
0xb6: {  	[sflag:s14] =	ssyncadd.s32 $0xFFFFEC00  }
0xb7: {  	[spmem:s2] =	stream.indirect.scatter.add.f32 [tilespmem:s3], [sflag:$0x6], $0x80, s8, s9, $0xb8;
	[tilespmem:$0x1F300] =	vst v63  }
0xb8: {  	_ =	swait.ge [sflag:s15], $0x1400  }
0xb9: {  	[sflag:s15] =	ssyncset.done $0x0  }
0xba: {  	s28 =	simm.s32 $0x167A8;
	[sflag:s15] =	ssyncadd.s32 $0xFFFFEC00  }
0xbb: {  	[spmem:s2] =	stream.indirect.scatter.add.f32 [tilespmem:s10], [sflag:$0x7], $0x80, s28, s9, $0xb8;
	[tilespmem:$0x1F300] =	vst v63  }
0xbc: {  	_ =	swait.ge [sflag:s16], $0x1400  }
0xbd: {  	[sflag:s16] =	ssyncset.done $0x0  }
0xbe: {  	s29 =	simm.s32 $0x140C8;
	[sflag:s16] =	ssyncadd.s32 $0xFFFFEC00  }
0xbf: {  	[tilespmem:s3], [sflag:$0x1] =	stream.indirect.gather [hbm4b:s4+s9], $0x80, s29, s9, $0xb8;
	[tilespmem:$0x1F300] =	vst v63  }
0xc0: {  	_ =	swait.ge [sflag:s17], $0x1400  }
0xc1: {  	[sflag:s17] =	ssyncset.done $0x0  }
0xc2: {  	s30 =	simm.s32 $0x167D0;
	[sflag:s17] =	ssyncadd.s32 $0xFFFFEC00  }
0xc3: {  	[spmem:s2] =	stream.indirect.scatter.add.f32 [tilespmem:s11], [sflag:$0x8], $0x80, s30, s9, $0xb8;
	[tilespmem:$0x1F300] =	vst v63  }
0xc4: {  	_ =	swait.ge [sflag:s18], $0x1400  }
0xc5: {  	[sflag:s18] =	ssyncset.done $0x0  }
0xc6: {  	s31 =	simm.s32 $0x140F0;
	[sflag:s18] =	ssyncadd.s32 $0xFFFFEC00  }
0xc7: {  	[tilespmem:s10], [sflag:$0x2] =	stream.indirect.gather [hbm4b:s4+s9], $0x80, s31, s9, $0xb8;
	[tilespmem:$0x1F300] =	vst v63  }
0xc8: {  	_ =	swait.ge [sflag:s19], $0x1400  }
0xc9: {  	[sflag:s19] =	ssyncset.done $0x0  }
0xca: {  	s28 =	simm.s32 $0x167F8;
	[sflag:s19] =	ssyncadd.s32 $0xFFFFEC00  }
0xcb: {  	[spmem:s2] =	stream.indirect.scatter.add.f32 [tilespmem:s12], [sflag:$0x9], $0x80, s28, s9, $0xb8;
	[tilespmem:$0x1F300] =	vst v63  }
0xcc: {  	_ =	swait.ge [sflag:s20], $0x1400  }
0xcd: {  	[sflag:s20] =	ssyncset.done $0x0  }
0xce: {  	s29 =	simm.s32 $0x14118;
	[sflag:s20] =	ssyncadd.s32 $0xFFFFEC00  }
0xcf: {  	[tilespmem:s11], [sflag:$0x3] =	stream.indirect.gather [hbm4b:s4+s9], $0x80, s29, s9, $0xb8;
	[tilespmem:$0x1F300] =	vst v63  }
0xd0: {  	_ =	swait.ge [sflag:s21], $0x1400  }
0xd1: {  	[sflag:s21] =	ssyncset.done $0x0  }
0xd2: {  	s30 =	simm.s32 $0x16820;
	[sflag:s21] =	ssyncadd.s32 $0xFFFFEC00  }
0xd3: {  	[spmem:s2] =	stream.indirect.scatter.add.f32 [tilespmem:s13], [sflag:$0xA], $0x80, s30, s9, $0xb8;
	[tilespmem:$0x1F300] =	vst v63  }
0xd4: {  	_ =	swait.ge [sflag:s22], $0x1400  }
0xd5: {  	[sflag:s22] =	ssyncset.done $0x0  }
0xd6: {  	s31 =	simm.s32 $0x14140;
	[sflag:s22] =	ssyncadd.s32 $0xFFFFEC00  }
0xd7: {  	[tilespmem:s12], [sflag:$0x4] =	stream.indirect.gather [hbm4b:s4+s9], $0x80, s31, s9, $0xb8;
	[tilespmem:$0x1F300] =	vst v63  }
.LBB2_4:
0xd8: {  	_ =	swait.ge [sflag:s14], $0x1400  }
0xd9: {  	s26 =	sshra.s32 s25, $0x2;
	[sflag:s14] =	ssyncset.done $0x0  }
0xda: {  	s28 =	sadd.s32 $0x16848, s26;
	[sflag:s14] =	ssyncadd.s32 $0xFFFFEC00  }
0xdb: {  	[spmem:s2] =	stream.indirect.scatter.add.f32 [tilespmem:s3], [sflag:$0x6], $0x80, s28, s9, $0xb8;
	[tilespmem:$0x1F300] =	vst v63  }
0xdc: {  	_ =	swait.ge [sflag:s23], $0x1400  }
0xdd: {  	[sflag:s23] =	ssyncset.done $0x0  }
0xde: {  	s28 =	sadd.s32 $0x14168, s26;
	[sflag:s23] =	ssyncadd.s32 $0xFFFFEC00  }
0xdf: {  	[tilespmem:s13], [sflag:$0x5] =	stream.indirect.gather [hbm4b:s4+s9], $0x80, s28, s9, $0xb8;
	[tilespmem:$0x1F300] =	vst v63  }
0xe0: {  	_ =	swait.ge [sflag:s15], $0x1400  }
0xe1: {  	[sflag:s15] =	ssyncset.done $0x0  }
0xe2: {  	p0 =	seq.s32 s25, $0x9600;
	s28 =	sadd.s32 $0x16870, s26;
	[sflag:s15] =	ssyncadd.s32 $0xFFFFEC00  }
0xe3: {  	[spmem:s2] =	stream.indirect.scatter.add.f32 [tilespmem:s10], [sflag:$0x7], $0x80, s28, s9, $0xb8;
	[tilespmem:$0x1F300] =	vst v63  }
0xe4: {  	s28 =	simm.s32 @p0 $0x3  }
0xe5: {  	_ =	swait.ge @p0 [sflag:s28], $0x1400  }
0xe6: {  	[sflag:s28] =	ssyncset.done @p0 $0x0  }
0xe7: {  	[sflag:s28] =	ssyncadd.s32 @p0 $0xFFFFEC00;
	s28 =	sshra.s32 @p0 s25, $0x2  }
0xe8: {  	s29 =	simm.s32 @p0 $0x28;
	s30 =	simm.s32 @p0 $0x1B700;
	s28 =	sadd.s32 @p0 $0x16898, s28  }
0xe9: {  	[spmem:s2] =	stream.indirect.scatter.add.f32 @p0 [tilespmem:s30], [sflag:$0x8], $0x80, s28, s29, $0xb8;
	[tilespmem:$0x1F300] =	vst v63  }
0xea: {  	s28 =	simm.s32 @!p0 $0x6  }
0xeb: {  	_ =	swait.ge @!p0 [sflag:s28], $0x1400  }
0xec: {  	[sflag:s28] =	ssyncset.done @!p0 $0x0  }
0xed: {  	[sflag:s28] =	ssyncadd.s32 @!p0 $0xFFFFEC00;
	s28 =	sshra.s32 @!p0 s25, $0x2  }
0xee: {  	s31 =	simm.s32 @!p0 $0x18F00;
	s30 =	simm.s32 @!p0 $0x28;
	s29 =	sadd.s32 @!p0 $0x14190, s28  }
0xef: {  	[tilespmem:s31], [sflag:$0x1] =	stream.indirect.gather @!p0 [hbm4b:s4+s30], $0x80, s29, s30, $0xb8;
	[tilespmem:$0x1F300] =	vst v63  }
0xf0: {  	s29 =	simm.s32 @!p0 $0x3  }
0xf1: {  	_ =	swait.ge @!p0 [sflag:s29], $0x1400  }
0xf2: {  	[sflag:s29] =	ssyncset.done @!p0 $0x0  }
0xf3: {  	s31 =	simm.s32 @!p0 $0x1B700;
	[sflag:s29] =	ssyncadd.s32 @!p0 $0xFFFFEC00;
	s29 =	sadd.s32 @!p0 $0x16898, s28  }
0xf4: {  	[spmem:s2] =	stream.indirect.scatter.add.f32 @!p0 [tilespmem:s31], [sflag:$0x8], $0x80, s29, s30, $0xb8;
	[tilespmem:$0x1F300] =	vst v63  }
0xf5: {  	s29 =	simm.s32 @!p0 $0x7  }
0xf6: {  	_ =	swait.ge @!p0 [sflag:s29], $0x1400  }
0xf7: {  	[sflag:s29] =	ssyncset.done @!p0 $0x0  }
0xf8: {  	s28 =	sadd.s32 @!p0 $0x141B8, s28;
	[sflag:s29] =	ssyncadd.s32 @!p0 $0xFFFFEC00;
	s29 =	simm.s32 @!p0 $0x1A300  }
0xf9: {  	[tilespmem:s29], [sflag:$0x2] =	stream.indirect.gather @!p0 [hbm4b:s4+s30], $0x80, s28, s30, $0xb8;
	[tilespmem:$0x1F300] =	vst v63  }
.Ltmp3:
0xfa: {  	_ =	swait.ge [sflag:s19], $0x1400;
	(pc) =	sbr.rel @p0 .LBB2_6-.Ltmp3, $4  }
0xfb: {  	[sflag:s19] =	ssyncset.done $0x0  }
0xfc: {  	s28 =	sadd.s32 $0x168C0, s26;
	[sflag:s19] =	ssyncadd.s32 $0xFFFFEC00  }
0xfd: {  	[spmem:s2] =	stream.indirect.scatter.add.f32 [tilespmem:s12], [sflag:$0x9], $0x80, s28, s9, $0xb8;
	[tilespmem:$0x1F300] =	vst v63  }
0xfe: {  	s28 =	sadd.s32 $0x168E8, s26  }
0xff: {  	_ =	swait.ge [sflag:s20], $0x1400  }
0x100: {  	[sflag:s20] =	ssyncset.done $0x0  }
0x101: {  	s29 =	sadd.s32 $0x141E0, s26;
	[sflag:s20] =	ssyncadd.s32 $0xFFFFEC00  }
0x102: {  	[tilespmem:s11], [sflag:$0x3] =	stream.indirect.gather [hbm4b:s4+s9], $0x80, s29, s9, $0xb8;
	[tilespmem:$0x1F300] =	vst v63  }
0x103: {  	_ =	swait.ge [sflag:s21], $0x1400  }
0x104: {  	[sflag:s21] =	ssyncset.done $0x0  }
0x105: {  	[sflag:s21] =	ssyncadd.s32 $0xFFFFEC00  }
0x106: {  	[spmem:s2] =	stream.indirect.scatter.add.f32 [tilespmem:s13], [sflag:$0xA], $0x80, s28, s9, $0xb8;
	[tilespmem:$0x1F300] =	vst v63  }
.Ltmp4:
0x107: {  	_ = 	snop;
	(pc) =	sbr.rel .LBB2_4-.Ltmp4, $4  }
0x108: {  	_ =	swait.ge [sflag:s22], $0x1400  }
0x109: {  	[sflag:s22] =	ssyncset.done $0x0  }
0x10a: {  	s31 =	sadd.s32 $0x14208, s26;
	s25 =	sadd.s32 $0x320, s25;
	[sflag:s22] =	ssyncadd.s32 $0xFFFFEC00  }
0x10b: {  	[tilespmem:s12], [sflag:$0x4] =	stream.indirect.gather [hbm4b:s4+s9], $0x80, s31, s9, $0xb8;
	[tilespmem:$0x1F300] =	vst v63  }
.LBB2_7:
0x10c: {  	_ =	sfence.sel $0x180000  }
0x10d: {  	[bflag:$0x0] =	sbarrier.arrive $0xFFFF  }
0x10e: {  	_ =	strace $0x9000004A  }
0x10f: {  	s0 =	stileid.u32;
	[bflag:$0x2] =	sbarrier.arrive $0xFFFF  }
0x110: {  	p0 =	sne.s32 s0, $0x0;
	s0 =	rddreg [dreg:$0x2]  }
0x111: {  	s0 =	sadd.s32 @!p0 $0x100000, s0  }
0x112: {  	[sflag:s0] =	ssyncadd.tile.s32 @!p0 $0x1;
	_ =	shalt  }
.Lfunc_end2:
_tile_overlayer_lowered:
.L_overlay_start_2:
0x113: {  	(tag) =	ssettag $0x2  }
0x114: {  	s0 =	rddreg [dreg:$0x0];
	s2 =	stileid.u32  }
0x115: {  	s1 =	rddreg [dreg:$0x1];
	p0 =	sne.s32 s2, $0x0  }
0x116: {  	s3 =	rddreg [dreg:$0x2];
	[bflag:$0x3] =	sbarrier.arrive $0xFFFF;
	s2 =	simm.s32 @!p0 $0x1C0B  }
0x117: {  	[timem:s3], [sflag:s2] =	dma.local @!p0 [hbm:s0], s1  }
0x118: {  	s0 =	simm.s32 @!p0 $0xB  }
0x119: {  	_ =	swait.ge @!p0 [sflag:s0], s1  }
0x11a: {  	s1 =	ssub.s32 @!p0 $0x0, s1;
	[sflag:s0] =	ssyncset.done @!p0 $0x0  }
0x11b: {  	[sflag:s0] =	ssyncadd.s32 @!p0 s1  }
0x11c: {  	[bflag:$0x3] =	sbarrier.arrive $0xFFFF  }
0x11d: {  	_ =	shalt  }

// kernel: kernel.17.cloned.1.call-start
scs
__scs_entry_jumppad:
0x0: {  	(pc) =	sbr.rel $0x88, $3  }
0x1: {  	(tag) =	ssettag $0x0;
	lr =	simm.s32 $0x1  }
0x2: {  	[smem:$0x3F99] =	sst lr;
	_ =	strace $0xD0000000  }
0x3: {  	_ = 	snop  }
0x4: {  	_ = 	snop  }
0x5: {  	_ = 	snop  }
0x6: {  	_ = 	snop  }
0x7: {  	_ = 	snop  }
__scs_overlays_trampoline_lowered:
0x8: {  	[smem:$0x3FA8] =	sst s0  }
0x9: {  	[smem:$0x3FA9] =	sst s1  }
0xa: {  	[smem:$0x3FAA] =	sst s2  }
0xb: {  	[smem:$0x3FAB] =	sst s3  }
0xc: {  	[smem:$0x3FAC] =	sst s4  }
0xd: {  	[smem:$0x3FAD] =	sst s5  }
0xe: {  	[smem:$0x3FAE] =	sst s6  }
0xf: {  	[smem:$0x3FAF] =	sst s7  }
0x10: {  	[smem:$0x3FB0] =	sst s8  }
0x11: {  	[smem:$0x3FB1] =	sst s9;
	s0 =	simm.s32 @!p0 $0x0  }
0x12: {  	s1 =	sld [smem:$0x3F97];
	s0 =	simm.s32 @p0 $0x1  }
0x13: {  	[smem:$0x3FB2] =	sst s0;
	s0 =	simm.s32 @!p1 $0x0  }
0x14: {  	s2 =	sld [smem:$0x3F96];
	s0 =	simm.s32 @p1 $0x1  }
0x15: {  	[smem:$0x3FB3] =	sst s0;
	s0 =	simm.s32 @!p2 $0x0  }
0x16: {  	s3 =	sld [smem:$0x3FDB];
	s0 =	simm.s32 @p2 $0x1  }
0x17: {  	s4 =	simm.s32 $0x1BF5;
	[smem:$0x3FB5] =	sst s0  }
0x18: {  	s0 =	sld [smem:$0x3F98];
	_ =	swait.ge [sflag:s4], $0x0  }
0x19: {  	s7 =	sld [smem:$0x3F99]  }
0x1a: {  	s8 =	sadd.s32 $0xFFFFE003, lr  }
0x1b: {  	s9 =	sadd.s32 $0xFFFFFEF7, lr;
	s5 =	simm.s32 $0xFFFFFFFF;
	p2 =	slt.u32 s8, $0xFFFFF086  }
0x1c: {  	p1 =	slt.u32 s9, $0xF7A;
	s5 =	simm.s32 @!p2 $0x0  }
0x1d: {  	s5 =	simm.s32 @p1 $0x1;
	p0 =	seq.s32 s7, s2  }
0x1e: {  	s7 =	smul.u32 @!p0 $0xF7A, s2;
	p2 =	seq.s32 @!p0 s5, $0x0  }
0x1f: {  	s9 =	smul.u32 $0xF7A, s1;
	s8 =	simm.s32 @!p0 $0x1BF5;
	p2 =	por !p2, p0  }
0x20: {  	[sflag:s8] =	ssyncset.s32 @!p0 $0xFFFFF086;
	s6 =	sadd.s32 @!p0 s3, s7;
	s7 =	simm.s32 @!p0 $0x108  }
0x21: {  	s3 =	sadd.s32 s3, s9;
	s6 =	sadd.s32 @!p0 $0x88, s6;
	s7 =	simm.s32 @p2 $0x1082  }
0x22: {  	[simem:s7], [sflag:s8] =	dma.local @!p0 [hbm:s6], $0xF7A  }
0x23: {  	s9 =	sor.u32 $0xD0000000, s2;
	s6 =	simm.s32 $0x108;
	_ =	swait.ge @!p0 [sflag:s8], $0x0  }
0x24: {  	s3 =	sadd.s32 $0x88, s3;
	s6 =	simm.s32 @!p1 $0x1082;
	[sflag:s4] =	ssyncset.s32 $0xFFFFF086  }
0x25: {  	[simem:s6], [sflag:s4] =	dma.local [hbm:s3], $0xF7A  }
0x26: {  	[smem:$0x3F99] =	sst s1;
	(tag) =	ssettag s2;
	_ =	strace s9  }
0x27: {  	s1 =	sld [smem:$0x3FA9]  }
0x28: {  	s2 =	sld [smem:$0x3FAA]  }
0x29: {  	s4 =	sld [smem:$0x3FAC]  }
0x2a: {  	p0 =	seq.s32 s5, $0x0;
	s5 =	sld [smem:$0x3FAD]  }
0x2b: {  	s6 =	sld [smem:$0x3FAE]  }
0x2c: {  	s7 =	sld [smem:$0x3FAF]  }
0x2d: {  	s3 =	simm.s32 $0x108;
	s8 =	sld [smem:$0x3FB0]  }
0x2e: {  	s3 =	simm.s32 @!p0 $0x1082;
	s9 =	sld [smem:$0x3FB1]  }
0x2f: {  	lr =	sadd.s32 s0, s3;
	s0 =	sld [smem:$0x3FA8]  }
0x30: {  	s3 =	sld [smem:$0x3FAB]  }
0x31: {  	[smem:$0x3FB4] =	sst s10  }
0x32: {  	s10 =	sld [smem:$0x3FB2];
	_ =	sdelay $0x3  }
0x33: {  	p0 =	seq.s32 s10, $0x1;
	s10 =	sld [smem:$0x3FB4];
	_ =	sdelay $0x3  }
0x34: {  	[smem:$0x3FB4] =	sst s10  }
0x35: {  	s10 =	sld [smem:$0x3FB3];
	_ =	sdelay $0x3  }
0x36: {  	p1 =	seq.s32 s10, $0x1;
	s10 =	sld [smem:$0x3FB4];
	_ =	sdelay $0x3  }
0x37: {  	[smem:$0x3FB4] =	sst s10  }
0x38: {  	s10 =	sld [smem:$0x3FB5]  }
0x39: {  	_ = 	snop;
	(pc) =	sbr.ind lr, $3  }
0x3a: {  	_ = 	snop  }
0x3b: {  	_ = 	snop  }
0x3c: {  	p2 =	seq.s32 s10, $0x1;
	s10 =	sld [smem:$0x3FB4]  }
0x3d: {  	_ =	shalt  }
0x3e: {  	_ =	shalt  }
0x3f: {  	_ =	shalt  }
0x40: {  	_ =	shalt  }
0x41: {  	_ =	shalt  }
0x42: {  	_ =	shalt  }
0x43: {  	_ =	shalt  }
0x44: {  	_ =	shalt  }
0x45: {  	_ =	shalt  }
0x46: {  	_ =	shalt  }
0x47: {  	_ =	shalt  }
0x48: {  	_ =	shalt  }
0x49: {  	_ =	shalt  }
0x4a: {  	_ =	shalt  }
0x4b: {  	_ =	shalt  }
0x4c: {  	_ =	shalt  }
0x4d: {  	_ =	shalt  }
0x4e: {  	_ =	shalt  }
0x4f: {  	_ =	shalt  }
0x50: {  	_ =	shalt  }
0x51: {  	_ =	shalt  }
0x52: {  	_ =	shalt  }
0x53: {  	_ =	shalt  }
0x54: {  	_ =	shalt  }
0x55: {  	_ =	shalt  }
0x56: {  	_ =	shalt  }
0x57: {  	_ =	shalt  }
0x58: {  	_ =	shalt  }
0x59: {  	_ =	shalt  }
0x5a: {  	_ =	shalt  }
0x5b: {  	_ =	shalt  }
0x5c: {  	_ =	shalt  }
0x5d: {  	_ =	shalt  }
0x5e: {  	_ =	shalt  }
0x5f: {  	_ =	shalt  }
0x60: {  	_ =	shalt  }
0x61: {  	_ =	shalt  }
0x62: {  	_ =	shalt  }
0x63: {  	_ =	shalt  }
0x64: {  	_ =	shalt  }
0x65: {  	_ =	shalt  }
0x66: {  	_ =	shalt  }
0x67: {  	_ =	shalt  }
0x68: {  	_ =	shalt  }
0x69: {  	_ =	shalt  }
0x6a: {  	_ =	shalt  }
0x6b: {  	_ =	shalt  }
0x6c: {  	_ =	shalt  }
0x6d: {  	_ =	shalt  }
0x6e: {  	_ =	shalt  }
0x6f: {  	_ =	shalt  }
0x70: {  	_ =	shalt  }
0x71: {  	_ =	shalt  }
0x72: {  	_ =	shalt  }
0x73: {  	_ =	shalt  }
0x74: {  	_ =	shalt  }
0x75: {  	_ =	shalt  }
0x76: {  	_ =	shalt  }
0x77: {  	_ =	shalt  }
0x78: {  	_ =	shalt  }
0x79: {  	_ =	shalt  }
0x7a: {  	_ =	shalt  }
0x7b: {  	_ =	shalt  }
0x7c: {  	_ =	shalt  }
0x7d: {  	_ =	shalt  }
0x7e: {  	_ =	shalt  }
0x7f: {  	_ =	shalt  }
0x80: {  	_ =	shalt  }
0x81: {  	_ =	shalt  }
0x82: {  	_ =	shalt  }
0x83: {  	_ =	shalt  }
0x84: {  	_ =	shalt  }
0x85: {  	_ =	shalt  }
0x86: {  	_ =	shalt  }
0x87: {  	_ =	shalt  }
.Lfunc_end0:
.L_simem_size_0:
called_computation.2_lowered:
.L_overlay_start_0:
0x88: {  	s2 =	sld [smem:$0x3FD9]  }
0x89: {  	s3 =	sld [smem:$0x3FFE];
	_ =	sdelay $0x1  }
0x8a: {  	s1 =	srdreg.scid  }
0x8b: {  	s0 =	sand.u32 $0x1, s1  }
0x8c: {  	s16 =	sshll.u32 s0, $0xA;
	s2 =	sadd.s32 s3, s2  }
0x8d: {  	s2 =	sadd.s32 s2, s16  }
0x8e: {  	[smem:$0x3FC0] =	sst s2  }
0x8f: {  	_ = 	snop  }
0x90: {  	(tm) =	ssettm $0x1  }
0x91: {  	s17 =	sld [smem:$0x3FFB];
	_ =	sdelay $0x3  }
0x92: {  	_ =	strace s17  }
0x93: {  	s2 =	sld [smem:$0x3FFC];
	_ =	sdelay $0x3  }
0x94: {  	_ =	strace s2  }
0x95: {  	s2 =	sld [smem:$0x3FFD];
	_ =	sdelay $0x3  }
0x96: {  	_ =	strace s2  }
0x97: {  	_ =	strace $0x8FFFFFFF  }
0x98: {  	s18 =	sld [smem:$0x3FDB];
	_ =	sdelay $0x1  }
0x99: {  	s19 =	simm.s32 $_scs_section_size  }
0x9a: {  	s4 =	simm.s32 $_size__tile_overlayer_lowered;
	s5 =	simm.s32 $_tile_overlayer_lowered  }
0x9b: {  	s22 =	simm.s32 $0x1BFF;
	s21 =	sshll.u32 s5, $0x1;
	s2 =	sadd.s32 s19, s18  }
0x9c: {  	s6 =	simm.s32 $0x0;
	s20 =	sshll.u32 s4, $0x1;
	s4 =	sadd.s32 s21, s2  }
0x9d: {  	[timem:s6], [sflag:s22] =	dma.local [hbm:s4], s20  }
0x9e: {  	_ =	swait.ge [sflag:s22], s20  }
0x9f: {  	s3 =	ssub.s32 $0x0, s20;
	[sflag:s22] =	ssyncset.done $0x0  }
0xa0: {  	[sflag:s22] =	ssyncadd.s32 s3;
	_ =	sdelay $0x1  }
0xa1: {  	s23 =	simm.s32 $0x1B8B  }
0xa2: {  	_ =	swait.ge [sflag:s23], $0x1  }
0xa3: {  	[sflag:s23] =	ssyncset.done $0x0  }
0xa4: {  	s25 =	simm.s32 $0x1B8E;
	s24 =	sld [smem:$0x3FFE];
	[sflag:s23] =	ssyncadd.s32 $0xFFFFFFFF  }
0xa5: {  	s26 =	simm.s32 $execute0_lowered;
	[smem:$0x3FD2] =	sst s25  }
0xa6: {  	s4 =	sshll.u32 s26, $0x1;
	_ =	strace $0x8000004C;
	[dreg:$0x1] =	wrdreg $0xFFFFFFFF  }
0xa7: {  	s28 =	simm.s32 $_size_execute0_lowered;
	s2 =	sadd.s32 s2, s4;
	[dreg:$0x0] =	wrdreg $0x0  }
0xa8: {  	s4 =	sshll.u32 s28, $0x1;
	[dreg:$0x2] =	wrdreg s2  }
0xa9: {  	[dreg:$0x3] =	wrdreg s4  }
0xaa: {  	[dreg:$0x4] =	wrdreg $0xC0  }
0xab: {  	_ =	task [dreg:s6], $0x5FFFF  }
0xac: {  	[dreg:$0x1] =	wrdreg $0xFFFFFFFF  }
0xad: {  	[dreg:$0x0] =	wrdreg $0x60  }
0xae: {  	[dreg:$0x2] =	wrdreg s24  }
0xaf: {  	[dreg:$0x3] =	wrdreg $0x0  }
0xb0: {  	[dreg:$0x4] =	wrdreg $0x9  }
0xb1: {  	_ =	task.clear_ibuf [dreg:s6], $0x5FFFF;
	_ =	strace $0x9000004C  }
0xb2: {  	s29 =	simm.s32 $0x9;
	_ =	strace $0x8000004E  }
0xb3: {  	_ =	swait.ge [sflag:s29], $0x1  }
0xb4: {  	[sflag:s29] =	ssyncadd.s32 $0xFFFFFFFF  }
0xb5: {  	_ =	strace $0x9000004E  }
0xb6: {  	_ =	sfence  }
0xb7: {  	s30 =	sld [smem:$0x0];
	_ =	sdelay $0x2  }
0xb8: {  	s31 =	sshll.u32 s1, $0xD;
	s1 =	sshrl.u32 s1, $0x2  }
0xb9: {  	s3 =	sand.u32 $0x4000, s31;
	s1 =	sadd.s32 s1, s30  }
0xba: {  	s0 =	sor.u32 s3, s0;
	s1 =	sshll.u32 s1, $0x11  }
0xbb: {  	s0 =	sor.u32 s1, s0  }
0xbc: {  	s0 =	sadd.s32 $0x8F2B, s0  }
0xbd: {  	[sflag:s0] =	ssyncadd.remote.s32 $0x1  }
0xbe: {  	_ =	sfence.sel $0xFFFF  }
0xbf: {  	[dreg:$0x0] =	wrdreg $0xFFFFFFFF;
	(pc) =	sbr.abs _section_cstart, $3  }
0xc0: {  	[dreg:$0x1] =	wrdreg $0xFFFFFFFF  }
0xc1: {  	_ =	task.clear_ibuf [dreg:s6], $0x2FFFF;
	_ =	strace $0x9FFFFFFF  }
0xc2: {  	(tm) =	ssettm $0x7FFFFFFF  }
0xc3: {  	_ =	shalt  }
tec
execute0_lowered:
.L_overlay_start_1:
0x0: {  	(tag) =	ssettag $0x1  }
0x1: {  	s0 =	rddreg [dreg:$0x0]  }
0x2: {  	s1 =	srdreg.scid;
	s8 =	stileid.u32  }
0x3: {  	s2 =	rddreg [dreg:$0x1];
	s4 =	simm.s32 $0x0;
	s1 =	sand.u32 $0x1, s1  }
0x4: {  	s3 =	sshll.u32 s8, $0x1;
	[smem:$0x7FF] =	sst s4;
	s5 =	smul.u32 $0x280, s8  }
0x5: {  	s4 =	sadd.s32 $0x16C00, s0;
	s8 =	smul.u32 $0x50000, s8;
	s3 =	sor.u32 s1, s3  }
0x6: {  	_ =	strace $0x8000004D;
	s6 =	ssub.s32 $0x2, s1;
	s1 =	smul.u32 $0x2800, s1  }
0x7: {  	s3 =	smul.u32 $0x4E2, s3;
	s7 =	sshrl.u32 s6, $0x1;
	s28 =	sshrl.u32 s8, $0x2  }
0x8: {  	s9 =	sadd.s32 $0x80, s5;
	s16 =	sadd.s32 $0x100, s5;
	s17 =	sadd.s32 $0x180, s5  }
0x9: {  	s6 =	ssub.s32 s6, s7;
	s26 =	sadd.s32 s1, s5;
	s7 =	sadd.s32 s28, s2  }
0xa: {  	s12 =	sadd.s32 s1, s9;
	s5 =	sadd.s32 $0x200, s5;
	s31 =	smax.u32 s6, $0x1  }
0xb: {  	s21 =	sshll.u32 s16, $0x7;
	s6 =	sadd.s32 $0x1400, s7;
	[dreg:$0x6] =	wrdreg s31  }
0xc: {  	s22 =	sshll.u32 s17, $0x7;
	s8 =	sadd.s32 $0x2800, s7;
	[dreg:$0x7] =	wrdreg s6  }
0xd: {  	s3 =	sadd.s32 s3, s0;
	s10 =	sadd.s32 $0x3C00, s7;
	[dreg:$0x8] =	wrdreg s8  }
0xe: {  	s0 =	sadd.s32 $0x3DE00, s0;
	s11 =	sadd.s32 $0x5000, s7;
	[dreg:$0x9] =	wrdreg s10  }
0xf: {  	s29 =	sshll.u32 s26, $0x4;
	s13 =	sadd.s32 $0x6400, s7;
	[dreg:$0xa] =	wrdreg s11  }
0x10: {  	s14 =	sadd.s32 $0x7800, s7;
	s15 =	sadd.s32 $0x8C00, s7;
	[dreg:$0xb] =	wrdreg s13  }
0x11: {  	s19 =	sadd.s32 $0xA000, s7;
	s26 =	sadd.s32 $0xB400, s7;
	[dreg:$0xc] =	wrdreg s14  }
0x12: {  	s28 =	sadd.s32 $0xC800, s7;
	s25 =	sadd.s32 $0x3000, s3;
	[dreg:$0xd] =	wrdreg s15  }
0x13: {  	s3 =	sadd.s32 $0xCE00, s3;
	s30 =	sadd.s32 s0, s29;
	[dreg:$0x12] =	wrdreg s19  }
0x14: {  	s6 =	sshll.u32 s12, $0x4;
	s10 =	sadd.s32 s1, s17;
	[dreg:$0x17] =	wrdreg s26  }
0x15: {  	[dreg:$0x18] =	wrdreg s28;
	s29 =	sadd.s32 $0xDC00, s7;
	s31 =	sadd.s32 $0x10400, s7  }
0x16: {  	s8 =	simm.s32 $0x16780;
	s11 =	simm.s32 $0x1B700;
	s12 =	simm.s32 $0x1CB00  }
0x17: {  	s13 =	simm.s32 $0x1DF00;
	s14 =	simm.s32 $0x1;
	[dreg:$0x3] =	wrdreg s25  }
0x18: {  	s15 =	simm.s32 $0x2;
	s17 =	simm.s32 $0x3;
	[dreg:$0x4] =	wrdreg s3  }
0x19: {  	s19 =	simm.s32 $0x4;
	[dreg:$0x5] =	wrdreg s30;
	s3 =	sshll.u32 s9, $0x7  }
0x1a: {  	s6 =	sadd.s32 s0, s6;
	s9 =	sadd.s32 s1, s16;
	s1 =	sadd.s32 s1, s5  }
0x1b: {  	s10 =	sshll.u32 s10, $0x4;
	s5 =	sshll.u32 s5, $0x7;
	[dreg:$0x19] =	wrdreg s29  }
0x1c: {  	s30 =	sadd.s32 $0xF000, s7;
	[dreg:$0x1b] =	wrdreg s31;
	s16 =	simm.s32 $0x6  }
0x1d: {  	[dreg:$0xe] =	wrdreg s6;
	s9 =	sshll.u32 s9, $0x4;
	s1 =	sshll.u32 s1, $0x4  }
0x1e: {  	s18 =	sadd.s32 s0, s10;
	s20 =	sadd.s32 s3, s2;
	s3 =	sadd.s32 s22, s2  }
0x1f: {  	s5 =	sadd.s32 s5, s2;
	[dreg:$0x1a] =	wrdreg s30;
	s6 =	simm.s32 $0x14000  }
0x20: {  	s10 =	simm.s32 $0x1A300;
	s22 =	simm.s32 $0x9;
	s9 =	sadd.s32 s0, s9  }
0x21: {  	[dreg:$0x10] =	wrdreg s18;
	s0 =	sadd.s32 s0, s1;
	s1 =	sadd.s32 s21, s2  }
0x22: {  	s24 =	sshrl.u32 s3, $0x3;
	s25 =	sshrl.u32 s5, $0x3;
	s3 =	simm.s32 $0x18F00  }
0x23: {  	s5 =	simm.s32 $0xB;
	s18 =	simm.s32 $0x7;
	[dreg:$0xf] =	wrdreg s9  }
.Ltmp0:
0x24: {  	s21 =	simm.s32 $0x5;
	[dreg:$0x11] =	wrdreg s0;
	(pc) =	sbr.rel .LBB2_1-.Ltmp0, $4  }
0x25: {  	s0 =	sshrl.u32 s20, $0x3;
	s23 =	sshrl.u32 s1, $0x3;
	[dreg:$0x15] =	wrdreg s24  }
0x26: {  	[dreg:$0x16] =	wrdreg s25;
	s1 =	sadd.s32 $0x11800, s7;
	s9 =	simm.s32 $0x28  }
0x27: {  	s20 =	simm.s32 $0x8;
	s24 =	simm.s32 $0x0;
	[dreg:$0x13] =	wrdreg s0  }
0x28: {  	v0 =	vimm.f32 $0.0e+00;
	[dreg:$0x14] =	wrdreg s23;
	s0 =	sadd.s32 $0x12C00, s7;
	s23 =	simm.s32 $0xA  }
.LBB2_6:
0x29: {  	_ =	swait.ge [sflag:s21], $0x1400  }
0x2a: {  	[sflag:s21] =	ssyncset.done $0x0  }
0x2b: {  	[sflag:s21] =	ssyncadd.s32 $0xFFFFEC00  }
0x2c: {  	[spmem:s2] =	stream.indirect.scatter.add.f32 [tilespmem:s13], [sflag:$0xA], $0x80, s28, s9, $0xb8;
	[tilespmem:$0x1F300] =	vst v63  }
0x2d: {  	_ =	swait.ge [sflag:s16], $0x1400  }
0x2e: {  	[sflag:s16] =	ssyncset.done $0x0  }
0x2f: {  	[sflag:s16] =	ssyncadd.s32 $0xFFFFEC00  }
0x30: {  	_ =	swait.ge [sflag:s18], $0x1400  }
0x31: {  	[sflag:s18] =	ssyncset.done $0x0  }
0x32: {  	[sflag:s18] =	ssyncadd.s32 $0xFFFFEC00  }
0x33: {  	_ =	swait.ge [sflag:s20], $0x1400  }
0x34: {  	[sflag:s20] =	ssyncset.done $0x0  }
0x35: {  	[sflag:s20] =	ssyncadd.s32 $0xFFFFEC00  }
0x36: {  	_ =	swait.ge [sflag:s22], $0x1400  }
0x37: {  	[sflag:s22] =	ssyncset.done $0x0  }
0x38: {  	[sflag:s22] =	ssyncadd.s32 $0xFFFFEC00  }
0x39: {  	_ =	swait.ge [sflag:s23], $0x1400  }
0x3a: {  	[sflag:s23] =	ssyncset.done $0x0  }
0x3b: {  	s25 =	stileid.u32;
	[sflag:s23] =	ssyncadd.s32 $0xFFFFEC00  }
0x3c: {  	s25 =	sshll.u32 s25, $0x6;
	[bflag:$0x0] =	sbarrier.arrive $0xFFFF  }
0x3d: {  	s26 =	sshrl.u32 s7, $0x3;
	s25 =	sor.u32 $0x1C0B, s25;
	s31 =	rddreg [dreg:$0x5]  }
0x3e: {  	[hbm:s31], [sflag:s25] =	dma.local [spmem:s26], $0x800  }
0x3f: {  	_ =	swait.ge [sflag:s5], $0x800  }
0x40: {  	[sflag:s5] =	ssyncset.done $0x0;
	s29 =	rddreg [dreg:$0xe]  }
0x41: {  	s30 =	rddreg [dreg:$0x13];
	[sflag:s5] =	ssyncadd.s32 $0xFFFFF800  }
0x42: {  	[hbm:s29], [sflag:s25] =	dma.local [spmem:s30], $0x800  }
0x43: {  	_ =	swait.ge [sflag:s5], $0x800  }
0x44: {  	[sflag:s5] =	ssyncset.done $0x0;
	s31 =	rddreg [dreg:$0xf]  }
0x45: {  	s29 =	rddreg [dreg:$0x14];
	[sflag:s5] =	ssyncadd.s32 $0xFFFFF800  }
0x46: {  	[hbm:s31], [sflag:s25] =	dma.local [spmem:s29], $0x800  }
0x47: {  	_ =	swait.ge [sflag:s5], $0x800  }
0x48: {  	[sflag:s5] =	ssyncset.done $0x0;
	s30 =	rddreg [dreg:$0x10]  }
0x49: {  	s31 =	rddreg [dreg:$0x15];
	[sflag:s5] =	ssyncadd.s32 $0xFFFFF800  }
0x4a: {  	[hbm:s30], [sflag:s25] =	dma.local [spmem:s31], $0x800  }
0x4b: {  	_ =	swait.ge [sflag:s5], $0x800  }
0x4c: {  	[sflag:s5] =	ssyncset.done $0x0;
	s29 =	rddreg [dreg:$0x11]  }
0x4d: {  	s30 =	rddreg [dreg:$0x16];
	[sflag:s5] =	ssyncadd.s32 $0xFFFFF800  }
0x4e: {  	[hbm:s29], [sflag:s25] =	dma.local [spmem:s30], $0x800  }
0x4f: {  	_ =	swait.ge [sflag:s5], $0x800  }
0x50: {  	s24 =	sadd.s32 $0x1, s24;
	s31 =	rddreg [dreg:$0x6]  }
0x51: {  	p0 =	sne.s32 s24, s31  }
.Ltmp1:
0x52: {  	_ = 	snop;
	(pc) =	sbr.rel @!p0 .LBB2_7-.Ltmp1, $3  }
0x53: {  	_ =	sdelay $0x1  }
0x54: {  	[sflag:s5] =	ssyncset.done $0x0  }
0x55: {  	[sflag:s5] =	ssyncadd.s32 $0xFFFFF800  }
.LBB2_1:
0x56: {  	s26 =	simm.s32 $0x0  }
0x57: {  	s25 =	sand.u32 $0x7E00, s26  }
0x58: {  	s26 =	sand.u32 $0x70, s26;
	s28 =	sshrl.u32 s25, $0x2  }
0x59: {  	s25 =	simm.s32 $0x40;
	s28 =	sor.u32 s26, s28;
	s26 =	simm.s32 $0x0  }
.LBB2_2:
0x5a: {  	p0 =	sne.s32 s25, $0x4FC0  }
0x5b: {  	[tilespmem:s28+$0x18F00] =	vst v0;
	s26 =	sadd.s32 $0x10, s26;
	s28 =	smov.u32 s25;
	s25 =	sadd.s32 $0x40, s25  }
.Ltmp2:
0x5c: {  	(pc) =	sbr.rel @p0 .LBB2_2-.Ltmp2, $4  }
0x5d: {  	_ = 	snop  }
0x5e: {  	s28 =	sand.u32 $0x7E00, s28  }
0x5f: {  	s29 =	sand.u32 $0x70, s26;
	s28 =	sshrl.u32 s28, $0x2  }
0x60: {  	s28 =	sor.u32 s29, s28  }
0x61: {  	[tilespmem:s28+$0x18F00] =	vst v0  }
0x62: {  	[spmem:s7] =	stream.linear.scatter [tilespmem:s3], [sflag:$0xB], $0x1400, $0x38;
	[tilespmem:$0x1F300] =	vst v63  }
0x63: {  	_ =	swait.ge [sflag:s5], $0x1400  }
0x64: {  	[sflag:s5] =	ssyncset.done $0x0  }
0x65: {  	s25 =	rddreg [dreg:$0x7];
	[sflag:s5] =	ssyncadd.s32 $0xFFFFEC00  }
0x66: {  	[spmem:s25] =	stream.linear.scatter [tilespmem:s3], [sflag:$0xB], $0x1400, $0x38;
	[tilespmem:$0x1F300] =	vst v63  }
0x67: {  	_ =	swait.ge [sflag:s5], $0x1400  }
0x68: {  	[sflag:s5] =	ssyncset.done $0x0  }
0x69: {  	s29 =	rddreg [dreg:$0x8];
	[sflag:s5] =	ssyncadd.s32 $0xFFFFEC00  }
0x6a: {  	[spmem:s29] =	stream.linear.scatter [tilespmem:s3], [sflag:$0xB], $0x1400, $0x38;
	[tilespmem:$0x1F300] =	vst v63  }
0x6b: {  	_ =	swait.ge [sflag:s5], $0x1400  }
0x6c: {  	[sflag:s5] =	ssyncset.done $0x0  }
0x6d: {  	s30 =	rddreg [dreg:$0x9];
	[sflag:s5] =	ssyncadd.s32 $0xFFFFEC00  }
0x6e: {  	[spmem:s30] =	stream.linear.scatter [tilespmem:s3], [sflag:$0xB], $0x1400, $0x38;
	[tilespmem:$0x1F300] =	vst v63  }
0x6f: {  	_ =	swait.ge [sflag:s5], $0x1400  }
0x70: {  	[sflag:s5] =	ssyncset.done $0x0  }
0x71: {  	s31 =	rddreg [dreg:$0xa];
	[sflag:s5] =	ssyncadd.s32 $0xFFFFEC00  }
0x72: {  	[spmem:s31] =	stream.linear.scatter [tilespmem:s3], [sflag:$0xB], $0x1400, $0x38;
	[tilespmem:$0x1F300] =	vst v63  }
0x73: {  	_ =	swait.ge [sflag:s5], $0x1400  }
0x74: {  	[sflag:s5] =	ssyncset.done $0x0  }
0x75: {  	s26 =	rddreg [dreg:$0xb];
	[sflag:s5] =	ssyncadd.s32 $0xFFFFEC00  }
0x76: {  	[spmem:s26] =	stream.linear.scatter [tilespmem:s3], [sflag:$0xB], $0x1400, $0x38;
	[tilespmem:$0x1F300] =	vst v63  }
0x77: {  	_ =	swait.ge [sflag:s5], $0x1400  }
0x78: {  	[sflag:s5] =	ssyncset.done $0x0  }
0x79: {  	s28 =	rddreg [dreg:$0xc];
	[sflag:s5] =	ssyncadd.s32 $0xFFFFEC00  }
0x7a: {  	[spmem:s28] =	stream.linear.scatter [tilespmem:s3], [sflag:$0xB], $0x1400, $0x38;
	[tilespmem:$0x1F300] =	vst v63  }
0x7b: {  	_ =	swait.ge [sflag:s5], $0x1400  }
0x7c: {  	[sflag:s5] =	ssyncset.done $0x0  }
0x7d: {  	s29 =	rddreg [dreg:$0xd];
	[sflag:s5] =	ssyncadd.s32 $0xFFFFEC00  }
0x7e: {  	[spmem:s29] =	stream.linear.scatter [tilespmem:s3], [sflag:$0xB], $0x1400, $0x38;
	[tilespmem:$0x1F300] =	vst v63  }
0x7f: {  	_ =	swait.ge [sflag:s5], $0x1400  }
0x80: {  	[sflag:s5] =	ssyncset.done $0x0  }
0x81: {  	s30 =	rddreg [dreg:$0x12];
	[sflag:s5] =	ssyncadd.s32 $0xFFFFEC00  }
0x82: {  	[spmem:s30] =	stream.linear.scatter [tilespmem:s3], [sflag:$0xB], $0x1400, $0x38;
	[tilespmem:$0x1F300] =	vst v63  }
0x83: {  	_ =	swait.ge [sflag:s5], $0x1400  }
0x84: {  	[sflag:s5] =	ssyncset.done $0x0  }
0x85: {  	s31 =	rddreg [dreg:$0x17];
	[sflag:s5] =	ssyncadd.s32 $0xFFFFEC00  }
0x86: {  	[spmem:s31] =	stream.linear.scatter [tilespmem:s3], [sflag:$0xB], $0x1400, $0x38;
	[tilespmem:$0x1F300] =	vst v63  }
0x87: {  	_ =	swait.ge [sflag:s5], $0x1400  }
0x88: {  	[sflag:s5] =	ssyncset.done $0x0  }
0x89: {  	s26 =	rddreg [dreg:$0x18];
	[sflag:s5] =	ssyncadd.s32 $0xFFFFEC00  }
0x8a: {  	[spmem:s26] =	stream.linear.scatter [tilespmem:s3], [sflag:$0xB], $0x1400, $0x38;
	[tilespmem:$0x1F300] =	vst v63  }
0x8b: {  	_ =	swait.ge [sflag:s5], $0x1400  }
0x8c: {  	[sflag:s5] =	ssyncset.done $0x0  }
0x8d: {  	s28 =	rddreg [dreg:$0x19];
	[sflag:s5] =	ssyncadd.s32 $0xFFFFEC00  }
0x8e: {  	[spmem:s28] =	stream.linear.scatter [tilespmem:s3], [sflag:$0xB], $0x1400, $0x38;
	[tilespmem:$0x1F300] =	vst v63  }
0x8f: {  	_ =	swait.ge [sflag:s5], $0x1400  }
0x90: {  	[sflag:s5] =	ssyncset.done $0x0  }
0x91: {  	s29 =	rddreg [dreg:$0x1a];
	[sflag:s5] =	ssyncadd.s32 $0xFFFFEC00  }
0x92: {  	[spmem:s29] =	stream.linear.scatter [tilespmem:s3], [sflag:$0xB], $0x1400, $0x38;
	[tilespmem:$0x1F300] =	vst v63  }
0x93: {  	_ =	swait.ge [sflag:s5], $0x1400  }
0x94: {  	[sflag:s5] =	ssyncset.done $0x0  }
0x95: {  	s30 =	rddreg [dreg:$0x1b];
	[sflag:s5] =	ssyncadd.s32 $0xFFFFEC00  }
0x96: {  	[spmem:s30] =	stream.linear.scatter [tilespmem:s3], [sflag:$0xB], $0x1400, $0x38;
	[tilespmem:$0x1F300] =	vst v63  }
0x97: {  	_ =	swait.ge [sflag:s5], $0x1400  }
0x98: {  	[sflag:s5] =	ssyncset.done $0x0  }
0x99: {  	[sflag:s5] =	ssyncadd.s32 $0xFFFFEC00  }
0x9a: {  	[spmem:s1] =	stream.linear.scatter [tilespmem:s3], [sflag:$0xB], $0x1400, $0x38;
	[tilespmem:$0x1F300] =	vst v63  }
0x9b: {  	_ =	swait.ge [sflag:s5], $0x1400  }
0x9c: {  	[sflag:s5] =	ssyncset.done $0x0  }
0x9d: {  	[sflag:s5] =	ssyncadd.s32 $0xFFFFEC00  }
0x9e: {  	[spmem:s0] =	stream.linear.scatter [tilespmem:s3], [sflag:$0xB], $0x1400, $0x38;
	[tilespmem:$0x1F300] =	vst v63  }
0x9f: {  	_ =	swait.ge [sflag:s5], $0x1400  }
0xa0: {  	[sflag:s5] =	ssyncset.done $0x0  }
0xa1: {  	s25 =	simm.s32 $0x0;
	s26 =	rddreg [dreg:$0x3];
	[sflag:s5] =	ssyncadd.s32 $0xFFFFEC00  }
0xa2: {  	[tilespmem:s6], [sflag:$0xB] =	stream.linear.gather [hbm4b:s26+s25], $0x2710, $0x38;
	[tilespmem:$0x1F300] =	vst v63  }
0xa3: {  	_ =	swait.ge [sflag:s5], $0x2710  }
0xa4: {  	[sflag:s5] =	ssyncset.done $0x0  }
0xa5: {  	s31 =	rddreg [dreg:$0x4];
	[sflag:s5] =	ssyncadd.s32 $0xFFFFD8F0  }
0xa6: {  	[tilespmem:s8], [sflag:$0xB] =	stream.linear.gather [hbm4b:s31+s25], $0x2710, $0x38;
	[tilespmem:$0x1F300] =	vst v63  }
0xa7: {  	_ =	swait.ge [sflag:s5], $0x2710  }
0xa8: {  	[sflag:s5] =	ssyncset.done $0x0  }
0xa9: {  	[sflag:s5] =	ssyncadd.s32 $0xFFFFD8F0  }
0xaa: {  	[bflag:$0x0] =	sbarrier.arrive $0xFFFF  }
0xab: {  	[tilespmem:s3], [sflag:$0x1] =	stream.indirect.gather [hbm4b:s4+s9], $0x80, s6, s9, $0xb8;
	[tilespmem:$0x1F300] =	vst v63  }
0xac: {  	s28 =	simm.s32 $0x14028  }
0xad: {  	[tilespmem:s10], [sflag:$0x2] =	stream.indirect.gather [hbm4b:s4+s9], $0x80, s28, s9, $0xb8;
	[tilespmem:$0x1F300] =	vst v63  }
0xae: {  	s29 =	simm.s32 $0x14050  }
0xaf: {  	[tilespmem:s11], [sflag:$0x3] =	stream.indirect.gather [hbm4b:s4+s9], $0x80, s29, s9, $0xb8;
	[tilespmem:$0x1F300] =	vst v63  }
0xb0: {  	s30 =	simm.s32 $0x14078  }
0xb1: {  	[tilespmem:s12], [sflag:$0x4] =	stream.indirect.gather [hbm4b:s4+s9], $0x80, s30, s9, $0xb8;
	[tilespmem:$0x1F300] =	vst v63  }
0xb2: {  	s31 =	simm.s32 $0x140A0  }
0xb3: {  	[tilespmem:s13], [sflag:$0x5] =	stream.indirect.gather [hbm4b:s4+s9], $0x80, s31, s9, $0xb8;
	[tilespmem:$0x1F300] =	vst v63  }
0xb4: {  	_ =	swait.ge [sflag:s14], $0x1400  }
0xb5: {  	[sflag:s14] =	ssyncset.done $0x0  }
0xb6: {  	[sflag:s14] =	ssyncadd.s32 $0xFFFFEC00  }
0xb7: {  	[spmem:s2] =	stream.indirect.scatter.add.f32 [tilespmem:s3], [sflag:$0x6], $0x80, s8, s9, $0xb8;
	[tilespmem:$0x1F300] =	vst v63  }
0xb8: {  	_ =	swait.ge [sflag:s15], $0x1400  }
0xb9: {  	[sflag:s15] =	ssyncset.done $0x0  }
0xba: {  	s28 =	simm.s32 $0x167A8;
	[sflag:s15] =	ssyncadd.s32 $0xFFFFEC00  }
0xbb: {  	[spmem:s2] =	stream.indirect.scatter.add.f32 [tilespmem:s10], [sflag:$0x7], $0x80, s28, s9, $0xb8;
	[tilespmem:$0x1F300] =	vst v63  }
0xbc: {  	_ =	swait.ge [sflag:s16], $0x1400  }
0xbd: {  	[sflag:s16] =	ssyncset.done $0x0  }
0xbe: {  	s29 =	simm.s32 $0x140C8;
	[sflag:s16] =	ssyncadd.s32 $0xFFFFEC00  }
0xbf: {  	[tilespmem:s3], [sflag:$0x1] =	stream.indirect.gather [hbm4b:s4+s9], $0x80, s29, s9, $0xb8;
	[tilespmem:$0x1F300] =	vst v63  }
0xc0: {  	_ =	swait.ge [sflag:s17], $0x1400  }
0xc1: {  	[sflag:s17] =	ssyncset.done $0x0  }
0xc2: {  	s30 =	simm.s32 $0x167D0;
	[sflag:s17] =	ssyncadd.s32 $0xFFFFEC00  }
0xc3: {  	[spmem:s2] =	stream.indirect.scatter.add.f32 [tilespmem:s11], [sflag:$0x8], $0x80, s30, s9, $0xb8;
	[tilespmem:$0x1F300] =	vst v63  }
0xc4: {  	_ =	swait.ge [sflag:s18], $0x1400  }
0xc5: {  	[sflag:s18] =	ssyncset.done $0x0  }
0xc6: {  	s31 =	simm.s32 $0x140F0;
	[sflag:s18] =	ssyncadd.s32 $0xFFFFEC00  }
0xc7: {  	[tilespmem:s10], [sflag:$0x2] =	stream.indirect.gather [hbm4b:s4+s9], $0x80, s31, s9, $0xb8;
	[tilespmem:$0x1F300] =	vst v63  }
0xc8: {  	_ =	swait.ge [sflag:s19], $0x1400  }
0xc9: {  	[sflag:s19] =	ssyncset.done $0x0  }
0xca: {  	s28 =	simm.s32 $0x167F8;
	[sflag:s19] =	ssyncadd.s32 $0xFFFFEC00  }
0xcb: {  	[spmem:s2] =	stream.indirect.scatter.add.f32 [tilespmem:s12], [sflag:$0x9], $0x80, s28, s9, $0xb8;
	[tilespmem:$0x1F300] =	vst v63  }
0xcc: {  	_ =	swait.ge [sflag:s20], $0x1400  }
0xcd: {  	[sflag:s20] =	ssyncset.done $0x0  }
0xce: {  	s29 =	simm.s32 $0x14118;
	[sflag:s20] =	ssyncadd.s32 $0xFFFFEC00  }
0xcf: {  	[tilespmem:s11], [sflag:$0x3] =	stream.indirect.gather [hbm4b:s4+s9], $0x80, s29, s9, $0xb8;
	[tilespmem:$0x1F300] =	vst v63  }
0xd0: {  	_ =	swait.ge [sflag:s21], $0x1400  }
0xd1: {  	[sflag:s21] =	ssyncset.done $0x0  }
0xd2: {  	s30 =	simm.s32 $0x16820;
	[sflag:s21] =	ssyncadd.s32 $0xFFFFEC00  }
0xd3: {  	[spmem:s2] =	stream.indirect.scatter.add.f32 [tilespmem:s13], [sflag:$0xA], $0x80, s30, s9, $0xb8;
	[tilespmem:$0x1F300] =	vst v63  }
0xd4: {  	_ =	swait.ge [sflag:s22], $0x1400  }
0xd5: {  	[sflag:s22] =	ssyncset.done $0x0  }
0xd6: {  	s31 =	simm.s32 $0x14140;
	[sflag:s22] =	ssyncadd.s32 $0xFFFFEC00  }
0xd7: {  	[tilespmem:s12], [sflag:$0x4] =	stream.indirect.gather [hbm4b:s4+s9], $0x80, s31, s9, $0xb8;
	[tilespmem:$0x1F300] =	vst v63  }
.LBB2_4:
0xd8: {  	_ =	swait.ge [sflag:s14], $0x1400  }
0xd9: {  	s26 =	sshra.s32 s25, $0x2;
	[sflag:s14] =	ssyncset.done $0x0  }
0xda: {  	s28 =	sadd.s32 $0x16848, s26;
	[sflag:s14] =	ssyncadd.s32 $0xFFFFEC00  }
0xdb: {  	[spmem:s2] =	stream.indirect.scatter.add.f32 [tilespmem:s3], [sflag:$0x6], $0x80, s28, s9, $0xb8;
	[tilespmem:$0x1F300] =	vst v63  }
0xdc: {  	_ =	swait.ge [sflag:s23], $0x1400  }
0xdd: {  	[sflag:s23] =	ssyncset.done $0x0  }
0xde: {  	s28 =	sadd.s32 $0x14168, s26;
	[sflag:s23] =	ssyncadd.s32 $0xFFFFEC00  }
0xdf: {  	[tilespmem:s13], [sflag:$0x5] =	stream.indirect.gather [hbm4b:s4+s9], $0x80, s28, s9, $0xb8;
	[tilespmem:$0x1F300] =	vst v63  }
0xe0: {  	_ =	swait.ge [sflag:s15], $0x1400  }
0xe1: {  	[sflag:s15] =	ssyncset.done $0x0  }
0xe2: {  	p0 =	seq.s32 s25, $0x9600;
	s28 =	sadd.s32 $0x16870, s26;
	[sflag:s15] =	ssyncadd.s32 $0xFFFFEC00  }
0xe3: {  	[spmem:s2] =	stream.indirect.scatter.add.f32 [tilespmem:s10], [sflag:$0x7], $0x80, s28, s9, $0xb8;
	[tilespmem:$0x1F300] =	vst v63  }
0xe4: {  	s28 =	simm.s32 @p0 $0x3  }
0xe5: {  	_ =	swait.ge @p0 [sflag:s28], $0x1400  }
0xe6: {  	[sflag:s28] =	ssyncset.done @p0 $0x0  }
0xe7: {  	[sflag:s28] =	ssyncadd.s32 @p0 $0xFFFFEC00;
	s28 =	sshra.s32 @p0 s25, $0x2  }
0xe8: {  	s29 =	simm.s32 @p0 $0x28;
	s30 =	simm.s32 @p0 $0x1B700;
	s28 =	sadd.s32 @p0 $0x16898, s28  }
0xe9: {  	[spmem:s2] =	stream.indirect.scatter.add.f32 @p0 [tilespmem:s30], [sflag:$0x8], $0x80, s28, s29, $0xb8;
	[tilespmem:$0x1F300] =	vst v63  }
0xea: {  	s28 =	simm.s32 @!p0 $0x6  }
0xeb: {  	_ =	swait.ge @!p0 [sflag:s28], $0x1400  }
0xec: {  	[sflag:s28] =	ssyncset.done @!p0 $0x0  }
0xed: {  	[sflag:s28] =	ssyncadd.s32 @!p0 $0xFFFFEC00;
	s28 =	sshra.s32 @!p0 s25, $0x2  }
0xee: {  	s31 =	simm.s32 @!p0 $0x18F00;
	s30 =	simm.s32 @!p0 $0x28;
	s29 =	sadd.s32 @!p0 $0x14190, s28  }
0xef: {  	[tilespmem:s31], [sflag:$0x1] =	stream.indirect.gather @!p0 [hbm4b:s4+s30], $0x80, s29, s30, $0xb8;
	[tilespmem:$0x1F300] =	vst v63  }
0xf0: {  	s29 =	simm.s32 @!p0 $0x3  }
0xf1: {  	_ =	swait.ge @!p0 [sflag:s29], $0x1400  }
0xf2: {  	[sflag:s29] =	ssyncset.done @!p0 $0x0  }
0xf3: {  	s31 =	simm.s32 @!p0 $0x1B700;
	[sflag:s29] =	ssyncadd.s32 @!p0 $0xFFFFEC00;
	s29 =	sadd.s32 @!p0 $0x16898, s28  }
0xf4: {  	[spmem:s2] =	stream.indirect.scatter.add.f32 @!p0 [tilespmem:s31], [sflag:$0x8], $0x80, s29, s30, $0xb8;
	[tilespmem:$0x1F300] =	vst v63  }
0xf5: {  	s29 =	simm.s32 @!p0 $0x7  }
0xf6: {  	_ =	swait.ge @!p0 [sflag:s29], $0x1400  }
0xf7: {  	[sflag:s29] =	ssyncset.done @!p0 $0x0  }
0xf8: {  	s28 =	sadd.s32 @!p0 $0x141B8, s28;
	[sflag:s29] =	ssyncadd.s32 @!p0 $0xFFFFEC00;
	s29 =	simm.s32 @!p0 $0x1A300  }
0xf9: {  	[tilespmem:s29], [sflag:$0x2] =	stream.indirect.gather @!p0 [hbm4b:s4+s30], $0x80, s28, s30, $0xb8;
	[tilespmem:$0x1F300] =	vst v63  }
.Ltmp3:
0xfa: {  	_ =	swait.ge [sflag:s19], $0x1400;
	(pc) =	sbr.rel @p0 .LBB2_6-.Ltmp3, $4  }
0xfb: {  	[sflag:s19] =	ssyncset.done $0x0  }
0xfc: {  	s28 =	sadd.s32 $0x168C0, s26;
	[sflag:s19] =	ssyncadd.s32 $0xFFFFEC00  }
0xfd: {  	[spmem:s2] =	stream.indirect.scatter.add.f32 [tilespmem:s12], [sflag:$0x9], $0x80, s28, s9, $0xb8;
	[tilespmem:$0x1F300] =	vst v63  }
0xfe: {  	s28 =	sadd.s32 $0x168E8, s26  }
0xff: {  	_ =	swait.ge [sflag:s20], $0x1400  }
0x100: {  	[sflag:s20] =	ssyncset.done $0x0  }
0x101: {  	s29 =	sadd.s32 $0x141E0, s26;
	[sflag:s20] =	ssyncadd.s32 $0xFFFFEC00  }
0x102: {  	[tilespmem:s11], [sflag:$0x3] =	stream.indirect.gather [hbm4b:s4+s9], $0x80, s29, s9, $0xb8;
	[tilespmem:$0x1F300] =	vst v63  }
0x103: {  	_ =	swait.ge [sflag:s21], $0x1400  }
0x104: {  	[sflag:s21] =	ssyncset.done $0x0  }
0x105: {  	[sflag:s21] =	ssyncadd.s32 $0xFFFFEC00  }
0x106: {  	[spmem:s2] =	stream.indirect.scatter.add.f32 [tilespmem:s13], [sflag:$0xA], $0x80, s28, s9, $0xb8;
	[tilespmem:$0x1F300] =	vst v63  }
.Ltmp4:
0x107: {  	_ = 	snop;
	(pc) =	sbr.rel .LBB2_4-.Ltmp4, $4  }
0x108: {  	_ =	swait.ge [sflag:s22], $0x1400  }
0x109: {  	[sflag:s22] =	ssyncset.done $0x0  }
0x10a: {  	s31 =	sadd.s32 $0x14208, s26;
	s25 =	sadd.s32 $0x320, s25;
	[sflag:s22] =	ssyncadd.s32 $0xFFFFEC00  }
0x10b: {  	[tilespmem:s12], [sflag:$0x4] =	stream.indirect.gather [hbm4b:s4+s9], $0x80, s31, s9, $0xb8;
	[tilespmem:$0x1F300] =	vst v63  }
.LBB2_7:
0x10c: {  	_ =	sfence.sel $0x180000  }
0x10d: {  	[bflag:$0x0] =	sbarrier.arrive $0xFFFF  }
0x10e: {  	_ =	strace $0x9000004D  }
0x10f: {  	s0 =	stileid.u32;
	[bflag:$0x2] =	sbarrier.arrive $0xFFFF  }
0x110: {  	p0 =	sne.s32 s0, $0x0;
	s0 =	rddreg [dreg:$0x2]  }
0x111: {  	s0 =	sadd.s32 @!p0 $0x100000, s0  }
0x112: {  	[sflag:s0] =	ssyncadd.tile.s32 @!p0 $0x1;
	_ =	shalt  }
.Lfunc_end2:
_tile_overlayer_lowered:
.L_overlay_start_2:
0x113: {  	(tag) =	ssettag $0x2  }
0x114: {  	s0 =	rddreg [dreg:$0x0];
	s2 =	stileid.u32  }
0x115: {  	s1 =	rddreg [dreg:$0x1];
	p0 =	sne.s32 s2, $0x0  }
0x116: {  	s3 =	rddreg [dreg:$0x2];
	[bflag:$0x3] =	sbarrier.arrive $0xFFFF;
	s2 =	simm.s32 @!p0 $0x1C0B  }
0x117: {  	[timem:s3], [sflag:s2] =	dma.local @!p0 [hbm:s0], s1  }
0x118: {  	s0 =	simm.s32 @!p0 $0xB  }
0x119: {  	_ =	swait.ge @!p0 [sflag:s0], s1  }
0x11a: {  	s1 =	ssub.s32 @!p0 $0x0, s1;
	[sflag:s0] =	ssyncset.done @!p0 $0x0  }
0x11b: {  	[sflag:s0] =	ssyncadd.s32 @!p0 s1  }
0x11c: {  	[bflag:$0x3] =	sbarrier.arrive $0xFFFF  }
0x11d: {  	_ =	shalt  }

// kernel: kernel.20.cloned.1.call-start
scs
__scs_entry_jumppad:
0x0: {  	(pc) =	sbr.rel $0x88, $3  }
0x1: {  	(tag) =	ssettag $0x0;
	lr =	simm.s32 $0x1  }
0x2: {  	[smem:$0x3F99] =	sst lr;
	_ =	strace $0xD0000000  }
0x3: {  	_ = 	snop  }
0x4: {  	_ = 	snop  }
0x5: {  	_ = 	snop  }
0x6: {  	_ = 	snop  }
0x7: {  	_ = 	snop  }
__scs_overlays_trampoline_lowered:
0x8: {  	[smem:$0x3FA8] =	sst s0  }
0x9: {  	[smem:$0x3FA9] =	sst s1  }
0xa: {  	[smem:$0x3FAA] =	sst s2  }
0xb: {  	[smem:$0x3FAB] =	sst s3  }
0xc: {  	[smem:$0x3FAC] =	sst s4  }
0xd: {  	[smem:$0x3FAD] =	sst s5  }
0xe: {  	[smem:$0x3FAE] =	sst s6  }
0xf: {  	[smem:$0x3FAF] =	sst s7  }
0x10: {  	[smem:$0x3FB0] =	sst s8  }
0x11: {  	[smem:$0x3FB1] =	sst s9;
	s0 =	simm.s32 @!p0 $0x0  }
0x12: {  	s1 =	sld [smem:$0x3F97];
	s0 =	simm.s32 @p0 $0x1  }
0x13: {  	[smem:$0x3FB2] =	sst s0;
	s0 =	simm.s32 @!p1 $0x0  }
0x14: {  	s2 =	sld [smem:$0x3F96];
	s0 =	simm.s32 @p1 $0x1  }
0x15: {  	[smem:$0x3FB3] =	sst s0;
	s0 =	simm.s32 @!p2 $0x0  }
0x16: {  	s3 =	sld [smem:$0x3FDB];
	s0 =	simm.s32 @p2 $0x1  }
0x17: {  	s4 =	simm.s32 $0x1BF5;
	[smem:$0x3FB5] =	sst s0  }
0x18: {  	s0 =	sld [smem:$0x3F98];
	_ =	swait.ge [sflag:s4], $0x0  }
0x19: {  	s7 =	sld [smem:$0x3F99]  }
0x1a: {  	s8 =	sadd.s32 $0xFFFFE003, lr  }
0x1b: {  	s9 =	sadd.s32 $0xFFFFFEF7, lr;
	s5 =	simm.s32 $0xFFFFFFFF;
	p2 =	slt.u32 s8, $0xFFFFF086  }
0x1c: {  	p1 =	slt.u32 s9, $0xF7A;
	s5 =	simm.s32 @!p2 $0x0  }
0x1d: {  	s5 =	simm.s32 @p1 $0x1;
	p0 =	seq.s32 s7, s2  }
0x1e: {  	s7 =	smul.u32 @!p0 $0xF7A, s2;
	p2 =	seq.s32 @!p0 s5, $0x0  }
0x1f: {  	s9 =	smul.u32 $0xF7A, s1;
	s8 =	simm.s32 @!p0 $0x1BF5;
	p2 =	por !p2, p0  }
0x20: {  	[sflag:s8] =	ssyncset.s32 @!p0 $0xFFFFF086;
	s6 =	sadd.s32 @!p0 s3, s7;
	s7 =	simm.s32 @!p0 $0x108  }
0x21: {  	s3 =	sadd.s32 s3, s9;
	s6 =	sadd.s32 @!p0 $0x88, s6;
	s7 =	simm.s32 @p2 $0x1082  }
0x22: {  	[simem:s7], [sflag:s8] =	dma.local @!p0 [hbm:s6], $0xF7A  }
0x23: {  	s9 =	sor.u32 $0xD0000000, s2;
	s6 =	simm.s32 $0x108;
	_ =	swait.ge @!p0 [sflag:s8], $0x0  }
0x24: {  	s3 =	sadd.s32 $0x88, s3;
	s6 =	simm.s32 @!p1 $0x1082;
	[sflag:s4] =	ssyncset.s32 $0xFFFFF086  }
0x25: {  	[simem:s6], [sflag:s4] =	dma.local [hbm:s3], $0xF7A  }
0x26: {  	[smem:$0x3F99] =	sst s1;
	(tag) =	ssettag s2;
	_ =	strace s9  }
0x27: {  	s1 =	sld [smem:$0x3FA9]  }
0x28: {  	s2 =	sld [smem:$0x3FAA]  }
0x29: {  	s4 =	sld [smem:$0x3FAC]  }
0x2a: {  	p0 =	seq.s32 s5, $0x0;
	s5 =	sld [smem:$0x3FAD]  }
0x2b: {  	s6 =	sld [smem:$0x3FAE]  }
0x2c: {  	s7 =	sld [smem:$0x3FAF]  }
0x2d: {  	s3 =	simm.s32 $0x108;
	s8 =	sld [smem:$0x3FB0]  }
0x2e: {  	s3 =	simm.s32 @!p0 $0x1082;
	s9 =	sld [smem:$0x3FB1]  }
0x2f: {  	lr =	sadd.s32 s0, s3;
	s0 =	sld [smem:$0x3FA8]  }
0x30: {  	s3 =	sld [smem:$0x3FAB]  }
0x31: {  	[smem:$0x3FB4] =	sst s10  }
0x32: {  	s10 =	sld [smem:$0x3FB2];
	_ =	sdelay $0x3  }
0x33: {  	p0 =	seq.s32 s10, $0x1;
	s10 =	sld [smem:$0x3FB4];
	_ =	sdelay $0x3  }
0x34: {  	[smem:$0x3FB4] =	sst s10  }
0x35: {  	s10 =	sld [smem:$0x3FB3];
	_ =	sdelay $0x3  }
0x36: {  	p1 =	seq.s32 s10, $0x1;
	s10 =	sld [smem:$0x3FB4];
	_ =	sdelay $0x3  }
0x37: {  	[smem:$0x3FB4] =	sst s10  }
0x38: {  	s10 =	sld [smem:$0x3FB5]  }
0x39: {  	_ = 	snop;
	(pc) =	sbr.ind lr, $3  }
0x3a: {  	_ = 	snop  }
0x3b: {  	_ = 	snop  }
0x3c: {  	p2 =	seq.s32 s10, $0x1;
	s10 =	sld [smem:$0x3FB4]  }
0x3d: {  	_ =	shalt  }
0x3e: {  	_ =	shalt  }
0x3f: {  	_ =	shalt  }
0x40: {  	_ =	shalt  }
0x41: {  	_ =	shalt  }
0x42: {  	_ =	shalt  }
0x43: {  	_ =	shalt  }
0x44: {  	_ =	shalt  }
0x45: {  	_ =	shalt  }
0x46: {  	_ =	shalt  }
0x47: {  	_ =	shalt  }
0x48: {  	_ =	shalt  }
0x49: {  	_ =	shalt  }
0x4a: {  	_ =	shalt  }
0x4b: {  	_ =	shalt  }
0x4c: {  	_ =	shalt  }
0x4d: {  	_ =	shalt  }
0x4e: {  	_ =	shalt  }
0x4f: {  	_ =	shalt  }
0x50: {  	_ =	shalt  }
0x51: {  	_ =	shalt  }
0x52: {  	_ =	shalt  }
0x53: {  	_ =	shalt  }
0x54: {  	_ =	shalt  }
0x55: {  	_ =	shalt  }
0x56: {  	_ =	shalt  }
0x57: {  	_ =	shalt  }
0x58: {  	_ =	shalt  }
0x59: {  	_ =	shalt  }
0x5a: {  	_ =	shalt  }
0x5b: {  	_ =	shalt  }
0x5c: {  	_ =	shalt  }
0x5d: {  	_ =	shalt  }
0x5e: {  	_ =	shalt  }
0x5f: {  	_ =	shalt  }
0x60: {  	_ =	shalt  }
0x61: {  	_ =	shalt  }
0x62: {  	_ =	shalt  }
0x63: {  	_ =	shalt  }
0x64: {  	_ =	shalt  }
0x65: {  	_ =	shalt  }
0x66: {  	_ =	shalt  }
0x67: {  	_ =	shalt  }
0x68: {  	_ =	shalt  }
0x69: {  	_ =	shalt  }
0x6a: {  	_ =	shalt  }
0x6b: {  	_ =	shalt  }
0x6c: {  	_ =	shalt  }
0x6d: {  	_ =	shalt  }
0x6e: {  	_ =	shalt  }
0x6f: {  	_ =	shalt  }
0x70: {  	_ =	shalt  }
0x71: {  	_ =	shalt  }
0x72: {  	_ =	shalt  }
0x73: {  	_ =	shalt  }
0x74: {  	_ =	shalt  }
0x75: {  	_ =	shalt  }
0x76: {  	_ =	shalt  }
0x77: {  	_ =	shalt  }
0x78: {  	_ =	shalt  }
0x79: {  	_ =	shalt  }
0x7a: {  	_ =	shalt  }
0x7b: {  	_ =	shalt  }
0x7c: {  	_ =	shalt  }
0x7d: {  	_ =	shalt  }
0x7e: {  	_ =	shalt  }
0x7f: {  	_ =	shalt  }
0x80: {  	_ =	shalt  }
0x81: {  	_ =	shalt  }
0x82: {  	_ =	shalt  }
0x83: {  	_ =	shalt  }
0x84: {  	_ =	shalt  }
0x85: {  	_ =	shalt  }
0x86: {  	_ =	shalt  }
0x87: {  	_ =	shalt  }
.Lfunc_end0:
.L_simem_size_0:
called_computation.3_lowered:
.L_overlay_start_0:
0x88: {  	s2 =	sld [smem:$0x3FD9]  }
0x89: {  	s3 =	sld [smem:$0x3FFE];
	_ =	sdelay $0x1  }
0x8a: {  	s1 =	srdreg.scid  }
0x8b: {  	s0 =	sand.u32 $0x1, s1  }
0x8c: {  	s16 =	sshll.u32 s0, $0xA;
	s2 =	sadd.s32 s3, s2  }
0x8d: {  	s2 =	sadd.s32 s2, s16  }
0x8e: {  	[smem:$0x3FC0] =	sst s2  }
0x8f: {  	_ = 	snop  }
0x90: {  	(tm) =	ssettm $0x1  }
0x91: {  	s17 =	sld [smem:$0x3FFB];
	_ =	sdelay $0x3  }
0x92: {  	_ =	strace s17  }
0x93: {  	s2 =	sld [smem:$0x3FFC];
	_ =	sdelay $0x3  }
0x94: {  	_ =	strace s2  }
0x95: {  	s2 =	sld [smem:$0x3FFD];
	_ =	sdelay $0x3  }
0x96: {  	_ =	strace s2  }
0x97: {  	_ =	strace $0x8FFFFFFF  }
0x98: {  	s18 =	sld [smem:$0x3FDB];
	_ =	sdelay $0x1  }
0x99: {  	s19 =	simm.s32 $_scs_section_size  }
0x9a: {  	s4 =	simm.s32 $_size__tile_overlayer_lowered;
	s5 =	simm.s32 $_tile_overlayer_lowered  }
0x9b: {  	s22 =	simm.s32 $0x1BFF;
	s21 =	sshll.u32 s5, $0x1;
	s2 =	sadd.s32 s19, s18  }
0x9c: {  	s6 =	simm.s32 $0x0;
	s20 =	sshll.u32 s4, $0x1;
	s4 =	sadd.s32 s21, s2  }
0x9d: {  	[timem:s6], [sflag:s22] =	dma.local [hbm:s4], s20  }
0x9e: {  	_ =	swait.ge [sflag:s22], s20  }
0x9f: {  	s3 =	ssub.s32 $0x0, s20;
	[sflag:s22] =	ssyncset.done $0x0  }
0xa0: {  	[sflag:s22] =	ssyncadd.s32 s3;
	_ =	sdelay $0x1  }
0xa1: {  	s23 =	simm.s32 $0x1B8B  }
0xa2: {  	_ =	swait.ge [sflag:s23], $0x1  }
0xa3: {  	[sflag:s23] =	ssyncset.done $0x0  }
0xa4: {  	s25 =	simm.s32 $0x1B8E;
	s24 =	sld [smem:$0x3FFE];
	[sflag:s23] =	ssyncadd.s32 $0xFFFFFFFF  }
0xa5: {  	s26 =	simm.s32 $execute0_lowered;
	[smem:$0x3FD2] =	sst s25  }
0xa6: {  	s4 =	sshll.u32 s26, $0x1;
	_ =	strace $0x8000004F;
	[dreg:$0x1] =	wrdreg $0xFFFFFFFF  }
0xa7: {  	s28 =	simm.s32 $_size_execute0_lowered;
	s2 =	sadd.s32 s2, s4;
	[dreg:$0x0] =	wrdreg $0x0  }
0xa8: {  	s4 =	sshll.u32 s28, $0x1;
	[dreg:$0x2] =	wrdreg s2  }
0xa9: {  	[dreg:$0x3] =	wrdreg s4  }
0xaa: {  	[dreg:$0x4] =	wrdreg $0xC0  }
0xab: {  	_ =	task [dreg:s6], $0x5FFFF  }
0xac: {  	[dreg:$0x1] =	wrdreg $0xFFFFFFFF  }
0xad: {  	[dreg:$0x0] =	wrdreg $0x60  }
0xae: {  	[dreg:$0x2] =	wrdreg s24  }
0xaf: {  	[dreg:$0x3] =	wrdreg $0x0  }
0xb0: {  	[dreg:$0x4] =	wrdreg $0x9  }
0xb1: {  	_ =	task.clear_ibuf [dreg:s6], $0x5FFFF;
	_ =	strace $0x9000004F  }
0xb2: {  	s29 =	simm.s32 $0x9;
	_ =	strace $0x80000051  }
0xb3: {  	_ =	swait.ge [sflag:s29], $0x1  }
0xb4: {  	[sflag:s29] =	ssyncadd.s32 $0xFFFFFFFF  }
0xb5: {  	_ =	strace $0x90000051  }
0xb6: {  	_ =	sfence  }
0xb7: {  	s30 =	sld [smem:$0x0];
	_ =	sdelay $0x2  }
0xb8: {  	s31 =	sshll.u32 s1, $0xD;
	s1 =	sshrl.u32 s1, $0x2  }
0xb9: {  	s3 =	sand.u32 $0x4000, s31;
	s1 =	sadd.s32 s1, s30  }
0xba: {  	s0 =	sor.u32 s3, s0;
	s1 =	sshll.u32 s1, $0x11  }
0xbb: {  	s0 =	sor.u32 s1, s0  }
0xbc: {  	s0 =	sadd.s32 $0x8F2B, s0  }
0xbd: {  	[sflag:s0] =	ssyncadd.remote.s32 $0x1  }
0xbe: {  	_ =	sfence.sel $0xFFFF  }
0xbf: {  	[dreg:$0x0] =	wrdreg $0xFFFFFFFF;
	(pc) =	sbr.abs _section_cstart, $3  }
0xc0: {  	[dreg:$0x1] =	wrdreg $0xFFFFFFFF  }
0xc1: {  	_ =	task.clear_ibuf [dreg:s6], $0x2FFFF;
	_ =	strace $0x9FFFFFFF  }
0xc2: {  	(tm) =	ssettm $0x7FFFFFFF  }
0xc3: {  	_ =	shalt  }
tec
execute0_lowered:
.L_overlay_start_1:
0x0: {  	(tag) =	ssettag $0x1  }
0x1: {  	s0 =	rddreg [dreg:$0x0]  }
0x2: {  	s1 =	srdreg.scid;
	s8 =	stileid.u32  }
0x3: {  	s2 =	rddreg [dreg:$0x1];
	s4 =	simm.s32 $0x0;
	s1 =	sand.u32 $0x1, s1  }
0x4: {  	s3 =	sshll.u32 s8, $0x1;
	[smem:$0x7FF] =	sst s4;
	s5 =	smul.u32 $0x280, s8  }
0x5: {  	s4 =	sadd.s32 $0x16C00, s0;
	s8 =	smul.u32 $0x28000, s8;
	s3 =	sor.u32 s1, s3  }
0x6: {  	_ =	strace $0x80000050;
	s6 =	ssub.s32 $0x2, s1;
	s1 =	smul.u32 $0x2800, s1  }
0x7: {  	s3 =	smul.u32 $0x4E2, s3;
	s7 =	sshrl.u32 s6, $0x1;
	s30 =	sshrl.u32 s8, $0x2  }
0x8: {  	s8 =	sadd.s32 $0x80, s5;
	s15 =	sadd.s32 $0x100, s5;
	s16 =	sadd.s32 $0x180, s5  }
0x9: {  	s6 =	ssub.s32 s6, s7;
	s28 =	sadd.s32 s1, s5;
	s9 =	sadd.s32 s30, s2  }
0xa: {  	s12 =	sadd.s32 s1, s8;
	s5 =	sadd.s32 $0x200, s5;
	s17 =	sadd.s32 s1, s15  }
0xb: {  	s21 =	sshll.u32 s15, $0x6;
	s22 =	sshll.u32 s16, $0x6;
	s31 =	smax.u32 s6, $0x1  }
0xc: {  	s15 =	simm.s32 $0x2;
	s6 =	sadd.s32 $0xA00, s9;
	[dreg:$0x6] =	wrdreg s31  }
0xd: {  	s3 =	sadd.s32 s3, s0;
	s7 =	sadd.s32 $0x1400, s9;
	[dreg:$0x7] =	wrdreg s6  }
0xe: {  	s0 =	sadd.s32 $0x2A600, s0;
	s10 =	sadd.s32 $0x1E00, s9;
	[dreg:$0x8] =	wrdreg s7  }
0xf: {  	s29 =	sshll.u32 s28, $0x3;
	s11 =	sadd.s32 $0x2800, s9;
	[dreg:$0x9] =	wrdreg s10  }
0x10: {  	s13 =	sadd.s32 $0x3C00, s9;
	s14 =	sadd.s32 $0x4600, s9;
	[dreg:$0xa] =	wrdreg s11  }
0x11: {  	s19 =	sadd.s32 $0x5000, s9;
	s28 =	sadd.s32 $0x6400, s9;
	[dreg:$0xc] =	wrdreg s13  }
0x12: {  	s30 =	sadd.s32 $0x7800, s9;
	s26 =	sadd.s32 $0x3000, s3;
	[dreg:$0xd] =	wrdreg s14  }
0x13: {  	s3 =	sadd.s32 $0xCE00, s3;
	s7 =	sadd.s32 $0x3200, s9;
	[dreg:$0x12] =	wrdreg s19  }
0x14: {  	s6 =	sshll.u32 s12, $0x3;
	s10 =	sadd.s32 s1, s16;
	[dreg:$0x18] =	wrdreg s28  }
0x15: {  	s1 =	sadd.s32 s1, s5;
	s5 =	sshll.u32 s5, $0x6;
	[dreg:$0x1a] =	wrdreg s30  }
0x16: {  	s31 =	sadd.s32 $0x8200, s9;
	s11 =	simm.s32 $0x10220;
	s12 =	simm.s32 $0x10C20  }
0x17: {  	s13 =	simm.s32 $0x11620;
	s14 =	simm.s32 $0x1;
	[dreg:$0x3] =	wrdreg s26  }
0x18: {  	s16 =	simm.s32 $0x6;
	s19 =	simm.s32 $0x4;
	[dreg:$0x4] =	wrdreg s3  }
0x19: {  	s3 =	sadd.s32 s0, s29;
	[dreg:$0xb] =	wrdreg s7;
	s6 =	sadd.s32 s0, s6  }
0x1a: {  	s10 =	sshll.u32 s10, $0x3;
	s1 =	sshll.u32 s1, $0x3;
	[dreg:$0x1b] =	wrdreg s31  }
0x1b: {  	s5 =	sadd.s32 s5, s2;
	s26 =	sadd.s32 $0x5A00, s9;
	[dreg:$0x5] =	wrdreg s3  }
0x1c: {  	s29 =	sadd.s32 $0x6E00, s9;
	s7 =	simm.s32 $0xC710;
	[dreg:$0xe] =	wrdreg s6  }
0x1d: {  	s3 =	sshll.u32 s8, $0x6;
	s8 =	sshll.u32 s17, $0x3;
	[dreg:$0x17] =	wrdreg s26  }
0x1e: {  	s18 =	sadd.s32 s0, s10;
	s25 =	sshrl.u32 s5, $0x3;
	[dreg:$0x19] =	wrdreg s29  }
0x1f: {  	s5 =	simm.s32 $0xB;
	s6 =	simm.s32 $0xA000;
	s10 =	simm.s32 $0xF820  }
0x20: {  	s17 =	simm.s32 $0x3;
	s8 =	sadd.s32 s0, s8;
	[dreg:$0x10] =	wrdreg s18  }
0x21: {  	s0 =	sadd.s32 s0, s1;
	s20 =	sadd.s32 s3, s2;
	s1 =	sadd.s32 s21, s2  }
0x22: {  	s3 =	sadd.s32 s22, s2;
	[dreg:$0x16] =	wrdreg s25;
	s18 =	simm.s32 $0x7  }
0x23: {  	s21 =	simm.s32 $0x5;
	s22 =	simm.s32 $0x9;
	[dreg:$0xf] =	wrdreg s8  }
.Ltmp0:
0x24: {  	[dreg:$0x11] =	wrdreg s0;
	s0 =	sshrl.u32 s20, $0x3;
	(pc) =	sbr.rel .LBB2_1-.Ltmp0, $4  }
0x25: {  	s23 =	sshrl.u32 s1, $0x3;
	s24 =	sshrl.u32 s3, $0x3;
	[dreg:$0x13] =	wrdreg s0  }
0x26: {  	s1 =	sadd.s32 $0x8C00, s9;
	s3 =	simm.s32 $0xEE20;
	[dreg:$0x14] =	wrdreg s23  }
0x27: {  	s8 =	simm.s32 $0x28;
	s20 =	simm.s32 $0x8;
	[dreg:$0x15] =	wrdreg s24  }
0x28: {  	v0 =	vimm.f32 $0.0e+00;
	s0 =	sadd.s32 $0x9600, s9;
	s23 =	simm.s32 $0xA;
	s24 =	simm.s32 $0x0  }
.LBB2_6:
0x29: {  	_ =	swait.ge [sflag:s21], $0xA00  }
0x2a: {  	[sflag:s21] =	ssyncset.done $0x0  }
0x2b: {  	[sflag:s21] =	ssyncadd.s32 $0xFFFFF600  }
0x2c: {  	[spmem:s2] =	stream.indirect.scatter.add.f32 [tilespmem:s13], [sflag:$0xA], $0x40, s28, s8, $0xb8;
	[tilespmem:$0x12020] =	vst v63  }
0x2d: {  	_ =	swait.ge [sflag:s16], $0xA00  }
0x2e: {  	[sflag:s16] =	ssyncset.done $0x0  }
0x2f: {  	[sflag:s16] =	ssyncadd.s32 $0xFFFFF600  }
0x30: {  	_ =	swait.ge [sflag:s18], $0xA00  }
0x31: {  	[sflag:s18] =	ssyncset.done $0x0  }
0x32: {  	[sflag:s18] =	ssyncadd.s32 $0xFFFFF600  }
0x33: {  	_ =	swait.ge [sflag:s20], $0xA00  }
0x34: {  	[sflag:s20] =	ssyncset.done $0x0  }
0x35: {  	[sflag:s20] =	ssyncadd.s32 $0xFFFFF600  }
0x36: {  	_ =	swait.ge [sflag:s22], $0xA00  }
0x37: {  	[sflag:s22] =	ssyncset.done $0x0  }
0x38: {  	[sflag:s22] =	ssyncadd.s32 $0xFFFFF600  }
0x39: {  	_ =	swait.ge [sflag:s23], $0xA00  }
0x3a: {  	[sflag:s23] =	ssyncset.done $0x0  }
0x3b: {  	s25 =	stileid.u32;
	[sflag:s23] =	ssyncadd.s32 $0xFFFFF600  }
0x3c: {  	s25 =	sshll.u32 s25, $0x6;
	[bflag:$0x0] =	sbarrier.arrive $0xFFFF  }
0x3d: {  	s26 =	sshrl.u32 s9, $0x3;
	s25 =	sor.u32 $0x1C0B, s25;
	s31 =	rddreg [dreg:$0x5]  }
0x3e: {  	[hbm:s31], [sflag:s25] =	dma.local [spmem:s26], $0x400  }
0x3f: {  	_ =	swait.ge [sflag:s5], $0x400  }
0x40: {  	[sflag:s5] =	ssyncset.done $0x0;
	s29 =	rddreg [dreg:$0xe]  }
0x41: {  	s30 =	rddreg [dreg:$0x13];
	[sflag:s5] =	ssyncadd.s32 $0xFFFFFC00  }
0x42: {  	[hbm:s29], [sflag:s25] =	dma.local [spmem:s30], $0x400  }
0x43: {  	_ =	swait.ge [sflag:s5], $0x400  }
0x44: {  	[sflag:s5] =	ssyncset.done $0x0;
	s31 =	rddreg [dreg:$0xf]  }
0x45: {  	s29 =	rddreg [dreg:$0x14];
	[sflag:s5] =	ssyncadd.s32 $0xFFFFFC00  }
0x46: {  	[hbm:s31], [sflag:s25] =	dma.local [spmem:s29], $0x400  }
0x47: {  	_ =	swait.ge [sflag:s5], $0x400  }
0x48: {  	[sflag:s5] =	ssyncset.done $0x0;
	s30 =	rddreg [dreg:$0x10]  }
0x49: {  	s31 =	rddreg [dreg:$0x15];
	[sflag:s5] =	ssyncadd.s32 $0xFFFFFC00  }
0x4a: {  	[hbm:s30], [sflag:s25] =	dma.local [spmem:s31], $0x400  }
0x4b: {  	_ =	swait.ge [sflag:s5], $0x400  }
0x4c: {  	[sflag:s5] =	ssyncset.done $0x0;
	s29 =	rddreg [dreg:$0x11]  }
0x4d: {  	s30 =	rddreg [dreg:$0x16];
	[sflag:s5] =	ssyncadd.s32 $0xFFFFFC00  }
0x4e: {  	[hbm:s29], [sflag:s25] =	dma.local [spmem:s30], $0x400  }
0x4f: {  	_ =	swait.ge [sflag:s5], $0x400  }
0x50: {  	s24 =	sadd.s32 $0x1, s24;
	s31 =	rddreg [dreg:$0x6]  }
0x51: {  	p0 =	sne.s32 s24, s31  }
.Ltmp1:
0x52: {  	_ = 	snop;
	(pc) =	sbr.rel @!p0 .LBB2_7-.Ltmp1, $3  }
0x53: {  	_ =	sdelay $0x1  }
0x54: {  	[sflag:s5] =	ssyncset.done $0x0  }
0x55: {  	[sflag:s5] =	ssyncadd.s32 $0xFFFFFC00  }
.LBB2_1:
0x56: {  	s26 =	simm.s32 $0x0  }
0x57: {  	s25 =	sand.u32 $0x3F00, s26  }
0x58: {  	s26 =	sand.u32 $0x30, s26;
	s28 =	sshrl.u32 s25, $0x2  }
0x59: {  	s25 =	simm.s32 $0x40;
	s28 =	sor.u32 s26, s28;
	s26 =	simm.s32 $0x0  }
.LBB2_2:
0x5a: {  	p0 =	sne.s32 s25, $0x27C0  }
0x5b: {  	[tilespmem:s28+$0xEE20] =	vst v0;
	s26 =	sadd.s32 $0x10, s26;
	s28 =	smov.u32 s25;
	s25 =	sadd.s32 $0x40, s25  }
.Ltmp2:
0x5c: {  	(pc) =	sbr.rel @p0 .LBB2_2-.Ltmp2, $4  }
0x5d: {  	_ = 	snop  }
0x5e: {  	s28 =	sand.u32 $0x3F00, s28  }
0x5f: {  	s29 =	sand.u32 $0x30, s26;
	s28 =	sshrl.u32 s28, $0x2  }
0x60: {  	s28 =	sor.u32 s29, s28  }
0x61: {  	[tilespmem:s28+$0xEE20] =	vst v0  }
0x62: {  	[spmem:s9] =	stream.linear.scatter [tilespmem:s3], [sflag:$0xB], $0xA00, $0x38;
	[tilespmem:$0x12020] =	vst v63  }
0x63: {  	_ =	swait.ge [sflag:s5], $0xA00  }
0x64: {  	[sflag:s5] =	ssyncset.done $0x0  }
0x65: {  	s25 =	rddreg [dreg:$0x7];
	[sflag:s5] =	ssyncadd.s32 $0xFFFFF600  }
0x66: {  	[spmem:s25] =	stream.linear.scatter [tilespmem:s3], [sflag:$0xB], $0xA00, $0x38;
	[tilespmem:$0x12020] =	vst v63  }
0x67: {  	_ =	swait.ge [sflag:s5], $0xA00  }
0x68: {  	[sflag:s5] =	ssyncset.done $0x0  }
0x69: {  	s29 =	rddreg [dreg:$0x8];
	[sflag:s5] =	ssyncadd.s32 $0xFFFFF600  }
0x6a: {  	[spmem:s29] =	stream.linear.scatter [tilespmem:s3], [sflag:$0xB], $0xA00, $0x38;
	[tilespmem:$0x12020] =	vst v63  }
0x6b: {  	_ =	swait.ge [sflag:s5], $0xA00  }
0x6c: {  	[sflag:s5] =	ssyncset.done $0x0  }
0x6d: {  	s30 =	rddreg [dreg:$0x9];
	[sflag:s5] =	ssyncadd.s32 $0xFFFFF600  }
0x6e: {  	[spmem:s30] =	stream.linear.scatter [tilespmem:s3], [sflag:$0xB], $0xA00, $0x38;
	[tilespmem:$0x12020] =	vst v63  }
0x6f: {  	_ =	swait.ge [sflag:s5], $0xA00  }
0x70: {  	[sflag:s5] =	ssyncset.done $0x0  }
0x71: {  	s31 =	rddreg [dreg:$0xa];
	[sflag:s5] =	ssyncadd.s32 $0xFFFFF600  }
0x72: {  	[spmem:s31] =	stream.linear.scatter [tilespmem:s3], [sflag:$0xB], $0xA00, $0x38;
	[tilespmem:$0x12020] =	vst v63  }
0x73: {  	_ =	swait.ge [sflag:s5], $0xA00  }
0x74: {  	[sflag:s5] =	ssyncset.done $0x0  }
0x75: {  	s26 =	rddreg [dreg:$0xb];
	[sflag:s5] =	ssyncadd.s32 $0xFFFFF600  }
0x76: {  	[spmem:s26] =	stream.linear.scatter [tilespmem:s3], [sflag:$0xB], $0xA00, $0x38;
	[tilespmem:$0x12020] =	vst v63  }
0x77: {  	_ =	swait.ge [sflag:s5], $0xA00  }
0x78: {  	[sflag:s5] =	ssyncset.done $0x0  }
0x79: {  	s28 =	rddreg [dreg:$0xc];
	[sflag:s5] =	ssyncadd.s32 $0xFFFFF600  }
0x7a: {  	[spmem:s28] =	stream.linear.scatter [tilespmem:s3], [sflag:$0xB], $0xA00, $0x38;
	[tilespmem:$0x12020] =	vst v63  }
0x7b: {  	_ =	swait.ge [sflag:s5], $0xA00  }
0x7c: {  	[sflag:s5] =	ssyncset.done $0x0  }
0x7d: {  	s29 =	rddreg [dreg:$0xd];
	[sflag:s5] =	ssyncadd.s32 $0xFFFFF600  }
0x7e: {  	[spmem:s29] =	stream.linear.scatter [tilespmem:s3], [sflag:$0xB], $0xA00, $0x38;
	[tilespmem:$0x12020] =	vst v63  }
0x7f: {  	_ =	swait.ge [sflag:s5], $0xA00  }
0x80: {  	[sflag:s5] =	ssyncset.done $0x0  }
0x81: {  	s30 =	rddreg [dreg:$0x12];
	[sflag:s5] =	ssyncadd.s32 $0xFFFFF600  }
0x82: {  	[spmem:s30] =	stream.linear.scatter [tilespmem:s3], [sflag:$0xB], $0xA00, $0x38;
	[tilespmem:$0x12020] =	vst v63  }
0x83: {  	_ =	swait.ge [sflag:s5], $0xA00  }
0x84: {  	[sflag:s5] =	ssyncset.done $0x0  }
0x85: {  	s31 =	rddreg [dreg:$0x17];
	[sflag:s5] =	ssyncadd.s32 $0xFFFFF600  }
0x86: {  	[spmem:s31] =	stream.linear.scatter [tilespmem:s3], [sflag:$0xB], $0xA00, $0x38;
	[tilespmem:$0x12020] =	vst v63  }
0x87: {  	_ =	swait.ge [sflag:s5], $0xA00  }
0x88: {  	[sflag:s5] =	ssyncset.done $0x0  }
0x89: {  	s26 =	rddreg [dreg:$0x18];
	[sflag:s5] =	ssyncadd.s32 $0xFFFFF600  }
0x8a: {  	[spmem:s26] =	stream.linear.scatter [tilespmem:s3], [sflag:$0xB], $0xA00, $0x38;
	[tilespmem:$0x12020] =	vst v63  }
0x8b: {  	_ =	swait.ge [sflag:s5], $0xA00  }
0x8c: {  	[sflag:s5] =	ssyncset.done $0x0  }
0x8d: {  	s28 =	rddreg [dreg:$0x19];
	[sflag:s5] =	ssyncadd.s32 $0xFFFFF600  }
0x8e: {  	[spmem:s28] =	stream.linear.scatter [tilespmem:s3], [sflag:$0xB], $0xA00, $0x38;
	[tilespmem:$0x12020] =	vst v63  }
0x8f: {  	_ =	swait.ge [sflag:s5], $0xA00  }
0x90: {  	[sflag:s5] =	ssyncset.done $0x0  }
0x91: {  	s29 =	rddreg [dreg:$0x1a];
	[sflag:s5] =	ssyncadd.s32 $0xFFFFF600  }
0x92: {  	[spmem:s29] =	stream.linear.scatter [tilespmem:s3], [sflag:$0xB], $0xA00, $0x38;
	[tilespmem:$0x12020] =	vst v63  }
0x93: {  	_ =	swait.ge [sflag:s5], $0xA00  }
0x94: {  	[sflag:s5] =	ssyncset.done $0x0  }
0x95: {  	s30 =	rddreg [dreg:$0x1b];
	[sflag:s5] =	ssyncadd.s32 $0xFFFFF600  }
0x96: {  	[spmem:s30] =	stream.linear.scatter [tilespmem:s3], [sflag:$0xB], $0xA00, $0x38;
	[tilespmem:$0x12020] =	vst v63  }
0x97: {  	_ =	swait.ge [sflag:s5], $0xA00  }
0x98: {  	[sflag:s5] =	ssyncset.done $0x0  }
0x99: {  	[sflag:s5] =	ssyncadd.s32 $0xFFFFF600  }
0x9a: {  	[spmem:s1] =	stream.linear.scatter [tilespmem:s3], [sflag:$0xB], $0xA00, $0x38;
	[tilespmem:$0x12020] =	vst v63  }
0x9b: {  	_ =	swait.ge [sflag:s5], $0xA00  }
0x9c: {  	[sflag:s5] =	ssyncset.done $0x0  }
0x9d: {  	[sflag:s5] =	ssyncadd.s32 $0xFFFFF600  }
0x9e: {  	[spmem:s0] =	stream.linear.scatter [tilespmem:s3], [sflag:$0xB], $0xA00, $0x38;
	[tilespmem:$0x12020] =	vst v63  }
0x9f: {  	_ =	swait.ge [sflag:s5], $0xA00  }
0xa0: {  	[sflag:s5] =	ssyncset.done $0x0  }
0xa1: {  	s25 =	simm.s32 $0x0;
	s26 =	rddreg [dreg:$0x3];
	[sflag:s5] =	ssyncadd.s32 $0xFFFFF600  }
0xa2: {  	[tilespmem:s6], [sflag:$0xB] =	stream.linear.gather [hbm4b:s26+s25], $0x2710, $0x38;
	[tilespmem:$0x12020] =	vst v63  }
0xa3: {  	_ =	swait.ge [sflag:s5], $0x2710  }
0xa4: {  	[sflag:s5] =	ssyncset.done $0x0  }
0xa5: {  	s31 =	rddreg [dreg:$0x4];
	[sflag:s5] =	ssyncadd.s32 $0xFFFFD8F0  }
0xa6: {  	[tilespmem:s7], [sflag:$0xB] =	stream.linear.gather [hbm4b:s31+s25], $0x2710, $0x38;
	[tilespmem:$0x12020] =	vst v63  }
0xa7: {  	_ =	swait.ge [sflag:s5], $0x2710  }
0xa8: {  	[sflag:s5] =	ssyncset.done $0x0  }
0xa9: {  	[sflag:s5] =	ssyncadd.s32 $0xFFFFD8F0  }
0xaa: {  	[bflag:$0x0] =	sbarrier.arrive $0xFFFF  }
0xab: {  	[tilespmem:s3], [sflag:$0x1] =	stream.indirect.gather [hbm4b:s4+s8], $0x40, s6, s8, $0xb8;
	[tilespmem:$0x12020] =	vst v63  }
0xac: {  	s28 =	simm.s32 $0xA028  }
0xad: {  	[tilespmem:s10], [sflag:$0x2] =	stream.indirect.gather [hbm4b:s4+s8], $0x40, s28, s8, $0xb8;
	[tilespmem:$0x12020] =	vst v63  }
0xae: {  	s29 =	simm.s32 $0xA050  }
0xaf: {  	[tilespmem:s11], [sflag:$0x3] =	stream.indirect.gather [hbm4b:s4+s8], $0x40, s29, s8, $0xb8;
	[tilespmem:$0x12020] =	vst v63  }
0xb0: {  	s30 =	simm.s32 $0xA078  }
0xb1: {  	[tilespmem:s12], [sflag:$0x4] =	stream.indirect.gather [hbm4b:s4+s8], $0x40, s30, s8, $0xb8;
	[tilespmem:$0x12020] =	vst v63  }
0xb2: {  	s31 =	simm.s32 $0xA0A0  }
0xb3: {  	[tilespmem:s13], [sflag:$0x5] =	stream.indirect.gather [hbm4b:s4+s8], $0x40, s31, s8, $0xb8;
	[tilespmem:$0x12020] =	vst v63  }
0xb4: {  	_ =	swait.ge [sflag:s14], $0xA00  }
0xb5: {  	[sflag:s14] =	ssyncset.done $0x0  }
0xb6: {  	[sflag:s14] =	ssyncadd.s32 $0xFFFFF600  }
0xb7: {  	[spmem:s2] =	stream.indirect.scatter.add.f32 [tilespmem:s3], [sflag:$0x6], $0x40, s7, s8, $0xb8;
	[tilespmem:$0x12020] =	vst v63  }
0xb8: {  	_ =	swait.ge [sflag:s15], $0xA00  }
0xb9: {  	[sflag:s15] =	ssyncset.done $0x0  }
0xba: {  	s28 =	simm.s32 $0xC738;
	[sflag:s15] =	ssyncadd.s32 $0xFFFFF600  }
0xbb: {  	[spmem:s2] =	stream.indirect.scatter.add.f32 [tilespmem:s10], [sflag:$0x7], $0x40, s28, s8, $0xb8;
	[tilespmem:$0x12020] =	vst v63  }
0xbc: {  	_ =	swait.ge [sflag:s16], $0xA00  }
0xbd: {  	[sflag:s16] =	ssyncset.done $0x0  }
0xbe: {  	s29 =	simm.s32 $0xA0C8;
	[sflag:s16] =	ssyncadd.s32 $0xFFFFF600  }
0xbf: {  	[tilespmem:s3], [sflag:$0x1] =	stream.indirect.gather [hbm4b:s4+s8], $0x40, s29, s8, $0xb8;
	[tilespmem:$0x12020] =	vst v63  }
0xc0: {  	_ =	swait.ge [sflag:s17], $0xA00  }
0xc1: {  	[sflag:s17] =	ssyncset.done $0x0  }
0xc2: {  	s30 =	simm.s32 $0xC760;
	[sflag:s17] =	ssyncadd.s32 $0xFFFFF600  }
0xc3: {  	[spmem:s2] =	stream.indirect.scatter.add.f32 [tilespmem:s11], [sflag:$0x8], $0x40, s30, s8, $0xb8;
	[tilespmem:$0x12020] =	vst v63  }
0xc4: {  	_ =	swait.ge [sflag:s18], $0xA00  }
0xc5: {  	[sflag:s18] =	ssyncset.done $0x0  }
0xc6: {  	s31 =	simm.s32 $0xA0F0;
	[sflag:s18] =	ssyncadd.s32 $0xFFFFF600  }
0xc7: {  	[tilespmem:s10], [sflag:$0x2] =	stream.indirect.gather [hbm4b:s4+s8], $0x40, s31, s8, $0xb8;
	[tilespmem:$0x12020] =	vst v63  }
0xc8: {  	_ =	swait.ge [sflag:s19], $0xA00  }
0xc9: {  	[sflag:s19] =	ssyncset.done $0x0  }
0xca: {  	s28 =	simm.s32 $0xC788;
	[sflag:s19] =	ssyncadd.s32 $0xFFFFF600  }
0xcb: {  	[spmem:s2] =	stream.indirect.scatter.add.f32 [tilespmem:s12], [sflag:$0x9], $0x40, s28, s8, $0xb8;
	[tilespmem:$0x12020] =	vst v63  }
0xcc: {  	_ =	swait.ge [sflag:s20], $0xA00  }
0xcd: {  	[sflag:s20] =	ssyncset.done $0x0  }
0xce: {  	s29 =	simm.s32 $0xA118;
	[sflag:s20] =	ssyncadd.s32 $0xFFFFF600  }
0xcf: {  	[tilespmem:s11], [sflag:$0x3] =	stream.indirect.gather [hbm4b:s4+s8], $0x40, s29, s8, $0xb8;
	[tilespmem:$0x12020] =	vst v63  }
0xd0: {  	_ =	swait.ge [sflag:s21], $0xA00  }
0xd1: {  	[sflag:s21] =	ssyncset.done $0x0  }
0xd2: {  	s30 =	simm.s32 $0xC7B0;
	[sflag:s21] =	ssyncadd.s32 $0xFFFFF600  }
0xd3: {  	[spmem:s2] =	stream.indirect.scatter.add.f32 [tilespmem:s13], [sflag:$0xA], $0x40, s30, s8, $0xb8;
	[tilespmem:$0x12020] =	vst v63  }
0xd4: {  	_ =	swait.ge [sflag:s22], $0xA00  }
0xd5: {  	[sflag:s22] =	ssyncset.done $0x0  }
0xd6: {  	s31 =	simm.s32 $0xA140;
	[sflag:s22] =	ssyncadd.s32 $0xFFFFF600  }
0xd7: {  	[tilespmem:s12], [sflag:$0x4] =	stream.indirect.gather [hbm4b:s4+s8], $0x40, s31, s8, $0xb8;
	[tilespmem:$0x12020] =	vst v63  }
.LBB2_4:
0xd8: {  	_ =	swait.ge [sflag:s14], $0xA00  }
0xd9: {  	s26 =	sshra.s32 s25, $0x2;
	[sflag:s14] =	ssyncset.done $0x0  }
0xda: {  	s28 =	sadd.s32 $0xC7D8, s26;
	[sflag:s14] =	ssyncadd.s32 $0xFFFFF600  }
0xdb: {  	[spmem:s2] =	stream.indirect.scatter.add.f32 [tilespmem:s3], [sflag:$0x6], $0x40, s28, s8, $0xb8;
	[tilespmem:$0x12020] =	vst v63  }
0xdc: {  	_ =	swait.ge [sflag:s23], $0xA00  }
0xdd: {  	[sflag:s23] =	ssyncset.done $0x0  }
0xde: {  	s28 =	sadd.s32 $0xA168, s26;
	[sflag:s23] =	ssyncadd.s32 $0xFFFFF600  }
0xdf: {  	[tilespmem:s13], [sflag:$0x5] =	stream.indirect.gather [hbm4b:s4+s8], $0x40, s28, s8, $0xb8;
	[tilespmem:$0x12020] =	vst v63  }
0xe0: {  	_ =	swait.ge [sflag:s15], $0xA00  }
0xe1: {  	[sflag:s15] =	ssyncset.done $0x0  }
0xe2: {  	p0 =	seq.s32 s25, $0x9600;
	s28 =	sadd.s32 $0xC800, s26;
	[sflag:s15] =	ssyncadd.s32 $0xFFFFF600  }
0xe3: {  	[spmem:s2] =	stream.indirect.scatter.add.f32 [tilespmem:s10], [sflag:$0x7], $0x40, s28, s8, $0xb8;
	[tilespmem:$0x12020] =	vst v63  }
0xe4: {  	s28 =	simm.s32 @p0 $0x3  }
0xe5: {  	_ =	swait.ge @p0 [sflag:s28], $0xA00  }
0xe6: {  	[sflag:s28] =	ssyncset.done @p0 $0x0  }
0xe7: {  	[sflag:s28] =	ssyncadd.s32 @p0 $0xFFFFF600;
	s28 =	sshra.s32 @p0 s25, $0x2  }
0xe8: {  	s29 =	simm.s32 @p0 $0x28;
	s30 =	simm.s32 @p0 $0x10220;
	s28 =	sadd.s32 @p0 $0xC828, s28  }
0xe9: {  	[spmem:s2] =	stream.indirect.scatter.add.f32 @p0 [tilespmem:s30], [sflag:$0x8], $0x40, s28, s29, $0xb8;
	[tilespmem:$0x12020] =	vst v63  }
0xea: {  	s28 =	simm.s32 @!p0 $0x6  }
0xeb: {  	_ =	swait.ge @!p0 [sflag:s28], $0xA00  }
0xec: {  	[sflag:s28] =	ssyncset.done @!p0 $0x0  }
0xed: {  	[sflag:s28] =	ssyncadd.s32 @!p0 $0xFFFFF600;
	s28 =	sshra.s32 @!p0 s25, $0x2  }
0xee: {  	s31 =	simm.s32 @!p0 $0xEE20;
	s30 =	simm.s32 @!p0 $0x28;
	s29 =	sadd.s32 @!p0 $0xA190, s28  }
0xef: {  	[tilespmem:s31], [sflag:$0x1] =	stream.indirect.gather @!p0 [hbm4b:s4+s30], $0x40, s29, s30, $0xb8;
	[tilespmem:$0x12020] =	vst v63  }
0xf0: {  	s29 =	simm.s32 @!p0 $0x3  }
0xf1: {  	_ =	swait.ge @!p0 [sflag:s29], $0xA00  }
0xf2: {  	[sflag:s29] =	ssyncset.done @!p0 $0x0  }
0xf3: {  	s31 =	simm.s32 @!p0 $0x10220;
	[sflag:s29] =	ssyncadd.s32 @!p0 $0xFFFFF600;
	s29 =	sadd.s32 @!p0 $0xC828, s28  }
0xf4: {  	[spmem:s2] =	stream.indirect.scatter.add.f32 @!p0 [tilespmem:s31], [sflag:$0x8], $0x40, s29, s30, $0xb8;
	[tilespmem:$0x12020] =	vst v63  }
0xf5: {  	s29 =	simm.s32 @!p0 $0x7  }
0xf6: {  	_ =	swait.ge @!p0 [sflag:s29], $0xA00  }
0xf7: {  	[sflag:s29] =	ssyncset.done @!p0 $0x0  }
0xf8: {  	s28 =	sadd.s32 @!p0 $0xA1B8, s28;
	[sflag:s29] =	ssyncadd.s32 @!p0 $0xFFFFF600;
	s29 =	simm.s32 @!p0 $0xF820  }
0xf9: {  	[tilespmem:s29], [sflag:$0x2] =	stream.indirect.gather @!p0 [hbm4b:s4+s30], $0x40, s28, s30, $0xb8;
	[tilespmem:$0x12020] =	vst v63  }
.Ltmp3:
0xfa: {  	_ =	swait.ge [sflag:s19], $0xA00;
	(pc) =	sbr.rel @p0 .LBB2_6-.Ltmp3, $4  }
0xfb: {  	[sflag:s19] =	ssyncset.done $0x0  }
0xfc: {  	s28 =	sadd.s32 $0xC850, s26;
	[sflag:s19] =	ssyncadd.s32 $0xFFFFF600  }
0xfd: {  	[spmem:s2] =	stream.indirect.scatter.add.f32 [tilespmem:s12], [sflag:$0x9], $0x40, s28, s8, $0xb8;
	[tilespmem:$0x12020] =	vst v63  }
0xfe: {  	s28 =	sadd.s32 $0xC878, s26  }
0xff: {  	_ =	swait.ge [sflag:s20], $0xA00  }
0x100: {  	[sflag:s20] =	ssyncset.done $0x0  }
0x101: {  	s29 =	sadd.s32 $0xA1E0, s26;
	[sflag:s20] =	ssyncadd.s32 $0xFFFFF600  }
0x102: {  	[tilespmem:s11], [sflag:$0x3] =	stream.indirect.gather [hbm4b:s4+s8], $0x40, s29, s8, $0xb8;
	[tilespmem:$0x12020] =	vst v63  }
0x103: {  	_ =	swait.ge [sflag:s21], $0xA00  }
0x104: {  	[sflag:s21] =	ssyncset.done $0x0  }
0x105: {  	[sflag:s21] =	ssyncadd.s32 $0xFFFFF600  }
0x106: {  	[spmem:s2] =	stream.indirect.scatter.add.f32 [tilespmem:s13], [sflag:$0xA], $0x40, s28, s8, $0xb8;
	[tilespmem:$0x12020] =	vst v63  }
.Ltmp4:
0x107: {  	_ = 	snop;
	(pc) =	sbr.rel .LBB2_4-.Ltmp4, $4  }
0x108: {  	_ =	swait.ge [sflag:s22], $0xA00  }
0x109: {  	[sflag:s22] =	ssyncset.done $0x0  }
0x10a: {  	s31 =	sadd.s32 $0xA208, s26;
	s25 =	sadd.s32 $0x320, s25;
	[sflag:s22] =	ssyncadd.s32 $0xFFFFF600  }
0x10b: {  	[tilespmem:s12], [sflag:$0x4] =	stream.indirect.gather [hbm4b:s4+s8], $0x40, s31, s8, $0xb8;
	[tilespmem:$0x12020] =	vst v63  }
.LBB2_7:
0x10c: {  	_ =	sfence.sel $0x180000  }
0x10d: {  	[bflag:$0x0] =	sbarrier.arrive $0xFFFF  }
0x10e: {  	_ =	strace $0x90000050  }
0x10f: {  	s0 =	stileid.u32;
	[bflag:$0x2] =	sbarrier.arrive $0xFFFF  }
0x110: {  	p0 =	sne.s32 s0, $0x0;
	s0 =	rddreg [dreg:$0x2]  }
0x111: {  	s0 =	sadd.s32 @!p0 $0x100000, s0  }
0x112: {  	[sflag:s0] =	ssyncadd.tile.s32 @!p0 $0x1;
	_ =	shalt  }
.Lfunc_end2:
_tile_overlayer_lowered:
.L_overlay_start_2:
0x113: {  	(tag) =	ssettag $0x2  }
0x114: {  	s0 =	rddreg [dreg:$0x0];
	s2 =	stileid.u32  }
0x115: {  	s1 =	rddreg [dreg:$0x1];
	p0 =	sne.s32 s2, $0x0  }
0x116: {  	s3 =	rddreg [dreg:$0x2];
	[bflag:$0x3] =	sbarrier.arrive $0xFFFF;
	s2 =	simm.s32 @!p0 $0x1C0B  }
0x117: {  	[timem:s3], [sflag:s2] =	dma.local @!p0 [hbm:s0], s1  }
0x118: {  	s0 =	simm.s32 @!p0 $0xB  }
0x119: {  	_ =	swait.ge @!p0 [sflag:s0], s1  }
0x11a: {  	s1 =	ssub.s32 @!p0 $0x0, s1;
	[sflag:s0] =	ssyncset.done @!p0 $0x0  }
0x11b: {  	[sflag:s0] =	ssyncadd.s32 @!p0 s1  }
0x11c: {  	[bflag:$0x3] =	sbarrier.arrive $0xFFFF  }
0x11d: {  	_ =	shalt  }

// kernel: kernel.23.cloned.1.call-start
scs
__scs_entry_jumppad:
0x0: {  	(pc) =	sbr.rel $0x88, $3  }
0x1: {  	(tag) =	ssettag $0x0;
	lr =	simm.s32 $0x1  }
0x2: {  	[smem:$0x3F99] =	sst lr;
	_ =	strace $0xD0000000  }
0x3: {  	_ = 	snop  }
0x4: {  	_ = 	snop  }
0x5: {  	_ = 	snop  }
0x6: {  	_ = 	snop  }
0x7: {  	_ = 	snop  }
__scs_overlays_trampoline_lowered:
0x8: {  	[smem:$0x3FA8] =	sst s0  }
0x9: {  	[smem:$0x3FA9] =	sst s1  }
0xa: {  	[smem:$0x3FAA] =	sst s2  }
0xb: {  	[smem:$0x3FAB] =	sst s3  }
0xc: {  	[smem:$0x3FAC] =	sst s4  }
0xd: {  	[smem:$0x3FAD] =	sst s5  }
0xe: {  	[smem:$0x3FAE] =	sst s6  }
0xf: {  	[smem:$0x3FAF] =	sst s7  }
0x10: {  	[smem:$0x3FB0] =	sst s8  }
0x11: {  	[smem:$0x3FB1] =	sst s9;
	s0 =	simm.s32 @!p0 $0x0  }
0x12: {  	s1 =	sld [smem:$0x3F97];
	s0 =	simm.s32 @p0 $0x1  }
0x13: {  	[smem:$0x3FB2] =	sst s0;
	s0 =	simm.s32 @!p1 $0x0  }
0x14: {  	s2 =	sld [smem:$0x3F96];
	s0 =	simm.s32 @p1 $0x1  }
0x15: {  	[smem:$0x3FB3] =	sst s0;
	s0 =	simm.s32 @!p2 $0x0  }
0x16: {  	s3 =	sld [smem:$0x3FDB];
	s0 =	simm.s32 @p2 $0x1  }
0x17: {  	s4 =	simm.s32 $0x1BF5;
	[smem:$0x3FB5] =	sst s0  }
0x18: {  	s0 =	sld [smem:$0x3F98];
	_ =	swait.ge [sflag:s4], $0x0  }
0x19: {  	s7 =	sld [smem:$0x3F99]  }
0x1a: {  	s8 =	sadd.s32 $0xFFFFE003, lr  }
0x1b: {  	s9 =	sadd.s32 $0xFFFFFEF7, lr;
	s5 =	simm.s32 $0xFFFFFFFF;
	p2 =	slt.u32 s8, $0xFFFFF086  }
0x1c: {  	p1 =	slt.u32 s9, $0xF7A;
	s5 =	simm.s32 @!p2 $0x0  }
0x1d: {  	s5 =	simm.s32 @p1 $0x1;
	p0 =	seq.s32 s7, s2  }
0x1e: {  	s7 =	smul.u32 @!p0 $0xF7A, s2;
	p2 =	seq.s32 @!p0 s5, $0x0  }
0x1f: {  	s9 =	smul.u32 $0xF7A, s1;
	s8 =	simm.s32 @!p0 $0x1BF5;
	p2 =	por !p2, p0  }
0x20: {  	[sflag:s8] =	ssyncset.s32 @!p0 $0xFFFFF086;
	s6 =	sadd.s32 @!p0 s3, s7;
	s7 =	simm.s32 @!p0 $0x108  }
0x21: {  	s3 =	sadd.s32 s3, s9;
	s6 =	sadd.s32 @!p0 $0x88, s6;
	s7 =	simm.s32 @p2 $0x1082  }
0x22: {  	[simem:s7], [sflag:s8] =	dma.local @!p0 [hbm:s6], $0xF7A  }
0x23: {  	s9 =	sor.u32 $0xD0000000, s2;
	s6 =	simm.s32 $0x108;
	_ =	swait.ge @!p0 [sflag:s8], $0x0  }
0x24: {  	s3 =	sadd.s32 $0x88, s3;
	s6 =	simm.s32 @!p1 $0x1082;
	[sflag:s4] =	ssyncset.s32 $0xFFFFF086  }
0x25: {  	[simem:s6], [sflag:s4] =	dma.local [hbm:s3], $0xF7A  }
0x26: {  	[smem:$0x3F99] =	sst s1;
	(tag) =	ssettag s2;
	_ =	strace s9  }
0x27: {  	s1 =	sld [smem:$0x3FA9]  }
0x28: {  	s2 =	sld [smem:$0x3FAA]  }
0x29: {  	s4 =	sld [smem:$0x3FAC]  }
0x2a: {  	p0 =	seq.s32 s5, $0x0;
	s5 =	sld [smem:$0x3FAD]  }
0x2b: {  	s6 =	sld [smem:$0x3FAE]  }
0x2c: {  	s7 =	sld [smem:$0x3FAF]  }
0x2d: {  	s3 =	simm.s32 $0x108;
	s8 =	sld [smem:$0x3FB0]  }
0x2e: {  	s3 =	simm.s32 @!p0 $0x1082;
	s9 =	sld [smem:$0x3FB1]  }
0x2f: {  	lr =	sadd.s32 s0, s3;
	s0 =	sld [smem:$0x3FA8]  }
0x30: {  	s3 =	sld [smem:$0x3FAB]  }
0x31: {  	[smem:$0x3FB4] =	sst s10  }
0x32: {  	s10 =	sld [smem:$0x3FB2];
	_ =	sdelay $0x3  }
0x33: {  	p0 =	seq.s32 s10, $0x1;
	s10 =	sld [smem:$0x3FB4];
	_ =	sdelay $0x3  }
0x34: {  	[smem:$0x3FB4] =	sst s10  }
0x35: {  	s10 =	sld [smem:$0x3FB3];
	_ =	sdelay $0x3  }
0x36: {  	p1 =	seq.s32 s10, $0x1;
	s10 =	sld [smem:$0x3FB4];
	_ =	sdelay $0x3  }
0x37: {  	[smem:$0x3FB4] =	sst s10  }
0x38: {  	s10 =	sld [smem:$0x3FB5]  }
0x39: {  	_ = 	snop;
	(pc) =	sbr.ind lr, $3  }
0x3a: {  	_ = 	snop  }
0x3b: {  	_ = 	snop  }
0x3c: {  	p2 =	seq.s32 s10, $0x1;
	s10 =	sld [smem:$0x3FB4]  }
0x3d: {  	_ =	shalt  }
0x3e: {  	_ =	shalt  }
0x3f: {  	_ =	shalt  }
0x40: {  	_ =	shalt  }
0x41: {  	_ =	shalt  }
0x42: {  	_ =	shalt  }
0x43: {  	_ =	shalt  }
0x44: {  	_ =	shalt  }
0x45: {  	_ =	shalt  }
0x46: {  	_ =	shalt  }
0x47: {  	_ =	shalt  }
0x48: {  	_ =	shalt  }
0x49: {  	_ =	shalt  }
0x4a: {  	_ =	shalt  }
0x4b: {  	_ =	shalt  }
0x4c: {  	_ =	shalt  }
0x4d: {  	_ =	shalt  }
0x4e: {  	_ =	shalt  }
0x4f: {  	_ =	shalt  }
0x50: {  	_ =	shalt  }
0x51: {  	_ =	shalt  }
0x52: {  	_ =	shalt  }
0x53: {  	_ =	shalt  }
0x54: {  	_ =	shalt  }
0x55: {  	_ =	shalt  }
0x56: {  	_ =	shalt  }
0x57: {  	_ =	shalt  }
0x58: {  	_ =	shalt  }
0x59: {  	_ =	shalt  }
0x5a: {  	_ =	shalt  }
0x5b: {  	_ =	shalt  }
0x5c: {  	_ =	shalt  }
0x5d: {  	_ =	shalt  }
0x5e: {  	_ =	shalt  }
0x5f: {  	_ =	shalt  }
0x60: {  	_ =	shalt  }
0x61: {  	_ =	shalt  }
0x62: {  	_ =	shalt  }
0x63: {  	_ =	shalt  }
0x64: {  	_ =	shalt  }
0x65: {  	_ =	shalt  }
0x66: {  	_ =	shalt  }
0x67: {  	_ =	shalt  }
0x68: {  	_ =	shalt  }
0x69: {  	_ =	shalt  }
0x6a: {  	_ =	shalt  }
0x6b: {  	_ =	shalt  }
0x6c: {  	_ =	shalt  }
0x6d: {  	_ =	shalt  }
0x6e: {  	_ =	shalt  }
0x6f: {  	_ =	shalt  }
0x70: {  	_ =	shalt  }
0x71: {  	_ =	shalt  }
0x72: {  	_ =	shalt  }
0x73: {  	_ =	shalt  }
0x74: {  	_ =	shalt  }
0x75: {  	_ =	shalt  }
0x76: {  	_ =	shalt  }
0x77: {  	_ =	shalt  }
0x78: {  	_ =	shalt  }
0x79: {  	_ =	shalt  }
0x7a: {  	_ =	shalt  }
0x7b: {  	_ =	shalt  }
0x7c: {  	_ =	shalt  }
0x7d: {  	_ =	shalt  }
0x7e: {  	_ =	shalt  }
0x7f: {  	_ =	shalt  }
0x80: {  	_ =	shalt  }
0x81: {  	_ =	shalt  }
0x82: {  	_ =	shalt  }
0x83: {  	_ =	shalt  }
0x84: {  	_ =	shalt  }
0x85: {  	_ =	shalt  }
0x86: {  	_ =	shalt  }
0x87: {  	_ =	shalt  }
.Lfunc_end0:
.L_simem_size_0:
called_computation.4_lowered:
.L_overlay_start_0:
0x88: {  	s2 =	sld [smem:$0x3FD9]  }
0x89: {  	s3 =	sld [smem:$0x3FFE];
	_ =	sdelay $0x1  }
0x8a: {  	s1 =	srdreg.scid  }
0x8b: {  	s0 =	sand.u32 $0x1, s1  }
0x8c: {  	s17 =	sshll.u32 s0, $0xA;
	s2 =	sadd.s32 s3, s2  }
0x8d: {  	s2 =	sadd.s32 s2, s17  }
0x8e: {  	[smem:$0x3FC0] =	sst s2  }
0x8f: {  	_ = 	snop  }
0x90: {  	s2 =	sld [smem:$0x3FD0];
	(tm) =	ssettm $0x1  }
0x91: {  	s18 =	sld [smem:$0x3FFB];
	_ =	sdelay $0x3  }
0x92: {  	_ =	strace s18  }
0x93: {  	s3 =	sld [smem:$0x3FFC];
	_ =	sdelay $0x3  }
0x94: {  	_ =	strace s3  }
0x95: {  	s3 =	sld [smem:$0x3FFD];
	_ =	sdelay $0x3  }
0x96: {  	_ =	strace s3  }
0x97: {  	_ =	strace $0x8FFFFFFF  }
0x98: {  	s19 =	sld [smem:$0x3FDB];
	_ =	sdelay $0x1  }
0x99: {  	s4 =	simm.s32 $_scs_section_size  }
0x9a: {  	s5 =	simm.s32 $_size__tile_overlayer_lowered;
	s6 =	simm.s32 $_tile_overlayer_lowered  }
0x9b: {  	s22 =	simm.s32 $0x1BFF;
	s21 =	sshll.u32 s6, $0x1;
	s3 =	sadd.s32 s4, s19  }
0x9c: {  	s7 =	simm.s32 $0x0;
	s20 =	sshll.u32 s5, $0x1;
	s5 =	sadd.s32 s21, s3  }
0x9d: {  	[timem:s7], [sflag:s22] =	dma.local [hbm:s5], s20  }
0x9e: {  	_ =	swait.ge [sflag:s22], s20  }
0x9f: {  	s4 =	ssub.s32 $0x0, s20;
	[sflag:s22] =	ssyncset.done $0x0  }
0xa0: {  	[sflag:s22] =	ssyncadd.s32 s4;
	_ =	sdelay $0x1  }
0xa1: {  	s23 =	simm.s32 $0x1B8B  }
0xa2: {  	_ =	swait.ge [sflag:s23], $0x1  }
0xa3: {  	[sflag:s23] =	ssyncset.done $0x0  }
0xa4: {  	s25 =	simm.s32 $0x1B8E;
	s24 =	sld [smem:$0x3FFE];
	[sflag:s23] =	ssyncadd.s32 $0xFFFFFFFF  }
0xa5: {  	s26 =	simm.s32 $execute0_lowered;
	[smem:$0x3FD2] =	sst s25  }
0xa6: {  	s5 =	sshll.u32 s26, $0x1;
	_ =	strace $0x80000052;
	[dreg:$0x1] =	wrdreg $0xFFFFFFFF  }
0xa7: {  	s28 =	simm.s32 $_size_execute0_lowered;
	s3 =	sadd.s32 s3, s5;
	[dreg:$0x0] =	wrdreg $0x0  }
0xa8: {  	s5 =	sshll.u32 s28, $0x1;
	[dreg:$0x2] =	wrdreg s3  }
0xa9: {  	[dreg:$0x3] =	wrdreg s5  }
0xaa: {  	[dreg:$0x4] =	wrdreg $0xC0  }
0xab: {  	_ =	task [dreg:s7], $0x5FFFF  }
0xac: {  	[dreg:$0x1] =	wrdreg $0xFFFFFFFF  }
0xad: {  	[dreg:$0x0] =	wrdreg $0x60  }
0xae: {  	[dreg:$0x2] =	wrdreg s24  }
0xaf: {  	[dreg:$0x3] =	wrdreg s2  }
0xb0: {  	[dreg:$0x4] =	wrdreg $0x0  }
0xb1: {  	[dreg:$0x5] =	wrdreg $0x9  }
0xb2: {  	_ =	task.clear_ibuf [dreg:s7], $0x6FFFF;
	_ =	strace $0x90000052  }
0xb3: {  	s29 =	simm.s32 $0x9;
	_ =	strace $0x80000054  }
0xb4: {  	_ =	swait.ge [sflag:s29], $0x1  }
0xb5: {  	[sflag:s29] =	ssyncadd.s32 $0xFFFFFFFF  }
0xb6: {  	_ =	strace $0x90000054  }
0xb7: {  	_ =	sfence  }
0xb8: {  	s30 =	sld [smem:$0x0];
	_ =	sdelay $0x2  }
0xb9: {  	s31 =	sshll.u32 s1, $0xD;
	s1 =	sshrl.u32 s1, $0x2  }
0xba: {  	s3 =	sand.u32 $0x4000, s31;
	s1 =	sadd.s32 s1, s30  }
0xbb: {  	s0 =	sor.u32 s3, s0;
	s1 =	sshll.u32 s1, $0x11  }
0xbc: {  	s0 =	sor.u32 s1, s0  }
0xbd: {  	s0 =	sadd.s32 $0x8F2B, s0  }
0xbe: {  	[sflag:s0] =	ssyncadd.remote.s32 $0x1  }
0xbf: {  	_ =	sfence.sel $0xFFFF  }
0xc0: {  	[dreg:$0x0] =	wrdreg $0xFFFFFFFF;
	(pc) =	sbr.abs _section_cstart, $3  }
0xc1: {  	[dreg:$0x1] =	wrdreg $0xFFFFFFFF  }
0xc2: {  	_ =	task.clear_ibuf [dreg:s7], $0x2FFFF;
	_ =	strace $0x9FFFFFFF  }
0xc3: {  	(tm) =	ssettm $0x7FFFFFFF  }
tec
execute0_lowered:
.L_overlay_start_1:
0x0: {  	(tag) =	ssettag $0x1  }
0x1: {  	s0 =	rddreg [dreg:$0x0]  }
0x2: {  	s1 =	rddreg [dreg:$0x1]  }
0x3: {  	s2 =	rddreg [dreg:$0x2];
	s11 =	stileid.u32  }
0x4: {  	s3 =	simm.s32 $0x0;
	s4 =	srdreg.scid;
	s28 =	simm.s32 $0x5  }
0x5: {  	s29 =	simm.s32 $0x7;
	s30 =	simm.s32 $0xC8A0;
	s31 =	simm.s32 $0x2  }
0x6: {  	s6 =	smul.u32 $0xA000, s11;
	[smem:$0x7FF] =	sst s3;
	s7 =	sand.u32 $0x1, s4  }
0x7: {  	s18 =	sshll.u32 s11, $0x1;
	s4 =	sadd.s32 $0x3000, s0;
	s20 =	sshll.u32 s11, $0x6  }
0x8: {  	_ =	strace $0x80000053;
	s9 =	ssub.s32 $0x2, s7;
	s7 =	sor.u32 s7, s18  }
0x9: {  	s18 =	simm.s32 $0xA000;
	s5 =	sshrl.u32 s6, $0x3;
	s10 =	sshrl.u32 s9, $0x1  }
0xa: {  	s7 =	smul.u32 $0x2710, s7;
	s6 =	sadd.s32 s6, s2;
	s8 =	sadd.s32 s5, s0  }
0xb: {  	s5 =	sadd.s32 $0xCE00, s0;
	s19 =	ssub.s32 s9, s10;
	s26 =	sshrl.u32 s6, $0x3  }
0xc: {  	s10 =	simm.s32 $0x9;
	s6 =	simm.s32 $0x0;
	s8 =	sadd.s32 $0x16C00, s8  }
0xd: {  	s21 =	sshrl.u32 s7, $0x3;
	s22 =	sadd.s32 $0x28, s7;
	s12 =	sadd.s32 $0x50, s7  }
0xe: {  	s13 =	sadd.s32 $0x78, s7;
	s0 =	smax.u32 s19, $0x1;
	[dreg:$0xc] =	wrdreg s26  }
0xf: {  	s19 =	simm.s32 $0xA050;
	s7 =	simm.s32 $0x6;
	[dreg:$0x4] =	wrdreg s8  }
0x10: {  	s8 =	sor.u32 $0x1C09, s20;
	s23 =	sadd.s32 s4, s21;
	[dreg:$0xb] =	wrdreg s0  }
0x11: {  	s24 =	sadd.s32 s5, s21;
	s9 =	sshrl.u32 s22, $0x3;
	[dreg:$0x5] =	wrdreg s8  }
0x12: {  	s1 =	sadd.s32 s1, s21;
	s20 =	simm.s32 $0xA028;
	[dreg:$0x6] =	wrdreg s23  }
0x13: {  	s21 =	simm.s32 $0xA078;
	s22 =	simm.s32 $0x1;
	[dreg:$0x7] =	wrdreg s24  }
0x14: {  	s0 =	simm.s32 $0x4;
	s25 =	sadd.s32 s4, s9;
	[dreg:$0xa] =	wrdreg s1  }
0x15: {  	v0 =	vimm.s32 $0x0;
	vm0 =	vcmask $0x300;
	s9 =	sadd.s32 s5, s9;
	s23 =	simm.s32 $0x3;
	[dreg:$0x8] =	wrdreg s25  }
0x16: {  	v0 =	vsel vm0, $0x3, v0;
	vm0 =	vcmask $0x3F3C;
	s24 =	simm.s32 $0x28;
	s8 =	simm.s32 $0x8;
	[dreg:$0x9] =	wrdreg s9  }
.LBB2_1:
0x17: {  	[dreg:$0xd] =	wrdreg s6  }
0x18: {  	s1 =	rddreg [dreg:$0x4]  }
0x19: {  	s11 =	rddreg [dreg:$0x5]  }
0x1a: {  	s9 =	rddreg [dreg:$0xc]  }
0x1b: {  	[spmem:s9], [sflag:s11] =	dma.local [hbm:s1], $0x1400  }
0x1c: {  	_ =	swait.ge [sflag:s10], $0x1400  }
0x1d: {  	[sflag:s10] =	ssyncset.done $0x0  }
0x1e: {  	[sflag:s10] =	ssyncadd.s32 $0xFFFFEC00  }
0x1f: {  	[bflag:$0x0] =	sbarrier.arrive $0xFFFF  }
0x20: {  	s14 =	rddreg [dreg:$0x6]  }
0x21: {  	[tilespmem:s18], [sflag:$0x1] =	stream.linear.gather [hbm4b:s14+s3], $0x28, $0x38;
	[tilespmem:$0xEFB0] =	vst v63  }
0x22: {  	s15 =	rddreg [dreg:$0x7]  }
0x23: {  	[tilespmem:s19], [sflag:$0x3] =	stream.linear.gather [hbm4b:s15+s3], $0x28, $0x38;
	[tilespmem:$0xEFB0] =	vst v63  }
0x24: {  	s16 =	rddreg [dreg:$0x8]  }
0x25: {  	[tilespmem:s20], [sflag:$0x2] =	stream.linear.gather [hbm4b:s16+s3], $0x28, $0x38;
	[tilespmem:$0xEFB0] =	vst v63  }
0x26: {  	s17 =	rddreg [dreg:$0x9]  }
0x27: {  	[tilespmem:s21], [sflag:$0x4] =	stream.linear.gather [hbm4b:s17+s3], $0x28, $0x38;
	[tilespmem:$0xEFB0] =	vst v63  }
0x28: {  	_ =	swait.ge [sflag:s22], $0x28  }
0x29: {  	[sflag:s22] =	ssyncset.done $0x0  }
0x2a: {  	[sflag:s22] =	ssyncadd.s32 $0xFFFFFFD8  }
0x2b: {  	_ =	swait.ge [sflag:s23], $0x28  }
0x2c: {  	[sflag:s23] =	ssyncset.done $0x0  }
0x2d: {  	s25 =	simm.s32 $0xA0A0;
	[sflag:s23] =	ssyncadd.s32 $0xFFFFFFD8  }
0x2e: {  	[tilespmem:s25], [sflag:$0x5] =	stream.indirect.gather [spmem:s2], $0x40, s18, s24, $0xb8;
	[tilespmem:$0xEFB0] =	vst v63  }
0x2f: {  	s26 =	simm.s32 $0xB4A0;
	s11 =	simm.s32 $0x0;
	s10 =	simm.s32 $0x0  }
0x30: {  	[tilespmem:s26], [sflag:$0x7] =	stream.indirect.gather [spmem:s2], $0x40, s19, s24, $0xb8;
	[tilespmem:$0xEFB0] =	vst v63  }
.LBB2_2:
0x31: {  	_ =	swait.ge [sflag:s28], $0xA00  }
0x32: {  	[sflag:s28] =	ssyncset.done $0x0  }
0x33: {  	[sflag:s28] =	ssyncadd.s32 $0xFFFFF600  }
0x34: {  	_ =	swait.ge [sflag:s29], $0xA00  }
0x35: {  	[sflag:s29] =	ssyncset.done $0x0  }
0x36: {  	s15 =	simm.s32 $0xB5A0;
	[sflag:s29] =	ssyncadd.s32 $0xFFFFF600  }
0x37: {  	s16 =	simm.s32 $0xA1A0;
	v1 =	vld [tilespmem:s15+$0xFFFFFF00]  }
0x38: {  	v2 =	vld [tilespmem:s16+$0xFFFFFF00]  }
0x39: {  	v3 =	vld [tilespmem:s15+$0xFFFFFF10]  }
0x3a: {  	v4 =	vld [tilespmem:s16+$0xFFFFFF10]  }
0x3b: {  	v5 =	vld [tilespmem:s15+$0xFFFFFF20]  }
0x3c: {  	v6 =	vld [tilespmem:s16+$0xFFFFFF20]  }
0x3d: {  	v7 =	vld [tilespmem:s16+$0xFFFFFF30];
	v1 =	vmul.f32 v1, v2  }
0x3e: {  	v2 =	vld [tilespmem:s15+$0xFFFFFF30]  }
0x3f: {  	v3 =	vmul.f32 v3, v4;
	v1 =	vadd.f32 $0.0e+00, v1;
	_ =	sdelay $0x1  }
0x40: {  	v35 =	vmul.f32 v5, v6;
	v1 =	vadd.f32 v3, v1;
	_ =	sdelay $0x1  }
0x41: {  	v2 =	vmul.f32 v2, v7;
	v1 =	vadd.f32 v35, v1;
	_ =	sdelay $0x1  }
0x42: {  	v1 =	vadd.f32 v2, v1;
	_ =	sdelay $0x1  }
0x43: {  	s14 =	sadd.s32 $0xFFFFFFF8, s10;
	(xrf2) =	vadd.scan.msk.f32 $0xffff, v1  }
0x44: {  	s17 =	sadd.s32 $0x8, s14  }
0x45: {  	v1 =	vmov s17  }
0x46: {  	v1 =	vshrl.u32 v1, $0x3  }
0x47: {  	v1 =	vshll.u32 v1, v0  }
0x48: {  	v1 =	vbroadcast v1, $0x0;
	_ =	sdelay $0x4  }
0x49: {  	v2, _, _ =	vpop (xrf2)  }
0x4a: {  	[tilespmem:v1+s30+$0x0] =	vst.idx.msk vm0, v2  }
0x4b: {  	v1 =	vld [tilespmem:s16+$0xFFFFFF40]  }
0x4c: {  	v2 =	vld [tilespmem:s15+$0xFFFFFF40]  }
0x4d: {  	v3 =	vld [tilespmem:s15+$0xFFFFFF50]  }
0x4e: {  	v36 =	vld [tilespmem:s16+$0xFFFFFF50]  }
0x4f: {  	v37 =	vld [tilespmem:s15+$0xFFFFFF60]  }
0x50: {  	v38 =	vld [tilespmem:s16+$0xFFFFFF60]  }
0x51: {  	v39 =	vld [tilespmem:s16+$0xFFFFFF70];
	v1 =	vmul.f32 v2, v1  }
0x52: {  	v2 =	vld [tilespmem:s15+$0xFFFFFF70]  }
0x53: {  	v3 =	vmul.f32 v3, v36;
	v1 =	vadd.f32 $0.0e+00, v1;
	_ =	sdelay $0x1  }
0x54: {  	v1 =	vadd.f32 v3, v1;
	v3 =	vmul.f32 v37, v38;
	_ =	sdelay $0x1  }
0x55: {  	v2 =	vmul.f32 v2, v39;
	v1 =	vadd.f32 v3, v1;
	_ =	sdelay $0x1  }
0x56: {  	v1 =	vadd.f32 v2, v1;
	_ =	sdelay $0x1  }
0x57: {  	s26 =	sadd.s32 $0x9, s14;
	(xrf2) =	vadd.scan.msk.f32 $0xffff, v1  }
0x58: {  	v1 =	vmov s26  }
0x59: {  	v1 =	vshrl.u32 v1, $0x3  }
0x5a: {  	v1 =	vshll.u32 v1, v0  }
0x5b: {  	v1 =	vadd.s32 $0x1, v1  }
0x5c: {  	v1 =	vbroadcast v1, $0x0;
	_ =	sdelay $0x4  }
0x5d: {  	v2, _, _ =	vpop (xrf2)  }
0x5e: {  	[tilespmem:v1+s30+$0x0] =	vst.idx.msk vm0, v2  }
0x5f: {  	v1 =	vld [tilespmem:s16+$0xFFFFFF80]  }
0x60: {  	v2 =	vld [tilespmem:s15+$0xFFFFFF80]  }
0x61: {  	v3 =	vld [tilespmem:s16+$0xFFFFFF90]  }
0x62: {  	v40 =	vld [tilespmem:s15+$0xFFFFFF90]  }
0x63: {  	v41 =	vld [tilespmem:s15+$0xFFFFFFA0]  }
0x64: {  	v42 =	vld [tilespmem:s16+$0xFFFFFFA0]  }
0x65: {  	v43 =	vld [tilespmem:s16+$0xFFFFFFB0];
	v1 =	vmul.f32 v2, v1  }
0x66: {  	v2 =	vld [tilespmem:s15+$0xFFFFFFB0]  }
0x67: {  	v3 =	vmul.f32 v40, v3;
	v1 =	vadd.f32 $0.0e+00, v1;
	_ =	sdelay $0x1  }
0x68: {  	v1 =	vadd.f32 v3, v1;
	v3 =	vmul.f32 v41, v42;
	_ =	sdelay $0x1  }
0x69: {  	v2 =	vmul.f32 v2, v43;
	v1 =	vadd.f32 v3, v1;
	_ =	sdelay $0x1  }
0x6a: {  	v1 =	vadd.f32 v2, v1;
	_ =	sdelay $0x1  }
0x6b: {  	s1 =	sadd.s32 $0xA, s14;
	(xrf2) =	vadd.scan.msk.f32 $0xffff, v1  }
0x6c: {  	v1 =	vmov s1  }
0x6d: {  	v1 =	vshrl.u32 v1, $0x3  }
0x6e: {  	v1 =	vshll.u32 v1, v0  }
0x6f: {  	v1 =	vadd.s32 $0x2, v1  }
0x70: {  	v1 =	vbroadcast v1, $0x0;
	_ =	sdelay $0x4  }
0x71: {  	v2, _, _ =	vpop (xrf2)  }
0x72: {  	[tilespmem:v1+s30+$0x0] =	vst.idx.msk vm0, v2  }
0x73: {  	v1 =	vld [tilespmem:s16+$0xFFFFFFC0]  }
0x74: {  	v2 =	vld [tilespmem:s15+$0xFFFFFFC0]  }
0x75: {  	v3 =	vld [tilespmem:s16+$0xFFFFFFD0]  }
0x76: {  	v44 =	vld [tilespmem:s15+$0xFFFFFFD0]  }
0x77: {  	v45 =	vld [tilespmem:s15+$0xFFFFFFE0]  }
0x78: {  	v46 =	vld [tilespmem:s16+$0xFFFFFFE0]  }
0x79: {  	v47 =	vld [tilespmem:s16+$0xFFFFFFF0];
	v1 =	vmul.f32 v2, v1  }
0x7a: {  	v2 =	vld [tilespmem:s15+$0xFFFFFFF0]  }
0x7b: {  	v3 =	vmul.f32 v44, v3;
	v1 =	vadd.f32 $0.0e+00, v1;
	_ =	sdelay $0x1  }
0x7c: {  	v1 =	vadd.f32 v3, v1;
	v3 =	vmul.f32 v45, v46;
	_ =	sdelay $0x1  }
0x7d: {  	v2 =	vmul.f32 v2, v47;
	v1 =	vadd.f32 v3, v1;
	_ =	sdelay $0x1  }
0x7e: {  	v1 =	vadd.f32 v2, v1;
	_ =	sdelay $0x1  }
0x7f: {  	s6 =	sadd.s32 $0xB, s14;
	(xrf2) =	vadd.scan.msk.f32 $0xffff, v1  }
0x80: {  	v1 =	vmov s6  }
0x81: {  	v1 =	vshrl.u32 v1, $0x3  }
0x82: {  	v1 =	vshll.u32 v1, v0  }
0x83: {  	v1 =	vadd.s32 $0x3, v1  }
0x84: {  	v1 =	vbroadcast v1, $0x0;
	_ =	sdelay $0x4  }
0x85: {  	v2, _, _ =	vpop (xrf2)  }
0x86: {  	[tilespmem:v1+s30+$0x0] =	vst.idx.msk vm0, v2  }
0x87: {  	v1 =	vld [tilespmem:s16+$0x0]  }
0x88: {  	v2 =	vld [tilespmem:s15+$0x0]  }
0x89: {  	v3 =	vld [tilespmem:s16+$0x10]  }
0x8a: {  	v48 =	vld [tilespmem:s15+$0x10]  }
0x8b: {  	v49 =	vld [tilespmem:s15+$0x20]  }
0x8c: {  	v50 =	vld [tilespmem:s16+$0x20]  }
0x8d: {  	v51 =	vld [tilespmem:s16+$0x30];
	v1 =	vmul.f32 v2, v1  }
0x8e: {  	v2 =	vld [tilespmem:s15+$0x30]  }
0x8f: {  	v3 =	vmul.f32 v48, v3;
	v1 =	vadd.f32 $0.0e+00, v1;
	_ =	sdelay $0x1  }
0x90: {  	v1 =	vadd.f32 v3, v1;
	v3 =	vmul.f32 v49, v50;
	_ =	sdelay $0x1  }
0x91: {  	v2 =	vmul.f32 v2, v51;
	v1 =	vadd.f32 v3, v1;
	_ =	sdelay $0x1  }
0x92: {  	v1 =	vadd.f32 v2, v1;
	_ =	sdelay $0x1  }
0x93: {  	s9 =	sadd.s32 $0xC, s14;
	(xrf2) =	vadd.scan.msk.f32 $0xffff, v1  }
0x94: {  	v1 =	vmov s9  }
0x95: {  	v1 =	vshrl.u32 v1, $0x3  }
0x96: {  	v1 =	vshll.u32 v1, v0  }
0x97: {  	v1 =	vadd.s32 $0x4, v1  }
0x98: {  	v1 =	vbroadcast v1, $0x0;
	_ =	sdelay $0x4  }
0x99: {  	v2, _, _ =	vpop (xrf2)  }
0x9a: {  	[tilespmem:v1+s30+$0x0] =	vst.idx.msk vm0, v2  }
0x9b: {  	v1 =	vld [tilespmem:s16+$0x40]  }
0x9c: {  	v2 =	vld [tilespmem:s15+$0x40]  }
0x9d: {  	v3 =	vld [tilespmem:s16+$0x50]  }
0x9e: {  	v52 =	vld [tilespmem:s15+$0x50]  }
0x9f: {  	v53 =	vld [tilespmem:s15+$0x60]  }
0xa0: {  	v54 =	vld [tilespmem:s16+$0x60]  }
0xa1: {  	v55 =	vld [tilespmem:s15+$0x70];
	v1 =	vmul.f32 v2, v1  }
0xa2: {  	v2 =	vld [tilespmem:s16+$0x70]  }
0xa3: {  	v3 =	vmul.f32 v52, v3;
	v1 =	vadd.f32 $0.0e+00, v1;
	_ =	sdelay $0x1  }
0xa4: {  	v1 =	vadd.f32 v3, v1;
	v3 =	vmul.f32 v53, v54;
	_ =	sdelay $0x1  }
0xa5: {  	v2 =	vmul.f32 v55, v2;
	v1 =	vadd.f32 v3, v1;
	_ =	sdelay $0x1  }
0xa6: {  	v1 =	vadd.f32 v2, v1;
	_ =	sdelay $0x1  }
0xa7: {  	s25 =	sadd.s32 $0xD, s14;
	(xrf2) =	vadd.scan.msk.f32 $0xffff, v1  }
0xa8: {  	v1 =	vmov s25  }
0xa9: {  	v1 =	vshrl.u32 v1, $0x3  }
0xaa: {  	v1 =	vshll.u32 v1, v0  }
0xab: {  	v1 =	vadd.s32 $0x5, v1  }
0xac: {  	v1 =	vbroadcast v1, $0x0;
	_ =	sdelay $0x4  }
0xad: {  	v2, _, _ =	vpop (xrf2)  }
0xae: {  	[tilespmem:v1+s30+$0x0] =	vst.idx.msk vm0, v2  }
0xaf: {  	v1 =	vld [tilespmem:s16+$0x80]  }
0xb0: {  	v2 =	vld [tilespmem:s15+$0x80]  }
0xb1: {  	v3 =	vld [tilespmem:s16+$0x90]  }
0xb2: {  	v56 =	vld [tilespmem:s15+$0x90]  }
0xb3: {  	v57 =	vld [tilespmem:s16+$0xA0]  }
0xb4: {  	v58 =	vld [tilespmem:s15+$0xA0]  }
0xb5: {  	v59 =	vld [tilespmem:s15+$0xB0];
	v1 =	vmul.f32 v2, v1  }
0xb6: {  	v2 =	vld [tilespmem:s16+$0xB0]  }
0xb7: {  	v3 =	vmul.f32 v56, v3;
	v1 =	vadd.f32 $0.0e+00, v1;
	_ =	sdelay $0x1  }
0xb8: {  	v1 =	vadd.f32 v3, v1;
	v3 =	vmul.f32 v58, v57;
	_ =	sdelay $0x1  }
0xb9: {  	v2 =	vmul.f32 v59, v2;
	v1 =	vadd.f32 v3, v1;
	_ =	sdelay $0x1  }
0xba: {  	v1 =	vadd.f32 v2, v1;
	_ =	sdelay $0x1  }
0xbb: {  	s26 =	sadd.s32 $0xE, s14;
	(xrf2) =	vadd.scan.msk.f32 $0xffff, v1  }
0xbc: {  	v1 =	vmov s26  }
0xbd: {  	v1 =	vshrl.u32 v1, $0x3  }
0xbe: {  	v1 =	vshll.u32 v1, v0  }
0xbf: {  	v1 =	vadd.s32 $0x6, v1  }
0xc0: {  	v1 =	vbroadcast v1, $0x0;
	_ =	sdelay $0x4  }
0xc1: {  	v2, _, _ =	vpop (xrf2)  }
0xc2: {  	[tilespmem:v1+s30+$0x0] =	vst.idx.msk vm0, v2  }
0xc3: {  	v1 =	vld [tilespmem:s16+$0xC0]  }
0xc4: {  	v2 =	vld [tilespmem:s15+$0xC0]  }
0xc5: {  	v3 =	vld [tilespmem:s16+$0xD0]  }
0xc6: {  	v60 =	vld [tilespmem:s15+$0xD0]  }
0xc7: {  	v61 =	vld [tilespmem:s16+$0xE0]  }
0xc8: {  	v62 =	vld [tilespmem:s15+$0xE0]  }
0xc9: {  	v63 =	vld [tilespmem:s15+$0xF0];
	v1 =	vmul.f32 v2, v1  }
0xca: {  	v2 =	vld [tilespmem:s16+$0xF0]  }
0xcb: {  	v3 =	vmul.f32 v60, v3;
	v1 =	vadd.f32 $0.0e+00, v1;
	_ =	sdelay $0x1  }
0xcc: {  	v1 =	vadd.f32 v3, v1;
	v3 =	vmul.f32 v62, v61;
	_ =	sdelay $0x1  }
0xcd: {  	s14 =	sadd.s32 $0xF, s14;
	v2 =	vmul.f32 v63, v2;
	v1 =	vadd.f32 v3, v1  }
0xce: {  	v3 =	vmov s14  }
0xcf: {  	v3 =	vshrl.u32 v3, $0x3;
	v2 =	vadd.f32 v2, v1  }
0xd0: {  	v1 =	vshll.u32 v3, v0  }
0xd1: {  	s17 =	simm.s32 $0x0;
	s14 =	smul.u32 $0x50, s11;
	v1 =	vadd.s32 $0x7, v1;
	(xrf2) =	vadd.scan.msk.f32 $0xffff, v2  }
.LBB2_3:
0xd2: {  	_ = 	snop  }
0xd3: {  	s15 =	sadd.s32 $0x200, s15  }
0xd4: {  	s16 =	sadd.s32 $0x200, s16;
	s9 =	smov.u32 s17;
	s17 =	sadd.s32 $0x8, s17  }
0xd5: {  	p0 =	slt.u32 s17, $0x20  }
0xd6: {  	v1 =	vbroadcast v1, $0x0;
	_ =	sdelay $0x4  }
0xd7: {  	v2, _, _ =	vpop (xrf2)  }
0xd8: {  	[tilespmem:v1+s30+$0x0] =	vst.idx.msk vm0, v2  }
0xd9: {  	v1 =	vld [tilespmem:s15+$0xFFFFFF10]  }
0xda: {  	v2 =	vld [tilespmem:s15+$0xFFFFFF00]  }
0xdb: {  	v3 =	vld [tilespmem:s16+$0xFFFFFF00]  }
0xdc: {  	v4 =	vld [tilespmem:s16+$0xFFFFFF10]  }
0xdd: {  	v5 =	vld [tilespmem:s15+$0xFFFFFF20]  }
0xde: {  	v6 =	vld [tilespmem:s16+$0xFFFFFF20];
	_ =	sdelay $0x1  }
0xdf: {  	v2 =	vmul.f32 v2, v3;
	v3 =	vld [tilespmem:s15+$0xFFFFFF30]  }
0xe0: {  	v1 =	vmul.f32 v1, v4;
	v4 =	vld [tilespmem:s16+$0xFFFFFF30]  }
0xe1: {  	v2 =	vadd.f32 $0.0e+00, v2  }
0xe2: {  	v5 =	vmul.f32 v5, v6  }
0xe3: {  	v1 =	vadd.f32 v1, v2;
	_ =	sdelay $0x1  }
0xe4: {  	v1 =	vadd.f32 v5, v1;
	v2 =	vmul.f32 v3, v4;
	_ =	sdelay $0x1  }
0xe5: {  	v1 =	vadd.f32 v2, v1;
	_ =	sdelay $0x1  }
0xe6: {  	s9 =	sadd.s32 s9, s10;
	(xrf2) =	vadd.scan.msk.f32 $0xffff, v1  }
0xe7: {  	s25 =	sadd.s32 $0x8, s9;
	s26 =	sadd.s32 $0x9, s9;
	s1 =	sadd.s32 $0xA, s9  }
0xe8: {  	v3 =	vmov s1;
	s1 =	sadd.s32 $0xB, s9;
	v2 =	vmov s26;
	s26 =	sadd.s32 $0xD, s9;
	v1 =	vmov s25;
	s25 =	sadd.s32 $0xC, s9  }
0xe9: {  	s6 =	sadd.s32 $0xE, s9;
	v3 =	vshrl.u32 v3, $0x3;
	v2 =	vshrl.u32 v2, $0x3;
	s9 =	sadd.s32 $0xF, s9;
	v1 =	vshrl.u32 v1, $0x3  }
0xea: {  	v3 =	vshll.u32 v3, v0;
	v2 =	vshll.u32 v2, v0;
	v1 =	vshll.u32 v1, v0  }
0xeb: {  	v7 =	vadd.s32 $0x2, v3;
	v6 =	vadd.s32 $0x1, v2;
	v1 =	vbroadcast v1, $0x0  }
0xec: {  	v4 =	vmov s26;
	v2 =	vmov s1;
	v3 =	vmov s25  }
0xed: {  	v4 =	vshrl.u32 v4, $0x3;
	v2 =	vshrl.u32 v2, $0x3;
	v3 =	vshrl.u32 v3, $0x3  }
0xee: {  	v8 =	vshll.u32 v4, v0;
	v2 =	vshll.u32 v2, v0;
	v3 =	vshll.u32 v3, v0  }
0xef: {  	v5 =	vadd.s32 $0x3, v2;
	v4 =	vadd.s32 $0x4, v3;
	v3 =	vadd.s32 $0x5, v8  }
0xf0: {  	v2 =	vmov s6;
	v8 =	vmov s9;
	v9, _, _ =	vpop (xrf2)  }
0xf1: {  	[tilespmem:v1+s30+$0x0] =	vst.idx.msk vm0, v9;
	v1 =	vshrl.u32 v2, $0x3;
	v2 =	vshrl.u32 v8, $0x3  }
0xf2: {  	v8 =	vld [tilespmem:s16+$0xFFFFFF40];
	v1 =	vshll.u32 v1, v0;
	v9 =	vshll.u32 v2, v0  }
0xf3: {  	v10 =	vld [tilespmem:s15+$0xFFFFFF40];
	v2 =	vadd.s32 $0x6, v1;
	v1 =	vadd.s32 $0x7, v9  }
0xf4: {  	v9 =	vld [tilespmem:s15+$0xFFFFFF50]  }
0xf5: {  	v11 =	vld [tilespmem:s16+$0xFFFFFF50]  }
0xf6: {  	v12 =	vld [tilespmem:s15+$0xFFFFFF60]  }
0xf7: {  	v13 =	vld [tilespmem:s16+$0xFFFFFF60]  }
0xf8: {  	v8 =	vmul.f32 v10, v8;
	v10 =	vld [tilespmem:s15+$0xFFFFFF70]  }
0xf9: {  	v14 =	vld [tilespmem:s16+$0xFFFFFF70]  }
0xfa: {  	v8 =	vadd.f32 $0.0e+00, v8;
	v9 =	vmul.f32 v9, v11;
	_ =	sdelay $0x1  }
0xfb: {  	v8 =	vadd.f32 v9, v8;
	v9 =	vmul.f32 v12, v13;
	_ =	sdelay $0x1  }
0xfc: {  	v8 =	vadd.f32 v9, v8;
	v9 =	vmul.f32 v10, v14;
	_ =	sdelay $0x1  }
0xfd: {  	v8 =	vadd.f32 v9, v8;
	_ =	sdelay $0x1  }
0xfe: {  	(xrf2) =	vadd.scan.msk.f32 $0xffff, v8;
	_ =	sdelay $0x4  }
0xff: {  	v6 =	vbroadcast v6, $0x0;
	_ =	sdelay $0x4  }
0x100: {  	v8, _, _ =	vpop (xrf2)  }
0x101: {  	[tilespmem:v6+s30+$0x0] =	vst.idx.msk vm0, v8  }
0x102: {  	v6 =	vld [tilespmem:s16+$0xFFFFFF80]  }
0x103: {  	v8 =	vld [tilespmem:s15+$0xFFFFFF80]  }
0x104: {  	v9 =	vld [tilespmem:s16+$0xFFFFFF90]  }
0x105: {  	v10 =	vld [tilespmem:s15+$0xFFFFFF90]  }
0x106: {  	v11 =	vld [tilespmem:s15+$0xFFFFFFA0]  }
0x107: {  	v12 =	vld [tilespmem:s16+$0xFFFFFFA0]  }
0x108: {  	v6 =	vmul.f32 v8, v6;
	v8 =	vld [tilespmem:s15+$0xFFFFFFB0]  }
0x109: {  	v13 =	vld [tilespmem:s16+$0xFFFFFFB0]  }
0x10a: {  	v6 =	vadd.f32 $0.0e+00, v6;
	v9 =	vmul.f32 v10, v9;
	_ =	sdelay $0x1  }
0x10b: {  	v6 =	vadd.f32 v9, v6;
	v9 =	vmul.f32 v11, v12;
	_ =	sdelay $0x1  }
0x10c: {  	v6 =	vadd.f32 v9, v6;
	v8 =	vmul.f32 v8, v13;
	_ =	sdelay $0x1  }
0x10d: {  	v6 =	vadd.f32 v8, v6;
	_ =	sdelay $0x1  }
0x10e: {  	(xrf2) =	vadd.scan.msk.f32 $0xffff, v6;
	_ =	sdelay $0x4  }
0x10f: {  	v6 =	vbroadcast v7, $0x0;
	_ =	sdelay $0x4  }
0x110: {  	v7, _, _ =	vpop (xrf2)  }
0x111: {  	[tilespmem:v6+s30+$0x0] =	vst.idx.msk vm0, v7  }
0x112: {  	v6 =	vld [tilespmem:s16+$0xFFFFFFC0]  }
0x113: {  	v7 =	vld [tilespmem:s15+$0xFFFFFFC0]  }
0x114: {  	v8 =	vld [tilespmem:s16+$0xFFFFFFD0]  }
0x115: {  	v9 =	vld [tilespmem:s15+$0xFFFFFFD0]  }
0x116: {  	v10 =	vld [tilespmem:s15+$0xFFFFFFE0]  }
0x117: {  	v11 =	vld [tilespmem:s16+$0xFFFFFFE0]  }
0x118: {  	v6 =	vmul.f32 v7, v6;
	v7 =	vld [tilespmem:s15+$0xFFFFFFF0]  }
0x119: {  	v12 =	vld [tilespmem:s16+$0xFFFFFFF0]  }
0x11a: {  	v6 =	vadd.f32 $0.0e+00, v6;
	v8 =	vmul.f32 v9, v8;
	_ =	sdelay $0x1  }
0x11b: {  	v6 =	vadd.f32 v8, v6;
	v8 =	vmul.f32 v10, v11;
	_ =	sdelay $0x1  }
0x11c: {  	v6 =	vadd.f32 v8, v6;
	v7 =	vmul.f32 v7, v12;
	_ =	sdelay $0x1  }
0x11d: {  	v6 =	vadd.f32 v7, v6;
	_ =	sdelay $0x1  }
0x11e: {  	(xrf2) =	vadd.scan.msk.f32 $0xffff, v6;
	_ =	sdelay $0x4  }
0x11f: {  	v5 =	vbroadcast v5, $0x0;
	_ =	sdelay $0x4  }
0x120: {  	v6, _, _ =	vpop (xrf2)  }
0x121: {  	[tilespmem:v5+s30+$0x0] =	vst.idx.msk vm0, v6  }
0x122: {  	v5 =	vld [tilespmem:s16+$0x0]  }
0x123: {  	v6 =	vld [tilespmem:s15+$0x0]  }
0x124: {  	v7 =	vld [tilespmem:s16+$0x10]  }
0x125: {  	v8 =	vld [tilespmem:s15+$0x10]  }
0x126: {  	v9 =	vld [tilespmem:s15+$0x20]  }
0x127: {  	v10 =	vld [tilespmem:s16+$0x20]  }
0x128: {  	v5 =	vmul.f32 v6, v5;
	v6 =	vld [tilespmem:s15+$0x30]  }
0x129: {  	v11 =	vld [tilespmem:s16+$0x30]  }
0x12a: {  	v5 =	vadd.f32 $0.0e+00, v5;
	v7 =	vmul.f32 v8, v7;
	_ =	sdelay $0x1  }
0x12b: {  	v5 =	vadd.f32 v7, v5;
	v7 =	vmul.f32 v9, v10;
	_ =	sdelay $0x1  }
0x12c: {  	v5 =	vadd.f32 v7, v5;
	v6 =	vmul.f32 v6, v11;
	_ =	sdelay $0x1  }
0x12d: {  	v5 =	vadd.f32 v6, v5;
	_ =	sdelay $0x1  }
0x12e: {  	(xrf2) =	vadd.scan.msk.f32 $0xffff, v5;
	_ =	sdelay $0x4  }
0x12f: {  	v4 =	vbroadcast v4, $0x0;
	_ =	sdelay $0x4  }
0x130: {  	v5, _, _ =	vpop (xrf2)  }
0x131: {  	[tilespmem:v4+s30+$0x0] =	vst.idx.msk vm0, v5  }
0x132: {  	v4 =	vld [tilespmem:s16+$0x40]  }
0x133: {  	v5 =	vld [tilespmem:s15+$0x40]  }
0x134: {  	v6 =	vld [tilespmem:s16+$0x50]  }
0x135: {  	v7 =	vld [tilespmem:s15+$0x50]  }
0x136: {  	v8 =	vld [tilespmem:s15+$0x60]  }
0x137: {  	v9 =	vld [tilespmem:s16+$0x60]  }
0x138: {  	v4 =	vmul.f32 v5, v4;
	v5 =	vld [tilespmem:s16+$0x70]  }
0x139: {  	v10 =	vld [tilespmem:s15+$0x70]  }
0x13a: {  	v4 =	vadd.f32 $0.0e+00, v4;
	v6 =	vmul.f32 v7, v6;
	_ =	sdelay $0x1  }
0x13b: {  	v4 =	vadd.f32 v6, v4;
	v6 =	vmul.f32 v8, v9;
	_ =	sdelay $0x1  }
0x13c: {  	v4 =	vadd.f32 v6, v4;
	v5 =	vmul.f32 v10, v5;
	_ =	sdelay $0x1  }
0x13d: {  	v4 =	vadd.f32 v5, v4;
	_ =	sdelay $0x1  }
0x13e: {  	(xrf2) =	vadd.scan.msk.f32 $0xffff, v4;
	_ =	sdelay $0x4  }
0x13f: {  	v3 =	vbroadcast v3, $0x0;
	_ =	sdelay $0x4  }
0x140: {  	v4, _, _ =	vpop (xrf2)  }
0x141: {  	[tilespmem:v3+s30+$0x0] =	vst.idx.msk vm0, v4  }
0x142: {  	v3 =	vld [tilespmem:s16+$0x80]  }
0x143: {  	v4 =	vld [tilespmem:s15+$0x80]  }
0x144: {  	v5 =	vld [tilespmem:s16+$0x90]  }
0x145: {  	v6 =	vld [tilespmem:s15+$0x90]  }
0x146: {  	v7 =	vld [tilespmem:s16+$0xA0]  }
0x147: {  	v8 =	vld [tilespmem:s15+$0xA0]  }
0x148: {  	v3 =	vmul.f32 v4, v3;
	v4 =	vld [tilespmem:s16+$0xB0]  }
0x149: {  	v9 =	vld [tilespmem:s15+$0xB0]  }
0x14a: {  	v3 =	vadd.f32 $0.0e+00, v3;
	v5 =	vmul.f32 v6, v5;
	_ =	sdelay $0x1  }
0x14b: {  	v3 =	vadd.f32 v5, v3;
	v5 =	vmul.f32 v8, v7;
	_ =	sdelay $0x1  }
0x14c: {  	v3 =	vadd.f32 v5, v3;
	v4 =	vmul.f32 v9, v4;
	_ =	sdelay $0x1  }
0x14d: {  	v3 =	vadd.f32 v4, v3;
	_ =	sdelay $0x1  }
0x14e: {  	(xrf2) =	vadd.scan.msk.f32 $0xffff, v3;
	_ =	sdelay $0x4  }
0x14f: {  	v2 =	vbroadcast v2, $0x0;
	_ =	sdelay $0x4  }
0x150: {  	v3, _, _ =	vpop (xrf2)  }
0x151: {  	[tilespmem:v2+s30+$0x0] =	vst.idx.msk vm0, v3  }
0x152: {  	v2 =	vld [tilespmem:s16+$0xC0]  }
0x153: {  	v3 =	vld [tilespmem:s15+$0xC0]  }
0x154: {  	v4 =	vld [tilespmem:s16+$0xD0]  }
0x155: {  	v5 =	vld [tilespmem:s15+$0xD0]  }
0x156: {  	v6 =	vld [tilespmem:s16+$0xE0]  }
0x157: {  	v7 =	vld [tilespmem:s15+$0xE0]  }
0x158: {  	v2 =	vmul.f32 v3, v2;
	v3 =	vld [tilespmem:s16+$0xF0]  }
0x159: {  	v8 =	vld [tilespmem:s15+$0xF0]  }
0x15a: {  	v2 =	vadd.f32 $0.0e+00, v2;
	v4 =	vmul.f32 v5, v4;
	_ =	sdelay $0x1  }
0x15b: {  	v2 =	vadd.f32 v4, v2;
	v4 =	vmul.f32 v7, v6;
	_ =	sdelay $0x1  }
.Ltmp0:
0x15c: {  	v2 =	vadd.f32 v4, v2;
	v3 =	vmul.f32 v8, v3;
	(pc) =	sbr.rel @p0 .LBB2_3-.Ltmp0, $3  }
0x15d: {  	_ = 	snop  }
0x15e: {  	v2 =	vadd.f32 v3, v2;
	_ =	sdelay $0x1  }
0x15f: {  	(xrf2) =	vadd.scan.msk.f32 $0xffff, v2  }
0x160: {  	_ =	sdelay $0x3  }
0x161: {  	v1 =	vbroadcast v1, $0x0;
	_ =	sdelay $0x2  }
0x162: {  	p0 =	seq.s32 s11, $0x7C  }
0x163: {  	s1 =	sadd.s32 @!p0 s14, s12  }
0x164: {  	s1 =	sshrl.u32 @!p0 s1, $0x3;
	v2, _, _ =	vpop (xrf2)  }
0x165: {  	s9 =	simm.s32 @!p0 $0x0;
	s15 =	simm.s32 @!p0 $0xA000;
	s6 =	sadd.s32 @!p0 s4, s1;
	[tilespmem:v1+s30+$0x0] =	vst.idx.msk vm0, v2  }
0x166: {  	[tilespmem:s15], [sflag:$0x1] =	stream.linear.gather @!p0 [hbm4b:s6+s9], $0x28, $0x38;
	[tilespmem:$0xEFB0] =	vst v63  }
0x167: {  	s1 =	sadd.s32 @!p0 s5, s1;
	s6 =	simm.s32 @!p0 $0xA050  }
0x168: {  	[tilespmem:s6], [sflag:$0x3] =	stream.linear.gather @!p0 [hbm4b:s1+s9], $0x28, $0x38;
	[tilespmem:$0xEFB0] =	vst v63  }
0x169: {  	_ =	swait.ge [sflag:s31], $0x28  }
0x16a: {  	[sflag:s31] =	ssyncset.done $0x0  }
0x16b: {  	[sflag:s31] =	ssyncadd.s32 $0xFFFFFFD8  }
0x16c: {  	_ =	swait.ge [sflag:s0], $0x28  }
0x16d: {  	[sflag:s0] =	ssyncset.done $0x0  }
0x16e: {  	s25 =	simm.s32 $0xAAA0;
	[sflag:s0] =	ssyncadd.s32 $0xFFFFFFD8  }
0x16f: {  	[tilespmem:s25], [sflag:$0x6] =	stream.indirect.gather [spmem:s2], $0x40, s20, s24, $0xb8;
	[tilespmem:$0xEFB0] =	vst v63  }
0x170: {  	s26 =	simm.s32 $0xBEA0  }
0x171: {  	[tilespmem:s26], [sflag:$0x8] =	stream.indirect.gather [spmem:s2], $0x40, s21, s24, $0xb8;
	[tilespmem:$0xEFB0] =	vst v63  }
0x172: {  	_ =	swait.ge [sflag:s7], $0xA00  }
0x173: {  	[sflag:s7] =	ssyncset.done $0x0  }
0x174: {  	[sflag:s7] =	ssyncadd.s32 $0xFFFFF600  }
0x175: {  	_ =	swait.ge [sflag:s8], $0xA00  }
0x176: {  	[sflag:s8] =	ssyncset.done $0x0  }
0x177: {  	s15 =	simm.s32 $0xBFA0;
	[sflag:s8] =	ssyncadd.s32 $0xFFFFF600  }
0x178: {  	s16 =	simm.s32 $0xABA0;
	v1 =	vld [tilespmem:s15+$0xFFFFFF00]  }
0x179: {  	v2 =	vld [tilespmem:s16+$0xFFFFFF00]  }
0x17a: {  	v3 =	vld [tilespmem:s15+$0xFFFFFF10]  }
0x17b: {  	v4 =	vld [tilespmem:s16+$0xFFFFFF10]  }
0x17c: {  	v5 =	vld [tilespmem:s15+$0xFFFFFF20]  }
0x17d: {  	v6 =	vld [tilespmem:s16+$0xFFFFFF20]  }
0x17e: {  	v7 =	vld [tilespmem:s16+$0xFFFFFF30];
	v1 =	vmul.f32 v1, v2  }
0x17f: {  	v2 =	vld [tilespmem:s15+$0xFFFFFF30]  }
0x180: {  	v3 =	vmul.f32 v3, v4;
	v1 =	vadd.f32 $0.0e+00, v1;
	_ =	sdelay $0x1  }
0x181: {  	v35 =	vmul.f32 v5, v6;
	v1 =	vadd.f32 v3, v1;
	_ =	sdelay $0x1  }
0x182: {  	v2 =	vmul.f32 v2, v7;
	v1 =	vadd.f32 v35, v1;
	_ =	sdelay $0x1  }
0x183: {  	v1 =	vadd.f32 v2, v1;
	_ =	sdelay $0x1  }
0x184: {  	s17 =	sadd.s32 $0xFFFFFFF8, s10;
	(xrf2) =	vadd.scan.msk.f32 $0xffff, v1  }
0x185: {  	s6 =	sadd.s32 $0x30, s17  }
0x186: {  	v1 =	vmov s6  }
0x187: {  	v1 =	vshrl.u32 v1, $0x3  }
0x188: {  	v1 =	vshll.u32 v1, v0  }
0x189: {  	v1 =	vbroadcast v1, $0x0;
	_ =	sdelay $0x4  }
0x18a: {  	v2, _, _ =	vpop (xrf2)  }
0x18b: {  	[tilespmem:v1+s30+$0x0] =	vst.idx.msk vm0, v2  }
0x18c: {  	v1 =	vld [tilespmem:s16+$0xFFFFFF40]  }
0x18d: {  	v2 =	vld [tilespmem:s15+$0xFFFFFF40]  }
0x18e: {  	v3 =	vld [tilespmem:s15+$0xFFFFFF50]  }
0x18f: {  	v36 =	vld [tilespmem:s16+$0xFFFFFF50]  }
0x190: {  	v37 =	vld [tilespmem:s15+$0xFFFFFF60]  }
0x191: {  	v38 =	vld [tilespmem:s16+$0xFFFFFF60]  }
0x192: {  	v39 =	vld [tilespmem:s16+$0xFFFFFF70];
	v1 =	vmul.f32 v2, v1  }
0x193: {  	v2 =	vld [tilespmem:s15+$0xFFFFFF70]  }
0x194: {  	v3 =	vmul.f32 v3, v36;
	v1 =	vadd.f32 $0.0e+00, v1;
	_ =	sdelay $0x1  }
0x195: {  	v1 =	vadd.f32 v3, v1;
	v3 =	vmul.f32 v37, v38;
	_ =	sdelay $0x1  }
0x196: {  	v2 =	vmul.f32 v2, v39;
	v1 =	vadd.f32 v3, v1;
	_ =	sdelay $0x1  }
0x197: {  	v1 =	vadd.f32 v2, v1;
	_ =	sdelay $0x1  }
0x198: {  	s9 =	sadd.s32 $0x31, s17;
	(xrf2) =	vadd.scan.msk.f32 $0xffff, v1  }
0x199: {  	v1 =	vmov s9  }
0x19a: {  	v1 =	vshrl.u32 v1, $0x3  }
0x19b: {  	v1 =	vshll.u32 v1, v0  }
0x19c: {  	v1 =	vadd.s32 $0x1, v1  }
0x19d: {  	v1 =	vbroadcast v1, $0x0;
	_ =	sdelay $0x4  }
0x19e: {  	v2, _, _ =	vpop (xrf2)  }
0x19f: {  	[tilespmem:v1+s30+$0x0] =	vst.idx.msk vm0, v2  }
0x1a0: {  	v1 =	vld [tilespmem:s16+$0xFFFFFF80]  }
0x1a1: {  	v2 =	vld [tilespmem:s15+$0xFFFFFF80]  }
0x1a2: {  	v3 =	vld [tilespmem:s16+$0xFFFFFF90]  }
0x1a3: {  	v40 =	vld [tilespmem:s15+$0xFFFFFF90]  }
0x1a4: {  	v41 =	vld [tilespmem:s15+$0xFFFFFFA0]  }
0x1a5: {  	v42 =	vld [tilespmem:s16+$0xFFFFFFA0]  }
0x1a6: {  	v43 =	vld [tilespmem:s16+$0xFFFFFFB0];
	v1 =	vmul.f32 v2, v1  }
0x1a7: {  	v2 =	vld [tilespmem:s15+$0xFFFFFFB0]  }
0x1a8: {  	v3 =	vmul.f32 v40, v3;
	v1 =	vadd.f32 $0.0e+00, v1;
	_ =	sdelay $0x1  }
0x1a9: {  	v1 =	vadd.f32 v3, v1;
	v3 =	vmul.f32 v41, v42;
	_ =	sdelay $0x1  }
0x1aa: {  	v2 =	vmul.f32 v2, v43;
	v1 =	vadd.f32 v3, v1;
	_ =	sdelay $0x1  }
0x1ab: {  	v1 =	vadd.f32 v2, v1;
	_ =	sdelay $0x1  }
0x1ac: {  	s25 =	sadd.s32 $0x32, s17;
	(xrf2) =	vadd.scan.msk.f32 $0xffff, v1  }
0x1ad: {  	v1 =	vmov s25  }
0x1ae: {  	v1 =	vshrl.u32 v1, $0x3  }
0x1af: {  	v1 =	vshll.u32 v1, v0  }
0x1b0: {  	v1 =	vadd.s32 $0x2, v1  }
0x1b1: {  	v1 =	vbroadcast v1, $0x0;
	_ =	sdelay $0x4  }
0x1b2: {  	v2, _, _ =	vpop (xrf2)  }
0x1b3: {  	[tilespmem:v1+s30+$0x0] =	vst.idx.msk vm0, v2  }
0x1b4: {  	v1 =	vld [tilespmem:s16+$0xFFFFFFC0]  }
0x1b5: {  	v2 =	vld [tilespmem:s15+$0xFFFFFFC0]  }
0x1b6: {  	v3 =	vld [tilespmem:s16+$0xFFFFFFD0]  }
0x1b7: {  	v44 =	vld [tilespmem:s15+$0xFFFFFFD0]  }
0x1b8: {  	v45 =	vld [tilespmem:s15+$0xFFFFFFE0]  }
0x1b9: {  	v46 =	vld [tilespmem:s16+$0xFFFFFFE0]  }
0x1ba: {  	v47 =	vld [tilespmem:s16+$0xFFFFFFF0];
	v1 =	vmul.f32 v2, v1  }
0x1bb: {  	v2 =	vld [tilespmem:s15+$0xFFFFFFF0]  }
0x1bc: {  	v3 =	vmul.f32 v44, v3;
	v1 =	vadd.f32 $0.0e+00, v1;
	_ =	sdelay $0x1  }
0x1bd: {  	v1 =	vadd.f32 v3, v1;
	v3 =	vmul.f32 v45, v46;
	_ =	sdelay $0x1  }
0x1be: {  	v2 =	vmul.f32 v2, v47;
	v1 =	vadd.f32 v3, v1;
	_ =	sdelay $0x1  }
0x1bf: {  	v1 =	vadd.f32 v2, v1;
	_ =	sdelay $0x1  }
0x1c0: {  	s26 =	sadd.s32 $0x33, s17;
	(xrf2) =	vadd.scan.msk.f32 $0xffff, v1  }
0x1c1: {  	v1 =	vmov s26  }
0x1c2: {  	v1 =	vshrl.u32 v1, $0x3  }
0x1c3: {  	v1 =	vshll.u32 v1, v0  }
0x1c4: {  	v1 =	vadd.s32 $0x3, v1  }
0x1c5: {  	v1 =	vbroadcast v1, $0x0;
	_ =	sdelay $0x4  }
0x1c6: {  	v2, _, _ =	vpop (xrf2)  }
0x1c7: {  	[tilespmem:v1+s30+$0x0] =	vst.idx.msk vm0, v2  }
0x1c8: {  	v1 =	vld [tilespmem:s16+$0x0]  }
0x1c9: {  	v2 =	vld [tilespmem:s15+$0x0]  }
0x1ca: {  	v3 =	vld [tilespmem:s16+$0x10]  }
0x1cb: {  	v48 =	vld [tilespmem:s15+$0x10]  }
0x1cc: {  	v49 =	vld [tilespmem:s15+$0x20]  }
0x1cd: {  	v50 =	vld [tilespmem:s16+$0x20]  }
0x1ce: {  	v51 =	vld [tilespmem:s16+$0x30];
	v1 =	vmul.f32 v2, v1  }
0x1cf: {  	v2 =	vld [tilespmem:s15+$0x30]  }
0x1d0: {  	v3 =	vmul.f32 v48, v3;
	v1 =	vadd.f32 $0.0e+00, v1;
	_ =	sdelay $0x1  }
0x1d1: {  	v1 =	vadd.f32 v3, v1;
	v3 =	vmul.f32 v49, v50;
	_ =	sdelay $0x1  }
0x1d2: {  	v2 =	vmul.f32 v2, v51;
	v1 =	vadd.f32 v3, v1;
	_ =	sdelay $0x1  }
0x1d3: {  	v1 =	vadd.f32 v2, v1;
	_ =	sdelay $0x1  }
0x1d4: {  	s6 =	sadd.s32 $0x34, s17;
	(xrf2) =	vadd.scan.msk.f32 $0xffff, v1  }
0x1d5: {  	v1 =	vmov s6  }
0x1d6: {  	v1 =	vshrl.u32 v1, $0x3  }
0x1d7: {  	v1 =	vshll.u32 v1, v0  }
0x1d8: {  	v1 =	vadd.s32 $0x4, v1  }
0x1d9: {  	v1 =	vbroadcast v1, $0x0;
	_ =	sdelay $0x4  }
0x1da: {  	v2, _, _ =	vpop (xrf2)  }
0x1db: {  	[tilespmem:v1+s30+$0x0] =	vst.idx.msk vm0, v2  }
0x1dc: {  	v1 =	vld [tilespmem:s16+$0x40]  }
0x1dd: {  	v2 =	vld [tilespmem:s15+$0x40]  }
0x1de: {  	v3 =	vld [tilespmem:s16+$0x50]  }
0x1df: {  	v52 =	vld [tilespmem:s15+$0x50]  }
0x1e0: {  	v53 =	vld [tilespmem:s15+$0x60]  }
0x1e1: {  	v54 =	vld [tilespmem:s16+$0x60]  }
0x1e2: {  	v55 =	vld [tilespmem:s15+$0x70];
	v1 =	vmul.f32 v2, v1  }
0x1e3: {  	v2 =	vld [tilespmem:s16+$0x70]  }
0x1e4: {  	v3 =	vmul.f32 v52, v3;
	v1 =	vadd.f32 $0.0e+00, v1;
	_ =	sdelay $0x1  }
0x1e5: {  	v1 =	vadd.f32 v3, v1;
	v3 =	vmul.f32 v53, v54;
	_ =	sdelay $0x1  }
0x1e6: {  	v2 =	vmul.f32 v55, v2;
	v1 =	vadd.f32 v3, v1;
	_ =	sdelay $0x1  }
0x1e7: {  	v1 =	vadd.f32 v2, v1;
	_ =	sdelay $0x1  }
0x1e8: {  	s9 =	sadd.s32 $0x35, s17;
	(xrf2) =	vadd.scan.msk.f32 $0xffff, v1  }
0x1e9: {  	v1 =	vmov s9  }
0x1ea: {  	v1 =	vshrl.u32 v1, $0x3  }
0x1eb: {  	v1 =	vshll.u32 v1, v0  }
0x1ec: {  	v1 =	vadd.s32 $0x5, v1  }
0x1ed: {  	v1 =	vbroadcast v1, $0x0;
	_ =	sdelay $0x4  }
0x1ee: {  	v2, _, _ =	vpop (xrf2)  }
0x1ef: {  	[tilespmem:v1+s30+$0x0] =	vst.idx.msk vm0, v2  }
0x1f0: {  	v1 =	vld [tilespmem:s16+$0x80]  }
0x1f1: {  	v2 =	vld [tilespmem:s15+$0x80]  }
0x1f2: {  	v3 =	vld [tilespmem:s16+$0x90]  }
0x1f3: {  	v56 =	vld [tilespmem:s15+$0x90]  }
0x1f4: {  	v57 =	vld [tilespmem:s16+$0xA0]  }
0x1f5: {  	v58 =	vld [tilespmem:s15+$0xA0]  }
0x1f6: {  	v59 =	vld [tilespmem:s15+$0xB0];
	v1 =	vmul.f32 v2, v1  }
0x1f7: {  	v2 =	vld [tilespmem:s16+$0xB0]  }
0x1f8: {  	v3 =	vmul.f32 v56, v3;
	v1 =	vadd.f32 $0.0e+00, v1;
	_ =	sdelay $0x1  }
0x1f9: {  	v1 =	vadd.f32 v3, v1;
	v3 =	vmul.f32 v58, v57;
	_ =	sdelay $0x1  }
0x1fa: {  	v2 =	vmul.f32 v59, v2;
	v1 =	vadd.f32 v3, v1;
	_ =	sdelay $0x1  }
0x1fb: {  	v1 =	vadd.f32 v2, v1;
	_ =	sdelay $0x1  }
0x1fc: {  	s25 =	sadd.s32 $0x36, s17;
	(xrf2) =	vadd.scan.msk.f32 $0xffff, v1  }
0x1fd: {  	v1 =	vmov s25  }
0x1fe: {  	v1 =	vshrl.u32 v1, $0x3  }
0x1ff: {  	v1 =	vshll.u32 v1, v0  }
0x200: {  	v1 =	vadd.s32 $0x6, v1  }
0x201: {  	v1 =	vbroadcast v1, $0x0;
	_ =	sdelay $0x4  }
0x202: {  	v2, _, _ =	vpop (xrf2)  }
0x203: {  	[tilespmem:v1+s30+$0x0] =	vst.idx.msk vm0, v2  }
0x204: {  	v1 =	vld [tilespmem:s16+$0xC0]  }
0x205: {  	v2 =	vld [tilespmem:s15+$0xC0]  }
0x206: {  	v3 =	vld [tilespmem:s16+$0xD0]  }
0x207: {  	v60 =	vld [tilespmem:s15+$0xD0]  }
0x208: {  	v61 =	vld [tilespmem:s16+$0xE0]  }
0x209: {  	v62 =	vld [tilespmem:s15+$0xE0]  }
0x20a: {  	v63 =	vld [tilespmem:s15+$0xF0];
	v1 =	vmul.f32 v2, v1  }
0x20b: {  	v2 =	vld [tilespmem:s16+$0xF0]  }
0x20c: {  	v3 =	vmul.f32 v60, v3;
	v1 =	vadd.f32 $0.0e+00, v1;
	_ =	sdelay $0x1  }
0x20d: {  	v1 =	vadd.f32 v3, v1;
	v3 =	vmul.f32 v62, v61;
	_ =	sdelay $0x1  }
0x20e: {  	s26 =	sadd.s32 $0x37, s17;
	v2 =	vmul.f32 v63, v2;
	v1 =	vadd.f32 v3, v1  }
0x20f: {  	v3 =	vmov s26  }
0x210: {  	v3 =	vshrl.u32 v3, $0x3;
	v2 =	vadd.f32 v2, v1  }
0x211: {  	v1 =	vshll.u32 v3, v0  }
0x212: {  	s17 =	simm.s32 $0x0;
	v1 =	vadd.s32 $0x7, v1;
	(xrf2) =	vadd.scan.msk.f32 $0xffff, v2  }
.LBB2_5:
0x213: {  	_ = 	snop  }
0x214: {  	s15 =	sadd.s32 $0x200, s15  }
0x215: {  	s16 =	sadd.s32 $0x200, s16;
	s1 =	smov.u32 s17;
	s17 =	sadd.s32 $0x8, s17  }
0x216: {  	p1 =	slt.u32 s17, $0x20  }
0x217: {  	v1 =	vbroadcast v1, $0x0;
	_ =	sdelay $0x4  }
0x218: {  	v2, _, _ =	vpop (xrf2)  }
0x219: {  	[tilespmem:v1+s30+$0x0] =	vst.idx.msk vm0, v2  }
0x21a: {  	v1 =	vld [tilespmem:s15+$0xFFFFFF10]  }
0x21b: {  	v2 =	vld [tilespmem:s15+$0xFFFFFF00]  }
0x21c: {  	v3 =	vld [tilespmem:s16+$0xFFFFFF00]  }
0x21d: {  	v4 =	vld [tilespmem:s16+$0xFFFFFF10]  }
0x21e: {  	v5 =	vld [tilespmem:s15+$0xFFFFFF20]  }
0x21f: {  	v6 =	vld [tilespmem:s16+$0xFFFFFF20];
	_ =	sdelay $0x1  }
0x220: {  	v2 =	vmul.f32 v2, v3;
	v3 =	vld [tilespmem:s15+$0xFFFFFF30]  }
0x221: {  	v1 =	vmul.f32 v1, v4;
	v4 =	vld [tilespmem:s16+$0xFFFFFF30]  }
0x222: {  	v2 =	vadd.f32 $0.0e+00, v2  }
0x223: {  	v5 =	vmul.f32 v5, v6  }
0x224: {  	v1 =	vadd.f32 v1, v2;
	_ =	sdelay $0x1  }
0x225: {  	v1 =	vadd.f32 v5, v1;
	v2 =	vmul.f32 v3, v4;
	_ =	sdelay $0x1  }
0x226: {  	v1 =	vadd.f32 v2, v1;
	_ =	sdelay $0x1  }
0x227: {  	s1 =	sadd.s32 s1, s10;
	(xrf2) =	vadd.scan.msk.f32 $0xffff, v1  }
0x228: {  	s6 =	sadd.s32 $0x30, s1;
	s9 =	sadd.s32 $0x31, s1;
	s25 =	sadd.s32 $0x32, s1  }
0x229: {  	v3 =	vmov s25;
	s25 =	sadd.s32 $0x35, s1;
	v2 =	vmov s9;
	s9 =	sadd.s32 $0x34, s1;
	v1 =	vmov s6;
	s6 =	sadd.s32 $0x33, s1  }
0x22a: {  	s26 =	sadd.s32 $0x36, s1;
	v3 =	vshrl.u32 v3, $0x3;
	v2 =	vshrl.u32 v2, $0x3;
	s1 =	sadd.s32 $0x37, s1;
	v1 =	vshrl.u32 v1, $0x3  }
0x22b: {  	v3 =	vshll.u32 v3, v0;
	v2 =	vshll.u32 v2, v0;
	v1 =	vshll.u32 v1, v0  }
0x22c: {  	v7 =	vadd.s32 $0x2, v3;
	v6 =	vadd.s32 $0x1, v2;
	v1 =	vbroadcast v1, $0x0  }
0x22d: {  	v4 =	vmov s25;
	v3 =	vmov s9;
	v2 =	vmov s6  }
0x22e: {  	v4 =	vshrl.u32 v4, $0x3;
	v3 =	vshrl.u32 v3, $0x3;
	v2 =	vshrl.u32 v2, $0x3  }
0x22f: {  	v8 =	vshll.u32 v4, v0;
	v3 =	vshll.u32 v3, v0;
	v2 =	vshll.u32 v2, v0  }
0x230: {  	v4 =	vadd.s32 $0x4, v3;
	v3 =	vadd.s32 $0x5, v8;
	v5 =	vadd.s32 $0x3, v2  }
0x231: {  	v8 =	vmov s1;
	v2 =	vmov s26;
	v9, _, _ =	vpop (xrf2)  }
0x232: {  	[tilespmem:v1+s30+$0x0] =	vst.idx.msk vm0, v9;
	v1 =	vshrl.u32 v2, $0x3;
	v2 =	vshrl.u32 v8, $0x3  }
0x233: {  	v8 =	vld [tilespmem:s16+$0xFFFFFF40];
	v1 =	vshll.u32 v1, v0;
	v9 =	vshll.u32 v2, v0  }
0x234: {  	v10 =	vld [tilespmem:s15+$0xFFFFFF40];
	v2 =	vadd.s32 $0x6, v1;
	v1 =	vadd.s32 $0x7, v9  }
0x235: {  	v9 =	vld [tilespmem:s15+$0xFFFFFF50]  }
0x236: {  	v11 =	vld [tilespmem:s16+$0xFFFFFF50]  }
0x237: {  	v12 =	vld [tilespmem:s15+$0xFFFFFF60]  }
0x238: {  	v13 =	vld [tilespmem:s16+$0xFFFFFF60]  }
0x239: {  	v8 =	vmul.f32 v10, v8;
	v10 =	vld [tilespmem:s15+$0xFFFFFF70]  }
0x23a: {  	v14 =	vld [tilespmem:s16+$0xFFFFFF70]  }
0x23b: {  	v8 =	vadd.f32 $0.0e+00, v8;
	v9 =	vmul.f32 v9, v11;
	_ =	sdelay $0x1  }
0x23c: {  	v8 =	vadd.f32 v9, v8;
	v9 =	vmul.f32 v12, v13;
	_ =	sdelay $0x1  }
0x23d: {  	v8 =	vadd.f32 v9, v8;
	v9 =	vmul.f32 v10, v14;
	_ =	sdelay $0x1  }
0x23e: {  	v8 =	vadd.f32 v9, v8;
	_ =	sdelay $0x1  }
0x23f: {  	(xrf2) =	vadd.scan.msk.f32 $0xffff, v8;
	_ =	sdelay $0x4  }
0x240: {  	v6 =	vbroadcast v6, $0x0;
	_ =	sdelay $0x4  }
0x241: {  	v8, _, _ =	vpop (xrf2)  }
0x242: {  	[tilespmem:v6+s30+$0x0] =	vst.idx.msk vm0, v8  }
0x243: {  	v6 =	vld [tilespmem:s16+$0xFFFFFF80]  }
0x244: {  	v8 =	vld [tilespmem:s15+$0xFFFFFF80]  }
0x245: {  	v9 =	vld [tilespmem:s16+$0xFFFFFF90]  }
0x246: {  	v10 =	vld [tilespmem:s15+$0xFFFFFF90]  }
0x247: {  	v11 =	vld [tilespmem:s15+$0xFFFFFFA0]  }
0x248: {  	v12 =	vld [tilespmem:s16+$0xFFFFFFA0]  }
0x249: {  	v6 =	vmul.f32 v8, v6;
	v8 =	vld [tilespmem:s15+$0xFFFFFFB0]  }
0x24a: {  	v13 =	vld [tilespmem:s16+$0xFFFFFFB0]  }
0x24b: {  	v6 =	vadd.f32 $0.0e+00, v6;
	v9 =	vmul.f32 v10, v9;
	_ =	sdelay $0x1  }
0x24c: {  	v6 =	vadd.f32 v9, v6;
	v9 =	vmul.f32 v11, v12;
	_ =	sdelay $0x1  }
0x24d: {  	v6 =	vadd.f32 v9, v6;
	v8 =	vmul.f32 v8, v13;
	_ =	sdelay $0x1  }
0x24e: {  	v6 =	vadd.f32 v8, v6;
	_ =	sdelay $0x1  }
0x24f: {  	(xrf2) =	vadd.scan.msk.f32 $0xffff, v6;
	_ =	sdelay $0x4  }
0x250: {  	v6 =	vbroadcast v7, $0x0;
	_ =	sdelay $0x4  }
0x251: {  	v7, _, _ =	vpop (xrf2)  }
0x252: {  	[tilespmem:v6+s30+$0x0] =	vst.idx.msk vm0, v7  }
0x253: {  	v6 =	vld [tilespmem:s16+$0xFFFFFFC0]  }
0x254: {  	v7 =	vld [tilespmem:s15+$0xFFFFFFC0]  }
0x255: {  	v8 =	vld [tilespmem:s16+$0xFFFFFFD0]  }
0x256: {  	v9 =	vld [tilespmem:s15+$0xFFFFFFD0]  }
0x257: {  	v10 =	vld [tilespmem:s15+$0xFFFFFFE0]  }
0x258: {  	v11 =	vld [tilespmem:s16+$0xFFFFFFE0]  }
0x259: {  	v6 =	vmul.f32 v7, v6;
	v7 =	vld [tilespmem:s15+$0xFFFFFFF0]  }
0x25a: {  	v12 =	vld [tilespmem:s16+$0xFFFFFFF0]  }
0x25b: {  	v6 =	vadd.f32 $0.0e+00, v6;
	v8 =	vmul.f32 v9, v8;
	_ =	sdelay $0x1  }
0x25c: {  	v6 =	vadd.f32 v8, v6;
	v8 =	vmul.f32 v10, v11;
	_ =	sdelay $0x1  }
0x25d: {  	v6 =	vadd.f32 v8, v6;
	v7 =	vmul.f32 v7, v12;
	_ =	sdelay $0x1  }
0x25e: {  	v6 =	vadd.f32 v7, v6;
	_ =	sdelay $0x1  }
0x25f: {  	(xrf2) =	vadd.scan.msk.f32 $0xffff, v6;
	_ =	sdelay $0x4  }
0x260: {  	v5 =	vbroadcast v5, $0x0;
	_ =	sdelay $0x4  }
0x261: {  	v6, _, _ =	vpop (xrf2)  }
0x262: {  	[tilespmem:v5+s30+$0x0] =	vst.idx.msk vm0, v6  }
0x263: {  	v5 =	vld [tilespmem:s16+$0x0]  }
0x264: {  	v6 =	vld [tilespmem:s15+$0x0]  }
0x265: {  	v7 =	vld [tilespmem:s16+$0x10]  }
0x266: {  	v8 =	vld [tilespmem:s15+$0x10]  }
0x267: {  	v9 =	vld [tilespmem:s15+$0x20]  }
0x268: {  	v10 =	vld [tilespmem:s16+$0x20]  }
0x269: {  	v5 =	vmul.f32 v6, v5;
	v6 =	vld [tilespmem:s15+$0x30]  }
0x26a: {  	v11 =	vld [tilespmem:s16+$0x30]  }
0x26b: {  	v5 =	vadd.f32 $0.0e+00, v5;
	v7 =	vmul.f32 v8, v7;
	_ =	sdelay $0x1  }
0x26c: {  	v5 =	vadd.f32 v7, v5;
	v7 =	vmul.f32 v9, v10;
	_ =	sdelay $0x1  }
0x26d: {  	v5 =	vadd.f32 v7, v5;
	v6 =	vmul.f32 v6, v11;
	_ =	sdelay $0x1  }
0x26e: {  	v5 =	vadd.f32 v6, v5;
	_ =	sdelay $0x1  }
0x26f: {  	(xrf2) =	vadd.scan.msk.f32 $0xffff, v5;
	_ =	sdelay $0x4  }
0x270: {  	v4 =	vbroadcast v4, $0x0;
	_ =	sdelay $0x4  }
0x271: {  	v5, _, _ =	vpop (xrf2)  }
0x272: {  	[tilespmem:v4+s30+$0x0] =	vst.idx.msk vm0, v5  }
0x273: {  	v4 =	vld [tilespmem:s16+$0x40]  }
0x274: {  	v5 =	vld [tilespmem:s15+$0x40]  }
0x275: {  	v6 =	vld [tilespmem:s16+$0x50]  }
0x276: {  	v7 =	vld [tilespmem:s15+$0x50]  }
0x277: {  	v8 =	vld [tilespmem:s15+$0x60]  }
0x278: {  	v9 =	vld [tilespmem:s16+$0x60]  }
0x279: {  	v4 =	vmul.f32 v5, v4;
	v5 =	vld [tilespmem:s16+$0x70]  }
0x27a: {  	v10 =	vld [tilespmem:s15+$0x70]  }
0x27b: {  	v4 =	vadd.f32 $0.0e+00, v4;
	v6 =	vmul.f32 v7, v6;
	_ =	sdelay $0x1  }
0x27c: {  	v4 =	vadd.f32 v6, v4;
	v6 =	vmul.f32 v8, v9;
	_ =	sdelay $0x1  }
0x27d: {  	v4 =	vadd.f32 v6, v4;
	v5 =	vmul.f32 v10, v5;
	_ =	sdelay $0x1  }
0x27e: {  	v4 =	vadd.f32 v5, v4;
	_ =	sdelay $0x1  }
0x27f: {  	(xrf2) =	vadd.scan.msk.f32 $0xffff, v4;
	_ =	sdelay $0x4  }
0x280: {  	v3 =	vbroadcast v3, $0x0;
	_ =	sdelay $0x4  }
0x281: {  	v4, _, _ =	vpop (xrf2)  }
0x282: {  	[tilespmem:v3+s30+$0x0] =	vst.idx.msk vm0, v4  }
0x283: {  	v3 =	vld [tilespmem:s16+$0x80]  }
0x284: {  	v4 =	vld [tilespmem:s15+$0x80]  }
0x285: {  	v5 =	vld [tilespmem:s16+$0x90]  }
0x286: {  	v6 =	vld [tilespmem:s15+$0x90]  }
0x287: {  	v7 =	vld [tilespmem:s16+$0xA0]  }
0x288: {  	v8 =	vld [tilespmem:s15+$0xA0]  }
0x289: {  	v3 =	vmul.f32 v4, v3;
	v4 =	vld [tilespmem:s16+$0xB0]  }
0x28a: {  	v9 =	vld [tilespmem:s15+$0xB0]  }
0x28b: {  	v3 =	vadd.f32 $0.0e+00, v3;
	v5 =	vmul.f32 v6, v5;
	_ =	sdelay $0x1  }
0x28c: {  	v3 =	vadd.f32 v5, v3;
	v5 =	vmul.f32 v8, v7;
	_ =	sdelay $0x1  }
0x28d: {  	v3 =	vadd.f32 v5, v3;
	v4 =	vmul.f32 v9, v4;
	_ =	sdelay $0x1  }
0x28e: {  	v3 =	vadd.f32 v4, v3;
	_ =	sdelay $0x1  }
0x28f: {  	(xrf2) =	vadd.scan.msk.f32 $0xffff, v3;
	_ =	sdelay $0x4  }
0x290: {  	v2 =	vbroadcast v2, $0x0;
	_ =	sdelay $0x4  }
0x291: {  	v3, _, _ =	vpop (xrf2)  }
0x292: {  	[tilespmem:v2+s30+$0x0] =	vst.idx.msk vm0, v3  }
0x293: {  	v2 =	vld [tilespmem:s16+$0xC0]  }
0x294: {  	v3 =	vld [tilespmem:s15+$0xC0]  }
0x295: {  	v4 =	vld [tilespmem:s16+$0xD0]  }
0x296: {  	v5 =	vld [tilespmem:s15+$0xD0]  }
0x297: {  	v6 =	vld [tilespmem:s16+$0xE0]  }
0x298: {  	v7 =	vld [tilespmem:s15+$0xE0]  }
0x299: {  	v2 =	vmul.f32 v3, v2;
	v3 =	vld [tilespmem:s16+$0xF0]  }
0x29a: {  	v8 =	vld [tilespmem:s15+$0xF0]  }
0x29b: {  	v2 =	vadd.f32 $0.0e+00, v2;
	v4 =	vmul.f32 v5, v4;
	_ =	sdelay $0x1  }
0x29c: {  	v2 =	vadd.f32 v4, v2;
	v4 =	vmul.f32 v7, v6;
	_ =	sdelay $0x1  }
.Ltmp1:
0x29d: {  	v2 =	vadd.f32 v4, v2;
	v3 =	vmul.f32 v8, v3;
	(pc) =	sbr.rel @p1 .LBB2_5-.Ltmp1, $3  }
0x29e: {  	_ = 	snop  }
0x29f: {  	v2 =	vadd.f32 v3, v2;
	_ =	sdelay $0x1  }
0x2a0: {  	(xrf2) =	vadd.scan.msk.f32 $0xffff, v2  }
0x2a1: {  	_ =	sdelay $0x3  }
0x2a2: {  	v1 =	vbroadcast v1, $0x0;
	_ =	sdelay $0x1  }
.Ltmp2:
0x2a3: {  	_ = 	snop;
	(pc) =	sbr.rel @p0 .LBB2_8-.Ltmp2, $3  }
0x2a4: {  	_ =	sdelay $0x1  }
0x2a5: {  	v2, _, _ =	vpop (xrf2)  }
0x2a6: {  	[tilespmem:v1+s30+$0x0] =	vst.idx.msk vm0, v2  }
0x2a7: {  	s1 =	sadd.s32 s14, s13  }
0x2a8: {  	s1 =	sshrl.u32 s1, $0x3  }
0x2a9: {  	s6 =	sadd.s32 s4, s1  }
0x2aa: {  	[tilespmem:s20], [sflag:$0x2] =	stream.linear.gather [hbm4b:s6+s3], $0x28, $0x38;
	[tilespmem:$0xEFB0] =	vst v63  }
0x2ab: {  	s1 =	sadd.s32 s5, s1  }
0x2ac: {  	[tilespmem:s21], [sflag:$0x4] =	stream.linear.gather [hbm4b:s1+s3], $0x28, $0x38;
	[tilespmem:$0xEFB0] =	vst v63  }
0x2ad: {  	_ =	swait.ge [sflag:s22], $0x28  }
0x2ae: {  	[sflag:s22] =	ssyncset.done $0x0  }
0x2af: {  	[sflag:s22] =	ssyncadd.s32 $0xFFFFFFD8  }
0x2b0: {  	_ =	swait.ge [sflag:s23], $0x28  }
.Ltmp3:
0x2b1: {  	[sflag:s23] =	ssyncset.done $0x0;
	(pc) =	sbr.rel .LBB2_2-.Ltmp3, $4  }
0x2b2: {  	s25 =	simm.s32 $0xA0A0;
	[sflag:s23] =	ssyncadd.s32 $0xFFFFFFD8  }
0x2b3: {  	[tilespmem:s25], [sflag:$0x5] =	stream.indirect.gather [spmem:s2], $0x40, s18, s24, $0xb8;
	[tilespmem:$0xEFB0] =	vst v63  }
0x2b4: {  	s26 =	simm.s32 $0xB4A0;
	s11 =	sadd.s32 $0x1, s11;
	s10 =	sadd.s32 $0x50, s10  }
0x2b5: {  	[tilespmem:s26], [sflag:$0x7] =	stream.indirect.gather [spmem:s2], $0x40, s19, s24, $0xb8;
	[tilespmem:$0xEFB0] =	vst v63  }
.LBB2_8:
0x2b6: {  	s10 =	simm.s32 $0x0;
	s11 =	simm.s32 $0x40;
	s6 =	rddreg [dreg:$0xd]  }
.LBB2_9:
0x2b7: {  	p0 =	sne.s32 s11, $0x9C00;
	v1 =	vld [tilespmem:s10+$0xC8A0];
	_ =	sdelay $0x4  }
0x2b8: {  	v1 =	vsub.f32 $0.0e+00, v1;
	_ =	sdelay $0x1  }
0x2b9: {  	v1 =	vmul.f32 $1.442695020e+00, v1;
	_ =	sdelay $0x1  }
0x2ba: {  	(erf) = vpow2.f32 v1;
	_ =	sdelay $0x8  }
0x2bb: {  	v1 =	vpop (erf)  }
0x2bc: {  	v1 =	vadd.f32 $1.000000000e+00, v1;
	_ =	sdelay $0x1  }
0x2bd: {  	(erf) = vrcp.f32 v1;
	_ =	sdelay $0x5  }
.Ltmp4:
0x2be: {  	(pc) =	sbr.rel @p0 .LBB2_9-.Ltmp4, $3  }
0x2bf: {  	_ =	sdelay $0x1  }
0x2c0: {  	v1 =	vpop (erf)  }
0x2c1: {  	[tilespmem:s10+$0xC8A0] =	vst v1;
	s10 =	sshra.s32 s11, $0x2;
	s11 =	sadd.s32 $0x40, s11  }
0x2c2: {  	v1 =	vld [tilespmem:s10+$0xC8A0];
	_ =	sdelay $0x4  }
0x2c3: {  	v1 =	vsub.f32 $0.0e+00, v1;
	_ =	sdelay $0x1  }
0x2c4: {  	v1 =	vmul.f32 $1.442695020e+00, v1;
	_ =	sdelay $0x1  }
0x2c5: {  	(erf) = vpow2.f32 v1;
	_ =	sdelay $0x8  }
0x2c6: {  	v1 =	vpop (erf)  }
0x2c7: {  	v1 =	vadd.f32 $1.000000000e+00, v1;
	_ =	sdelay $0x1  }
0x2c8: {  	(erf) = vrcp.f32 v1;
	_ =	sdelay $0x8  }
0x2c9: {  	v1 =	vpop (erf)  }
0x2ca: {  	s1 =	rddreg [dreg:$0xa];
	[tilespmem:s10+$0xC8A0] =	vst v1;
	s10 =	simm.s32 $0x9  }
0x2cb: {  	[hbm4b:s1+s3] =	stream.linear.scatter [tilespmem:s30], [sflag:$0x9], $0x2710, $0x38;
	[tilespmem:$0xEFB0] =	vst v63  }
0x2cc: {  	_ =	swait.ge [sflag:s10], $0x2710  }
0x2cd: {  	s6 =	sadd.s32 $0x1, s6;
	s26 =	rddreg [dreg:$0xb]  }
0x2ce: {  	p0 =	sne.s32 s6, s26  }
.Ltmp5:
0x2cf: {  	_ = 	snop;
	(pc) =	sbr.rel @p0 .LBB2_1-.Ltmp5, $3  }
0x2d0: {  	_ =	sdelay $0x1  }
0x2d1: {  	[sflag:s10] =	ssyncset.done $0x0  }
0x2d2: {  	[sflag:s10] =	ssyncadd.s32 $0xFFFFD8F0  }
0x2d3: {  	_ =	sfence.sel $0x180000  }
0x2d4: {  	[bflag:$0x0] =	sbarrier.arrive $0xFFFF  }
0x2d5: {  	_ =	strace $0x90000053  }
0x2d6: {  	s0 =	stileid.u32;
	[bflag:$0x2] =	sbarrier.arrive $0xFFFF  }
0x2d7: {  	p0 =	sne.s32 s0, $0x0;
	s0 =	rddreg [dreg:$0x3]  }
0x2d8: {  	s0 =	sadd.s32 @!p0 $0x100000, s0  }
0x2d9: {  	[sflag:s0] =	ssyncadd.tile.s32 @!p0 $0x1;
	_ =	shalt  }
.Lfunc_end2:
_tile_overlayer_lowered:
.L_overlay_start_2:
0x2da: {  	(tag) =	ssettag $0x2  }
0x2db: {  	s0 =	rddreg [dreg:$0x0];
	s2 =	stileid.u32  }
0x2dc: {  	s1 =	rddreg [dreg:$0x1];
	p0 =	sne.s32 s2, $0x0  }
0x2dd: {  	s3 =	rddreg [dreg:$0x2];
	[bflag:$0x3] =	sbarrier.arrive $0xFFFF;
	s2 =	simm.s32 @!p0 $0x1C09  }
0x2de: {  	[timem:s3], [sflag:s2] =	dma.local @!p0 [hbm:s0], s1  }
0x2df: {  	s0 =	simm.s32 @!p0 $0x9  }
0x2e0: {  	_ =	swait.ge @!p0 [sflag:s0], s1  }
0x2e1: {  	s1 =	ssub.s32 @!p0 $0x0, s1;
	[sflag:s0] =	ssyncset.done @!p0 $0x0  }
0x2e2: {  	[sflag:s0] =	ssyncadd.s32 @!p0 s1  }
0x2e3: {  	[bflag:$0x3] =	sbarrier.arrive $0xFFFF  }
0x2e4: {  	_ =	shalt  }

</sc_bundles>
